<compile_context>
chip_gen: v7x
topology: tpu7x:2x2x1
jax: 0.10.2.dev20260603
libtpu: 0.0.44.dev20260713+nightly
codegen_flags: <defaults>
</compile_context>

<pallas_src>
import functools

import jax
import jax.numpy as jnp
from jax import lax
from jax.experimental import pallas as pl
from jax.experimental.pallas import tpu as pltpu
import jax.experimental.pallas.tpu_sc as plsc

N = 10000
E = 320000
D = 128
DP3 = 16
N_PAD = 10240
NC = 2
NS = 16
NW = NC * NS
EPW = 10240
K = 80
NB = EPW // K
RPS = N_PAD // NS

_mesh = plsc.VectorSubcoreMesh(core_axis_name="c", subcore_axis_name="s")


def _worker_range(wid, k=K, nbmax=NB):
    base0 = wid * EPW
    base_st = jnp.minimum(base0, E - EPW)
    loff = base0 - base_st
    nb = jnp.minimum(nbmax, (E - base0) // k)
    return base_st, loff, nb


@functools.partial(
    pl.kernel,
    out_type=jax.ShapeDtypeStruct((NC, N_PAD), jnp.float32),
    mesh=_mesh,
    scratch_types=[
        pltpu.VMEM((EPW,), jnp.int32),
        pltpu.VMEM((K,), jnp.float32),
        pltpu.SemaphoreType.DMA,
        pltpu.VMEM_SHARED((N_PAD,), jnp.float32),
    ],
)
def _sc_count(dst_hbm, zeros_hbm, out_hbm, dst_all, ones_v, ssem, acc_sh):
    cid = lax.axis_index("c")
    sid = lax.axis_index("s")
    wid = sid * NC + cid
    base_st, loff, nb = _worker_range(wid)

    def fill_ones(i, _):
        ones_v[pl.ds(i * 16, 16)] = jnp.ones((16,), jnp.float32)
        return 0

    lax.fori_loop(0, K // 16, fill_ones, 0)
    pltpu.sync_copy(zeros_hbm.at[pl.ds(sid * RPS, RPS)],
                    acc_sh.at[pl.ds(sid * RPS, RPS)])
    pltpu.sync_copy(dst_hbm.at[pl.ds(base_st, EPW)], dst_all)
    plsc.subcore_barrier()

    CDEPTH = 8

    def fire(j):
        pltpu.async_copy(ones_v,
                         acc_sh.at[dst_all.at[pl.ds(loff + j * K, K)]],
                         ssem, add=True)

    def wait_one(j):
        pltpu.make_async_copy(ones_v,
                              acc_sh.at[dst_all.at[pl.ds(loff + j * K, K)]],
                              ssem).wait()

    def prol(j, _):
        fire(j)
        return 0

    def steady(j, _):
        wait_one(j - CDEPTH)
        fire(j)
        return 0

    def drain(j, _):
        wait_one(j)
        return 0

    ndeep = jnp.minimum(nb, CDEPTH)
    lax.fori_loop(0, ndeep, prol, 0)
    lax.fori_loop(CDEPTH, nb, steady, 0)
    lax.fori_loop(nb - ndeep, nb, drain, 0)
    plsc.subcore_barrier()
    pltpu.sync_copy(acc_sh.at[pl.ds(sid * RPS, RPS)],
                    out_hbm.at[cid, pl.ds(sid * RPS, RPS)])


KA = 32
NBA = EPW // KA
ABUF = 5


@functools.partial(
    pl.kernel,
    out_type=jax.ShapeDtypeStruct((NC, N_PAD, D), jnp.float32),
    mesh=_mesh,
    scratch_types=[
        pltpu.VMEM((EPW,), jnp.int32),
        pltpu.VMEM((EPW,), jnp.int32),
        pltpu.VMEM((ABUF, KA, D), jnp.float32),
        pltpu.SemaphoreType.DMA((ABUF,)),
        pltpu.VMEM_SHARED((N_PAD, D), jnp.float32),
    ],
)
def _sc_agg(h_hbm, src_hbm, dst_hbm, zeros_hbm, out_hbm,
            src_all, dst_all, rows_v, gsem, acc_sh):
    cid = lax.axis_index("c")
    sid = lax.axis_index("s")
    wid = sid * NC + cid
    base_st, loff, nba = _worker_range(wid, KA, NBA)
    pltpu.sync_copy(zeros_hbm.at[pl.ds(sid * RPS, RPS)],
                    acc_sh.at[pl.ds(sid * RPS, RPS)])
    pltpu.sync_copy(src_hbm.at[pl.ds(base_st, EPW)], src_all)
    pltpu.sync_copy(dst_hbm.at[pl.ds(base_st, EPW)], dst_all)
    plsc.subcore_barrier()

    def fire_gather(j, b):
        pltpu.async_copy(
            h_hbm.at[src_all.at[pl.ds(loff + j * KA, KA)]],
            rows_v.at[b], gsem.at[b])

    def drain_and_scatter(j, b):
        pltpu.make_async_copy(
            h_hbm.at[src_all.at[pl.ds(loff + j * KA, KA)]],
            rows_v.at[b], gsem.at[b]).wait()
        pltpu.sync_copy(rows_v.at[b],
                        acc_sh.at[dst_all.at[pl.ds(loff + j * KA, KA)]],
                        add=True)

    for b in range(ABUF):
        fire_gather(b, b)

    def body(g, _):
        for b in range(ABUF):
            j = g * ABUF + b
            drain_and_scatter(j, b)
            fire_gather(j + ABUF, b)
        return 0

    lax.fori_loop(0, nba // ABUF - 1, body, 0)
    for b in range(ABUF):
        drain_and_scatter(nba - ABUF + b, b)
    plsc.subcore_barrier()
    pltpu.sync_copy(acc_sh.at[pl.ds(sid * RPS, RPS)],
                    out_hbm.at[cid, pl.ds(sid * RPS, RPS)])


BN = 2000
GRID = N // BN

_row2 = lambda g: (g, 0)
_row3 = lambda g: (0, g, 0)
_full = lambda g: (0, 0)


def _t12_body(x_ref, w_ref, cnt_ref, hs_ref, dinv_ref):
    dinv = lax.rsqrt(1.0 + cnt_ref[...])
    hw = jnp.dot(x_ref[...], w_ref[...], preferred_element_type=jnp.float32)
    hs_ref[...] = hw * dinv
    dinv_ref[...] = dinv


def _tc_stage1(x, W1, cnt_col):
    return pl.pallas_call(
        _t12_body,
        grid=(GRID,),
        in_specs=[
            pl.BlockSpec((BN, D), _row2),
            pl.BlockSpec((D, D), _full),
            pl.BlockSpec((BN, 1), _row2),
        ],
        out_specs=[
            pl.BlockSpec((BN, D), _row2),
            pl.BlockSpec((BN, 1), _row2),
        ],
        out_shape=[
            jax.ShapeDtypeStruct((N, D), jnp.float32),
            jax.ShapeDtypeStruct((N, 1), jnp.float32),
        ],
    )(x, W1, cnt_col)


def _tmid_body(agg_ref, hs_ref, dinv_ref, b_ref, w_ref, out_ref):
    dinv = dinv_ref[...]
    h = dinv * (agg_ref[0] + agg_ref[1] + hs_ref[...]) + b_ref[...]
    h = jnp.maximum(h, 0.0)
    hw = jnp.dot(h, w_ref[...], preferred_element_type=jnp.float32)
    out_ref[...] = hw * dinv


def _tc_mid(agg, hs, dinv_col, b_row, W):
    return pl.pallas_call(
        _tmid_body,
        grid=(GRID,),
        in_specs=[
            pl.BlockSpec((NC, BN, D), _row3),
            pl.BlockSpec((BN, D), _row2),
            pl.BlockSpec((BN, 1), _row2),
            pl.BlockSpec((1, D), _full),
            pl.BlockSpec((D, D), _full),
        ],
        out_specs=pl.BlockSpec((BN, D), _row2),
        out_shape=jax.ShapeDtypeStruct((N, D), jnp.float32),
    )(agg, hs, dinv_col, b_row, W)


def _t4_body(agg_ref, hs_ref, dinv_ref, b_ref, out_ref):
    dinv = dinv_ref[...]
    h = dinv * (agg_ref[0] + agg_ref[1] + hs_ref[...]) + b_ref[...]
    out_ref[...] = dinv * jnp.maximum(h, 0.0)


def _tc_pre3(agg, hs2, dinv_col, b2_row):
    return pl.pallas_call(
        _t4_body,
        grid=(GRID,),
        in_specs=[
            pl.BlockSpec((NC, BN, D), _row3),
            pl.BlockSpec((BN, D), _row2),
            pl.BlockSpec((BN, 1), _row2),
            pl.BlockSpec((1, D), _full),
        ],
        out_specs=pl.BlockSpec((BN, D), _row2),
        out_shape=jax.ShapeDtypeStruct((N, D), jnp.float32),
    )(agg, hs2, dinv_col, b2_row)


def _t5_body(agg_ref, g_ref, dinv_ref, w_ref, b_ref, out_ref):
    z = dinv_ref[...] * (agg_ref[0] + agg_ref[1] + g_ref[...])
    out_ref[...] = (jnp.dot(z, w_ref[...], preferred_element_type=jnp.float32)
                    + b_ref[...])


def _tc_final(agg, g, dinv_col, W3p, b3_row):
    return pl.pallas_call(
        _t5_body,
        grid=(GRID,),
        in_specs=[
            pl.BlockSpec((NC, BN, D), _row3),
            pl.BlockSpec((BN, D), _row2),
            pl.BlockSpec((BN, 1), _row2),
            pl.BlockSpec((D, DP3), _full),
            pl.BlockSpec((1, DP3), _full),
        ],
        out_specs=pl.BlockSpec((BN, DP3), _row2),
        out_shape=jax.ShapeDtypeStruct((N, DP3), jnp.float32),
    )(agg, g, dinv_col, W3p, b3_row)


def kernel(x, edge_index, W1, b1, W2, b2, W3, b3):
    W3p = jnp.pad(W3, ((0, 0), (0, DP3 - W3.shape[1])))
    b1r = b1.reshape(1, D)
    b2r = b2.reshape(1, D)
    b3r = jnp.pad(b3, (0, DP3 - b3.shape[0])).reshape(1, DP3)
    z1 = jnp.zeros((N_PAD,), jnp.float32)
    z128 = jnp.zeros((N_PAD, D), jnp.float32)

    src = edge_index[0]
    dst = edge_index[1]

    cnt_parts = _sc_count(dst, z1)
    cnt_col = (cnt_parts[0] + cnt_parts[1])[:N].reshape(N, 1)

    hs1, dinv_col = _tc_stage1(x, W1, cnt_col)

    agg1 = _sc_agg(hs1, src, dst, z128)
    hs2 = _tc_mid(agg1, hs1, dinv_col, b1r, W2)

    agg2 = _sc_agg(hs2, src, dst, z128)
    g = _tc_pre3(agg2, hs2, dinv_col, b2r)

    agg3 = _sc_agg(g, src, dst, z128)
    out16 = _tc_final(agg3, g, dinv_col, W3p, b3r)

    return out16[:, :2]

# --- scband reference (transcript-rebuilt; emitter-appended) ---
"""Pipeline reference for scband-gcnnet-77292231459428 (READ-ONLY COPY).

The authoritative reference and input builder live on the scoring server;
editing this copy changes nothing except your own understanding.
"""

import jax, jax.numpy as jnp
import numpy as np

N_NODES = 10000
N_EDGES = 320000
D_IN = 128
D_HID = 128
N_CLS = 2


def _glorot(key, shape):
    fan_in, fan_out = shape[0], shape[1]
    limit = jnp.sqrt(6.0 / (fan_in + fan_out))
    return jax.random.uniform(key, shape, dtype=jnp.float32, minval=-limit, maxval=limit)


def setup_inputs(seed: int = 0) -> dict:
    key = jax.random.key(seed)
    ks = jax.random.split(key, 8)
    x = jax.random.normal(ks[0], (N_NODES, D_IN), dtype=jnp.float32)
    edge_index = jax.random.randint(ks[1], (2, N_EDGES), 0, N_NODES, dtype=jnp.int64 if jax.config.jax_enable_x64 else jnp.int32).astype(jnp.int32)
    W1 = _glorot(ks[2], (D_IN, D_HID))
    b1 = jnp.zeros((D_HID,), dtype=jnp.float32)
    W2 = _glorot(ks[3], (D_HID, D_HID))
    b2 = jnp.zeros((D_HID,), dtype=jnp.float32)
    W3 = _glorot(ks[4], (D_HID, N_CLS))
    b3 = jnp.zeros((N_CLS,), dtype=jnp.float32)
    return {"x": x, "edge_index": edge_index, "W1": W1, "b1": b1, "W2": W2, "b2": b2, "W3": W3, "b3": b3}


def _gcn_conv(h, src, dst, norm, W, b, n):
    # GCNConv: x' = D^{-1/2} (A + I) D^{-1/2} X W + b
    h = h @ W
    msg = jnp.take(h, src, axis=0) * norm[:, None]
    out = jax.ops.segment_sum(msg, dst, num_segments=n)
    return out + b


def reference(x, edge_index, W1, b1, W2, b2, W3, b3):
    n = x.shape[0]
    loops = jnp.arange(n, dtype=edge_index.dtype)
    src = jnp.concatenate([edge_index[0], loops])
    dst = jnp.concatenate([edge_index[1], loops])
    deg = jax.ops.segment_sum(jnp.ones_like(src, dtype=x.dtype), dst, num_segments=n)
    dinv = jnp.where(deg > 0, deg ** -0.5, 0.0)
    norm = jnp.take(dinv, src) * jnp.take(dinv, dst)
    # layer 1 + relu (dropout is identity in eval mode)
    h = _gcn_conv(x, src, dst, norm, W1, b1, n)
    h = jax.nn.relu(h)
    # layer 2 + relu
    h = _gcn_conv(h, src, dst, norm, W2, b2, n)
    h = jax.nn.relu(h)
    # output layer
    out = _gcn_conv(h, src, dst, norm, W3, b3, n)
    return out

if __name__ == "__main__":
    import jax
    _d = setup_inputs()
    print(jax.jit(kernel)(*tuple(_d.values())))

</pallas_src>

<mosaic_0001>
#map = affine_map<(d0, d1) -> (0, 0)>
#map1 = affine_map<(d0, d1) -> (0)>
#map2 = affine_map<(d0, d1) -> (0, 0, 0)>
module attributes {stable_mosaic.version = 14 : i64} {
  func.func @_sc_agg(%arg0: i32, %arg1: i32, %arg2: memref<10000x128xf32, #tpu.memory_space<hbm>>, %arg3: memref<320000xi32, #tpu.memory_space<hbm>>, %arg4: memref<320000xi32, #tpu.memory_space<hbm>>, %arg5: memref<10240x128xf32, #tpu.memory_space<hbm>>, %arg6: memref<2x10240x128xf32, #tpu.memory_space<hbm>>, %arg7: memref<10240xi32, #tpu.memory_space<vmem>>, %arg8: memref<10240xi32, #tpu.memory_space<vmem>>, %arg9: memref<5x32x128xf32, #tpu.memory_space<vmem>>, %arg10: memref<5x!tpu.dma_semaphore, #tpu.memory_space<semaphore_mem>>, %arg11: memref<10240x128xf32, #tpu.memory_space<vmem_shared>>) attributes {dimension_semantics = [#tpu.dimension_semantics<core_parallel>, #tpu.dimension_semantics<subcore_parallel>], iteration_bounds = array<i64: 2, 16>, scalar_prefetch = 0 : i64, scratch_operands = 5 : i64, tpu.core_type = #tpu.core_type<sc_vector_subcore>, window_params = [{transform_indices = #map}, {transform_indices = #map1}, {transform_indices = #map1}, {transform_indices = #map}, {transform_indices = #map2}]} {
    %mul3A = arith.constant 2 : i32
    %mul3A_0 = arith.muli %arg1, %mul3A : i32
    %add3A = arith.addi %mul3A_0, %arg0 : i32
    %mul3A_1 = arith.constant 10240 : i32
    %mul3A_2 = arith.muli %add3A, %mul3A_1 : i32
    %min3A = arith.constant 309760 : i32
    %min3A_3 = arith.minsi %mul3A_2, %min3A : i32
    %sub3A = arith.subi %mul3A_2, %min3A_3 : i32
    %sub3A_4 = arith.constant 320000 : i32
    %sub3A_5 = arith.subi %sub3A_4, %mul3A_2 : i32
    %jit3A = arith.constant 32 : i32
    %div3A = arith.divsi %sub3A_5, %jit3A : i32
    %sign3A = arith.constant 0 : i32
    %sign3A_6 = arith.cmpi sgt, %sub3A_5, %sign3A : i32
    %sign3A_7 = arith.extui %sign3A_6 : i1 to i32
    %sign3A_8 = arith.constant 0 : i32
    %sign3A_9 = arith.cmpi slt, %sub3A_5, %sign3A_8 : i32
    %sign3A_10 = arith.extui %sign3A_9 : i1 to i32
    %sign3A_11 = arith.subi %sign3A_7, %sign3A_10 : i32
    %sign3A_12 = arith.constant 0 : i32
    %sign3A_13 = arith.cmpi sgt, %jit3A, %sign3A_12 : i32
    %sign3A_14 = arith.extui %sign3A_13 : i1 to i32
    %sign3A_15 = arith.constant 0 : i32
    %sign3A_16 = arith.cmpi slt, %jit3A, %sign3A_15 : i32
    %sign3A_17 = arith.extui %sign3A_16 : i1 to i32
    %sign3A_18 = arith.subi %sign3A_14, %sign3A_17 : i32
    %ne3A = arith.cmpi ne, %sign3A_11, %sign3A_18 : i32
    %rem3A = arith.remsi %sub3A_5, %jit3A : i32
    %ne3A_19 = arith.constant 0 : i32
    %ne3A_20 = arith.cmpi ne, %rem3A, %ne3A_19 : i32
    %and3A = arith.andi %ne3A, %ne3A_20 : i1
    %sub3A_21 = arith.constant 1 : i32
    %sub3A_22 = arith.subi %div3A, %sub3A_21 : i32
    %select_n3A = arith.select %and3A, %sub3A_22, %div3A : i32
    %min3A_23 = arith.constant 320 : i32
    %min3A_24 = arith.minsi %min3A_23, %select_n3A : i32
    %mul3A_25 = arith.constant 640 : i32
    %mul3A_26 = arith.muli %arg1, %mul3A_25 : i32
    %mul3A_27 = arith.constant 640 : i32
    %mul3A_28 = arith.muli %arg1, %mul3A_27 : i32
    "tpu.region"() ({
      %run_scoped3A_253 = tpu.sem_alloc : memref<!tpu.dma_semaphore, #tpu.memory_space<semaphore_mem>>
      %dma_start3A_254 = arith.constant 0 : i32
      %dma_start3A_255 = tpu.memref_slice %arg11[%mul3A_28, %dma_start3A_254] : memref<10240x128xf32, #tpu.memory_space<vmem_shared>> -> memref<640x128xf32, #tpu.memory_space<vmem_shared>>
      %dma_start3A_256 = arith.constant 0 : i32
      %dma_start3A_257 = tpu.memref_slice %arg5[%mul3A_26, %dma_start3A_256] : memref<10240x128xf32, #tpu.memory_space<hbm>> -> memref<640x128xf32, #tpu.memory_space<hbm>>
      tpu.enqueue_dma source(%dma_start3A_257 : memref<640x128xf32, #tpu.memory_space<hbm>>) target(%dma_start3A_255 : memref<640x128xf32, #tpu.memory_space<vmem_shared>>) target_semaphore(%run_scoped3A_253 : memref<!tpu.dma_semaphore, #tpu.memory_space<semaphore_mem>>)
      %dma_wait3A_258 = arith.constant 0 : i32
      %dma_wait3A_259 = tpu.memref_slice %arg11[%mul3A_28, %dma_wait3A_258] : memref<10240x128xf32, #tpu.memory_space<vmem_shared>> -> memref<640x128xf32, #tpu.memory_space<vmem_shared>>
      %dma_wait3A_260 = arith.constant 0 : i32
      %dma_wait3A_261 = tpu.memref_slice %arg5[%mul3A_26, %dma_wait3A_260] : memref<10240x128xf32, #tpu.memory_space<hbm>> -> memref<640x128xf32, #tpu.memory_space<hbm>>
      tpu.wait_dma2 semaphore(%run_scoped3A_253 : memref<!tpu.dma_semaphore, #tpu.memory_space<semaphore_mem>>) src(%dma_wait3A_261 : memref<640x128xf32, #tpu.memory_space<hbm>>) dst(%dma_wait3A_259 : memref<640x128xf32, #tpu.memory_space<vmem_shared>>)
      tpu.yield
    }) : () -> ()
    "tpu.region"() ({
      %run_scoped3A_253 = tpu.sem_alloc : memref<!tpu.dma_semaphore, #tpu.memory_space<semaphore_mem>>
      %dma_start3A_254 = tpu.memref_slice %arg3[%min3A_3] : memref<320000xi32, #tpu.memory_space<hbm>> -> memref<10240xi32, #tpu.memory_space<hbm>>
      %dma_start3A_255 = tpu.memref_slice %arg3[%min3A_3] : memref<320000xi32, #tpu.memory_space<hbm>> -> memref<10240xi32, #tpu.memory_space<hbm>>
      tpu.enqueue_dma source(%dma_start3A_255 : memref<10240xi32, #tpu.memory_space<hbm>>) target(%arg7 : memref<10240xi32, #tpu.memory_space<vmem>>) target_semaphore(%run_scoped3A_253 : memref<!tpu.dma_semaphore, #tpu.memory_space<semaphore_mem>>)
      %dma_wait3A_256 = tpu.memref_slice %arg3[%min3A_3] : memref<320000xi32, #tpu.memory_space<hbm>> -> memref<10240xi32, #tpu.memory_space<hbm>>
      %dma_wait3A_257 = tpu.memref_slice %arg3[%min3A_3] : memref<320000xi32, #tpu.memory_space<hbm>> -> memref<10240xi32, #tpu.memory_space<hbm>>
      tpu.wait_dma2 semaphore(%run_scoped3A_253 : memref<!tpu.dma_semaphore, #tpu.memory_space<semaphore_mem>>) src(%dma_wait3A_257 : memref<10240xi32, #tpu.memory_space<hbm>>) dst(%arg7 : memref<10240xi32, #tpu.memory_space<vmem>>)
      tpu.yield
    }) : () -> ()
    "tpu.region"() ({
      %run_scoped3A_253 = tpu.sem_alloc : memref<!tpu.dma_semaphore, #tpu.memory_space<semaphore_mem>>
      %dma_start3A_254 = tpu.memref_slice %arg4[%min3A_3] : memref<320000xi32, #tpu.memory_space<hbm>> -> memref<10240xi32, #tpu.memory_space<hbm>>
      %dma_start3A_255 = tpu.memref_slice %arg4[%min3A_3] : memref<320000xi32, #tpu.memory_space<hbm>> -> memref<10240xi32, #tpu.memory_space<hbm>>
      tpu.enqueue_dma source(%dma_start3A_255 : memref<10240xi32, #tpu.memory_space<hbm>>) target(%arg8 : memref<10240xi32, #tpu.memory_space<vmem>>) target_semaphore(%run_scoped3A_253 : memref<!tpu.dma_semaphore, #tpu.memory_space<semaphore_mem>>)
      %dma_wait3A_256 = tpu.memref_slice %arg4[%min3A_3] : memref<320000xi32, #tpu.memory_space<hbm>> -> memref<10240xi32, #tpu.memory_space<hbm>>
      %dma_wait3A_257 = tpu.memref_slice %arg4[%min3A_3] : memref<320000xi32, #tpu.memory_space<hbm>> -> memref<10240xi32, #tpu.memory_space<hbm>>
      tpu.wait_dma2 semaphore(%run_scoped3A_253 : memref<!tpu.dma_semaphore, #tpu.memory_space<semaphore_mem>>) src(%dma_wait3A_257 : memref<10240xi32, #tpu.memory_space<hbm>>) dst(%arg8 : memref<10240xi32, #tpu.memory_space<vmem>>)
      tpu.yield
    }) : () -> ()
    %barrier3A = arith.constant 0 : index
    tpu.barrier barrier_id(%barrier3A)
    %add3A_29 = arith.constant 0 : i32
    %add3A_30 = arith.addi %sub3A, %add3A_29 : i32
    %dma_start3A = arith.constant 0 : i32
    %dma_start3A_31 = arith.constant 0 : i32
    %dma_start3A_32 = arith.constant 0 : i32
    %dma_start3A_33 = arith.constant 0 : i32
    %dma_start3A_34 = tpu.memref_slice %arg9[%dma_start3A, %dma_start3A_32, %dma_start3A_33] : memref<5x32x128xf32, #tpu.memory_space<vmem>> -> memref<1x32x128xf32, #tpu.memory_space<vmem>>
    %dma_start3A_35 = tpu.memref_squeeze %dma_start3A_34 : memref<1x32x128xf32, #tpu.memory_space<vmem>> -> memref<32x128xf32, #tpu.memory_space<vmem>>
    %dma_start3A_36 = tpu.memref_slice %arg7[%add3A_30] : memref<10240xi32, #tpu.memory_space<vmem>> -> memref<32xi32, #tpu.memory_space<vmem>>
    %dma_start3A_37 = arith.constant 0 : i32
    %dma_start3A_38 = arith.constant 0 : i32
    %dma_start3A_39 = tpu.memref_slice %arg2[%dma_start3A_37, %dma_start3A_38] : memref<10000x128xf32, #tpu.memory_space<hbm>> -> memref<10000x128xf32, #tpu.memory_space<hbm>>
    %dma_start3A_40 = tpu.memref_slice %arg10[%dma_start3A_31] : memref<5x!tpu.dma_semaphore, #tpu.memory_space<semaphore_mem>> -> memref<1x!tpu.dma_semaphore, #tpu.memory_space<semaphore_mem>>
    %dma_start3A_41 = tpu.memref_squeeze %dma_start3A_40 : memref<1x!tpu.dma_semaphore, #tpu.memory_space<semaphore_mem>> -> memref<!tpu.dma_semaphore, #tpu.memory_space<semaphore_mem>>
    tpu.enqueue_indirect_dma source(%dma_start3A_39 : memref<10000x128xf32, #tpu.memory_space<hbm>>) target(%dma_start3A_35 : memref<32x128xf32, #tpu.memory_space<vmem>>) offsets(%dma_start3A_36 : memref<32xi32, #tpu.memory_space<vmem>>) semaphore(%dma_start3A_41 : memref<!tpu.dma_semaphore, #tpu.memory_space<semaphore_mem>>)
    %add3A_42 = arith.constant 32 : i32
    %add3A_43 = arith.addi %sub3A, %add3A_42 : i32
    %dma_start3A_44 = arith.constant 1 : i32
    %dma_start3A_45 = arith.constant 1 : i32
    %dma_start3A_46 = arith.constant 0 : i32
    %dma_start3A_47 = arith.constant 0 : i32
    %dma_start3A_48 = tpu.memref_slice %arg9[%dma_start3A_44, %dma_start3A_46, %dma_start3A_47] : memref<5x32x128xf32, #tpu.memory_space<vmem>> -> memref<1x32x128xf32, #tpu.memory_space<vmem>>
    %dma_start3A_49 = tpu.memref_squeeze %dma_start3A_48 : memref<1x32x128xf32, #tpu.memory_space<vmem>> -> memref<32x128xf32, #tpu.memory_space<vmem>>
    %dma_start3A_50 = tpu.memref_slice %arg7[%add3A_43] : memref<10240xi32, #tpu.memory_space<vmem>> -> memref<32xi32, #tpu.memory_space<vmem>>
    %dma_start3A_51 = arith.constant 0 : i32
    %dma_start3A_52 = arith.constant 0 : i32
    %dma_start3A_53 = tpu.memref_slice %arg2[%dma_start3A_51, %dma_start3A_52] : memref<10000x128xf32, #tpu.memory_space<hbm>> -> memref<10000x128xf32, #tpu.memory_space<hbm>>
    %dma_start3A_54 = tpu.memref_slice %arg10[%dma_start3A_45] : memref<5x!tpu.dma_semaphore, #tpu.memory_space<semaphore_mem>> -> memref<1x!tpu.dma_semaphore, #tpu.memory_space<semaphore_mem>>
    %dma_start3A_55 = tpu.memref_squeeze %dma_start3A_54 : memref<1x!tpu.dma_semaphore, #tpu.memory_space<semaphore_mem>> -> memref<!tpu.dma_semaphore, #tpu.memory_space<semaphore_mem>>
    tpu.enqueue_indirect_dma source(%dma_start3A_53 : memref<10000x128xf32, #tpu.memory_space<hbm>>) target(%dma_start3A_49 : memref<32x128xf32, #tpu.memory_space<vmem>>) offsets(%dma_start3A_50 : memref<32xi32, #tpu.memory_space<vmem>>) semaphore(%dma_start3A_55 : memref<!tpu.dma_semaphore, #tpu.memory_space<semaphore_mem>>)
    %add3A_56 = arith.constant 64 : i32
    %add3A_57 = arith.addi %sub3A, %add3A_56 : i32
    %dma_start3A_58 = arith.constant 2 : i32
    %dma_start3A_59 = arith.constant 2 : i32
    %dma_start3A_60 = arith.constant 0 : i32
    %dma_start3A_61 = arith.constant 0 : i32
    %dma_start3A_62 = tpu.memref_slice %arg9[%dma_start3A_58, %dma_start3A_60, %dma_start3A_61] : memref<5x32x128xf32, #tpu.memory_space<vmem>> -> memref<1x32x128xf32, #tpu.memory_space<vmem>>
    %dma_start3A_63 = tpu.memref_squeeze %dma_start3A_62 : memref<1x32x128xf32, #tpu.memory_space<vmem>> -> memref<32x128xf32, #tpu.memory_space<vmem>>
    %dma_start3A_64 = tpu.memref_slice %arg7[%add3A_57] : memref<10240xi32, #tpu.memory_space<vmem>> -> memref<32xi32, #tpu.memory_space<vmem>>
    %dma_start3A_65 = arith.constant 0 : i32
    %dma_start3A_66 = arith.constant 0 : i32
    %dma_start3A_67 = tpu.memref_slice %arg2[%dma_start3A_65, %dma_start3A_66] : memref<10000x128xf32, #tpu.memory_space<hbm>> -> memref<10000x128xf32, #tpu.memory_space<hbm>>
    %dma_start3A_68 = tpu.memref_slice %arg10[%dma_start3A_59] : memref<5x!tpu.dma_semaphore, #tpu.memory_space<semaphore_mem>> -> memref<1x!tpu.dma_semaphore, #tpu.memory_space<semaphore_mem>>
    %dma_start3A_69 = tpu.memref_squeeze %dma_start3A_68 : memref<1x!tpu.dma_semaphore, #tpu.memory_space<semaphore_mem>> -> memref<!tpu.dma_semaphore, #tpu.memory_space<semaphore_mem>>
    tpu.enqueue_indirect_dma source(%dma_start3A_67 : memref<10000x128xf32, #tpu.memory_space<hbm>>) target(%dma_start3A_63 : memref<32x128xf32, #tpu.memory_space<vmem>>) offsets(%dma_start3A_64 : memref<32xi32, #tpu.memory_space<vmem>>) semaphore(%dma_start3A_69 : memref<!tpu.dma_semaphore, #tpu.memory_space<semaphore_mem>>)
    %add3A_70 = arith.constant 96 : i32
    %add3A_71 = arith.addi %sub3A, %add3A_70 : i32
    %dma_start3A_72 = arith.constant 3 : i32
    %dma_start3A_73 = arith.constant 3 : i32
    %dma_start3A_74 = arith.constant 0 : i32
    %dma_start3A_75 = arith.constant 0 : i32
    %dma_start3A_76 = tpu.memref_slice %arg9[%dma_start3A_72, %dma_start3A_74, %dma_start3A_75] : memref<5x32x128xf32, #tpu.memory_space<vmem>> -> memref<1x32x128xf32, #tpu.memory_space<vmem>>
    %dma_start3A_77 = tpu.memref_squeeze %dma_start3A_76 : memref<1x32x128xf32, #tpu.memory_space<vmem>> -> memref<32x128xf32, #tpu.memory_space<vmem>>
    %dma_start3A_78 = tpu.memref_slice %arg7[%add3A_71] : memref<10240xi32, #tpu.memory_space<vmem>> -> memref<32xi32, #tpu.memory_space<vmem>>
    %dma_start3A_79 = arith.constant 0 : i32
    %dma_start3A_80 = arith.constant 0 : i32
    %dma_start3A_81 = tpu.memref_slice %arg2[%dma_start3A_79, %dma_start3A_80] : memref<10000x128xf32, #tpu.memory_space<hbm>> -> memref<10000x128xf32, #tpu.memory_space<hbm>>
    %dma_start3A_82 = tpu.memref_slice %arg10[%dma_start3A_73] : memref<5x!tpu.dma_semaphore, #tpu.memory_space<semaphore_mem>> -> memref<1x!tpu.dma_semaphore, #tpu.memory_space<semaphore_mem>>
    %dma_start3A_83 = tpu.memref_squeeze %dma_start3A_82 : memref<1x!tpu.dma_semaphore, #tpu.memory_space<semaphore_mem>> -> memref<!tpu.dma_semaphore, #tpu.memory_space<semaphore_mem>>
    tpu.enqueue_indirect_dma source(%dma_start3A_81 : memref<10000x128xf32, #tpu.memory_space<hbm>>) target(%dma_start3A_77 : memref<32x128xf32, #tpu.memory_space<vmem>>) offsets(%dma_start3A_78 : memref<32xi32, #tpu.memory_space<vmem>>) semaphore(%dma_start3A_83 : memref<!tpu.dma_semaphore, #tpu.memory_space<semaphore_mem>>)
    %add3A_84 = arith.constant 128 : i32
    %add3A_85 = arith.addi %sub3A, %add3A_84 : i32
    %dma_start3A_86 = arith.constant 4 : i32
    %dma_start3A_87 = arith.constant 4 : i32
    %dma_start3A_88 = arith.constant 0 : i32
    %dma_start3A_89 = arith.constant 0 : i32
    %dma_start3A_90 = tpu.memref_slice %arg9[%dma_start3A_86, %dma_start3A_88, %dma_start3A_89] : memref<5x32x128xf32, #tpu.memory_space<vmem>> -> memref<1x32x128xf32, #tpu.memory_space<vmem>>
    %dma_start3A_91 = tpu.memref_squeeze %dma_start3A_90 : memref<1x32x128xf32, #tpu.memory_space<vmem>> -> memref<32x128xf32, #tpu.memory_space<vmem>>
    %dma_start3A_92 = tpu.memref_slice %arg7[%add3A_85] : memref<10240xi32, #tpu.memory_space<vmem>> -> memref<32xi32, #tpu.memory_space<vmem>>
    %dma_start3A_93 = arith.constant 0 : i32
    %dma_start3A_94 = arith.constant 0 : i32
    %dma_start3A_95 = tpu.memref_slice %arg2[%dma_start3A_93, %dma_start3A_94] : memref<10000x128xf32, #tpu.memory_space<hbm>> -> memref<10000x128xf32, #tpu.memory_space<hbm>>
    %dma_start3A_96 = tpu.memref_slice %arg10[%dma_start3A_87] : memref<5x!tpu.dma_semaphore, #tpu.memory_space<semaphore_mem>> -> memref<1x!tpu.dma_semaphore, #tpu.memory_space<semaphore_mem>>
    %dma_start3A_97 = tpu.memref_squeeze %dma_start3A_96 : memref<1x!tpu.dma_semaphore, #tpu.memory_space<semaphore_mem>> -> memref<!tpu.dma_semaphore, #tpu.memory_space<semaphore_mem>>
    tpu.enqueue_indirect_dma source(%dma_start3A_95 : memref<10000x128xf32, #tpu.memory_space<hbm>>) target(%dma_start3A_91 : memref<32x128xf32, #tpu.memory_space<vmem>>) offsets(%dma_start3A_92 : memref<32xi32, #tpu.memory_space<vmem>>) semaphore(%dma_start3A_97 : memref<!tpu.dma_semaphore, #tpu.memory_space<semaphore_mem>>)
    %jit3A_98 = arith.constant 5 : i32
    %div3A_99 = arith.divsi %min3A_24, %jit3A_98 : i32
    %sign3A_100 = arith.constant 0 : i32
    %sign3A_101 = arith.cmpi sgt, %min3A_24, %sign3A_100 : i32
    %sign3A_102 = arith.extui %sign3A_101 : i1 to i32
    %sign3A_103 = arith.constant 0 : i32
    %sign3A_104 = arith.cmpi slt, %min3A_24, %sign3A_103 : i32
    %sign3A_105 = arith.extui %sign3A_104 : i1 to i32
    %sign3A_106 = arith.subi %sign3A_102, %sign3A_105 : i32
    %sign3A_107 = arith.constant 0 : i32
    %sign3A_108 = arith.cmpi sgt, %jit3A_98, %sign3A_107 : i32
    %sign3A_109 = arith.extui %sign3A_108 : i1 to i32
    %sign3A_110 = arith.constant 0 : i32
    %sign3A_111 = arith.cmpi slt, %jit3A_98, %sign3A_110 : i32
    %sign3A_112 = arith.extui %sign3A_111 : i1 to i32
    %sign3A_113 = arith.subi %sign3A_109, %sign3A_112 : i32
    %ne3A_114 = arith.cmpi ne, %sign3A_106, %sign3A_113 : i32
    %rem3A_115 = arith.remsi %min3A_24, %jit3A_98 : i32
    %ne3A_116 = arith.constant 0 : i32
    %ne3A_117 = arith.cmpi ne, %rem3A_115, %ne3A_116 : i32
    %and3A_118 = arith.andi %ne3A_114, %ne3A_117 : i1
    %sub3A_119 = arith.constant 1 : i32
    %sub3A_120 = arith.subi %div3A_99, %sub3A_119 : i32
    %select_n3A_121 = arith.select %and3A_118, %sub3A_120, %div3A_99 : i32
    %sub3A_122 = arith.constant 1 : i32
    %sub3A_123 = arith.subi %select_n3A_121, %sub3A_122 : i32
    %while3A = arith.constant 0 : i32
    %while3A_124 = arith.constant 0 : i32
    %while3A_125 = arith.subi %sub3A_123, %while3A : i32
    %while3A_126 = arith.addi %while3A, %while3A_125 : i32
    %while3A_127 = arith.constant 1 : i32
    %while3A_128 = arith.divsi %while3A_125, %while3A_127 : i32
    %while3A_129 = arith.muli %while3A_128, %while3A_127 : i32
    %while3A_130 = arith.addi %while3A, %while3A_129 : i32
    %while3A_131 = arith.constant 1 : i32
    %while3A_132 = scf.for %while3A_253 = %while3A to %while3A_130 step %while3A_131 iter_args(%while3A_254 = %while3A_124) -> (i32)  : i32 {
      %mul3A_255 = arith.constant 5 : i32
      %mul3A_256 = arith.muli %while3A_253, %mul3A_255 : i32
      %add3A_257 = arith.constant 0 : i32
      %add3A_258 = arith.addi %mul3A_256, %add3A_257 : i32
      %mul3A_259 = arith.constant 32 : i32
      %mul3A_260 = arith.muli %add3A_258, %mul3A_259 : i32
      %add3A_261 = arith.addi %sub3A, %mul3A_260 : i32
      %dma_wait3A_262 = arith.constant 0 : i32
      %dma_wait3A_263 = arith.constant 0 : i32
      %dma_wait3A_264 = arith.constant 0 : i32
      %dma_wait3A_265 = arith.constant 0 : i32
      %dma_wait3A_266 = tpu.memref_slice %arg9[%dma_wait3A_262, %dma_wait3A_264, %dma_wait3A_265] : memref<5x32x128xf32, #tpu.memory_space<vmem>> -> memref<1x32x128xf32, #tpu.memory_space<vmem>>
      %dma_wait3A_267 = tpu.memref_squeeze %dma_wait3A_266 : memref<1x32x128xf32, #tpu.memory_space<vmem>> -> memref<32x128xf32, #tpu.memory_space<vmem>>
      %dma_wait3A_268 = tpu.memref_slice %arg7[%add3A_261] : memref<10240xi32, #tpu.memory_space<vmem>> -> memref<32xi32, #tpu.memory_space<vmem>>
      %dma_wait3A_269 = arith.constant 0 : i32
      %dma_wait3A_270 = arith.constant 0 : i32
      %dma_wait3A_271 = tpu.memref_slice %arg2[%dma_wait3A_269, %dma_wait3A_270] : memref<10000x128xf32, #tpu.memory_space<hbm>> -> memref<10000x128xf32, #tpu.memory_space<hbm>>
      %dma_wait3A_272 = tpu.memref_slice %arg10[%dma_wait3A_263] : memref<5x!tpu.dma_semaphore, #tpu.memory_space<semaphore_mem>> -> memref<1x!tpu.dma_semaphore, #tpu.memory_space<semaphore_mem>>
      %dma_wait3A_273 = tpu.memref_squeeze %dma_wait3A_272 : memref<1x!tpu.dma_semaphore, #tpu.memory_space<semaphore_mem>> -> memref<!tpu.dma_semaphore, #tpu.memory_space<semaphore_mem>>
      tpu.wait_indirect_dma semaphore(%dma_wait3A_273 : memref<!tpu.dma_semaphore, #tpu.memory_space<semaphore_mem>>) src(%dma_wait3A_271 : memref<10000x128xf32, #tpu.memory_space<hbm>>) dst(%dma_wait3A_267 : memref<32x128xf32, #tpu.memory_space<vmem>>)
      %mul3A_274 = arith.constant 32 : i32
      %mul3A_275 = arith.muli %add3A_258, %mul3A_274 : i32
      %add3A_276 = arith.addi %sub3A, %mul3A_275 : i32
      %run_scoped3A_277 = arith.constant 0 : i32
      "tpu.region"() ({
        %run_scoped3A_456 = tpu.sem_alloc : memref<!tpu.dma_semaphore, #tpu.memory_space<semaphore_mem>>
        %dma_start3A_457 = arith.constant 0 : i32
        %dma_start3A_458 = arith.constant 0 : i32
        %dma_start3A_459 = tpu.memref_slice %arg9[%run_scoped3A_277, %dma_start3A_457, %dma_start3A_458] : memref<5x32x128xf32, #tpu.memory_space<vmem>> -> memref<1x32x128xf32, #tpu.memory_space<vmem>>
        %dma_start3A_460 = tpu.memref_squeeze %dma_start3A_459 : memref<1x32x128xf32, #tpu.memory_space<vmem>> -> memref<32x128xf32, #tpu.memory_space<vmem>>
        %dma_start3A_461 = tpu.memref_slice %arg8[%add3A_276] : memref<10240xi32, #tpu.memory_space<vmem>> -> memref<32xi32, #tpu.memory_space<vmem>>
        %dma_start3A_462 = arith.constant 0 : i32
        %dma_start3A_463 = arith.constant 0 : i32
        %dma_start3A_464 = tpu.memref_slice %arg11[%dma_start3A_462, %dma_start3A_463] : memref<10240x128xf32, #tpu.memory_space<vmem_shared>> -> memref<10240x128xf32, #tpu.memory_space<vmem_shared>>
        tpu.enqueue_indirect_dma source(%dma_start3A_460 : memref<32x128xf32, #tpu.memory_space<vmem>>) target(%dma_start3A_464 : memref<10240x128xf32, #tpu.memory_space<vmem_shared>>) offsets(%dma_start3A_461 : memref<32xi32, #tpu.memory_space<vmem>>) semaphore(%run_scoped3A_456 : memref<!tpu.dma_semaphore, #tpu.memory_space<semaphore_mem>>) {add = true}
        %dma_wait3A_465 = arith.constant 0 : i32
        %dma_wait3A_466 = arith.constant 0 : i32
        %dma_wait3A_467 = tpu.memref_slice %arg9[%run_scoped3A_277, %dma_wait3A_465, %dma_wait3A_466] : memref<5x32x128xf32, #tpu.memory_space<vmem>> -> memref<1x32x128xf32, #tpu.memory_space<vmem>>
        %dma_wait3A_468 = tpu.memref_squeeze %dma_wait3A_467 : memref<1x32x128xf32, #tpu.memory_space<vmem>> -> memref<32x128xf32, #tpu.memory_space<vmem>>
        %dma_wait3A_469 = tpu.memref_slice %arg8[%add3A_276] : memref<10240xi32, #tpu.memory_space<vmem>> -> memref<32xi32, #tpu.memory_space<vmem>>
        %dma_wait3A_470 = arith.constant 0 : i32
        %dma_wait3A_471 = arith.constant 0 : i32
        %dma_wait3A_472 = tpu.memref_slice %arg11[%dma_wait3A_470, %dma_wait3A_471] : memref<10240x128xf32, #tpu.memory_space<vmem_shared>> -> memref<10240x128xf32, #tpu.memory_space<vmem_shared>>
        tpu.wait_indirect_dma semaphore(%run_scoped3A_456 : memref<!tpu.dma_semaphore, #tpu.memory_space<semaphore_mem>>) src(%dma_wait3A_468 : memref<32x128xf32, #tpu.memory_space<vmem>>) dst(%dma_wait3A_472 : memref<10240x128xf32, #tpu.memory_space<vmem_shared>>)
        tpu.yield
      }) : () -> ()
      %add3A_278 = arith.constant 5 : i32
      %add3A_279 = arith.addi %add3A_258, %add3A_278 : i32
      %mul3A_280 = arith.constant 32 : i32
      %mul3A_281 = arith.muli %add3A_279, %mul3A_280 : i32
      %add3A_282 = arith.addi %sub3A, %mul3A_281 : i32
      %dma_start3A_283 = arith.constant 0 : i32
      %dma_start3A_284 = arith.constant 0 : i32
      %dma_start3A_285 = arith.constant 0 : i32
      %dma_start3A_286 = arith.constant 0 : i32
      %dma_start3A_287 = tpu.memref_slice %arg9[%dma_start3A_283, %dma_start3A_285, %dma_start3A_286] : memref<5x32x128xf32, #tpu.memory_space<vmem>> -> memref<1x32x128xf32, #tpu.memory_space<vmem>>
      %dma_start3A_288 = tpu.memref_squeeze %dma_start3A_287 : memref<1x32x128xf32, #tpu.memory_space<vmem>> -> memref<32x128xf32, #tpu.memory_space<vmem>>
      %dma_start3A_289 = tpu.memref_slice %arg7[%add3A_282] : memref<10240xi32, #tpu.memory_space<vmem>> -> memref<32xi32, #tpu.memory_space<vmem>>
      %dma_start3A_290 = arith.constant 0 : i32
      %dma_start3A_291 = arith.constant 0 : i32
      %dma_start3A_292 = tpu.memref_slice %arg2[%dma_start3A_290, %dma_start3A_291] : memref<10000x128xf32, #tpu.memory_space<hbm>> -> memref<10000x128xf32, #tpu.memory_space<hbm>>
      %dma_start3A_293 = tpu.memref_slice %arg10[%dma_start3A_284] : memref<5x!tpu.dma_semaphore, #tpu.memory_space<semaphore_mem>> -> memref<1x!tpu.dma_semaphore, #tpu.memory_space<semaphore_mem>>
      %dma_start3A_294 = tpu.memref_squeeze %dma_start3A_293 : memref<1x!tpu.dma_semaphore, #tpu.memory_space<semaphore_mem>> -> memref<!tpu.dma_semaphore, #tpu.memory_space<semaphore_mem>>
      tpu.enqueue_indirect_dma source(%dma_start3A_292 : memref<10000x128xf32, #tpu.memory_space<hbm>>) target(%dma_start3A_288 : memref<32x128xf32, #tpu.memory_space<vmem>>) offsets(%dma_start3A_289 : memref<32xi32, #tpu.memory_space<vmem>>) semaphore(%dma_start3A_294 : memref<!tpu.dma_semaphore, #tpu.memory_space<semaphore_mem>>)
      %mul3A_295 = arith.constant 5 : i32
      %mul3A_296 = arith.muli %while3A_253, %mul3A_295 : i32
      %add3A_297 = arith.constant 1 : i32
      %add3A_298 = arith.addi %mul3A_296, %add3A_297 : i32
      %mul3A_299 = arith.constant 32 : i32
      %mul3A_300 = arith.muli %add3A_298, %mul3A_299 : i32
      %add3A_301 = arith.addi %sub3A, %mul3A_300 : i32
      %dma_wait3A_302 = arith.constant 1 : i32
      %dma_wait3A_303 = arith.constant 1 : i32
      %dma_wait3A_304 = arith.constant 0 : i32
      %dma_wait3A_305 = arith.constant 0 : i32
      %dma_wait3A_306 = tpu.memref_slice %arg9[%dma_wait3A_302, %dma_wait3A_304, %dma_wait3A_305] : memref<5x32x128xf32, #tpu.memory_space<vmem>> -> memref<1x32x128xf32, #tpu.memory_space<vmem>>
      %dma_wait3A_307 = tpu.memref_squeeze %dma_wait3A_306 : memref<1x32x128xf32, #tpu.memory_space<vmem>> -> memref<32x128xf32, #tpu.memory_space<vmem>>
      %dma_wait3A_308 = tpu.memref_slice %arg7[%add3A_301] : memref<10240xi32, #tpu.memory_space<vmem>> -> memref<32xi32, #tpu.memory_space<vmem>>
      %dma_wait3A_309 = arith.constant 0 : i32
      %dma_wait3A_310 = arith.constant 0 : i32
      %dma_wait3A_311 = tpu.memref_slice %arg2[%dma_wait3A_309, %dma_wait3A_310] : memref<10000x128xf32, #tpu.memory_space<hbm>> -> memref<10000x128xf32, #tpu.memory_space<hbm>>
      %dma_wait3A_312 = tpu.memref_slice %arg10[%dma_wait3A_303] : memref<5x!tpu.dma_semaphore, #tpu.memory_space<semaphore_mem>> -> memref<1x!tpu.dma_semaphore, #tpu.memory_space<semaphore_mem>>
      %dma_wait3A_313 = tpu.memref_squeeze %dma_wait3A_312 : memref<1x!tpu.dma_semaphore, #tpu.memory_space<semaphore_mem>> -> memref<!tpu.dma_semaphore, #tpu.memory_space<semaphore_mem>>
      tpu.wait_indirect_dma semaphore(%dma_wait3A_313 : memref<!tpu.dma_semaphore, #tpu.memory_space<semaphore_mem>>) src(%dma_wait3A_311 : memref<10000x128xf32, #tpu.memory_space<hbm>>) dst(%dma_wait3A_307 : memref<32x128xf32, #tpu.memory_space<vmem>>)
      %mul3A_314 = arith.constant 32 : i32
      %mul3A_315 = arith.muli %add3A_298, %mul3A_314 : i32
      %add3A_316 = arith.addi %sub3A, %mul3A_315 : i32
      %run_scoped3A_317 = arith.constant 1 : i32
      "tpu.region"() ({
        %run_scoped3A_456 = tpu.sem_alloc : memref<!tpu.dma_semaphore, #tpu.memory_space<semaphore_mem>>
        %dma_start3A_457 = arith.constant 0 : i32
        %dma_start3A_458 = arith.constant 0 : i32
        %dma_start3A_459 = tpu.memref_slice %arg9[%run_scoped3A_317, %dma_start3A_457, %dma_start3A_458] : memref<5x32x128xf32, #tpu.memory_space<vmem>> -> memref<1x32x128xf32, #tpu.memory_space<vmem>>
        %dma_start3A_460 = tpu.memref_squeeze %dma_start3A_459 : memref<1x32x128xf32, #tpu.memory_space<vmem>> -> memref<32x128xf32, #tpu.memory_space<vmem>>
        %dma_start3A_461 = tpu.memref_slice %arg8[%add3A_316] : memref<10240xi32, #tpu.memory_space<vmem>> -> memref<32xi32, #tpu.memory_space<vmem>>
        %dma_start3A_462 = arith.constant 0 : i32
        %dma_start3A_463 = arith.constant 0 : i32
        %dma_start3A_464 = tpu.memref_slice %arg11[%dma_start3A_462, %dma_start3A_463] : memref<10240x128xf32, #tpu.memory_space<vmem_shared>> -> memref<10240x128xf32, #tpu.memory_space<vmem_shared>>
        tpu.enqueue_indirect_dma source(%dma_start3A_460 : memref<32x128xf32, #tpu.memory_space<vmem>>) target(%dma_start3A_464 : memref<10240x128xf32, #tpu.memory_space<vmem_shared>>) offsets(%dma_start3A_461 : memref<32xi32, #tpu.memory_space<vmem>>) semaphore(%run_scoped3A_456 : memref<!tpu.dma_semaphore, #tpu.memory_space<semaphore_mem>>) {add = true}
        %dma_wait3A_465 = arith.constant 0 : i32
        %dma_wait3A_466 = arith.constant 0 : i32
        %dma_wait3A_467 = tpu.memref_slice %arg9[%run_scoped3A_317, %dma_wait3A_465, %dma_wait3A_466] : memref<5x32x128xf32, #tpu.memory_space<vmem>> -> memref<1x32x128xf32, #tpu.memory_space<vmem>>
        %dma_wait3A_468 = tpu.memref_squeeze %dma_wait3A_467 : memref<1x32x128xf32, #tpu.memory_space<vmem>> -> memref<32x128xf32, #tpu.memory_space<vmem>>
        %dma_wait3A_469 = tpu.memref_slice %arg8[%add3A_316] : memref<10240xi32, #tpu.memory_space<vmem>> -> memref<32xi32, #tpu.memory_space<vmem>>
        %dma_wait3A_470 = arith.constant 0 : i32
        %dma_wait3A_471 = arith.constant 0 : i32
        %dma_wait3A_472 = tpu.memref_slice %arg11[%dma_wait3A_470, %dma_wait3A_471] : memref<10240x128xf32, #tpu.memory_space<vmem_shared>> -> memref<10240x128xf32, #tpu.memory_space<vmem_shared>>
        tpu.wait_indirect_dma semaphore(%run_scoped3A_456 : memref<!tpu.dma_semaphore, #tpu.memory_space<semaphore_mem>>) src(%dma_wait3A_468 : memref<32x128xf32, #tpu.memory_space<vmem>>) dst(%dma_wait3A_472 : memref<10240x128xf32, #tpu.memory_space<vmem_shared>>)
        tpu.yield
      }) : () -> ()
      %add3A_318 = arith.constant 5 : i32
      %add3A_319 = arith.addi %add3A_298, %add3A_318 : i32
      %mul3A_320 = arith.constant 32 : i32
      %mul3A_321 = arith.muli %add3A_319, %mul3A_320 : i32
      %add3A_322 = arith.addi %sub3A, %mul3A_321 : i32
      %dma_start3A_323 = arith.constant 1 : i32
      %dma_start3A_324 = arith.constant 1 : i32
      %dma_start3A_325 = arith.constant 0 : i32
      %dma_start3A_326 = arith.constant 0 : i32
      %dma_start3A_327 = tpu.memref_slice %arg9[%dma_start3A_323, %dma_start3A_325, %dma_start3A_326] : memref<5x32x128xf32, #tpu.memory_space<vmem>> -> memref<1x32x128xf32, #tpu.memory_space<vmem>>
      %dma_start3A_328 = tpu.memref_squeeze %dma_start3A_327 : memref<1x32x128xf32, #tpu.memory_space<vmem>> -> memref<32x128xf32, #tpu.memory_space<vmem>>
      %dma_start3A_329 = tpu.memref_slice %arg7[%add3A_322] : memref<10240xi32, #tpu.memory_space<vmem>> -> memref<32xi32, #tpu.memory_space<vmem>>
      %dma_start3A_330 = arith.constant 0 : i32
      %dma_start3A_331 = arith.constant 0 : i32
      %dma_start3A_332 = tpu.memref_slice %arg2[%dma_start3A_330, %dma_start3A_331] : memref<10000x128xf32, #tpu.memory_space<hbm>> -> memref<10000x128xf32, #tpu.memory_space<hbm>>
      %dma_start3A_333 = tpu.memref_slice %arg10[%dma_start3A_324] : memref<5x!tpu.dma_semaphore, #tpu.memory_space<semaphore_mem>> -> memref<1x!tpu.dma_semaphore, #tpu.memory_space<semaphore_mem>>
      %dma_start3A_334 = tpu.memref_squeeze %dma_start3A_333 : memref<1x!tpu.dma_semaphore, #tpu.memory_space<semaphore_mem>> -> memref<!tpu.dma_semaphore, #tpu.memory_space<semaphore_mem>>
      tpu.enqueue_indirect_dma source(%dma_start3A_332 : memref<10000x128xf32, #tpu.memory_space<hbm>>) target(%dma_start3A_328 : memref<32x128xf32, #tpu.memory_space<vmem>>) offsets(%dma_start3A_329 : memref<32xi32, #tpu.memory_space<vmem>>) semaphore(%dma_start3A_334 : memref<!tpu.dma_semaphore, #tpu.memory_space<semaphore_mem>>)
      %mul3A_335 = arith.constant 5 : i32
      %mul3A_336 = arith.muli %while3A_253, %mul3A_335 : i32
      %add3A_337 = arith.constant 2 : i32
      %add3A_338 = arith.addi %mul3A_336, %add3A_337 : i32
      %mul3A_339 = arith.constant 32 : i32
      %mul3A_340 = arith.muli %add3A_338, %mul3A_339 : i32
      %add3A_341 = arith.addi %sub3A, %mul3A_340 : i32
      %dma_wait3A_342 = arith.constant 2 : i32
      %dma_wait3A_343 = arith.constant 2 : i32
      %dma_wait3A_344 = arith.constant 0 : i32
      %dma_wait3A_345 = arith.constant 0 : i32
      %dma_wait3A_346 = tpu.memref_slice %arg9[%dma_wait3A_342, %dma_wait3A_344, %dma_wait3A_345] : memref<5x32x128xf32, #tpu.memory_space<vmem>> -> memref<1x32x128xf32, #tpu.memory_space<vmem>>
      %dma_wait3A_347 = tpu.memref_squeeze %dma_wait3A_346 : memref<1x32x128xf32, #tpu.memory_space<vmem>> -> memref<32x128xf32, #tpu.memory_space<vmem>>
      %dma_wait3A_348 = tpu.memref_slice %arg7[%add3A_341] : memref<10240xi32, #tpu.memory_space<vmem>> -> memref<32xi32, #tpu.memory_space<vmem>>
      %dma_wait3A_349 = arith.constant 0 : i32
      %dma_wait3A_350 = arith.constant 0 : i32
      %dma_wait3A_351 = tpu.memref_slice %arg2[%dma_wait3A_349, %dma_wait3A_350] : memref<10000x128xf32, #tpu.memory_space<hbm>> -> memref<10000x128xf32, #tpu.memory_space<hbm>>
      %dma_wait3A_352 = tpu.memref_slice %arg10[%dma_wait3A_343] : memref<5x!tpu.dma_semaphore, #tpu.memory_space<semaphore_mem>> -> memref<1x!tpu.dma_semaphore, #tpu.memory_space<semaphore_mem>>
      %dma_wait3A_353 = tpu.memref_squeeze %dma_wait3A_352 : memref<1x!tpu.dma_semaphore, #tpu.memory_space<semaphore_mem>> -> memref<!tpu.dma_semaphore, #tpu.memory_space<semaphore_mem>>
      tpu.wait_indirect_dma semaphore(%dma_wait3A_353 : memref<!tpu.dma_semaphore, #tpu.memory_space<semaphore_mem>>) src(%dma_wait3A_351 : memref<10000x128xf32, #tpu.memory_space<hbm>>) dst(%dma_wait3A_347 : memref<32x128xf32, #tpu.memory_space<vmem>>)
      %mul3A_354 = arith.constant 32 : i32
      %mul3A_355 = arith.muli %add3A_338, %mul3A_354 : i32
      %add3A_356 = arith.addi %sub3A, %mul3A_355 : i32
      %run_scoped3A_357 = arith.constant 2 : i32
      "tpu.region"() ({
        %run_scoped3A_456 = tpu.sem_alloc : memref<!tpu.dma_semaphore, #tpu.memory_space<semaphore_mem>>
        %dma_start3A_457 = arith.constant 0 : i32
        %dma_start3A_458 = arith.constant 0 : i32
        %dma_start3A_459 = tpu.memref_slice %arg9[%run_scoped3A_357, %dma_start3A_457, %dma_start3A_458] : memref<5x32x128xf32, #tpu.memory_space<vmem>> -> memref<1x32x128xf32, #tpu.memory_space<vmem>>
        %dma_start3A_460 = tpu.memref_squeeze %dma_start3A_459 : memref<1x32x128xf32, #tpu.memory_space<vmem>> -> memref<32x128xf32, #tpu.memory_space<vmem>>
        %dma_start3A_461 = tpu.memref_slice %arg8[%add3A_356] : memref<10240xi32, #tpu.memory_space<vmem>> -> memref<32xi32, #tpu.memory_space<vmem>>
        %dma_start3A_462 = arith.constant 0 : i32
        %dma_start3A_463 = arith.constant 0 : i32
        %dma_start3A_464 = tpu.memref_slice %arg11[%dma_start3A_462, %dma_start3A_463] : memref<10240x128xf32, #tpu.memory_space<vmem_shared>> -> memref<10240x128xf32, #tpu.memory_space<vmem_shared>>
        tpu.enqueue_indirect_dma source(%dma_start3A_460 : memref<32x128xf32, #tpu.memory_space<vmem>>) target(%dma_start3A_464 : memref<10240x128xf32, #tpu.memory_space<vmem_shared>>) offsets(%dma_start3A_461 : memref<32xi32, #tpu.memory_space<vmem>>) semaphore(%run_scoped3A_456 : memref<!tpu.dma_semaphore, #tpu.memory_space<semaphore_mem>>) {add = true}
        %dma_wait3A_465 = arith.constant 0 : i32
        %dma_wait3A_466 = arith.constant 0 : i32
        %dma_wait3A_467 = tpu.memref_slice %arg9[%run_scoped3A_357, %dma_wait3A_465, %dma_wait3A_466] : memref<5x32x128xf32, #tpu.memory_space<vmem>> -> memref<1x32x128xf32, #tpu.memory_space<vmem>>
        %dma_wait3A_468 = tpu.memref_squeeze %dma_wait3A_467 : memref<1x32x128xf32, #tpu.memory_space<vmem>> -> memref<32x128xf32, #tpu.memory_space<vmem>>
        %dma_wait3A_469 = tpu.memref_slice %arg8[%add3A_356] : memref<10240xi32, #tpu.memory_space<vmem>> -> memref<32xi32, #tpu.memory_space<vmem>>
        %dma_wait3A_470 = arith.constant 0 : i32
        %dma_wait3A_471 = arith.constant 0 : i32
        %dma_wait3A_472 = tpu.memref_slice %arg11[%dma_wait3A_470, %dma_wait3A_471] : memref<10240x128xf32, #tpu.memory_space<vmem_shared>> -> memref<10240x128xf32, #tpu.memory_space<vmem_shared>>
        tpu.wait_indirect_dma semaphore(%run_scoped3A_456 : memref<!tpu.dma_semaphore, #tpu.memory_space<semaphore_mem>>) src(%dma_wait3A_468 : memref<32x128xf32, #tpu.memory_space<vmem>>) dst(%dma_wait3A_472 : memref<10240x128xf32, #tpu.memory_space<vmem_shared>>)
        tpu.yield
      }) : () -> ()
      %add3A_358 = arith.constant 5 : i32
      %add3A_359 = arith.addi %add3A_338, %add3A_358 : i32
      %mul3A_360 = arith.constant 32 : i32
      %mul3A_361 = arith.muli %add3A_359, %mul3A_360 : i32
      %add3A_362 = arith.addi %sub3A, %mul3A_361 : i32
      %dma_start3A_363 = arith.constant 2 : i32
      %dma_start3A_364 = arith.constant 2 : i32
      %dma_start3A_365 = arith.constant 0 : i32
      %dma_start3A_366 = arith.constant 0 : i32
      %dma_start3A_367 = tpu.memref_slice %arg9[%dma_start3A_363, %dma_start3A_365, %dma_start3A_366] : memref<5x32x128xf32, #tpu.memory_space<vmem>> -> memref<1x32x128xf32, #tpu.memory_space<vmem>>
      %dma_start3A_368 = tpu.memref_squeeze %dma_start3A_367 : memref<1x32x128xf32, #tpu.memory_space<vmem>> -> memref<32x128xf32, #tpu.memory_space<vmem>>
      %dma_start3A_369 = tpu.memref_slice %arg7[%add3A_362] : memref<10240xi32, #tpu.memory_space<vmem>> -> memref<32xi32, #tpu.memory_space<vmem>>
      %dma_start3A_370 = arith.constant 0 : i32
      %dma_start3A_371 = arith.constant 0 : i32
      %dma_start3A_372 = tpu.memref_slice %arg2[%dma_start3A_370, %dma_start3A_371] : memref<10000x128xf32, #tpu.memory_space<hbm>> -> memref<10000x128xf32, #tpu.memory_space<hbm>>
      %dma_start3A_373 = tpu.memref_slice %arg10[%dma_start3A_364] : memref<5x!tpu.dma_semaphore, #tpu.memory_space<semaphore_mem>> -> memref<1x!tpu.dma_semaphore, #tpu.memory_space<semaphore_mem>>
      %dma_start3A_374 = tpu.memref_squeeze %dma_start3A_373 : memref<1x!tpu.dma_semaphore, #tpu.memory_space<semaphore_mem>> -> memref<!tpu.dma_semaphore, #tpu.memory_space<semaphore_mem>>
      tpu.enqueue_indirect_dma source(%dma_start3A_372 : memref<10000x128xf32, #tpu.memory_space<hbm>>) target(%dma_start3A_368 : memref<32x128xf32, #tpu.memory_space<vmem>>) offsets(%dma_start3A_369 : memref<32xi32, #tpu.memory_space<vmem>>) semaphore(%dma_start3A_374 : memref<!tpu.dma_semaphore, #tpu.memory_space<semaphore_mem>>)
      %mul3A_375 = arith.constant 5 : i32
      %mul3A_376 = arith.muli %while3A_253, %mul3A_375 : i32
      %add3A_377 = arith.constant 3 : i32
      %add3A_378 = arith.addi %mul3A_376, %add3A_377 : i32
      %mul3A_379 = arith.constant 32 : i32
      %mul3A_380 = arith.muli %add3A_378, %mul3A_379 : i32
      %add3A_381 = arith.addi %sub3A, %mul3A_380 : i32
      %dma_wait3A_382 = arith.constant 3 : i32
      %dma_wait3A_383 = arith.constant 3 : i32
      %dma_wait3A_384 = arith.constant 0 : i32
      %dma_wait3A_385 = arith.constant 0 : i32
      %dma_wait3A_386 = tpu.memref_slice %arg9[%dma_wait3A_382, %dma_wait3A_384, %dma_wait3A_385] : memref<5x32x128xf32, #tpu.memory_space<vmem>> -> memref<1x32x128xf32, #tpu.memory_space<vmem>>
      %dma_wait3A_387 = tpu.memref_squeeze %dma_wait3A_386 : memref<1x32x128xf32, #tpu.memory_space<vmem>> -> memref<32x128xf32, #tpu.memory_space<vmem>>
      %dma_wait3A_388 = tpu.memref_slice %arg7[%add3A_381] : memref<10240xi32, #tpu.memory_space<vmem>> -> memref<32xi32, #tpu.memory_space<vmem>>
      %dma_wait3A_389 = arith.constant 0 : i32
      %dma_wait3A_390 = arith.constant 0 : i32
      %dma_wait3A_391 = tpu.memref_slice %arg2[%dma_wait3A_389, %dma_wait3A_390] : memref<10000x128xf32, #tpu.memory_space<hbm>> -> memref<10000x128xf32, #tpu.memory_space<hbm>>
      %dma_wait3A_392 = tpu.memref_slice %arg10[%dma_wait3A_383] : memref<5x!tpu.dma_semaphore, #tpu.memory_space<semaphore_mem>> -> memref<1x!tpu.dma_semaphore, #tpu.memory_space<semaphore_mem>>
      %dma_wait3A_393 = tpu.memref_squeeze %dma_wait3A_392 : memref<1x!tpu.dma_semaphore, #tpu.memory_space<semaphore_mem>> -> memref<!tpu.dma_semaphore, #tpu.memory_space<semaphore_mem>>
      tpu.wait_indirect_dma semaphore(%dma_wait3A_393 : memref<!tpu.dma_semaphore, #tpu.memory_space<semaphore_mem>>) src(%dma_wait3A_391 : memref<10000x128xf32, #tpu.memory_space<hbm>>) dst(%dma_wait3A_387 : memref<32x128xf32, #tpu.memory_space<vmem>>)
      %mul3A_394 = arith.constant 32 : i32
      %mul3A_395 = arith.muli %add3A_378, %mul3A_394 : i32
      %add3A_396 = arith.addi %sub3A, %mul3A_395 : i32
      %run_scoped3A_397 = arith.constant 3 : i32
      "tpu.region"() ({
        %run_scoped3A_456 = tpu.sem_alloc : memref<!tpu.dma_semaphore, #tpu.memory_space<semaphore_mem>>
        %dma_start3A_457 = arith.constant 0 : i32
        %dma_start3A_458 = arith.constant 0 : i32
        %dma_start3A_459 = tpu.memref_slice %arg9[%run_scoped3A_397, %dma_start3A_457, %dma_start3A_458] : memref<5x32x128xf32, #tpu.memory_space<vmem>> -> memref<1x32x128xf32, #tpu.memory_space<vmem>>
        %dma_start3A_460 = tpu.memref_squeeze %dma_start3A_459 : memref<1x32x128xf32, #tpu.memory_space<vmem>> -> memref<32x128xf32, #tpu.memory_space<vmem>>
        %dma_start3A_461 = tpu.memref_slice %arg8[%add3A_396] : memref<10240xi32, #tpu.memory_space<vmem>> -> memref<32xi32, #tpu.memory_space<vmem>>
        %dma_start3A_462 = arith.constant 0 : i32
        %dma_start3A_463 = arith.constant 0 : i32
        %dma_start3A_464 = tpu.memref_slice %arg11[%dma_start3A_462, %dma_start3A_463] : memref<10240x128xf32, #tpu.memory_space<vmem_shared>> -> memref<10240x128xf32, #tpu.memory_space<vmem_shared>>
        tpu.enqueue_indirect_dma source(%dma_start3A_460 : memref<32x128xf32, #tpu.memory_space<vmem>>) target(%dma_start3A_464 : memref<10240x128xf32, #tpu.memory_space<vmem_shared>>) offsets(%dma_start3A_461 : memref<32xi32, #tpu.memory_space<vmem>>) semaphore(%run_scoped3A_456 : memref<!tpu.dma_semaphore, #tpu.memory_space<semaphore_mem>>) {add = true}
        %dma_wait3A_465 = arith.constant 0 : i32
        %dma_wait3A_466 = arith.constant 0 : i32
        %dma_wait3A_467 = tpu.memref_slice %arg9[%run_scoped3A_397, %dma_wait3A_465, %dma_wait3A_466] : memref<5x32x128xf32, #tpu.memory_space<vmem>> -> memref<1x32x128xf32, #tpu.memory_space<vmem>>
        %dma_wait3A_468 = tpu.memref_squeeze %dma_wait3A_467 : memref<1x32x128xf32, #tpu.memory_space<vmem>> -> memref<32x128xf32, #tpu.memory_space<vmem>>
        %dma_wait3A_469 = tpu.memref_slice %arg8[%add3A_396] : memref<10240xi32, #tpu.memory_space<vmem>> -> memref<32xi32, #tpu.memory_space<vmem>>
        %dma_wait3A_470 = arith.constant 0 : i32
        %dma_wait3A_471 = arith.constant 0 : i32
        %dma_wait3A_472 = tpu.memref_slice %arg11[%dma_wait3A_470, %dma_wait3A_471] : memref<10240x128xf32, #tpu.memory_space<vmem_shared>> -> memref<10240x128xf32, #tpu.memory_space<vmem_shared>>
        tpu.wait_indirect_dma semaphore(%run_scoped3A_456 : memref<!tpu.dma_semaphore, #tpu.memory_space<semaphore_mem>>) src(%dma_wait3A_468 : memref<32x128xf32, #tpu.memory_space<vmem>>) dst(%dma_wait3A_472 : memref<10240x128xf32, #tpu.memory_space<vmem_shared>>)
        tpu.yield
      }) : () -> ()
      %add3A_398 = arith.constant 5 : i32
      %add3A_399 = arith.addi %add3A_378, %add3A_398 : i32
      %mul3A_400 = arith.constant 32 : i32
      %mul3A_401 = arith.muli %add3A_399, %mul3A_400 : i32
      %add3A_402 = arith.addi %sub3A, %mul3A_401 : i32
      %dma_start3A_403 = arith.constant 3 : i32
      %dma_start3A_404 = arith.constant 3 : i32
      %dma_start3A_405 = arith.constant 0 : i32
      %dma_start3A_406 = arith.constant 0 : i32
      %dma_start3A_407 = tpu.memref_slice %arg9[%dma_start3A_403, %dma_start3A_405, %dma_start3A_406] : memref<5x32x128xf32, #tpu.memory_space<vmem>> -> memref<1x32x128xf32, #tpu.memory_space<vmem>>
      %dma_start3A_408 = tpu.memref_squeeze %dma_start3A_407 : memref<1x32x128xf32, #tpu.memory_space<vmem>> -> memref<32x128xf32, #tpu.memory_space<vmem>>
      %dma_start3A_409 = tpu.memref_slice %arg7[%add3A_402] : memref<10240xi32, #tpu.memory_space<vmem>> -> memref<32xi32, #tpu.memory_space<vmem>>
      %dma_start3A_410 = arith.constant 0 : i32
      %dma_start3A_411 = arith.constant 0 : i32
      %dma_start3A_412 = tpu.memref_slice %arg2[%dma_start3A_410, %dma_start3A_411] : memref<10000x128xf32, #tpu.memory_space<hbm>> -> memref<10000x128xf32, #tpu.memory_space<hbm>>
      %dma_start3A_413 = tpu.memref_slice %arg10[%dma_start3A_404] : memref<5x!tpu.dma_semaphore, #tpu.memory_space<semaphore_mem>> -> memref<1x!tpu.dma_semaphore, #tpu.memory_space<semaphore_mem>>
      %dma_start3A_414 = tpu.memref_squeeze %dma_start3A_413 : memref<1x!tpu.dma_semaphore, #tpu.memory_space<semaphore_mem>> -> memref<!tpu.dma_semaphore, #tpu.memory_space<semaphore_mem>>
      tpu.enqueue_indirect_dma source(%dma_start3A_412 : memref<10000x128xf32, #tpu.memory_space<hbm>>) target(%dma_start3A_408 : memref<32x128xf32, #tpu.memory_space<vmem>>) offsets(%dma_start3A_409 : memref<32xi32, #tpu.memory_space<vmem>>) semaphore(%dma_start3A_414 : memref<!tpu.dma_semaphore, #tpu.memory_space<semaphore_mem>>)
      %mul3A_415 = arith.constant 5 : i32
      %mul3A_416 = arith.muli %while3A_253, %mul3A_415 : i32
      %add3A_417 = arith.constant 4 : i32
      %add3A_418 = arith.addi %mul3A_416, %add3A_417 : i32
      %mul3A_419 = arith.constant 32 : i32
      %mul3A_420 = arith.muli %add3A_418, %mul3A_419 : i32
      %add3A_421 = arith.addi %sub3A, %mul3A_420 : i32
      %dma_wait3A_422 = arith.constant 4 : i32
      %dma_wait3A_423 = arith.constant 4 : i32
      %dma_wait3A_424 = arith.constant 0 : i32
      %dma_wait3A_425 = arith.constant 0 : i32
      %dma_wait3A_426 = tpu.memref_slice %arg9[%dma_wait3A_422, %dma_wait3A_424, %dma_wait3A_425] : memref<5x32x128xf32, #tpu.memory_space<vmem>> -> memref<1x32x128xf32, #tpu.memory_space<vmem>>
      %dma_wait3A_427 = tpu.memref_squeeze %dma_wait3A_426 : memref<1x32x128xf32, #tpu.memory_space<vmem>> -> memref<32x128xf32, #tpu.memory_space<vmem>>
      %dma_wait3A_428 = tpu.memref_slice %arg7[%add3A_421] : memref<10240xi32, #tpu.memory_space<vmem>> -> memref<32xi32, #tpu.memory_space<vmem>>
      %dma_wait3A_429 = arith.constant 0 : i32
      %dma_wait3A_430 = arith.constant 0 : i32
      %dma_wait3A_431 = tpu.memref_slice %arg2[%dma_wait3A_429, %dma_wait3A_430] : memref<10000x128xf32, #tpu.memory_space<hbm>> -> memref<10000x128xf32, #tpu.memory_space<hbm>>
      %dma_wait3A_432 = tpu.memref_slice %arg10[%dma_wait3A_423] : memref<5x!tpu.dma_semaphore, #tpu.memory_space<semaphore_mem>> -> memref<1x!tpu.dma_semaphore, #tpu.memory_space<semaphore_mem>>
      %dma_wait3A_433 = tpu.memref_squeeze %dma_wait3A_432 : memref<1x!tpu.dma_semaphore, #tpu.memory_space<semaphore_mem>> -> memref<!tpu.dma_semaphore, #tpu.memory_space<semaphore_mem>>
      tpu.wait_indirect_dma semaphore(%dma_wait3A_433 : memref<!tpu.dma_semaphore, #tpu.memory_space<semaphore_mem>>) src(%dma_wait3A_431 : memref<10000x128xf32, #tpu.memory_space<hbm>>) dst(%dma_wait3A_427 : memref<32x128xf32, #tpu.memory_space<vmem>>)
      %mul3A_434 = arith.constant 32 : i32
      %mul3A_435 = arith.muli %add3A_418, %mul3A_434 : i32
      %add3A_436 = arith.addi %sub3A, %mul3A_435 : i32
      %run_scoped3A_437 = arith.constant 4 : i32
      "tpu.region"() ({
        %run_scoped3A_456 = tpu.sem_alloc : memref<!tpu.dma_semaphore, #tpu.memory_space<semaphore_mem>>
        %dma_start3A_457 = arith.constant 0 : i32
        %dma_start3A_458 = arith.constant 0 : i32
        %dma_start3A_459 = tpu.memref_slice %arg9[%run_scoped3A_437, %dma_start3A_457, %dma_start3A_458] : memref<5x32x128xf32, #tpu.memory_space<vmem>> -> memref<1x32x128xf32, #tpu.memory_space<vmem>>
        %dma_start3A_460 = tpu.memref_squeeze %dma_start3A_459 : memref<1x32x128xf32, #tpu.memory_space<vmem>> -> memref<32x128xf32, #tpu.memory_space<vmem>>
        %dma_start3A_461 = tpu.memref_slice %arg8[%add3A_436] : memref<10240xi32, #tpu.memory_space<vmem>> -> memref<32xi32, #tpu.memory_space<vmem>>
        %dma_start3A_462 = arith.constant 0 : i32
        %dma_start3A_463 = arith.constant 0 : i32
        %dma_start3A_464 = tpu.memref_slice %arg11[%dma_start3A_462, %dma_start3A_463] : memref<10240x128xf32, #tpu.memory_space<vmem_shared>> -> memref<10240x128xf32, #tpu.memory_space<vmem_shared>>
        tpu.enqueue_indirect_dma source(%dma_start3A_460 : memref<32x128xf32, #tpu.memory_space<vmem>>) target(%dma_start3A_464 : memref<10240x128xf32, #tpu.memory_space<vmem_shared>>) offsets(%dma_start3A_461 : memref<32xi32, #tpu.memory_space<vmem>>) semaphore(%run_scoped3A_456 : memref<!tpu.dma_semaphore, #tpu.memory_space<semaphore_mem>>) {add = true}
        %dma_wait3A_465 = arith.constant 0 : i32
        %dma_wait3A_466 = arith.constant 0 : i32
        %dma_wait3A_467 = tpu.memref_slice %arg9[%run_scoped3A_437, %dma_wait3A_465, %dma_wait3A_466] : memref<5x32x128xf32, #tpu.memory_space<vmem>> -> memref<1x32x128xf32, #tpu.memory_space<vmem>>
        %dma_wait3A_468 = tpu.memref_squeeze %dma_wait3A_467 : memref<1x32x128xf32, #tpu.memory_space<vmem>> -> memref<32x128xf32, #tpu.memory_space<vmem>>
        %dma_wait3A_469 = tpu.memref_slice %arg8[%add3A_436] : memref<10240xi32, #tpu.memory_space<vmem>> -> memref<32xi32, #tpu.memory_space<vmem>>
        %dma_wait3A_470 = arith.constant 0 : i32
        %dma_wait3A_471 = arith.constant 0 : i32
        %dma_wait3A_472 = tpu.memref_slice %arg11[%dma_wait3A_470, %dma_wait3A_471] : memref<10240x128xf32, #tpu.memory_space<vmem_shared>> -> memref<10240x128xf32, #tpu.memory_space<vmem_shared>>
        tpu.wait_indirect_dma semaphore(%run_scoped3A_456 : memref<!tpu.dma_semaphore, #tpu.memory_space<semaphore_mem>>) src(%dma_wait3A_468 : memref<32x128xf32, #tpu.memory_space<vmem>>) dst(%dma_wait3A_472 : memref<10240x128xf32, #tpu.memory_space<vmem_shared>>)
        tpu.yield
      }) : () -> ()
      %add3A_438 = arith.constant 5 : i32
      %add3A_439 = arith.addi %add3A_418, %add3A_438 : i32
      %mul3A_440 = arith.constant 32 : i32
      %mul3A_441 = arith.muli %add3A_439, %mul3A_440 : i32
      %add3A_442 = arith.addi %sub3A, %mul3A_441 : i32
      %dma_start3A_443 = arith.constant 4 : i32
      %dma_start3A_444 = arith.constant 4 : i32
      %dma_start3A_445 = arith.constant 0 : i32
      %dma_start3A_446 = arith.constant 0 : i32
      %dma_start3A_447 = tpu.memref_slice %arg9[%dma_start3A_443, %dma_start3A_445, %dma_start3A_446] : memref<5x32x128xf32, #tpu.memory_space<vmem>> -> memref<1x32x128xf32, #tpu.memory_space<vmem>>
      %dma_start3A_448 = tpu.memref_squeeze %dma_start3A_447 : memref<1x32x128xf32, #tpu.memory_space<vmem>> -> memref<32x128xf32, #tpu.memory_space<vmem>>
      %dma_start3A_449 = tpu.memref_slice %arg7[%add3A_442] : memref<10240xi32, #tpu.memory_space<vmem>> -> memref<32xi32, #tpu.memory_space<vmem>>
      %dma_start3A_450 = arith.constant 0 : i32
      %dma_start3A_451 = arith.constant 0 : i32
      %dma_start3A_452 = tpu.memref_slice %arg2[%dma_start3A_450, %dma_start3A_451] : memref<10000x128xf32, #tpu.memory_space<hbm>> -> memref<10000x128xf32, #tpu.memory_space<hbm>>
      %dma_start3A_453 = tpu.memref_slice %arg10[%dma_start3A_444] : memref<5x!tpu.dma_semaphore, #tpu.memory_space<semaphore_mem>> -> memref<1x!tpu.dma_semaphore, #tpu.memory_space<semaphore_mem>>
      %dma_start3A_454 = tpu.memref_squeeze %dma_start3A_453 : memref<1x!tpu.dma_semaphore, #tpu.memory_space<semaphore_mem>> -> memref<!tpu.dma_semaphore, #tpu.memory_space<semaphore_mem>>
      tpu.enqueue_indirect_dma source(%dma_start3A_452 : memref<10000x128xf32, #tpu.memory_space<hbm>>) target(%dma_start3A_448 : memref<32x128xf32, #tpu.memory_space<vmem>>) offsets(%dma_start3A_449 : memref<32xi32, #tpu.memory_space<vmem>>) semaphore(%dma_start3A_454 : memref<!tpu.dma_semaphore, #tpu.memory_space<semaphore_mem>>)
      %while3A_455 = arith.constant 0 : i32
      scf.yield %while3A_455 : i32
    }
    %while3A_133 = arith.constant 1 : i32
    %while3A_134 = scf.for %while3A_253 = %while3A_130 to %while3A_126 step %while3A_133 iter_args(%while3A_254 = %while3A_132) -> (i32)  : i32 {
      %mul3A_255 = arith.constant 5 : i32
      %mul3A_256 = arith.muli %while3A_253, %mul3A_255 : i32
      %add3A_257 = arith.constant 0 : i32
      %add3A_258 = arith.addi %mul3A_256, %add3A_257 : i32
      %mul3A_259 = arith.constant 32 : i32
      %mul3A_260 = arith.muli %add3A_258, %mul3A_259 : i32
      %add3A_261 = arith.addi %sub3A, %mul3A_260 : i32
      %dma_wait3A_262 = arith.constant 0 : i32
      %dma_wait3A_263 = arith.constant 0 : i32
      %dma_wait3A_264 = arith.constant 0 : i32
      %dma_wait3A_265 = arith.constant 0 : i32
      %dma_wait3A_266 = tpu.memref_slice %arg9[%dma_wait3A_262, %dma_wait3A_264, %dma_wait3A_265] : memref<5x32x128xf32, #tpu.memory_space<vmem>> -> memref<1x32x128xf32, #tpu.memory_space<vmem>>
      %dma_wait3A_267 = tpu.memref_squeeze %dma_wait3A_266 : memref<1x32x128xf32, #tpu.memory_space<vmem>> -> memref<32x128xf32, #tpu.memory_space<vmem>>
      %dma_wait3A_268 = tpu.memref_slice %arg7[%add3A_261] : memref<10240xi32, #tpu.memory_space<vmem>> -> memref<32xi32, #tpu.memory_space<vmem>>
      %dma_wait3A_269 = arith.constant 0 : i32
      %dma_wait3A_270 = arith.constant 0 : i32
      %dma_wait3A_271 = tpu.memref_slice %arg2[%dma_wait3A_269, %dma_wait3A_270] : memref<10000x128xf32, #tpu.memory_space<hbm>> -> memref<10000x128xf32, #tpu.memory_space<hbm>>
      %dma_wait3A_272 = tpu.memref_slice %arg10[%dma_wait3A_263] : memref<5x!tpu.dma_semaphore, #tpu.memory_space<semaphore_mem>> -> memref<1x!tpu.dma_semaphore, #tpu.memory_space<semaphore_mem>>
      %dma_wait3A_273 = tpu.memref_squeeze %dma_wait3A_272 : memref<1x!tpu.dma_semaphore, #tpu.memory_space<semaphore_mem>> -> memref<!tpu.dma_semaphore, #tpu.memory_space<semaphore_mem>>
      tpu.wait_indirect_dma semaphore(%dma_wait3A_273 : memref<!tpu.dma_semaphore, #tpu.memory_space<semaphore_mem>>) src(%dma_wait3A_271 : memref<10000x128xf32, #tpu.memory_space<hbm>>) dst(%dma_wait3A_267 : memref<32x128xf32, #tpu.memory_space<vmem>>)
      %mul3A_274 = arith.constant 32 : i32
      %mul3A_275 = arith.muli %add3A_258, %mul3A_274 : i32
      %add3A_276 = arith.addi %sub3A, %mul3A_275 : i32
      %run_scoped3A_277 = arith.constant 0 : i32
      "tpu.region"() ({
        %run_scoped3A_456 = tpu.sem_alloc : memref<!tpu.dma_semaphore, #tpu.memory_space<semaphore_mem>>
        %dma_start3A_457 = arith.constant 0 : i32
        %dma_start3A_458 = arith.constant 0 : i32
        %dma_start3A_459 = tpu.memref_slice %arg9[%run_scoped3A_277, %dma_start3A_457, %dma_start3A_458] : memref<5x32x128xf32, #tpu.memory_space<vmem>> -> memref<1x32x128xf32, #tpu.memory_space<vmem>>
        %dma_start3A_460 = tpu.memref_squeeze %dma_start3A_459 : memref<1x32x128xf32, #tpu.memory_space<vmem>> -> memref<32x128xf32, #tpu.memory_space<vmem>>
        %dma_start3A_461 = tpu.memref_slice %arg8[%add3A_276] : memref<10240xi32, #tpu.memory_space<vmem>> -> memref<32xi32, #tpu.memory_space<vmem>>
        %dma_start3A_462 = arith.constant 0 : i32
        %dma_start3A_463 = arith.constant 0 : i32
        %dma_start3A_464 = tpu.memref_slice %arg11[%dma_start3A_462, %dma_start3A_463] : memref<10240x128xf32, #tpu.memory_space<vmem_shared>> -> memref<10240x128xf32, #tpu.memory_space<vmem_shared>>
        tpu.enqueue_indirect_dma source(%dma_start3A_460 : memref<32x128xf32, #tpu.memory_space<vmem>>) target(%dma_start3A_464 : memref<10240x128xf32, #tpu.memory_space<vmem_shared>>) offsets(%dma_start3A_461 : memref<32xi32, #tpu.memory_space<vmem>>) semaphore(%run_scoped3A_456 : memref<!tpu.dma_semaphore, #tpu.memory_space<semaphore_mem>>) {add = true}
        %dma_wait3A_465 = arith.constant 0 : i32
        %dma_wait3A_466 = arith.constant 0 : i32
        %dma_wait3A_467 = tpu.memref_slice %arg9[%run_scoped3A_277, %dma_wait3A_465, %dma_wait3A_466] : memref<5x32x128xf32, #tpu.memory_space<vmem>> -> memref<1x32x128xf32, #tpu.memory_space<vmem>>
        %dma_wait3A_468 = tpu.memref_squeeze %dma_wait3A_467 : memref<1x32x128xf32, #tpu.memory_space<vmem>> -> memref<32x128xf32, #tpu.memory_space<vmem>>
        %dma_wait3A_469 = tpu.memref_slice %arg8[%add3A_276] : memref<10240xi32, #tpu.memory_space<vmem>> -> memref<32xi32, #tpu.memory_space<vmem>>
        %dma_wait3A_470 = arith.constant 0 : i32
        %dma_wait3A_471 = arith.constant 0 : i32
        %dma_wait3A_472 = tpu.memref_slice %arg11[%dma_wait3A_470, %dma_wait3A_471] : memref<10240x128xf32, #tpu.memory_space<vmem_shared>> -> memref<10240x128xf32, #tpu.memory_space<vmem_shared>>
        tpu.wait_indirect_dma semaphore(%run_scoped3A_456 : memref<!tpu.dma_semaphore, #tpu.memory_space<semaphore_mem>>) src(%dma_wait3A_468 : memref<32x128xf32, #tpu.memory_space<vmem>>) dst(%dma_wait3A_472 : memref<10240x128xf32, #tpu.memory_space<vmem_shared>>)
        tpu.yield
      }) : () -> ()
      %add3A_278 = arith.constant 5 : i32
      %add3A_279 = arith.addi %add3A_258, %add3A_278 : i32
      %mul3A_280 = arith.constant 32 : i32
      %mul3A_281 = arith.muli %add3A_279, %mul3A_280 : i32
      %add3A_282 = arith.addi %sub3A, %mul3A_281 : i32
      %dma_start3A_283 = arith.constant 0 : i32
      %dma_start3A_284 = arith.constant 0 : i32
      %dma_start3A_285 = arith.constant 0 : i32
      %dma_start3A_286 = arith.constant 0 : i32
      %dma_start3A_287 = tpu.memref_slice %arg9[%dma_start3A_283, %dma_start3A_285, %dma_start3A_286] : memref<5x32x128xf32, #tpu.memory_space<vmem>> -> memref<1x32x128xf32, #tpu.memory_space<vmem>>
      %dma_start3A_288 = tpu.memref_squeeze %dma_start3A_287 : memref<1x32x128xf32, #tpu.memory_space<vmem>> -> memref<32x128xf32, #tpu.memory_space<vmem>>
      %dma_start3A_289 = tpu.memref_slice %arg7[%add3A_282] : memref<10240xi32, #tpu.memory_space<vmem>> -> memref<32xi32, #tpu.memory_space<vmem>>
      %dma_start3A_290 = arith.constant 0 : i32
      %dma_start3A_291 = arith.constant 0 : i32
      %dma_start3A_292 = tpu.memref_slice %arg2[%dma_start3A_290, %dma_start3A_291] : memref<10000x128xf32, #tpu.memory_space<hbm>> -> memref<10000x128xf32, #tpu.memory_space<hbm>>
      %dma_start3A_293 = tpu.memref_slice %arg10[%dma_start3A_284] : memref<5x!tpu.dma_semaphore, #tpu.memory_space<semaphore_mem>> -> memref<1x!tpu.dma_semaphore, #tpu.memory_space<semaphore_mem>>
      %dma_start3A_294 = tpu.memref_squeeze %dma_start3A_293 : memref<1x!tpu.dma_semaphore, #tpu.memory_space<semaphore_mem>> -> memref<!tpu.dma_semaphore, #tpu.memory_space<semaphore_mem>>
      tpu.enqueue_indirect_dma source(%dma_start3A_292 : memref<10000x128xf32, #tpu.memory_space<hbm>>) target(%dma_start3A_288 : memref<32x128xf32, #tpu.memory_space<vmem>>) offsets(%dma_start3A_289 : memref<32xi32, #tpu.memory_space<vmem>>) semaphore(%dma_start3A_294 : memref<!tpu.dma_semaphore, #tpu.memory_space<semaphore_mem>>)
      %mul3A_295 = arith.constant 5 : i32
      %mul3A_296 = arith.muli %while3A_253, %mul3A_295 : i32
      %add3A_297 = arith.constant 1 : i32
      %add3A_298 = arith.addi %mul3A_296, %add3A_297 : i32
      %mul3A_299 = arith.constant 32 : i32
      %mul3A_300 = arith.muli %add3A_298, %mul3A_299 : i32
      %add3A_301 = arith.addi %sub3A, %mul3A_300 : i32
      %dma_wait3A_302 = arith.constant 1 : i32
      %dma_wait3A_303 = arith.constant 1 : i32
      %dma_wait3A_304 = arith.constant 0 : i32
      %dma_wait3A_305 = arith.constant 0 : i32
      %dma_wait3A_306 = tpu.memref_slice %arg9[%dma_wait3A_302, %dma_wait3A_304, %dma_wait3A_305] : memref<5x32x128xf32, #tpu.memory_space<vmem>> -> memref<1x32x128xf32, #tpu.memory_space<vmem>>
      %dma_wait3A_307 = tpu.memref_squeeze %dma_wait3A_306 : memref<1x32x128xf32, #tpu.memory_space<vmem>> -> memref<32x128xf32, #tpu.memory_space<vmem>>
      %dma_wait3A_308 = tpu.memref_slice %arg7[%add3A_301] : memref<10240xi32, #tpu.memory_space<vmem>> -> memref<32xi32, #tpu.memory_space<vmem>>
      %dma_wait3A_309 = arith.constant 0 : i32
      %dma_wait3A_310 = arith.constant 0 : i32
      %dma_wait3A_311 = tpu.memref_slice %arg2[%dma_wait3A_309, %dma_wait3A_310] : memref<10000x128xf32, #tpu.memory_space<hbm>> -> memref<10000x128xf32, #tpu.memory_space<hbm>>
      %dma_wait3A_312 = tpu.memref_slice %arg10[%dma_wait3A_303] : memref<5x!tpu.dma_semaphore, #tpu.memory_space<semaphore_mem>> -> memref<1x!tpu.dma_semaphore, #tpu.memory_space<semaphore_mem>>
      %dma_wait3A_313 = tpu.memref_squeeze %dma_wait3A_312 : memref<1x!tpu.dma_semaphore, #tpu.memory_space<semaphore_mem>> -> memref<!tpu.dma_semaphore, #tpu.memory_space<semaphore_mem>>
      tpu.wait_indirect_dma semaphore(%dma_wait3A_313 : memref<!tpu.dma_semaphore, #tpu.memory_space<semaphore_mem>>) src(%dma_wait3A_311 : memref<10000x128xf32, #tpu.memory_space<hbm>>) dst(%dma_wait3A_307 : memref<32x128xf32, #tpu.memory_space<vmem>>)
      %mul3A_314 = arith.constant 32 : i32
      %mul3A_315 = arith.muli %add3A_298, %mul3A_314 : i32
      %add3A_316 = arith.addi %sub3A, %mul3A_315 : i32
      %run_scoped3A_317 = arith.constant 1 : i32
      "tpu.region"() ({
        %run_scoped3A_456 = tpu.sem_alloc : memref<!tpu.dma_semaphore, #tpu.memory_space<semaphore_mem>>
        %dma_start3A_457 = arith.constant 0 : i32
        %dma_start3A_458 = arith.constant 0 : i32
        %dma_start3A_459 = tpu.memref_slice %arg9[%run_scoped3A_317, %dma_start3A_457, %dma_start3A_458] : memref<5x32x128xf32, #tpu.memory_space<vmem>> -> memref<1x32x128xf32, #tpu.memory_space<vmem>>
        %dma_start3A_460 = tpu.memref_squeeze %dma_start3A_459 : memref<1x32x128xf32, #tpu.memory_space<vmem>> -> memref<32x128xf32, #tpu.memory_space<vmem>>
        %dma_start3A_461 = tpu.memref_slice %arg8[%add3A_316] : memref<10240xi32, #tpu.memory_space<vmem>> -> memref<32xi32, #tpu.memory_space<vmem>>
        %dma_start3A_462 = arith.constant 0 : i32
        %dma_start3A_463 = arith.constant 0 : i32
        %dma_start3A_464 = tpu.memref_slice %arg11[%dma_start3A_462, %dma_start3A_463] : memref<10240x128xf32, #tpu.memory_space<vmem_shared>> -> memref<10240x128xf32, #tpu.memory_space<vmem_shared>>
        tpu.enqueue_indirect_dma source(%dma_start3A_460 : memref<32x128xf32, #tpu.memory_space<vmem>>) target(%dma_start3A_464 : memref<10240x128xf32, #tpu.memory_space<vmem_shared>>) offsets(%dma_start3A_461 : memref<32xi32, #tpu.memory_space<vmem>>) semaphore(%run_scoped3A_456 : memref<!tpu.dma_semaphore, #tpu.memory_space<semaphore_mem>>) {add = true}
        %dma_wait3A_465 = arith.constant 0 : i32
        %dma_wait3A_466 = arith.constant 0 : i32
        %dma_wait3A_467 = tpu.memref_slice %arg9[%run_scoped3A_317, %dma_wait3A_465, %dma_wait3A_466] : memref<5x32x128xf32, #tpu.memory_space<vmem>> -> memref<1x32x128xf32, #tpu.memory_space<vmem>>
        %dma_wait3A_468 = tpu.memref_squeeze %dma_wait3A_467 : memref<1x32x128xf32, #tpu.memory_space<vmem>> -> memref<32x128xf32, #tpu.memory_space<vmem>>
        %dma_wait3A_469 = tpu.memref_slice %arg8[%add3A_316] : memref<10240xi32, #tpu.memory_space<vmem>> -> memref<32xi32, #tpu.memory_space<vmem>>
        %dma_wait3A_470 = arith.constant 0 : i32
        %dma_wait3A_471 = arith.constant 0 : i32
        %dma_wait3A_472 = tpu.memref_slice %arg11[%dma_wait3A_470, %dma_wait3A_471] : memref<10240x128xf32, #tpu.memory_space<vmem_shared>> -> memref<10240x128xf32, #tpu.memory_space<vmem_shared>>
        tpu.wait_indirect_dma semaphore(%run_scoped3A_456 : memref<!tpu.dma_semaphore, #tpu.memory_space<semaphore_mem>>) src(%dma_wait3A_468 : memref<32x128xf32, #tpu.memory_space<vmem>>) dst(%dma_wait3A_472 : memref<10240x128xf32, #tpu.memory_space<vmem_shared>>)
        tpu.yield
      }) : () -> ()
      %add3A_318 = arith.constant 5 : i32
      %add3A_319 = arith.addi %add3A_298, %add3A_318 : i32
      %mul3A_320 = arith.constant 32 : i32
      %mul3A_321 = arith.muli %add3A_319, %mul3A_320 : i32
      %add3A_322 = arith.addi %sub3A, %mul3A_321 : i32
      %dma_start3A_323 = arith.constant 1 : i32
      %dma_start3A_324 = arith.constant 1 : i32
      %dma_start3A_325 = arith.constant 0 : i32
      %dma_start3A_326 = arith.constant 0 : i32
      %dma_start3A_327 = tpu.memref_slice %arg9[%dma_start3A_323, %dma_start3A_325, %dma_start3A_326] : memref<5x32x128xf32, #tpu.memory_space<vmem>> -> memref<1x32x128xf32, #tpu.memory_space<vmem>>
      %dma_start3A_328 = tpu.memref_squeeze %dma_start3A_327 : memref<1x32x128xf32, #tpu.memory_space<vmem>> -> memref<32x128xf32, #tpu.memory_space<vmem>>
      %dma_start3A_329 = tpu.memref_slice %arg7[%add3A_322] : memref<10240xi32, #tpu.memory_space<vmem>> -> memref<32xi32, #tpu.memory_space<vmem>>
      %dma_start3A_330 = arith.constant 0 : i32
      %dma_start3A_331 = arith.constant 0 : i32
      %dma_start3A_332 = tpu.memref_slice %arg2[%dma_start3A_330, %dma_start3A_331] : memref<10000x128xf32, #tpu.memory_space<hbm>> -> memref<10000x128xf32, #tpu.memory_space<hbm>>
      %dma_start3A_333 = tpu.memref_slice %arg10[%dma_start3A_324] : memref<5x!tpu.dma_semaphore, #tpu.memory_space<semaphore_mem>> -> memref<1x!tpu.dma_semaphore, #tpu.memory_space<semaphore_mem>>
      %dma_start3A_334 = tpu.memref_squeeze %dma_start3A_333 : memref<1x!tpu.dma_semaphore, #tpu.memory_space<semaphore_mem>> -> memref<!tpu.dma_semaphore, #tpu.memory_space<semaphore_mem>>
      tpu.enqueue_indirect_dma source(%dma_start3A_332 : memref<10000x128xf32, #tpu.memory_space<hbm>>) target(%dma_start3A_328 : memref<32x128xf32, #tpu.memory_space<vmem>>) offsets(%dma_start3A_329 : memref<32xi32, #tpu.memory_space<vmem>>) semaphore(%dma_start3A_334 : memref<!tpu.dma_semaphore, #tpu.memory_space<semaphore_mem>>)
      %mul3A_335 = arith.constant 5 : i32
      %mul3A_336 = arith.muli %while3A_253, %mul3A_335 : i32
      %add3A_337 = arith.constant 2 : i32
      %add3A_338 = arith.addi %mul3A_336, %add3A_337 : i32
      %mul3A_339 = arith.constant 32 : i32
      %mul3A_340 = arith.muli %add3A_338, %mul3A_339 : i32
      %add3A_341 = arith.addi %sub3A, %mul3A_340 : i32
      %dma_wait3A_342 = arith.constant 2 : i32
      %dma_wait3A_343 = arith.constant 2 : i32
      %dma_wait3A_344 = arith.constant 0 : i32
      %dma_wait3A_345 = arith.constant 0 : i32
      %dma_wait3A_346 = tpu.memref_slice %arg9[%dma_wait3A_342, %dma_wait3A_344, %dma_wait3A_345] : memref<5x32x128xf32, #tpu.memory_space<vmem>> -> memref<1x32x128xf32, #tpu.memory_space<vmem>>
      %dma_wait3A_347 = tpu.memref_squeeze %dma_wait3A_346 : memref<1x32x128xf32, #tpu.memory_space<vmem>> -> memref<32x128xf32, #tpu.memory_space<vmem>>
      %dma_wait3A_348 = tpu.memref_slice %arg7[%add3A_341] : memref<10240xi32, #tpu.memory_space<vmem>> -> memref<32xi32, #tpu.memory_space<vmem>>
      %dma_wait3A_349 = arith.constant 0 : i32
      %dma_wait3A_350 = arith.constant 0 : i32
      %dma_wait3A_351 = tpu.memref_slice %arg2[%dma_wait3A_349, %dma_wait3A_350] : memref<10000x128xf32, #tpu.memory_space<hbm>> -> memref<10000x128xf32, #tpu.memory_space<hbm>>
      %dma_wait3A_352 = tpu.memref_slice %arg10[%dma_wait3A_343] : memref<5x!tpu.dma_semaphore, #tpu.memory_space<semaphore_mem>> -> memref<1x!tpu.dma_semaphore, #tpu.memory_space<semaphore_mem>>
      %dma_wait3A_353 = tpu.memref_squeeze %dma_wait3A_352 : memref<1x!tpu.dma_semaphore, #tpu.memory_space<semaphore_mem>> -> memref<!tpu.dma_semaphore, #tpu.memory_space<semaphore_mem>>
      tpu.wait_indirect_dma semaphore(%dma_wait3A_353 : memref<!tpu.dma_semaphore, #tpu.memory_space<semaphore_mem>>) src(%dma_wait3A_351 : memref<10000x128xf32, #tpu.memory_space<hbm>>) dst(%dma_wait3A_347 : memref<32x128xf32, #tpu.memory_space<vmem>>)
      %mul3A_354 = arith.constant 32 : i32
      %mul3A_355 = arith.muli %add3A_338, %mul3A_354 : i32
      %add3A_356 = arith.addi %sub3A, %mul3A_355 : i32
      %run_scoped3A_357 = arith.constant 2 : i32
      "tpu.region"() ({
        %run_scoped3A_456 = tpu.sem_alloc : memref<!tpu.dma_semaphore, #tpu.memory_space<semaphore_mem>>
        %dma_start3A_457 = arith.constant 0 : i32
        %dma_start3A_458 = arith.constant 0 : i32
        %dma_start3A_459 = tpu.memref_slice %arg9[%run_scoped3A_357, %dma_start3A_457, %dma_start3A_458] : memref<5x32x128xf32, #tpu.memory_space<vmem>> -> memref<1x32x128xf32, #tpu.memory_space<vmem>>
        %dma_start3A_460 = tpu.memref_squeeze %dma_start3A_459 : memref<1x32x128xf32, #tpu.memory_space<vmem>> -> memref<32x128xf32, #tpu.memory_space<vmem>>
        %dma_start3A_461 = tpu.memref_slice %arg8[%add3A_356] : memref<10240xi32, #tpu.memory_space<vmem>> -> memref<32xi32, #tpu.memory_space<vmem>>
        %dma_start3A_462 = arith.constant 0 : i32
        %dma_start3A_463 = arith.constant 0 : i32
        %dma_start3A_464 = tpu.memref_slice %arg11[%dma_start3A_462, %dma_start3A_463] : memref<10240x128xf32, #tpu.memory_space<vmem_shared>> -> memref<10240x128xf32, #tpu.memory_space<vmem_shared>>
        tpu.enqueue_indirect_dma source(%dma_start3A_460 : memref<32x128xf32, #tpu.memory_space<vmem>>) target(%dma_start3A_464 : memref<10240x128xf32, #tpu.memory_space<vmem_shared>>) offsets(%dma_start3A_461 : memref<32xi32, #tpu.memory_space<vmem>>) semaphore(%run_scoped3A_456 : memref<!tpu.dma_semaphore, #tpu.memory_space<semaphore_mem>>) {add = true}
        %dma_wait3A_465 = arith.constant 0 : i32
        %dma_wait3A_466 = arith.constant 0 : i32
        %dma_wait3A_467 = tpu.memref_slice %arg9[%run_scoped3A_357, %dma_wait3A_465, %dma_wait3A_466] : memref<5x32x128xf32, #tpu.memory_space<vmem>> -> memref<1x32x128xf32, #tpu.memory_space<vmem>>
        %dma_wait3A_468 = tpu.memref_squeeze %dma_wait3A_467 : memref<1x32x128xf32, #tpu.memory_space<vmem>> -> memref<32x128xf32, #tpu.memory_space<vmem>>
        %dma_wait3A_469 = tpu.memref_slice %arg8[%add3A_356] : memref<10240xi32, #tpu.memory_space<vmem>> -> memref<32xi32, #tpu.memory_space<vmem>>
        %dma_wait3A_470 = arith.constant 0 : i32
        %dma_wait3A_471 = arith.constant 0 : i32
        %dma_wait3A_472 = tpu.memref_slice %arg11[%dma_wait3A_470, %dma_wait3A_471] : memref<10240x128xf32, #tpu.memory_space<vmem_shared>> -> memref<10240x128xf32, #tpu.memory_space<vmem_shared>>
        tpu.wait_indirect_dma semaphore(%run_scoped3A_456 : memref<!tpu.dma_semaphore, #tpu.memory_space<semaphore_mem>>) src(%dma_wait3A_468 : memref<32x128xf32, #tpu.memory_space<vmem>>) dst(%dma_wait3A_472 : memref<10240x128xf32, #tpu.memory_space<vmem_shared>>)
        tpu.yield
      }) : () -> ()
      %add3A_358 = arith.constant 5 : i32
      %add3A_359 = arith.addi %add3A_338, %add3A_358 : i32
      %mul3A_360 = arith.constant 32 : i32
      %mul3A_361 = arith.muli %add3A_359, %mul3A_360 : i32
      %add3A_362 = arith.addi %sub3A, %mul3A_361 : i32
      %dma_start3A_363 = arith.constant 2 : i32
      %dma_start3A_364 = arith.constant 2 : i32
      %dma_start3A_365 = arith.constant 0 : i32
      %dma_start3A_366 = arith.constant 0 : i32
      %dma_start3A_367 = tpu.memref_slice %arg9[%dma_start3A_363, %dma_start3A_365, %dma_start3A_366] : memref<5x32x128xf32, #tpu.memory_space<vmem>> -> memref<1x32x128xf32, #tpu.memory_space<vmem>>
      %dma_start3A_368 = tpu.memref_squeeze %dma_start3A_367 : memref<1x32x128xf32, #tpu.memory_space<vmem>> -> memref<32x128xf32, #tpu.memory_space<vmem>>
      %dma_start3A_369 = tpu.memref_slice %arg7[%add3A_362] : memref<10240xi32, #tpu.memory_space<vmem>> -> memref<32xi32, #tpu.memory_space<vmem>>
      %dma_start3A_370 = arith.constant 0 : i32
      %dma_start3A_371 = arith.constant 0 : i32
      %dma_start3A_372 = tpu.memref_slice %arg2[%dma_start3A_370, %dma_start3A_371] : memref<10000x128xf32, #tpu.memory_space<hbm>> -> memref<10000x128xf32, #tpu.memory_space<hbm>>
      %dma_start3A_373 = tpu.memref_slice %arg10[%dma_start3A_364] : memref<5x!tpu.dma_semaphore, #tpu.memory_space<semaphore_mem>> -> memref<1x!tpu.dma_semaphore, #tpu.memory_space<semaphore_mem>>
      %dma_start3A_374 = tpu.memref_squeeze %dma_start3A_373 : memref<1x!tpu.dma_semaphore, #tpu.memory_space<semaphore_mem>> -> memref<!tpu.dma_semaphore, #tpu.memory_space<semaphore_mem>>
      tpu.enqueue_indirect_dma source(%dma_start3A_372 : memref<10000x128xf32, #tpu.memory_space<hbm>>) target(%dma_start3A_368 : memref<32x128xf32, #tpu.memory_space<vmem>>) offsets(%dma_start3A_369 : memref<32xi32, #tpu.memory_space<vmem>>) semaphore(%dma_start3A_374 : memref<!tpu.dma_semaphore, #tpu.memory_space<semaphore_mem>>)
      %mul3A_375 = arith.constant 5 : i32
      %mul3A_376 = arith.muli %while3A_253, %mul3A_375 : i32
      %add3A_377 = arith.constant 3 : i32
      %add3A_378 = arith.addi %mul3A_376, %add3A_377 : i32
      %mul3A_379 = arith.constant 32 : i32
      %mul3A_380 = arith.muli %add3A_378, %mul3A_379 : i32
      %add3A_381 = arith.addi %sub3A, %mul3A_380 : i32
      %dma_wait3A_382 = arith.constant 3 : i32
      %dma_wait3A_383 = arith.constant 3 : i32
      %dma_wait3A_384 = arith.constant 0 : i32
      %dma_wait3A_385 = arith.constant 0 : i32
      %dma_wait3A_386 = tpu.memref_slice %arg9[%dma_wait3A_382, %dma_wait3A_384, %dma_wait3A_385] : memref<5x32x128xf32, #tpu.memory_space<vmem>> -> memref<1x32x128xf32, #tpu.memory_space<vmem>>
      %dma_wait3A_387 = tpu.memref_squeeze %dma_wait3A_386 : memref<1x32x128xf32, #tpu.memory_space<vmem>> -> memref<32x128xf32, #tpu.memory_space<vmem>>
      %dma_wait3A_388 = tpu.memref_slice %arg7[%add3A_381] : memref<10240xi32, #tpu.memory_space<vmem>> -> memref<32xi32, #tpu.memory_space<vmem>>
      %dma_wait3A_389 = arith.constant 0 : i32
      %dma_wait3A_390 = arith.constant 0 : i32
      %dma_wait3A_391 = tpu.memref_slice %arg2[%dma_wait3A_389, %dma_wait3A_390] : memref<10000x128xf32, #tpu.memory_space<hbm>> -> memref<10000x128xf32, #tpu.memory_space<hbm>>
      %dma_wait3A_392 = tpu.memref_slice %arg10[%dma_wait3A_383] : memref<5x!tpu.dma_semaphore, #tpu.memory_space<semaphore_mem>> -> memref<1x!tpu.dma_semaphore, #tpu.memory_space<semaphore_mem>>
      %dma_wait3A_393 = tpu.memref_squeeze %dma_wait3A_392 : memref<1x!tpu.dma_semaphore, #tpu.memory_space<semaphore_mem>> -> memref<!tpu.dma_semaphore, #tpu.memory_space<semaphore_mem>>
      tpu.wait_indirect_dma semaphore(%dma_wait3A_393 : memref<!tpu.dma_semaphore, #tpu.memory_space<semaphore_mem>>) src(%dma_wait3A_391 : memref<10000x128xf32, #tpu.memory_space<hbm>>) dst(%dma_wait3A_387 : memref<32x128xf32, #tpu.memory_space<vmem>>)
      %mul3A_394 = arith.constant 32 : i32
      %mul3A_395 = arith.muli %add3A_378, %mul3A_394 : i32
      %add3A_396 = arith.addi %sub3A, %mul3A_395 : i32
      %run_scoped3A_397 = arith.constant 3 : i32
      "tpu.region"() ({
        %run_scoped3A_456 = tpu.sem_alloc : memref<!tpu.dma_semaphore, #tpu.memory_space<semaphore_mem>>
        %dma_start3A_457 = arith.constant 0 : i32
        %dma_start3A_458 = arith.constant 0 : i32
        %dma_start3A_459 = tpu.memref_slice %arg9[%run_scoped3A_397, %dma_start3A_457, %dma_start3A_458] : memref<5x32x128xf32, #tpu.memory_space<vmem>> -> memref<1x32x128xf32, #tpu.memory_space<vmem>>
        %dma_start3A_460 = tpu.memref_squeeze %dma_start3A_459 : memref<1x32x128xf32, #tpu.memory_space<vmem>> -> memref<32x128xf32, #tpu.memory_space<vmem>>
        %dma_start3A_461 = tpu.memref_slice %arg8[%add3A_396] : memref<10240xi32, #tpu.memory_space<vmem>> -> memref<32xi32, #tpu.memory_space<vmem>>
        %dma_start3A_462 = arith.constant 0 : i32
        %dma_start3A_463 = arith.constant 0 : i32
        %dma_start3A_464 = tpu.memref_slice %arg11[%dma_start3A_462, %dma_start3A_463] : memref<10240x128xf32, #tpu.memory_space<vmem_shared>> -> memref<10240x128xf32, #tpu.memory_space<vmem_shared>>
        tpu.enqueue_indirect_dma source(%dma_start3A_460 : memref<32x128xf32, #tpu.memory_space<vmem>>) target(%dma_start3A_464 : memref<10240x128xf32, #tpu.memory_space<vmem_shared>>) offsets(%dma_start3A_461 : memref<32xi32, #tpu.memory_space<vmem>>) semaphore(%run_scoped3A_456 : memref<!tpu.dma_semaphore, #tpu.memory_space<semaphore_mem>>) {add = true}
        %dma_wait3A_465 = arith.constant 0 : i32
        %dma_wait3A_466 = arith.constant 0 : i32
        %dma_wait3A_467 = tpu.memref_slice %arg9[%run_scoped3A_397, %dma_wait3A_465, %dma_wait3A_466] : memref<5x32x128xf32, #tpu.memory_space<vmem>> -> memref<1x32x128xf32, #tpu.memory_space<vmem>>
        %dma_wait3A_468 = tpu.memref_squeeze %dma_wait3A_467 : memref<1x32x128xf32, #tpu.memory_space<vmem>> -> memref<32x128xf32, #tpu.memory_space<vmem>>
        %dma_wait3A_469 = tpu.memref_slice %arg8[%add3A_396] : memref<10240xi32, #tpu.memory_space<vmem>> -> memref<32xi32, #tpu.memory_space<vmem>>
        %dma_wait3A_470 = arith.constant 0 : i32
        %dma_wait3A_471 = arith.constant 0 : i32
        %dma_wait3A_472 = tpu.memref_slice %arg11[%dma_wait3A_470, %dma_wait3A_471] : memref<10240x128xf32, #tpu.memory_space<vmem_shared>> -> memref<10240x128xf32, #tpu.memory_space<vmem_shared>>
        tpu.wait_indirect_dma semaphore(%run_scoped3A_456 : memref<!tpu.dma_semaphore, #tpu.memory_space<semaphore_mem>>) src(%dma_wait3A_468 : memref<32x128xf32, #tpu.memory_space<vmem>>) dst(%dma_wait3A_472 : memref<10240x128xf32, #tpu.memory_space<vmem_shared>>)
        tpu.yield
      }) : () -> ()
      %add3A_398 = arith.constant 5 : i32
      %add3A_399 = arith.addi %add3A_378, %add3A_398 : i32
      %mul3A_400 = arith.constant 32 : i32
      %mul3A_401 = arith.muli %add3A_399, %mul3A_400 : i32
      %add3A_402 = arith.addi %sub3A, %mul3A_401 : i32
      %dma_start3A_403 = arith.constant 3 : i32
      %dma_start3A_404 = arith.constant 3 : i32
      %dma_start3A_405 = arith.constant 0 : i32
      %dma_start3A_406 = arith.constant 0 : i32
      %dma_start3A_407 = tpu.memref_slice %arg9[%dma_start3A_403, %dma_start3A_405, %dma_start3A_406] : memref<5x32x128xf32, #tpu.memory_space<vmem>> -> memref<1x32x128xf32, #tpu.memory_space<vmem>>
      %dma_start3A_408 = tpu.memref_squeeze %dma_start3A_407 : memref<1x32x128xf32, #tpu.memory_space<vmem>> -> memref<32x128xf32, #tpu.memory_space<vmem>>
      %dma_start3A_409 = tpu.memref_slice %arg7[%add3A_402] : memref<10240xi32, #tpu.memory_space<vmem>> -> memref<32xi32, #tpu.memory_space<vmem>>
      %dma_start3A_410 = arith.constant 0 : i32
      %dma_start3A_411 = arith.constant 0 : i32
      %dma_start3A_412 = tpu.memref_slice %arg2[%dma_start3A_410, %dma_start3A_411] : memref<10000x128xf32, #tpu.memory_space<hbm>> -> memref<10000x128xf32, #tpu.memory_space<hbm>>
      %dma_start3A_413 = tpu.memref_slice %arg10[%dma_start3A_404] : memref<5x!tpu.dma_semaphore, #tpu.memory_space<semaphore_mem>> -> memref<1x!tpu.dma_semaphore, #tpu.memory_space<semaphore_mem>>
      %dma_start3A_414 = tpu.memref_squeeze %dma_start3A_413 : memref<1x!tpu.dma_semaphore, #tpu.memory_space<semaphore_mem>> -> memref<!tpu.dma_semaphore, #tpu.memory_space<semaphore_mem>>
      tpu.enqueue_indirect_dma source(%dma_start3A_412 : memref<10000x128xf32, #tpu.memory_space<hbm>>) target(%dma_start3A_408 : memref<32x128xf32, #tpu.memory_space<vmem>>) offsets(%dma_start3A_409 : memref<32xi32, #tpu.memory_space<vmem>>) semaphore(%dma_start3A_414 : memref<!tpu.dma_semaphore, #tpu.memory_space<semaphore_mem>>)
      %mul3A_415 = arith.constant 5 : i32
      %mul3A_416 = arith.muli %while3A_253, %mul3A_415 : i32
      %add3A_417 = arith.constant 4 : i32
      %add3A_418 = arith.addi %mul3A_416, %add3A_417 : i32
      %mul3A_419 = arith.constant 32 : i32
      %mul3A_420 = arith.muli %add3A_418, %mul3A_419 : i32
      %add3A_421 = arith.addi %sub3A, %mul3A_420 : i32
      %dma_wait3A_422 = arith.constant 4 : i32
      %dma_wait3A_423 = arith.constant 4 : i32
      %dma_wait3A_424 = arith.constant 0 : i32
      %dma_wait3A_425 = arith.constant 0 : i32
      %dma_wait3A_426 = tpu.memref_slice %arg9[%dma_wait3A_422, %dma_wait3A_424, %dma_wait3A_425] : memref<5x32x128xf32, #tpu.memory_space<vmem>> -> memref<1x32x128xf32, #tpu.memory_space<vmem>>
      %dma_wait3A_427 = tpu.memref_squeeze %dma_wait3A_426 : memref<1x32x128xf32, #tpu.memory_space<vmem>> -> memref<32x128xf32, #tpu.memory_space<vmem>>
      %dma_wait3A_428 = tpu.memref_slice %arg7[%add3A_421] : memref<10240xi32, #tpu.memory_space<vmem>> -> memref<32xi32, #tpu.memory_space<vmem>>
      %dma_wait3A_429 = arith.constant 0 : i32
      %dma_wait3A_430 = arith.constant 0 : i32
      %dma_wait3A_431 = tpu.memref_slice %arg2[%dma_wait3A_429, %dma_wait3A_430] : memref<10000x128xf32, #tpu.memory_space<hbm>> -> memref<10000x128xf32, #tpu.memory_space<hbm>>
      %dma_wait3A_432 = tpu.memref_slice %arg10[%dma_wait3A_423] : memref<5x!tpu.dma_semaphore, #tpu.memory_space<semaphore_mem>> -> memref<1x!tpu.dma_semaphore, #tpu.memory_space<semaphore_mem>>
      %dma_wait3A_433 = tpu.memref_squeeze %dma_wait3A_432 : memref<1x!tpu.dma_semaphore, #tpu.memory_space<semaphore_mem>> -> memref<!tpu.dma_semaphore, #tpu.memory_space<semaphore_mem>>
      tpu.wait_indirect_dma semaphore(%dma_wait3A_433 : memref<!tpu.dma_semaphore, #tpu.memory_space<semaphore_mem>>) src(%dma_wait3A_431 : memref<10000x128xf32, #tpu.memory_space<hbm>>) dst(%dma_wait3A_427 : memref<32x128xf32, #tpu.memory_space<vmem>>)
      %mul3A_434 = arith.constant 32 : i32
      %mul3A_435 = arith.muli %add3A_418, %mul3A_434 : i32
      %add3A_436 = arith.addi %sub3A, %mul3A_435 : i32
      %run_scoped3A_437 = arith.constant 4 : i32
      "tpu.region"() ({
        %run_scoped3A_456 = tpu.sem_alloc : memref<!tpu.dma_semaphore, #tpu.memory_space<semaphore_mem>>
        %dma_start3A_457 = arith.constant 0 : i32
        %dma_start3A_458 = arith.constant 0 : i32
        %dma_start3A_459 = tpu.memref_slice %arg9[%run_scoped3A_437, %dma_start3A_457, %dma_start3A_458] : memref<5x32x128xf32, #tpu.memory_space<vmem>> -> memref<1x32x128xf32, #tpu.memory_space<vmem>>
        %dma_start3A_460 = tpu.memref_squeeze %dma_start3A_459 : memref<1x32x128xf32, #tpu.memory_space<vmem>> -> memref<32x128xf32, #tpu.memory_space<vmem>>
        %dma_start3A_461 = tpu.memref_slice %arg8[%add3A_436] : memref<10240xi32, #tpu.memory_space<vmem>> -> memref<32xi32, #tpu.memory_space<vmem>>
        %dma_start3A_462 = arith.constant 0 : i32
        %dma_start3A_463 = arith.constant 0 : i32
        %dma_start3A_464 = tpu.memref_slice %arg11[%dma_start3A_462, %dma_start3A_463] : memref<10240x128xf32, #tpu.memory_space<vmem_shared>> -> memref<10240x128xf32, #tpu.memory_space<vmem_shared>>
        tpu.enqueue_indirect_dma source(%dma_start3A_460 : memref<32x128xf32, #tpu.memory_space<vmem>>) target(%dma_start3A_464 : memref<10240x128xf32, #tpu.memory_space<vmem_shared>>) offsets(%dma_start3A_461 : memref<32xi32, #tpu.memory_space<vmem>>) semaphore(%run_scoped3A_456 : memref<!tpu.dma_semaphore, #tpu.memory_space<semaphore_mem>>) {add = true}
        %dma_wait3A_465 = arith.constant 0 : i32
        %dma_wait3A_466 = arith.constant 0 : i32
        %dma_wait3A_467 = tpu.memref_slice %arg9[%run_scoped3A_437, %dma_wait3A_465, %dma_wait3A_466] : memref<5x32x128xf32, #tpu.memory_space<vmem>> -> memref<1x32x128xf32, #tpu.memory_space<vmem>>
        %dma_wait3A_468 = tpu.memref_squeeze %dma_wait3A_467 : memref<1x32x128xf32, #tpu.memory_space<vmem>> -> memref<32x128xf32, #tpu.memory_space<vmem>>
        %dma_wait3A_469 = tpu.memref_slice %arg8[%add3A_436] : memref<10240xi32, #tpu.memory_space<vmem>> -> memref<32xi32, #tpu.memory_space<vmem>>
        %dma_wait3A_470 = arith.constant 0 : i32
        %dma_wait3A_471 = arith.constant 0 : i32
        %dma_wait3A_472 = tpu.memref_slice %arg11[%dma_wait3A_470, %dma_wait3A_471] : memref<10240x128xf32, #tpu.memory_space<vmem_shared>> -> memref<10240x128xf32, #tpu.memory_space<vmem_shared>>
        tpu.wait_indirect_dma semaphore(%run_scoped3A_456 : memref<!tpu.dma_semaphore, #tpu.memory_space<semaphore_mem>>) src(%dma_wait3A_468 : memref<32x128xf32, #tpu.memory_space<vmem>>) dst(%dma_wait3A_472 : memref<10240x128xf32, #tpu.memory_space<vmem_shared>>)
        tpu.yield
      }) : () -> ()
      %add3A_438 = arith.constant 5 : i32
      %add3A_439 = arith.addi %add3A_418, %add3A_438 : i32
      %mul3A_440 = arith.constant 32 : i32
      %mul3A_441 = arith.muli %add3A_439, %mul3A_440 : i32
      %add3A_442 = arith.addi %sub3A, %mul3A_441 : i32
      %dma_start3A_443 = arith.constant 4 : i32
      %dma_start3A_444 = arith.constant 4 : i32
      %dma_start3A_445 = arith.constant 0 : i32
      %dma_start3A_446 = arith.constant 0 : i32
      %dma_start3A_447 = tpu.memref_slice %arg9[%dma_start3A_443, %dma_start3A_445, %dma_start3A_446] : memref<5x32x128xf32, #tpu.memory_space<vmem>> -> memref<1x32x128xf32, #tpu.memory_space<vmem>>
      %dma_start3A_448 = tpu.memref_squeeze %dma_start3A_447 : memref<1x32x128xf32, #tpu.memory_space<vmem>> -> memref<32x128xf32, #tpu.memory_space<vmem>>
      %dma_start3A_449 = tpu.memref_slice %arg7[%add3A_442] : memref<10240xi32, #tpu.memory_space<vmem>> -> memref<32xi32, #tpu.memory_space<vmem>>
      %dma_start3A_450 = arith.constant 0 : i32
      %dma_start3A_451 = arith.constant 0 : i32
      %dma_start3A_452 = tpu.memref_slice %arg2[%dma_start3A_450, %dma_start3A_451] : memref<10000x128xf32, #tpu.memory_space<hbm>> -> memref<10000x128xf32, #tpu.memory_space<hbm>>
      %dma_start3A_453 = tpu.memref_slice %arg10[%dma_start3A_444] : memref<5x!tpu.dma_semaphore, #tpu.memory_space<semaphore_mem>> -> memref<1x!tpu.dma_semaphore, #tpu.memory_space<semaphore_mem>>
      %dma_start3A_454 = tpu.memref_squeeze %dma_start3A_453 : memref<1x!tpu.dma_semaphore, #tpu.memory_space<semaphore_mem>> -> memref<!tpu.dma_semaphore, #tpu.memory_space<semaphore_mem>>
      tpu.enqueue_indirect_dma source(%dma_start3A_452 : memref<10000x128xf32, #tpu.memory_space<hbm>>) target(%dma_start3A_448 : memref<32x128xf32, #tpu.memory_space<vmem>>) offsets(%dma_start3A_449 : memref<32xi32, #tpu.memory_space<vmem>>) semaphore(%dma_start3A_454 : memref<!tpu.dma_semaphore, #tpu.memory_space<semaphore_mem>>)
      %while3A_455 = arith.constant 0 : i32
      scf.yield %while3A_455 : i32
    }
    %sub3A_135 = arith.constant 5 : i32
    %sub3A_136 = arith.subi %min3A_24, %sub3A_135 : i32
    %add3A_137 = arith.constant 0 : i32
    %add3A_138 = arith.addi %sub3A_136, %add3A_137 : i32
    %mul3A_139 = arith.constant 32 : i32
    %mul3A_140 = arith.muli %add3A_138, %mul3A_139 : i32
    %add3A_141 = arith.addi %sub3A, %mul3A_140 : i32
    %dma_wait3A = arith.constant 0 : i32
    %dma_wait3A_142 = arith.constant 0 : i32
    %dma_wait3A_143 = arith.constant 0 : i32
    %dma_wait3A_144 = arith.constant 0 : i32
    %dma_wait3A_145 = tpu.memref_slice %arg9[%dma_wait3A, %dma_wait3A_143, %dma_wait3A_144] : memref<5x32x128xf32, #tpu.memory_space<vmem>> -> memref<1x32x128xf32, #tpu.memory_space<vmem>>
    %dma_wait3A_146 = tpu.memref_squeeze %dma_wait3A_145 : memref<1x32x128xf32, #tpu.memory_space<vmem>> -> memref<32x128xf32, #tpu.memory_space<vmem>>
    %dma_wait3A_147 = tpu.memref_slice %arg7[%add3A_141] : memref<10240xi32, #tpu.memory_space<vmem>> -> memref<32xi32, #tpu.memory_space<vmem>>
    %dma_wait3A_148 = arith.constant 0 : i32
    %dma_wait3A_149 = arith.constant 0 : i32
    %dma_wait3A_150 = tpu.memref_slice %arg2[%dma_wait3A_148, %dma_wait3A_149] : memref<10000x128xf32, #tpu.memory_space<hbm>> -> memref<10000x128xf32, #tpu.memory_space<hbm>>
    %dma_wait3A_151 = tpu.memref_slice %arg10[%dma_wait3A_142] : memref<5x!tpu.dma_semaphore, #tpu.memory_space<semaphore_mem>> -> memref<1x!tpu.dma_semaphore, #tpu.memory_space<semaphore_mem>>
    %dma_wait3A_152 = tpu.memref_squeeze %dma_wait3A_151 : memref<1x!tpu.dma_semaphore, #tpu.memory_space<semaphore_mem>> -> memref<!tpu.dma_semaphore, #tpu.memory_space<semaphore_mem>>
    tpu.wait_indirect_dma semaphore(%dma_wait3A_152 : memref<!tpu.dma_semaphore, #tpu.memory_space<semaphore_mem>>) src(%dma_wait3A_150 : memref<10000x128xf32, #tpu.memory_space<hbm>>) dst(%dma_wait3A_146 : memref<32x128xf32, #tpu.memory_space<vmem>>)
    %mul3A_153 = arith.constant 32 : i32
    %mul3A_154 = arith.muli %add3A_138, %mul3A_153 : i32
    %add3A_155 = arith.addi %sub3A, %mul3A_154 : i32
    %run_scoped3A = arith.constant 0 : i32
    "tpu.region"() ({
      %run_scoped3A_253 = tpu.sem_alloc : memref<!tpu.dma_semaphore, #tpu.memory_space<semaphore_mem>>
      %dma_start3A_254 = arith.constant 0 : i32
      %dma_start3A_255 = arith.constant 0 : i32
      %dma_start3A_256 = tpu.memref_slice %arg9[%run_scoped3A, %dma_start3A_254, %dma_start3A_255] : memref<5x32x128xf32, #tpu.memory_space<vmem>> -> memref<1x32x128xf32, #tpu.memory_space<vmem>>
      %dma_start3A_257 = tpu.memref_squeeze %dma_start3A_256 : memref<1x32x128xf32, #tpu.memory_space<vmem>> -> memref<32x128xf32, #tpu.memory_space<vmem>>
      %dma_start3A_258 = tpu.memref_slice %arg8[%add3A_155] : memref<10240xi32, #tpu.memory_space<vmem>> -> memref<32xi32, #tpu.memory_space<vmem>>
      %dma_start3A_259 = arith.constant 0 : i32
      %dma_start3A_260 = arith.constant 0 : i32
      %dma_start3A_261 = tpu.memref_slice %arg11[%dma_start3A_259, %dma_start3A_260] : memref<10240x128xf32, #tpu.memory_space<vmem_shared>> -> memref<10240x128xf32, #tpu.memory_space<vmem_shared>>
      tpu.enqueue_indirect_dma source(%dma_start3A_257 : memref<32x128xf32, #tpu.memory_space<vmem>>) target(%dma_start3A_261 : memref<10240x128xf32, #tpu.memory_space<vmem_shared>>) offsets(%dma_start3A_258 : memref<32xi32, #tpu.memory_space<vmem>>) semaphore(%run_scoped3A_253 : memref<!tpu.dma_semaphore, #tpu.memory_space<semaphore_mem>>) {add = true}
      %dma_wait3A_262 = arith.constant 0 : i32
      %dma_wait3A_263 = arith.constant 0 : i32
      %dma_wait3A_264 = tpu.memref_slice %arg9[%run_scoped3A, %dma_wait3A_262, %dma_wait3A_263] : memref<5x32x128xf32, #tpu.memory_space<vmem>> -> memref<1x32x128xf32, #tpu.memory_space<vmem>>
      %dma_wait3A_265 = tpu.memref_squeeze %dma_wait3A_264 : memref<1x32x128xf32, #tpu.memory_space<vmem>> -> memref<32x128xf32, #tpu.memory_space<vmem>>
      %dma_wait3A_266 = tpu.memref_slice %arg8[%add3A_155] : memref<10240xi32, #tpu.memory_space<vmem>> -> memref<32xi32, #tpu.memory_space<vmem>>
      %dma_wait3A_267 = arith.constant 0 : i32
      %dma_wait3A_268 = arith.constant 0 : i32
      %dma_wait3A_269 = tpu.memref_slice %arg11[%dma_wait3A_267, %dma_wait3A_268] : memref<10240x128xf32, #tpu.memory_space<vmem_shared>> -> memref<10240x128xf32, #tpu.memory_space<vmem_shared>>
      tpu.wait_indirect_dma semaphore(%run_scoped3A_253 : memref<!tpu.dma_semaphore, #tpu.memory_space<semaphore_mem>>) src(%dma_wait3A_265 : memref<32x128xf32, #tpu.memory_space<vmem>>) dst(%dma_wait3A_269 : memref<10240x128xf32, #tpu.memory_space<vmem_shared>>)
      tpu.yield
    }) : () -> ()
    %sub3A_156 = arith.constant 5 : i32
    %sub3A_157 = arith.subi %min3A_24, %sub3A_156 : i32
    %add3A_158 = arith.constant 1 : i32
    %add3A_159 = arith.addi %sub3A_157, %add3A_158 : i32
    %mul3A_160 = arith.constant 32 : i32
    %mul3A_161 = arith.muli %add3A_159, %mul3A_160 : i32
    %add3A_162 = arith.addi %sub3A, %mul3A_161 : i32
    %dma_wait3A_163 = arith.constant 1 : i32
    %dma_wait3A_164 = arith.constant 1 : i32
    %dma_wait3A_165 = arith.constant 0 : i32
    %dma_wait3A_166 = arith.constant 0 : i32
    %dma_wait3A_167 = tpu.memref_slice %arg9[%dma_wait3A_163, %dma_wait3A_165, %dma_wait3A_166] : memref<5x32x128xf32, #tpu.memory_space<vmem>> -> memref<1x32x128xf32, #tpu.memory_space<vmem>>
    %dma_wait3A_168 = tpu.memref_squeeze %dma_wait3A_167 : memref<1x32x128xf32, #tpu.memory_space<vmem>> -> memref<32x128xf32, #tpu.memory_space<vmem>>
    %dma_wait3A_169 = tpu.memref_slice %arg7[%add3A_162] : memref<10240xi32, #tpu.memory_space<vmem>> -> memref<32xi32, #tpu.memory_space<vmem>>
    %dma_wait3A_170 = arith.constant 0 : i32
    %dma_wait3A_171 = arith.constant 0 : i32
    %dma_wait3A_172 = tpu.memref_slice %arg2[%dma_wait3A_170, %dma_wait3A_171] : memref<10000x128xf32, #tpu.memory_space<hbm>> -> memref<10000x128xf32, #tpu.memory_space<hbm>>
    %dma_wait3A_173 = tpu.memref_slice %arg10[%dma_wait3A_164] : memref<5x!tpu.dma_semaphore, #tpu.memory_space<semaphore_mem>> -> memref<1x!tpu.dma_semaphore, #tpu.memory_space<semaphore_mem>>
    %dma_wait3A_174 = tpu.memref_squeeze %dma_wait3A_173 : memref<1x!tpu.dma_semaphore, #tpu.memory_space<semaphore_mem>> -> memref<!tpu.dma_semaphore, #tpu.memory_space<semaphore_mem>>
    tpu.wait_indirect_dma semaphore(%dma_wait3A_174 : memref<!tpu.dma_semaphore, #tpu.memory_space<semaphore_mem>>) src(%dma_wait3A_172 : memref<10000x128xf32, #tpu.memory_space<hbm>>) dst(%dma_wait3A_168 : memref<32x128xf32, #tpu.memory_space<vmem>>)
    %mul3A_175 = arith.constant 32 : i32
    %mul3A_176 = arith.muli %add3A_159, %mul3A_175 : i32
    %add3A_177 = arith.addi %sub3A, %mul3A_176 : i32
    %run_scoped3A_178 = arith.constant 1 : i32
    "tpu.region"() ({
      %run_scoped3A_253 = tpu.sem_alloc : memref<!tpu.dma_semaphore, #tpu.memory_space<semaphore_mem>>
      %dma_start3A_254 = arith.constant 0 : i32
      %dma_start3A_255 = arith.constant 0 : i32
      %dma_start3A_256 = tpu.memref_slice %arg9[%run_scoped3A_178, %dma_start3A_254, %dma_start3A_255] : memref<5x32x128xf32, #tpu.memory_space<vmem>> -> memref<1x32x128xf32, #tpu.memory_space<vmem>>
      %dma_start3A_257 = tpu.memref_squeeze %dma_start3A_256 : memref<1x32x128xf32, #tpu.memory_space<vmem>> -> memref<32x128xf32, #tpu.memory_space<vmem>>
      %dma_start3A_258 = tpu.memref_slice %arg8[%add3A_177] : memref<10240xi32, #tpu.memory_space<vmem>> -> memref<32xi32, #tpu.memory_space<vmem>>
      %dma_start3A_259 = arith.constant 0 : i32
      %dma_start3A_260 = arith.constant 0 : i32
      %dma_start3A_261 = tpu.memref_slice %arg11[%dma_start3A_259, %dma_start3A_260] : memref<10240x128xf32, #tpu.memory_space<vmem_shared>> -> memref<10240x128xf32, #tpu.memory_space<vmem_shared>>
      tpu.enqueue_indirect_dma source(%dma_start3A_257 : memref<32x128xf32, #tpu.memory_space<vmem>>) target(%dma_start3A_261 : memref<10240x128xf32, #tpu.memory_space<vmem_shared>>) offsets(%dma_start3A_258 : memref<32xi32, #tpu.memory_space<vmem>>) semaphore(%run_scoped3A_253 : memref<!tpu.dma_semaphore, #tpu.memory_space<semaphore_mem>>) {add = true}
      %dma_wait3A_262 = arith.constant 0 : i32
      %dma_wait3A_263 = arith.constant 0 : i32
      %dma_wait3A_264 = tpu.memref_slice %arg9[%run_scoped3A_178, %dma_wait3A_262, %dma_wait3A_263] : memref<5x32x128xf32, #tpu.memory_space<vmem>> -> memref<1x32x128xf32, #tpu.memory_space<vmem>>
      %dma_wait3A_265 = tpu.memref_squeeze %dma_wait3A_264 : memref<1x32x128xf32, #tpu.memory_space<vmem>> -> memref<32x128xf32, #tpu.memory_space<vmem>>
      %dma_wait3A_266 = tpu.memref_slice %arg8[%add3A_177] : memref<10240xi32, #tpu.memory_space<vmem>> -> memref<32xi32, #tpu.memory_space<vmem>>
      %dma_wait3A_267 = arith.constant 0 : i32
      %dma_wait3A_268 = arith.constant 0 : i32
      %dma_wait3A_269 = tpu.memref_slice %arg11[%dma_wait3A_267, %dma_wait3A_268] : memref<10240x128xf32, #tpu.memory_space<vmem_shared>> -> memref<10240x128xf32, #tpu.memory_space<vmem_shared>>
      tpu.wait_indirect_dma semaphore(%run_scoped3A_253 : memref<!tpu.dma_semaphore, #tpu.memory_space<semaphore_mem>>) src(%dma_wait3A_265 : memref<32x128xf32, #tpu.memory_space<vmem>>) dst(%dma_wait3A_269 : memref<10240x128xf32, #tpu.memory_space<vmem_shared>>)
      tpu.yield
    }) : () -> ()
    %sub3A_179 = arith.constant 5 : i32
    %sub3A_180 = arith.subi %min3A_24, %sub3A_179 : i32
    %add3A_181 = arith.constant 2 : i32
    %add3A_182 = arith.addi %sub3A_180, %add3A_181 : i32
    %mul3A_183 = arith.constant 32 : i32
    %mul3A_184 = arith.muli %add3A_182, %mul3A_183 : i32
    %add3A_185 = arith.addi %sub3A, %mul3A_184 : i32
    %dma_wait3A_186 = arith.constant 2 : i32
    %dma_wait3A_187 = arith.constant 2 : i32
    %dma_wait3A_188 = arith.constant 0 : i32
    %dma_wait3A_189 = arith.constant 0 : i32
    %dma_wait3A_190 = tpu.memref_slice %arg9[%dma_wait3A_186, %dma_wait3A_188, %dma_wait3A_189] : memref<5x32x128xf32, #tpu.memory_space<vmem>> -> memref<1x32x128xf32, #tpu.memory_space<vmem>>
    %dma_wait3A_191 = tpu.memref_squeeze %dma_wait3A_190 : memref<1x32x128xf32, #tpu.memory_space<vmem>> -> memref<32x128xf32, #tpu.memory_space<vmem>>
    %dma_wait3A_192 = tpu.memref_slice %arg7[%add3A_185] : memref<10240xi32, #tpu.memory_space<vmem>> -> memref<32xi32, #tpu.memory_space<vmem>>
    %dma_wait3A_193 = arith.constant 0 : i32
    %dma_wait3A_194 = arith.constant 0 : i32
    %dma_wait3A_195 = tpu.memref_slice %arg2[%dma_wait3A_193, %dma_wait3A_194] : memref<10000x128xf32, #tpu.memory_space<hbm>> -> memref<10000x128xf32, #tpu.memory_space<hbm>>
    %dma_wait3A_196 = tpu.memref_slice %arg10[%dma_wait3A_187] : memref<5x!tpu.dma_semaphore, #tpu.memory_space<semaphore_mem>> -> memref<1x!tpu.dma_semaphore, #tpu.memory_space<semaphore_mem>>
    %dma_wait3A_197 = tpu.memref_squeeze %dma_wait3A_196 : memref<1x!tpu.dma_semaphore, #tpu.memory_space<semaphore_mem>> -> memref<!tpu.dma_semaphore, #tpu.memory_space<semaphore_mem>>
    tpu.wait_indirect_dma semaphore(%dma_wait3A_197 : memref<!tpu.dma_semaphore, #tpu.memory_space<semaphore_mem>>) src(%dma_wait3A_195 : memref<10000x128xf32, #tpu.memory_space<hbm>>) dst(%dma_wait3A_191 : memref<32x128xf32, #tpu.memory_space<vmem>>)
    %mul3A_198 = arith.constant 32 : i32
    %mul3A_199 = arith.muli %add3A_182, %mul3A_198 : i32
    %add3A_200 = arith.addi %sub3A, %mul3A_199 : i32
    %run_scoped3A_201 = arith.constant 2 : i32
    "tpu.region"() ({
      %run_scoped3A_253 = tpu.sem_alloc : memref<!tpu.dma_semaphore, #tpu.memory_space<semaphore_mem>>
      %dma_start3A_254 = arith.constant 0 : i32
      %dma_start3A_255 = arith.constant 0 : i32
      %dma_start3A_256 = tpu.memref_slice %arg9[%run_scoped3A_201, %dma_start3A_254, %dma_start3A_255] : memref<5x32x128xf32, #tpu.memory_space<vmem>> -> memref<1x32x128xf32, #tpu.memory_space<vmem>>
      %dma_start3A_257 = tpu.memref_squeeze %dma_start3A_256 : memref<1x32x128xf32, #tpu.memory_space<vmem>> -> memref<32x128xf32, #tpu.memory_space<vmem>>
      %dma_start3A_258 = tpu.memref_slice %arg8[%add3A_200] : memref<10240xi32, #tpu.memory_space<vmem>> -> memref<32xi32, #tpu.memory_space<vmem>>
      %dma_start3A_259 = arith.constant 0 : i32
      %dma_start3A_260 = arith.constant 0 : i32
      %dma_start3A_261 = tpu.memref_slice %arg11[%dma_start3A_259, %dma_start3A_260] : memref<10240x128xf32, #tpu.memory_space<vmem_shared>> -> memref<10240x128xf32, #tpu.memory_space<vmem_shared>>
      tpu.enqueue_indirect_dma source(%dma_start3A_257 : memref<32x128xf32, #tpu.memory_space<vmem>>) target(%dma_start3A_261 : memref<10240x128xf32, #tpu.memory_space<vmem_shared>>) offsets(%dma_start3A_258 : memref<32xi32, #tpu.memory_space<vmem>>) semaphore(%run_scoped3A_253 : memref<!tpu.dma_semaphore, #tpu.memory_space<semaphore_mem>>) {add = true}
      %dma_wait3A_262 = arith.constant 0 : i32
      %dma_wait3A_263 = arith.constant 0 : i32
      %dma_wait3A_264 = tpu.memref_slice %arg9[%run_scoped3A_201, %dma_wait3A_262, %dma_wait3A_263] : memref<5x32x128xf32, #tpu.memory_space<vmem>> -> memref<1x32x128xf32, #tpu.memory_space<vmem>>
      %dma_wait3A_265 = tpu.memref_squeeze %dma_wait3A_264 : memref<1x32x128xf32, #tpu.memory_space<vmem>> -> memref<32x128xf32, #tpu.memory_space<vmem>>
      %dma_wait3A_266 = tpu.memref_slice %arg8[%add3A_200] : memref<10240xi32, #tpu.memory_space<vmem>> -> memref<32xi32, #tpu.memory_space<vmem>>
      %dma_wait3A_267 = arith.constant 0 : i32
      %dma_wait3A_268 = arith.constant 0 : i32
      %dma_wait3A_269 = tpu.memref_slice %arg11[%dma_wait3A_267, %dma_wait3A_268] : memref<10240x128xf32, #tpu.memory_space<vmem_shared>> -> memref<10240x128xf32, #tpu.memory_space<vmem_shared>>
      tpu.wait_indirect_dma semaphore(%run_scoped3A_253 : memref<!tpu.dma_semaphore, #tpu.memory_space<semaphore_mem>>) src(%dma_wait3A_265 : memref<32x128xf32, #tpu.memory_space<vmem>>) dst(%dma_wait3A_269 : memref<10240x128xf32, #tpu.memory_space<vmem_shared>>)
      tpu.yield
    }) : () -> ()
    %sub3A_202 = arith.constant 5 : i32
    %sub3A_203 = arith.subi %min3A_24, %sub3A_202 : i32
    %add3A_204 = arith.constant 3 : i32
    %add3A_205 = arith.addi %sub3A_203, %add3A_204 : i32
    %mul3A_206 = arith.constant 32 : i32
    %mul3A_207 = arith.muli %add3A_205, %mul3A_206 : i32
    %add3A_208 = arith.addi %sub3A, %mul3A_207 : i32
    %dma_wait3A_209 = arith.constant 3 : i32
    %dma_wait3A_210 = arith.constant 3 : i32
    %dma_wait3A_211 = arith.constant 0 : i32
    %dma_wait3A_212 = arith.constant 0 : i32
    %dma_wait3A_213 = tpu.memref_slice %arg9[%dma_wait3A_209, %dma_wait3A_211, %dma_wait3A_212] : memref<5x32x128xf32, #tpu.memory_space<vmem>> -> memref<1x32x128xf32, #tpu.memory_space<vmem>>
    %dma_wait3A_214 = tpu.memref_squeeze %dma_wait3A_213 : memref<1x32x128xf32, #tpu.memory_space<vmem>> -> memref<32x128xf32, #tpu.memory_space<vmem>>
    %dma_wait3A_215 = tpu.memref_slice %arg7[%add3A_208] : memref<10240xi32, #tpu.memory_space<vmem>> -> memref<32xi32, #tpu.memory_space<vmem>>
    %dma_wait3A_216 = arith.constant 0 : i32
    %dma_wait3A_217 = arith.constant 0 : i32
    %dma_wait3A_218 = tpu.memref_slice %arg2[%dma_wait3A_216, %dma_wait3A_217] : memref<10000x128xf32, #tpu.memory_space<hbm>> -> memref<10000x128xf32, #tpu.memory_space<hbm>>
    %dma_wait3A_219 = tpu.memref_slice %arg10[%dma_wait3A_210] : memref<5x!tpu.dma_semaphore, #tpu.memory_space<semaphore_mem>> -> memref<1x!tpu.dma_semaphore, #tpu.memory_space<semaphore_mem>>
    %dma_wait3A_220 = tpu.memref_squeeze %dma_wait3A_219 : memref<1x!tpu.dma_semaphore, #tpu.memory_space<semaphore_mem>> -> memref<!tpu.dma_semaphore, #tpu.memory_space<semaphore_mem>>
    tpu.wait_indirect_dma semaphore(%dma_wait3A_220 : memref<!tpu.dma_semaphore, #tpu.memory_space<semaphore_mem>>) src(%dma_wait3A_218 : memref<10000x128xf32, #tpu.memory_space<hbm>>) dst(%dma_wait3A_214 : memref<32x128xf32, #tpu.memory_space<vmem>>)
    %mul3A_221 = arith.constant 32 : i32
    %mul3A_222 = arith.muli %add3A_205, %mul3A_221 : i32
    %add3A_223 = arith.addi %sub3A, %mul3A_222 : i32
    %run_scoped3A_224 = arith.constant 3 : i32
    "tpu.region"() ({
      %run_scoped3A_253 = tpu.sem_alloc : memref<!tpu.dma_semaphore, #tpu.memory_space<semaphore_mem>>
      %dma_start3A_254 = arith.constant 0 : i32
      %dma_start3A_255 = arith.constant 0 : i32
      %dma_start3A_256 = tpu.memref_slice %arg9[%run_scoped3A_224, %dma_start3A_254, %dma_start3A_255] : memref<5x32x128xf32, #tpu.memory_space<vmem>> -> memref<1x32x128xf32, #tpu.memory_space<vmem>>
      %dma_start3A_257 = tpu.memref_squeeze %dma_start3A_256 : memref<1x32x128xf32, #tpu.memory_space<vmem>> -> memref<32x128xf32, #tpu.memory_space<vmem>>
      %dma_start3A_258 = tpu.memref_slice %arg8[%add3A_223] : memref<10240xi32, #tpu.memory_space<vmem>> -> memref<32xi32, #tpu.memory_space<vmem>>
      %dma_start3A_259 = arith.constant 0 : i32
      %dma_start3A_260 = arith.constant 0 : i32
      %dma_start3A_261 = tpu.memref_slice %arg11[%dma_start3A_259, %dma_start3A_260] : memref<10240x128xf32, #tpu.memory_space<vmem_shared>> -> memref<10240x128xf32, #tpu.memory_space<vmem_shared>>
      tpu.enqueue_indirect_dma source(%dma_start3A_257 : memref<32x128xf32, #tpu.memory_space<vmem>>) target(%dma_start3A_261 : memref<10240x128xf32, #tpu.memory_space<vmem_shared>>) offsets(%dma_start3A_258 : memref<32xi32, #tpu.memory_space<vmem>>) semaphore(%run_scoped3A_253 : memref<!tpu.dma_semaphore, #tpu.memory_space<semaphore_mem>>) {add = true}
      %dma_wait3A_262 = arith.constant 0 : i32
      %dma_wait3A_263 = arith.constant 0 : i32
      %dma_wait3A_264 = tpu.memref_slice %arg9[%run_scoped3A_224, %dma_wait3A_262, %dma_wait3A_263] : memref<5x32x128xf32, #tpu.memory_space<vmem>> -> memref<1x32x128xf32, #tpu.memory_space<vmem>>
      %dma_wait3A_265 = tpu.memref_squeeze %dma_wait3A_264 : memref<1x32x128xf32, #tpu.memory_space<vmem>> -> memref<32x128xf32, #tpu.memory_space<vmem>>
      %dma_wait3A_266 = tpu.memref_slice %arg8[%add3A_223] : memref<10240xi32, #tpu.memory_space<vmem>> -> memref<32xi32, #tpu.memory_space<vmem>>
      %dma_wait3A_267 = arith.constant 0 : i32
      %dma_wait3A_268 = arith.constant 0 : i32
      %dma_wait3A_269 = tpu.memref_slice %arg11[%dma_wait3A_267, %dma_wait3A_268] : memref<10240x128xf32, #tpu.memory_space<vmem_shared>> -> memref<10240x128xf32, #tpu.memory_space<vmem_shared>>
      tpu.wait_indirect_dma semaphore(%run_scoped3A_253 : memref<!tpu.dma_semaphore, #tpu.memory_space<semaphore_mem>>) src(%dma_wait3A_265 : memref<32x128xf32, #tpu.memory_space<vmem>>) dst(%dma_wait3A_269 : memref<10240x128xf32, #tpu.memory_space<vmem_shared>>)
      tpu.yield
    }) : () -> ()
    %sub3A_225 = arith.constant 5 : i32
    %sub3A_226 = arith.subi %min3A_24, %sub3A_225 : i32
    %add3A_227 = arith.constant 4 : i32
    %add3A_228 = arith.addi %sub3A_226, %add3A_227 : i32
    %mul3A_229 = arith.constant 32 : i32
    %mul3A_230 = arith.muli %add3A_228, %mul3A_229 : i32
    %add3A_231 = arith.addi %sub3A, %mul3A_230 : i32
    %dma_wait3A_232 = arith.constant 4 : i32
    %dma_wait3A_233 = arith.constant 4 : i32
    %dma_wait3A_234 = arith.constant 0 : i32
    %dma_wait3A_235 = arith.constant 0 : i32
    %dma_wait3A_236 = tpu.memref_slice %arg9[%dma_wait3A_232, %dma_wait3A_234, %dma_wait3A_235] : memref<5x32x128xf32, #tpu.memory_space<vmem>> -> memref<1x32x128xf32, #tpu.memory_space<vmem>>
    %dma_wait3A_237 = tpu.memref_squeeze %dma_wait3A_236 : memref<1x32x128xf32, #tpu.memory_space<vmem>> -> memref<32x128xf32, #tpu.memory_space<vmem>>
    %dma_wait3A_238 = tpu.memref_slice %arg7[%add3A_231] : memref<10240xi32, #tpu.memory_space<vmem>> -> memref<32xi32, #tpu.memory_space<vmem>>
    %dma_wait3A_239 = arith.constant 0 : i32
    %dma_wait3A_240 = arith.constant 0 : i32
    %dma_wait3A_241 = tpu.memref_slice %arg2[%dma_wait3A_239, %dma_wait3A_240] : memref<10000x128xf32, #tpu.memory_space<hbm>> -> memref<10000x128xf32, #tpu.memory_space<hbm>>
    %dma_wait3A_242 = tpu.memref_slice %arg10[%dma_wait3A_233] : memref<5x!tpu.dma_semaphore, #tpu.memory_space<semaphore_mem>> -> memref<1x!tpu.dma_semaphore, #tpu.memory_space<semaphore_mem>>
    %dma_wait3A_243 = tpu.memref_squeeze %dma_wait3A_242 : memref<1x!tpu.dma_semaphore, #tpu.memory_space<semaphore_mem>> -> memref<!tpu.dma_semaphore, #tpu.memory_space<semaphore_mem>>
    tpu.wait_indirect_dma semaphore(%dma_wait3A_243 : memref<!tpu.dma_semaphore, #tpu.memory_space<semaphore_mem>>) src(%dma_wait3A_241 : memref<10000x128xf32, #tpu.memory_space<hbm>>) dst(%dma_wait3A_237 : memref<32x128xf32, #tpu.memory_space<vmem>>)
    %mul3A_244 = arith.constant 32 : i32
    %mul3A_245 = arith.muli %add3A_228, %mul3A_244 : i32
    %add3A_246 = arith.addi %sub3A, %mul3A_245 : i32
    %run_scoped3A_247 = arith.constant 4 : i32
    "tpu.region"() ({
      %run_scoped3A_253 = tpu.sem_alloc : memref<!tpu.dma_semaphore, #tpu.memory_space<semaphore_mem>>
      %dma_start3A_254 = arith.constant 0 : i32
      %dma_start3A_255 = arith.constant 0 : i32
      %dma_start3A_256 = tpu.memref_slice %arg9[%run_scoped3A_247, %dma_start3A_254, %dma_start3A_255] : memref<5x32x128xf32, #tpu.memory_space<vmem>> -> memref<1x32x128xf32, #tpu.memory_space<vmem>>
      %dma_start3A_257 = tpu.memref_squeeze %dma_start3A_256 : memref<1x32x128xf32, #tpu.memory_space<vmem>> -> memref<32x128xf32, #tpu.memory_space<vmem>>
      %dma_start3A_258 = tpu.memref_slice %arg8[%add3A_246] : memref<10240xi32, #tpu.memory_space<vmem>> -> memref<32xi32, #tpu.memory_space<vmem>>
      %dma_start3A_259 = arith.constant 0 : i32
      %dma_start3A_260 = arith.constant 0 : i32
      %dma_start3A_261 = tpu.memref_slice %arg11[%dma_start3A_259, %dma_start3A_260] : memref<10240x128xf32, #tpu.memory_space<vmem_shared>> -> memref<10240x128xf32, #tpu.memory_space<vmem_shared>>
      tpu.enqueue_indirect_dma source(%dma_start3A_257 : memref<32x128xf32, #tpu.memory_space<vmem>>) target(%dma_start3A_261 : memref<10240x128xf32, #tpu.memory_space<vmem_shared>>) offsets(%dma_start3A_258 : memref<32xi32, #tpu.memory_space<vmem>>) semaphore(%run_scoped3A_253 : memref<!tpu.dma_semaphore, #tpu.memory_space<semaphore_mem>>) {add = true}
      %dma_wait3A_262 = arith.constant 0 : i32
      %dma_wait3A_263 = arith.constant 0 : i32
      %dma_wait3A_264 = tpu.memref_slice %arg9[%run_scoped3A_247, %dma_wait3A_262, %dma_wait3A_263] : memref<5x32x128xf32, #tpu.memory_space<vmem>> -> memref<1x32x128xf32, #tpu.memory_space<vmem>>
      %dma_wait3A_265 = tpu.memref_squeeze %dma_wait3A_264 : memref<1x32x128xf32, #tpu.memory_space<vmem>> -> memref<32x128xf32, #tpu.memory_space<vmem>>
      %dma_wait3A_266 = tpu.memref_slice %arg8[%add3A_246] : memref<10240xi32, #tpu.memory_space<vmem>> -> memref<32xi32, #tpu.memory_space<vmem>>
      %dma_wait3A_267 = arith.constant 0 : i32
      %dma_wait3A_268 = arith.constant 0 : i32
      %dma_wait3A_269 = tpu.memref_slice %arg11[%dma_wait3A_267, %dma_wait3A_268] : memref<10240x128xf32, #tpu.memory_space<vmem_shared>> -> memref<10240x128xf32, #tpu.memory_space<vmem_shared>>
      tpu.wait_indirect_dma semaphore(%run_scoped3A_253 : memref<!tpu.dma_semaphore, #tpu.memory_space<semaphore_mem>>) src(%dma_wait3A_265 : memref<32x128xf32, #tpu.memory_space<vmem>>) dst(%dma_wait3A_269 : memref<10240x128xf32, #tpu.memory_space<vmem_shared>>)
      tpu.yield
    }) : () -> ()
    %barrier3A_248 = arith.constant 0 : index
    tpu.barrier barrier_id(%barrier3A_248)
    %mul3A_249 = arith.constant 640 : i32
    %mul3A_250 = arith.muli %arg1, %mul3A_249 : i32
    %mul3A_251 = arith.constant 640 : i32
    %mul3A_252 = arith.muli %arg1, %mul3A_251 : i32
    "tpu.region"() ({
      %run_scoped3A_253 = tpu.sem_alloc : memref<!tpu.dma_semaphore, #tpu.memory_space<semaphore_mem>>
      %dma_start3A_254 = arith.constant 0 : i32
      %dma_start3A_255 = tpu.memref_slice %arg6[%arg0, %mul3A_252, %dma_start3A_254] : memref<2x10240x128xf32, #tpu.memory_space<hbm>> -> memref<1x640x128xf32, #tpu.memory_space<hbm>>
      %dma_start3A_256 = tpu.memref_squeeze %dma_start3A_255 : memref<1x640x128xf32, #tpu.memory_space<hbm>> -> memref<640x128xf32, #tpu.memory_space<hbm>>
      %dma_start3A_257 = arith.constant 0 : i32
      %dma_start3A_258 = tpu.memref_slice %arg11[%mul3A_250, %dma_start3A_257] : memref<10240x128xf32, #tpu.memory_space<vmem_shared>> -> memref<640x128xf32, #tpu.memory_space<vmem_shared>>
      tpu.enqueue_dma source(%dma_start3A_258 : memref<640x128xf32, #tpu.memory_space<vmem_shared>>) target(%dma_start3A_256 : memref<640x128xf32, #tpu.memory_space<hbm>>) target_semaphore(%run_scoped3A_253 : memref<!tpu.dma_semaphore, #tpu.memory_space<semaphore_mem>>)
      %dma_wait3A_259 = arith.constant 0 : i32
      %dma_wait3A_260 = tpu.memref_slice %arg6[%arg0, %mul3A_252, %dma_wait3A_259] : memref<2x10240x128xf32, #tpu.memory_space<hbm>> -> memref<1x640x128xf32, #tpu.memory_space<hbm>>
      %dma_wait3A_261 = tpu.memref_squeeze %dma_wait3A_260 : memref<1x640x128xf32, #tpu.memory_space<hbm>> -> memref<640x128xf32, #tpu.memory_space<hbm>>
      %dma_wait3A_262 = arith.constant 0 : i32
      %dma_wait3A_263 = tpu.memref_slice %arg11[%mul3A_250, %dma_wait3A_262] : memref<10240x128xf32, #tpu.memory_space<vmem_shared>> -> memref<640x128xf32, #tpu.memory_space<vmem_shared>>
      tpu.wait_dma2 semaphore(%run_scoped3A_253 : memref<!tpu.dma_semaphore, #tpu.memory_space<semaphore_mem>>) src(%dma_wait3A_263 : memref<640x128xf32, #tpu.memory_space<vmem_shared>>) dst(%dma_wait3A_261 : memref<640x128xf32, #tpu.memory_space<hbm>>)
      tpu.yield
    }) : () -> ()
    return
  }
}

#map = affine_map<(d0, d1) -> (0)>
#map1 = affine_map<(d0, d1) -> (0, 0)>
module attributes {stable_mosaic.version = 14 : i64} {
  func.func @_sc_count(%arg0: i32, %arg1: i32, %arg2: memref<320000xi32, #tpu.memory_space<hbm>>, %arg3: memref<10240xf32, #tpu.memory_space<hbm>>, %arg4: memref<2x10240xf32, #tpu.memory_space<hbm>>, %arg5: memref<10240xi32, #tpu.memory_space<vmem>>, %arg6: memref<80xf32, #tpu.memory_space<vmem>>, %arg7: memref<!tpu.dma_semaphore, #tpu.memory_space<semaphore_mem>>, %arg8: memref<10240xf32, #tpu.memory_space<vmem_shared>>) attributes {dimension_semantics = [#tpu.dimension_semantics<core_parallel>, #tpu.dimension_semantics<subcore_parallel>], iteration_bounds = array<i64: 2, 16>, scalar_prefetch = 0 : i64, scratch_operands = 4 : i64, tpu.core_type = #tpu.core_type<sc_vector_subcore>, window_params = [{transform_indices = #map}, {transform_indices = #map}, {transform_indices = #map1}]} {
    %mul3A = arith.constant 2 : i32
    %mul3A_0 = arith.muli %arg1, %mul3A : i32
    %add3A = arith.addi %mul3A_0, %arg0 : i32
    %mul3A_1 = arith.constant 10240 : i32
    %mul3A_2 = arith.muli %add3A, %mul3A_1 : i32
    %min3A = arith.constant 309760 : i32
    %min3A_3 = arith.minsi %mul3A_2, %min3A : i32
    %sub3A = arith.subi %mul3A_2, %min3A_3 : i32
    %sub3A_4 = arith.constant 320000 : i32
    %sub3A_5 = arith.subi %sub3A_4, %mul3A_2 : i32
    %jit3A = arith.constant 80 : i32
    %div3A = arith.divsi %sub3A_5, %jit3A : i32
    %sign3A = arith.constant 0 : i32
    %sign3A_6 = arith.cmpi sgt, %sub3A_5, %sign3A : i32
    %sign3A_7 = arith.extui %sign3A_6 : i1 to i32
    %sign3A_8 = arith.constant 0 : i32
    %sign3A_9 = arith.cmpi slt, %sub3A_5, %sign3A_8 : i32
    %sign3A_10 = arith.extui %sign3A_9 : i1 to i32
    %sign3A_11 = arith.subi %sign3A_7, %sign3A_10 : i32
    %sign3A_12 = arith.constant 0 : i32
    %sign3A_13 = arith.cmpi sgt, %jit3A, %sign3A_12 : i32
    %sign3A_14 = arith.extui %sign3A_13 : i1 to i32
    %sign3A_15 = arith.constant 0 : i32
    %sign3A_16 = arith.cmpi slt, %jit3A, %sign3A_15 : i32
    %sign3A_17 = arith.extui %sign3A_16 : i1 to i32
    %sign3A_18 = arith.subi %sign3A_14, %sign3A_17 : i32
    %ne3A = arith.cmpi ne, %sign3A_11, %sign3A_18 : i32
    %rem3A = arith.remsi %sub3A_5, %jit3A : i32
    %ne3A_19 = arith.constant 0 : i32
    %ne3A_20 = arith.cmpi ne, %rem3A, %ne3A_19 : i32
    %and3A = arith.andi %ne3A, %ne3A_20 : i1
    %sub3A_21 = arith.constant 1 : i32
    %sub3A_22 = arith.subi %div3A, %sub3A_21 : i32
    %select_n3A = arith.select %and3A, %sub3A_22, %div3A : i32
    %min3A_23 = arith.constant 128 : i32
    %min3A_24 = arith.minsi %min3A_23, %select_n3A : i32
    %scan3A = arith.constant 0 : i32
    %scan3A_25 = arith.constant 0 : i32
    %scan3A_26 = arith.constant 5 : i32
    %scan3A_27 = arith.addi %scan3A_25, %scan3A_26 : i32
    %scan3A_28 = arith.constant 1 : i32
    %scan3A_29 = scf.for %scan3A_77 = %scan3A_25 to %scan3A_27 step %scan3A_28 iter_args(%scan3A_78 = %scan3A) -> (i32)  : i32 {
      %broadcast_in_dim3A = arith.constant 1.000000e+00 : f32
      %broadcast_in_dim3A_79 = vector.broadcast %broadcast_in_dim3A : f32 to vector<16xf32>
      %mul3A_80 = arith.constant 16 : i32
      %mul3A_81 = arith.muli %scan3A_77, %mul3A_80 : i32
      %swap3A = arith.index_cast %mul3A_81 : i32 to index
      %swap3A_82 = tpu.vector_load %arg6[%swap3A] {strides = array<i32>} : memref<80xf32, #tpu.memory_space<vmem>>, vector<16xf32>,
      %swap3A_83 = vector.shape_cast %swap3A_82 : vector<16xf32> to vector<16xf32>
      %swap3A_84 = vector.shape_cast %broadcast_in_dim3A_79 : vector<16xf32> to vector<16xf32>
      tpu.vector_store %arg6[%swap3A], %swap3A_84 {strides = array<i32>} : memref<80xf32, #tpu.memory_space<vmem>>, vector<16xf32>,
      %scan3A_85 = arith.constant 0 : i32
      scf.yield %scan3A_85 : i32
    }
    %scan3A_30 = arith.constant 5 : i32
    %mul3A_31 = arith.constant 640 : i32
    %mul3A_32 = arith.muli %arg1, %mul3A_31 : i32
    %mul3A_33 = arith.constant 640 : i32
    %mul3A_34 = arith.muli %arg1, %mul3A_33 : i32
    "tpu.region"() ({
      %run_scoped3A = tpu.sem_alloc : memref<!tpu.dma_semaphore, #tpu.memory_space<semaphore_mem>>
      %dma_start3A = tpu.memref_slice %arg8[%mul3A_34] : memref<10240xf32, #tpu.memory_space<vmem_shared>> -> memref<640xf32, #tpu.memory_space<vmem_shared>>
      %dma_start3A_77 = tpu.memref_slice %arg3[%mul3A_32] : memref<10240xf32, #tpu.memory_space<hbm>> -> memref<640xf32, #tpu.memory_space<hbm>>
      tpu.enqueue_dma source(%dma_start3A_77 : memref<640xf32, #tpu.memory_space<hbm>>) target(%dma_start3A : memref<640xf32, #tpu.memory_space<vmem_shared>>) target_semaphore(%run_scoped3A : memref<!tpu.dma_semaphore, #tpu.memory_space<semaphore_mem>>)
      %dma_wait3A = tpu.memref_slice %arg8[%mul3A_34] : memref<10240xf32, #tpu.memory_space<vmem_shared>> -> memref<640xf32, #tpu.memory_space<vmem_shared>>
      %dma_wait3A_78 = tpu.memref_slice %arg3[%mul3A_32] : memref<10240xf32, #tpu.memory_space<hbm>> -> memref<640xf32, #tpu.memory_space<hbm>>
      tpu.wait_dma2 semaphore(%run_scoped3A : memref<!tpu.dma_semaphore, #tpu.memory_space<semaphore_mem>>) src(%dma_wait3A_78 : memref<640xf32, #tpu.memory_space<hbm>>) dst(%dma_wait3A : memref<640xf32, #tpu.memory_space<vmem_shared>>)
      tpu.yield
    }) : () -> ()
    "tpu.region"() ({
      %run_scoped3A = tpu.sem_alloc : memref<!tpu.dma_semaphore, #tpu.memory_space<semaphore_mem>>
      %dma_start3A = tpu.memref_slice %arg2[%min3A_3] : memref<320000xi32, #tpu.memory_space<hbm>> -> memref<10240xi32, #tpu.memory_space<hbm>>
      %dma_start3A_77 = tpu.memref_slice %arg2[%min3A_3] : memref<320000xi32, #tpu.memory_space<hbm>> -> memref<10240xi32, #tpu.memory_space<hbm>>
      tpu.enqueue_dma source(%dma_start3A_77 : memref<10240xi32, #tpu.memory_space<hbm>>) target(%arg5 : memref<10240xi32, #tpu.memory_space<vmem>>) target_semaphore(%run_scoped3A : memref<!tpu.dma_semaphore, #tpu.memory_space<semaphore_mem>>)
      %dma_wait3A = tpu.memref_slice %arg2[%min3A_3] : memref<320000xi32, #tpu.memory_space<hbm>> -> memref<10240xi32, #tpu.memory_space<hbm>>
      %dma_wait3A_78 = tpu.memref_slice %arg2[%min3A_3] : memref<320000xi32, #tpu.memory_space<hbm>> -> memref<10240xi32, #tpu.memory_space<hbm>>
      tpu.wait_dma2 semaphore(%run_scoped3A : memref<!tpu.dma_semaphore, #tpu.memory_space<semaphore_mem>>) src(%dma_wait3A_78 : memref<10240xi32, #tpu.memory_space<hbm>>) dst(%arg5 : memref<10240xi32, #tpu.memory_space<vmem>>)
      tpu.yield
    }) : () -> ()
    %barrier3A = arith.constant 0 : index
    tpu.barrier barrier_id(%barrier3A)
    %min3A_35 = arith.constant 8 : i32
    %min3A_36 = arith.minsi %min3A_24, %min3A_35 : i32
    %while3A = arith.constant 0 : i32
    %while3A_37 = arith.constant 0 : i32
    %while3A_38 = arith.subi %min3A_36, %while3A : i32
    %while3A_39 = arith.addi %while3A, %while3A_38 : i32
    %while3A_40 = arith.constant 1 : i32
    %while3A_41 = arith.divsi %while3A_38, %while3A_40 : i32
    %while3A_42 = arith.muli %while3A_41, %while3A_40 : i32
    %while3A_43 = arith.addi %while3A, %while3A_42 : i32
    %while3A_44 = arith.constant 1 : i32
    %while3A_45 = scf.for %while3A_77 = %while3A to %while3A_43 step %while3A_44 iter_args(%while3A_78 = %while3A_37) -> (i32)  : i32 {
      %mul3A_79 = arith.constant 80 : i32
      %mul3A_80 = arith.muli %while3A_77, %mul3A_79 : i32
      %add3A_81 = arith.addi %sub3A, %mul3A_80 : i32
      %dma_start3A = tpu.memref_slice %arg5[%add3A_81] : memref<10240xi32, #tpu.memory_space<vmem>> -> memref<80xi32, #tpu.memory_space<vmem>>
      %dma_start3A_82 = arith.constant 0 : i32
      %dma_start3A_83 = tpu.memref_slice %arg8[%dma_start3A_82] : memref<10240xf32, #tpu.memory_space<vmem_shared>> -> memref<10240xf32, #tpu.memory_space<vmem_shared>>
      tpu.enqueue_indirect_dma source(%arg6 : memref<80xf32, #tpu.memory_space<vmem>>) target(%dma_start3A_83 : memref<10240xf32, #tpu.memory_space<vmem_shared>>) offsets(%dma_start3A : memref<80xi32, #tpu.memory_space<vmem>>) semaphore(%arg7 : memref<!tpu.dma_semaphore, #tpu.memory_space<semaphore_mem>>) {add = true}
      %while3A_84 = arith.constant 0 : i32
      scf.yield %while3A_84 : i32
    }
    %while3A_46 = arith.constant 1 : i32
    %while3A_47 = scf.for %while3A_77 = %while3A_43 to %while3A_39 step %while3A_46 iter_args(%while3A_78 = %while3A_45) -> (i32)  : i32 {
      %mul3A_79 = arith.constant 80 : i32
      %mul3A_80 = arith.muli %while3A_77, %mul3A_79 : i32
      %add3A_81 = arith.addi %sub3A, %mul3A_80 : i32
      %dma_start3A = tpu.memref_slice %arg5[%add3A_81] : memref<10240xi32, #tpu.memory_space<vmem>> -> memref<80xi32, #tpu.memory_space<vmem>>
      %dma_start3A_82 = arith.constant 0 : i32
      %dma_start3A_83 = tpu.memref_slice %arg8[%dma_start3A_82] : memref<10240xf32, #tpu.memory_space<vmem_shared>> -> memref<10240xf32, #tpu.memory_space<vmem_shared>>
      tpu.enqueue_indirect_dma source(%arg6 : memref<80xf32, #tpu.memory_space<vmem>>) target(%dma_start3A_83 : memref<10240xf32, #tpu.memory_space<vmem_shared>>) offsets(%dma_start3A : memref<80xi32, #tpu.memory_space<vmem>>) semaphore(%arg7 : memref<!tpu.dma_semaphore, #tpu.memory_space<semaphore_mem>>) {add = true}
      %while3A_84 = arith.constant 0 : i32
      scf.yield %while3A_84 : i32
    }
    %while3A_48 = arith.constant 8 : i32
    %while3A_49 = arith.constant 0 : i32
    %while3A_50 = arith.subi %min3A_24, %while3A_48 : i32
    %while3A_51 = arith.addi %while3A_48, %while3A_50 : i32
    %while3A_52 = arith.constant 1 : i32
    %while3A_53 = arith.divsi %while3A_50, %while3A_52 : i32
    %while3A_54 = arith.muli %while3A_53, %while3A_52 : i32
    %while3A_55 = arith.addi %while3A_48, %while3A_54 : i32
    %while3A_56 = arith.constant 1 : i32
    %while3A_57 = scf.for %while3A_77 = %while3A_48 to %while3A_55 step %while3A_56 iter_args(%while3A_78 = %while3A_49) -> (i32)  : i32 {
      %sub3A_79 = arith.constant 8 : i32
      %sub3A_80 = arith.subi %while3A_77, %sub3A_79 : i32
      %mul3A_81 = arith.constant 80 : i32
      %mul3A_82 = arith.muli %sub3A_80, %mul3A_81 : i32
      %add3A_83 = arith.addi %sub3A, %mul3A_82 : i32
      %dma_wait3A = tpu.memref_slice %arg5[%add3A_83] : memref<10240xi32, #tpu.memory_space<vmem>> -> memref<80xi32, #tpu.memory_space<vmem>>
      %dma_wait3A_84 = arith.constant 0 : i32
      %dma_wait3A_85 = tpu.memref_slice %arg8[%dma_wait3A_84] : memref<10240xf32, #tpu.memory_space<vmem_shared>> -> memref<10240xf32, #tpu.memory_space<vmem_shared>>
      tpu.wait_indirect_dma semaphore(%arg7 : memref<!tpu.dma_semaphore, #tpu.memory_space<semaphore_mem>>) src(%arg6 : memref<80xf32, #tpu.memory_space<vmem>>) dst(%dma_wait3A_85 : memref<10240xf32, #tpu.memory_space<vmem_shared>>)
      %mul3A_86 = arith.constant 80 : i32
      %mul3A_87 = arith.muli %while3A_77, %mul3A_86 : i32
      %add3A_88 = arith.addi %sub3A, %mul3A_87 : i32
      %dma_start3A = tpu.memref_slice %arg5[%add3A_88] : memref<10240xi32, #tpu.memory_space<vmem>> -> memref<80xi32, #tpu.memory_space<vmem>>
      %dma_start3A_89 = arith.constant 0 : i32
      %dma_start3A_90 = tpu.memref_slice %arg8[%dma_start3A_89] : memref<10240xf32, #tpu.memory_space<vmem_shared>> -> memref<10240xf32, #tpu.memory_space<vmem_shared>>
      tpu.enqueue_indirect_dma source(%arg6 : memref<80xf32, #tpu.memory_space<vmem>>) target(%dma_start3A_90 : memref<10240xf32, #tpu.memory_space<vmem_shared>>) offsets(%dma_start3A : memref<80xi32, #tpu.memory_space<vmem>>) semaphore(%arg7 : memref<!tpu.dma_semaphore, #tpu.memory_space<semaphore_mem>>) {add = true}
      %while3A_91 = arith.constant 0 : i32
      scf.yield %while3A_91 : i32
    }
    %while3A_58 = arith.constant 1 : i32
    %while3A_59 = scf.for %while3A_77 = %while3A_55 to %while3A_51 step %while3A_58 iter_args(%while3A_78 = %while3A_57) -> (i32)  : i32 {
      %sub3A_79 = arith.constant 8 : i32
      %sub3A_80 = arith.subi %while3A_77, %sub3A_79 : i32
      %mul3A_81 = arith.constant 80 : i32
      %mul3A_82 = arith.muli %sub3A_80, %mul3A_81 : i32
      %add3A_83 = arith.addi %sub3A, %mul3A_82 : i32
      %dma_wait3A = tpu.memref_slice %arg5[%add3A_83] : memref<10240xi32, #tpu.memory_space<vmem>> -> memref<80xi32, #tpu.memory_space<vmem>>
      %dma_wait3A_84 = arith.constant 0 : i32
      %dma_wait3A_85 = tpu.memref_slice %arg8[%dma_wait3A_84] : memref<10240xf32, #tpu.memory_space<vmem_shared>> -> memref<10240xf32, #tpu.memory_space<vmem_shared>>
      tpu.wait_indirect_dma semaphore(%arg7 : memref<!tpu.dma_semaphore, #tpu.memory_space<semaphore_mem>>) src(%arg6 : memref<80xf32, #tpu.memory_space<vmem>>) dst(%dma_wait3A_85 : memref<10240xf32, #tpu.memory_space<vmem_shared>>)
      %mul3A_86 = arith.constant 80 : i32
      %mul3A_87 = arith.muli %while3A_77, %mul3A_86 : i32
      %add3A_88 = arith.addi %sub3A, %mul3A_87 : i32
      %dma_start3A = tpu.memref_slice %arg5[%add3A_88] : memref<10240xi32, #tpu.memory_space<vmem>> -> memref<80xi32, #tpu.memory_space<vmem>>
      %dma_start3A_89 = arith.constant 0 : i32
      %dma_start3A_90 = tpu.memref_slice %arg8[%dma_start3A_89] : memref<10240xf32, #tpu.memory_space<vmem_shared>> -> memref<10240xf32, #tpu.memory_space<vmem_shared>>
      tpu.enqueue_indirect_dma source(%arg6 : memref<80xf32, #tpu.memory_space<vmem>>) target(%dma_start3A_90 : memref<10240xf32, #tpu.memory_space<vmem_shared>>) offsets(%dma_start3A : memref<80xi32, #tpu.memory_space<vmem>>) semaphore(%arg7 : memref<!tpu.dma_semaphore, #tpu.memory_space<semaphore_mem>>) {add = true}
      %while3A_91 = arith.constant 0 : i32
      scf.yield %while3A_91 : i32
    }
    %sub3A_60 = arith.subi %min3A_24, %min3A_36 : i32
    %while3A_61 = arith.constant 0 : i32
    %while3A_62 = arith.subi %min3A_24, %sub3A_60 : i32
    %while3A_63 = arith.addi %sub3A_60, %while3A_62 : i32
    %while3A_64 = arith.constant 1 : i32
    %while3A_65 = arith.divsi %while3A_62, %while3A_64 : i32
    %while3A_66 = arith.muli %while3A_65, %while3A_64 : i32
    %while3A_67 = arith.addi %sub3A_60, %while3A_66 : i32
    %while3A_68 = arith.constant 1 : i32
    %while3A_69 = scf.for %while3A_77 = %sub3A_60 to %while3A_67 step %while3A_68 iter_args(%while3A_78 = %while3A_61) -> (i32)  : i32 {
      %mul3A_79 = arith.constant 80 : i32
      %mul3A_80 = arith.muli %while3A_77, %mul3A_79 : i32
      %add3A_81 = arith.addi %sub3A, %mul3A_80 : i32
      %dma_wait3A = tpu.memref_slice %arg5[%add3A_81] : memref<10240xi32, #tpu.memory_space<vmem>> -> memref<80xi32, #tpu.memory_space<vmem>>
      %dma_wait3A_82 = arith.constant 0 : i32
      %dma_wait3A_83 = tpu.memref_slice %arg8[%dma_wait3A_82] : memref<10240xf32, #tpu.memory_space<vmem_shared>> -> memref<10240xf32, #tpu.memory_space<vmem_shared>>
      tpu.wait_indirect_dma semaphore(%arg7 : memref<!tpu.dma_semaphore, #tpu.memory_space<semaphore_mem>>) src(%arg6 : memref<80xf32, #tpu.memory_space<vmem>>) dst(%dma_wait3A_83 : memref<10240xf32, #tpu.memory_space<vmem_shared>>)
      %while3A_84 = arith.constant 0 : i32
      scf.yield %while3A_84 : i32
    }
    %while3A_70 = arith.constant 1 : i32
    %while3A_71 = scf.for %while3A_77 = %while3A_67 to %while3A_63 step %while3A_70 iter_args(%while3A_78 = %while3A_69) -> (i32)  : i32 {
      %mul3A_79 = arith.constant 80 : i32
      %mul3A_80 = arith.muli %while3A_77, %mul3A_79 : i32
      %add3A_81 = arith.addi %sub3A, %mul3A_80 : i32
      %dma_wait3A = tpu.memref_slice %arg5[%add3A_81] : memref<10240xi32, #tpu.memory_space<vmem>> -> memref<80xi32, #tpu.memory_space<vmem>>
      %dma_wait3A_82 = arith.constant 0 : i32
      %dma_wait3A_83 = tpu.memref_slice %arg8[%dma_wait3A_82] : memref<10240xf32, #tpu.memory_space<vmem_shared>> -> memref<10240xf32, #tpu.memory_space<vmem_shared>>
      tpu.wait_indirect_dma semaphore(%arg7 : memref<!tpu.dma_semaphore, #tpu.memory_space<semaphore_mem>>) src(%arg6 : memref<80xf32, #tpu.memory_space<vmem>>) dst(%dma_wait3A_83 : memref<10240xf32, #tpu.memory_space<vmem_shared>>)
      %while3A_84 = arith.constant 0 : i32
      scf.yield %while3A_84 : i32
    }
    %barrier3A_72 = arith.constant 0 : index
    tpu.barrier barrier_id(%barrier3A_72)
    %mul3A_73 = arith.constant 640 : i32
    %mul3A_74 = arith.muli %arg1, %mul3A_73 : i32
    %mul3A_75 = arith.constant 640 : i32
    %mul3A_76 = arith.muli %arg1, %mul3A_75 : i32
    "tpu.region"() ({
      %run_scoped3A = tpu.sem_alloc : memref<!tpu.dma_semaphore, #tpu.memory_space<semaphore_mem>>
      %dma_start3A = tpu.memref_slice %arg4[%arg0, %mul3A_76] : memref<2x10240xf32, #tpu.memory_space<hbm>> -> memref<1x640xf32, #tpu.memory_space<hbm>>
      %dma_start3A_77 = tpu.memref_squeeze %dma_start3A : memref<1x640xf32, #tpu.memory_space<hbm>> -> memref<640xf32, #tpu.memory_space<hbm>>
      %dma_start3A_78 = tpu.memref_slice %arg8[%mul3A_74] : memref<10240xf32, #tpu.memory_space<vmem_shared>> -> memref<640xf32, #tpu.memory_space<vmem_shared>>
      tpu.enqueue_dma source(%dma_start3A_78 : memref<640xf32, #tpu.memory_space<vmem_shared>>) target(%dma_start3A_77 : memref<640xf32, #tpu.memory_space<hbm>>) target_semaphore(%run_scoped3A : memref<!tpu.dma_semaphore, #tpu.memory_space<semaphore_mem>>)
      %dma_wait3A = tpu.memref_slice %arg4[%arg0, %mul3A_76] : memref<2x10240xf32, #tpu.memory_space<hbm>> -> memref<1x640xf32, #tpu.memory_space<hbm>>
      %dma_wait3A_79 = tpu.memref_squeeze %dma_wait3A : memref<1x640xf32, #tpu.memory_space<hbm>> -> memref<640xf32, #tpu.memory_space<hbm>>
      %dma_wait3A_80 = tpu.memref_slice %arg8[%mul3A_74] : memref<10240xf32, #tpu.memory_space<vmem_shared>> -> memref<640xf32, #tpu.memory_space<vmem_shared>>
      tpu.wait_dma2 semaphore(%run_scoped3A : memref<!tpu.dma_semaphore, #tpu.memory_space<semaphore_mem>>) src(%dma_wait3A_80 : memref<640xf32, #tpu.memory_space<vmem_shared>>) dst(%dma_wait3A_79 : memref<640xf32, #tpu.memory_space<hbm>>)
      tpu.yield
    }) : () -> ()
    return
  }
}

#map = affine_map<(d0, d1) -> (0, 0)>
#map1 = affine_map<(d0, d1) -> (0)>
#map2 = affine_map<(d0, d1) -> (0, 0, 0)>
module attributes {stable_mosaic.version = 14 : i64} {
  func.func @_sc_agg(%arg0: i32, %arg1: i32, %arg2: memref<10000x128xf32, #tpu.memory_space<hbm>>, %arg3: memref<320000xi32, #tpu.memory_space<hbm>>, %arg4: memref<320000xi32, #tpu.memory_space<hbm>>, %arg5: memref<10240x128xf32, #tpu.memory_space<hbm>>, %arg6: memref<2x10240x128xf32, #tpu.memory_space<hbm>>, %arg7: memref<10240xi32, #tpu.memory_space<vmem>>, %arg8: memref<10240xi32, #tpu.memory_space<vmem>>, %arg9: memref<5x32x128xf32, #tpu.memory_space<vmem>>, %arg10: memref<5x!tpu.dma_semaphore, #tpu.memory_space<semaphore_mem>>, %arg11: memref<10240x128xf32, #tpu.memory_space<vmem_shared>>) attributes {dimension_semantics = [#tpu.dimension_semantics<core_parallel>, #tpu.dimension_semantics<subcore_parallel>], iteration_bounds = array<i64: 2, 16>, scalar_prefetch = 0 : i64, scratch_operands = 5 : i64, tpu.core_type = #tpu.core_type<sc_vector_subcore>, window_params = [{transform_indices = #map}, {transform_indices = #map1}, {transform_indices = #map1}, {transform_indices = #map}, {transform_indices = #map2}]} {
    %mul3A = arith.constant 2 : i32
    %mul3A_0 = arith.muli %arg1, %mul3A : i32
    %add3A = arith.addi %mul3A_0, %arg0 : i32
    %mul3A_1 = arith.constant 10240 : i32
    %mul3A_2 = arith.muli %add3A, %mul3A_1 : i32
    %min3A = arith.constant 309760 : i32
    %min3A_3 = arith.minsi %mul3A_2, %min3A : i32
    %sub3A = arith.subi %mul3A_2, %min3A_3 : i32
    %sub3A_4 = arith.constant 320000 : i32
    %sub3A_5 = arith.subi %sub3A_4, %mul3A_2 : i32
    %jit3A = arith.constant 32 : i32
    %div3A = arith.divsi %sub3A_5, %jit3A : i32
    %sign3A = arith.constant 0 : i32
    %sign3A_6 = arith.cmpi sgt, %sub3A_5, %sign3A : i32
    %sign3A_7 = arith.extui %sign3A_6 : i1 to i32
    %sign3A_8 = arith.constant 0 : i32
    %sign3A_9 = arith.cmpi slt, %sub3A_5, %sign3A_8 : i32
    %sign3A_10 = arith.extui %sign3A_9 : i1 to i32
    %sign3A_11 = arith.subi %sign3A_7, %sign3A_10 : i32
    %sign3A_12 = arith.constant 0 : i32
    %sign3A_13 = arith.cmpi sgt, %jit3A, %sign3A_12 : i32
    %sign3A_14 = arith.extui %sign3A_13 : i1 to i32
    %sign3A_15 = arith.constant 0 : i32
    %sign3A_16 = arith.cmpi slt, %jit3A, %sign3A_15 : i32
    %sign3A_17 = arith.extui %sign3A_16 : i1 to i32
    %sign3A_18 = arith.subi %sign3A_14, %sign3A_17 : i32
    %ne3A = arith.cmpi ne, %sign3A_11, %sign3A_18 : i32
    %rem3A = arith.remsi %sub3A_5, %jit3A : i32
    %ne3A_19 = arith.constant 0 : i32
    %ne3A_20 = arith.cmpi ne, %rem3A, %ne3A_19 : i32
    %and3A = arith.andi %ne3A, %ne3A_20 : i1
    %sub3A_21 = arith.constant 1 : i32
    %sub3A_22 = arith.subi %div3A, %sub3A_21 : i32
    %select_n3A = arith.select %and3A, %sub3A_22, %div3A : i32
    %min3A_23 = arith.constant 320 : i32
    %min3A_24 = arith.minsi %min3A_23, %select_n3A : i32
    %mul3A_25 = arith.constant 640 : i32
    %mul3A_26 = arith.muli %arg1, %mul3A_25 : i32
    %mul3A_27 = arith.constant 640 : i32
    %mul3A_28 = arith.muli %arg1, %mul3A_27 : i32
    "tpu.region"() ({
      %run_scoped3A_253 = tpu.sem_alloc : memref<!tpu.dma_semaphore, #tpu.memory_space<semaphore_mem>>
      %dma_start3A_254 = arith.constant 0 : i32
      %dma_start3A_255 = tpu.memref_slice %arg11[%mul3A_28, %dma_start3A_254] : memref<10240x128xf32, #tpu.memory_space<vmem_shared>> -> memref<640x128xf32, #tpu.memory_space<vmem_shared>>
      %dma_start3A_256 = arith.constant 0 : i32
      %dma_start3A_257 = tpu.memref_slice %arg5[%mul3A_26, %dma_start3A_256] : memref<10240x128xf32, #tpu.memory_space<hbm>> -> memref<640x128xf32, #tpu.memory_space<hbm>>
      tpu.enqueue_dma source(%dma_start3A_257 : memref<640x128xf32, #tpu.memory_space<hbm>>) target(%dma_start3A_255 : memref<640x128xf32, #tpu.memory_space<vmem_shared>>) target_semaphore(%run_scoped3A_253 : memref<!tpu.dma_semaphore, #tpu.memory_space<semaphore_mem>>)
      %dma_wait3A_258 = arith.constant 0 : i32
      %dma_wait3A_259 = tpu.memref_slice %arg11[%mul3A_28, %dma_wait3A_258] : memref<10240x128xf32, #tpu.memory_space<vmem_shared>> -> memref<640x128xf32, #tpu.memory_space<vmem_shared>>
      %dma_wait3A_260 = arith.constant 0 : i32
      %dma_wait3A_261 = tpu.memref_slice %arg5[%mul3A_26, %dma_wait3A_260] : memref<10240x128xf32, #tpu.memory_space<hbm>> -> memref<640x128xf32, #tpu.memory_space<hbm>>
      tpu.wait_dma2 semaphore(%run_scoped3A_253 : memref<!tpu.dma_semaphore, #tpu.memory_space<semaphore_mem>>) src(%dma_wait3A_261 : memref<640x128xf32, #tpu.memory_space<hbm>>) dst(%dma_wait3A_259 : memref<640x128xf32, #tpu.memory_space<vmem_shared>>)
      tpu.yield
    }) : () -> ()
    "tpu.region"() ({
      %run_scoped3A_253 = tpu.sem_alloc : memref<!tpu.dma_semaphore, #tpu.memory_space<semaphore_mem>>
      %dma_start3A_254 = tpu.memref_slice %arg3[%min3A_3] : memref<320000xi32, #tpu.memory_space<hbm>> -> memref<10240xi32, #tpu.memory_space<hbm>>
      %dma_start3A_255 = tpu.memref_slice %arg3[%min3A_3] : memref<320000xi32, #tpu.memory_space<hbm>> -> memref<10240xi32, #tpu.memory_space<hbm>>
      tpu.enqueue_dma source(%dma_start3A_255 : memref<10240xi32, #tpu.memory_space<hbm>>) target(%arg7 : memref<10240xi32, #tpu.memory_space<vmem>>) target_semaphore(%run_scoped3A_253 : memref<!tpu.dma_semaphore, #tpu.memory_space<semaphore_mem>>)
      %dma_wait3A_256 = tpu.memref_slice %arg3[%min3A_3] : memref<320000xi32, #tpu.memory_space<hbm>> -> memref<10240xi32, #tpu.memory_space<hbm>>
      %dma_wait3A_257 = tpu.memref_slice %arg3[%min3A_3] : memref<320000xi32, #tpu.memory_space<hbm>> -> memref<10240xi32, #tpu.memory_space<hbm>>
      tpu.wait_dma2 semaphore(%run_scoped3A_253 : memref<!tpu.dma_semaphore, #tpu.memory_space<semaphore_mem>>) src(%dma_wait3A_257 : memref<10240xi32, #tpu.memory_space<hbm>>) dst(%arg7 : memref<10240xi32, #tpu.memory_space<vmem>>)
      tpu.yield
    }) : () -> ()
    "tpu.region"() ({
      %run_scoped3A_253 = tpu.sem_alloc : memref<!tpu.dma_semaphore, #tpu.memory_space<semaphore_mem>>
      %dma_start3A_254 = tpu.memref_slice %arg4[%min3A_3] : memref<320000xi32, #tpu.memory_space<hbm>> -> memref<10240xi32, #tpu.memory_space<hbm>>
      %dma_start3A_255 = tpu.memref_slice %arg4[%min3A_3] : memref<320000xi32, #tpu.memory_space<hbm>> -> memref<10240xi32, #tpu.memory_space<hbm>>
      tpu.enqueue_dma source(%dma_start3A_255 : memref<10240xi32, #tpu.memory_space<hbm>>) target(%arg8 : memref<10240xi32, #tpu.memory_space<vmem>>) target_semaphore(%run_scoped3A_253 : memref<!tpu.dma_semaphore, #tpu.memory_space<semaphore_mem>>)
      %dma_wait3A_256 = tpu.memref_slice %arg4[%min3A_3] : memref<320000xi32, #tpu.memory_space<hbm>> -> memref<10240xi32, #tpu.memory_space<hbm>>
      %dma_wait3A_257 = tpu.memref_slice %arg4[%min3A_3] : memref<320000xi32, #tpu.memory_space<hbm>> -> memref<10240xi32, #tpu.memory_space<hbm>>
      tpu.wait_dma2 semaphore(%run_scoped3A_253 : memref<!tpu.dma_semaphore, #tpu.memory_space<semaphore_mem>>) src(%dma_wait3A_257 : memref<10240xi32, #tpu.memory_space<hbm>>) dst(%arg8 : memref<10240xi32, #tpu.memory_space<vmem>>)
      tpu.yield
    }) : () -> ()
    %barrier3A = arith.constant 0 : index
    tpu.barrier barrier_id(%barrier3A)
    %add3A_29 = arith.constant 0 : i32
    %add3A_30 = arith.addi %sub3A, %add3A_29 : i32
    %dma_start3A = arith.constant 0 : i32
    %dma_start3A_31 = arith.constant 0 : i32
    %dma_start3A_32 = arith.constant 0 : i32
    %dma_start3A_33 = arith.constant 0 : i32
    %dma_start3A_34 = tpu.memref_slice %arg9[%dma_start3A, %dma_start3A_32, %dma_start3A_33] : memref<5x32x128xf32, #tpu.memory_space<vmem>> -> memref<1x32x128xf32, #tpu.memory_space<vmem>>
    %dma_start3A_35 = tpu.memref_squeeze %dma_start3A_34 : memref<1x32x128xf32, #tpu.memory_space<vmem>> -> memref<32x128xf32, #tpu.memory_space<vmem>>
    %dma_start3A_36 = tpu.memref_slice %arg7[%add3A_30] : memref<10240xi32, #tpu.memory_space<vmem>> -> memref<32xi32, #tpu.memory_space<vmem>>
    %dma_start3A_37 = arith.constant 0 : i32
    %dma_start3A_38 = arith.constant 0 : i32
    %dma_start3A_39 = tpu.memref_slice %arg2[%dma_start3A_37, %dma_start3A_38] : memref<10000x128xf32, #tpu.memory_space<hbm>> -> memref<10000x128xf32, #tpu.memory_space<hbm>>
    %dma_start3A_40 = tpu.memref_slice %arg10[%dma_start3A_31] : memref<5x!tpu.dma_semaphore, #tpu.memory_space<semaphore_mem>> -> memref<1x!tpu.dma_semaphore, #tpu.memory_space<semaphore_mem>>
    %dma_start3A_41 = tpu.memref_squeeze %dma_start3A_40 : memref<1x!tpu.dma_semaphore, #tpu.memory_space<semaphore_mem>> -> memref<!tpu.dma_semaphore, #tpu.memory_space<semaphore_mem>>
    tpu.enqueue_indirect_dma source(%dma_start3A_39 : memref<10000x128xf32, #tpu.memory_space<hbm>>) target(%dma_start3A_35 : memref<32x128xf32, #tpu.memory_space<vmem>>) offsets(%dma_start3A_36 : memref<32xi32, #tpu.memory_space<vmem>>) semaphore(%dma_start3A_41 : memref<!tpu.dma_semaphore, #tpu.memory_space<semaphore_mem>>)
    %add3A_42 = arith.constant 32 : i32
    %add3A_43 = arith.addi %sub3A, %add3A_42 : i32
    %dma_start3A_44 = arith.constant 1 : i32
    %dma_start3A_45 = arith.constant 1 : i32
    %dma_start3A_46 = arith.constant 0 : i32
    %dma_start3A_47 = arith.constant 0 : i32
    %dma_start3A_48 = tpu.memref_slice %arg9[%dma_start3A_44, %dma_start3A_46, %dma_start3A_47] : memref<5x32x128xf32, #tpu.memory_space<vmem>> -> memref<1x32x128xf32, #tpu.memory_space<vmem>>
    %dma_start3A_49 = tpu.memref_squeeze %dma_start3A_48 : memref<1x32x128xf32, #tpu.memory_space<vmem>> -> memref<32x128xf32, #tpu.memory_space<vmem>>
    %dma_start3A_50 = tpu.memref_slice %arg7[%add3A_43] : memref<10240xi32, #tpu.memory_space<vmem>> -> memref<32xi32, #tpu.memory_space<vmem>>
    %dma_start3A_51 = arith.constant 0 : i32
    %dma_start3A_52 = arith.constant 0 : i32
    %dma_start3A_53 = tpu.memref_slice %arg2[%dma_start3A_51, %dma_start3A_52] : memref<10000x128xf32, #tpu.memory_space<hbm>> -> memref<10000x128xf32, #tpu.memory_space<hbm>>
    %dma_start3A_54 = tpu.memref_slice %arg10[%dma_start3A_45] : memref<5x!tpu.dma_semaphore, #tpu.memory_space<semaphore_mem>> -> memref<1x!tpu.dma_semaphore, #tpu.memory_space<semaphore_mem>>
    %dma_start3A_55 = tpu.memref_squeeze %dma_start3A_54 : memref<1x!tpu.dma_semaphore, #tpu.memory_space<semaphore_mem>> -> memref<!tpu.dma_semaphore, #tpu.memory_space<semaphore_mem>>
    tpu.enqueue_indirect_dma source(%dma_start3A_53 : memref<10000x128xf32, #tpu.memory_space<hbm>>) target(%dma_start3A_49 : memref<32x128xf32, #tpu.memory_space<vmem>>) offsets(%dma_start3A_50 : memref<32xi32, #tpu.memory_space<vmem>>) semaphore(%dma_start3A_55 : memref<!tpu.dma_semaphore, #tpu.memory_space<semaphore_mem>>)
    %add3A_56 = arith.constant 64 : i32
    %add3A_57 = arith.addi %sub3A, %add3A_56 : i32
    %dma_start3A_58 = arith.constant 2 : i32
    %dma_start3A_59 = arith.constant 2 : i32
    %dma_start3A_60 = arith.constant 0 : i32
    %dma_start3A_61 = arith.constant 0 : i32
    %dma_start3A_62 = tpu.memref_slice %arg9[%dma_start3A_58, %dma_start3A_60, %dma_start3A_61] : memref<5x32x128xf32, #tpu.memory_space<vmem>> -> memref<1x32x128xf32, #tpu.memory_space<vmem>>
    %dma_start3A_63 = tpu.memref_squeeze %dma_start3A_62 : memref<1x32x128xf32, #tpu.memory_space<vmem>> -> memref<32x128xf32, #tpu.memory_space<vmem>>
    %dma_start3A_64 = tpu.memref_slice %arg7[%add3A_57] : memref<10240xi32, #tpu.memory_space<vmem>> -> memref<32xi32, #tpu.memory_space<vmem>>
    %dma_start3A_65 = arith.constant 0 : i32
    %dma_start3A_66 = arith.constant 0 : i32
    %dma_start3A_67 = tpu.memref_slice %arg2[%dma_start3A_65, %dma_start3A_66] : memref<10000x128xf32, #tpu.memory_space<hbm>> -> memref<10000x128xf32, #tpu.memory_space<hbm>>
    %dma_start3A_68 = tpu.memref_slice %arg10[%dma_start3A_59] : memref<5x!tpu.dma_semaphore, #tpu.memory_space<semaphore_mem>> -> memref<1x!tpu.dma_semaphore, #tpu.memory_space<semaphore_mem>>
    %dma_start3A_69 = tpu.memref_squeeze %dma_start3A_68 : memref<1x!tpu.dma_semaphore, #tpu.memory_space<semaphore_mem>> -> memref<!tpu.dma_semaphore, #tpu.memory_space<semaphore_mem>>
    tpu.enqueue_indirect_dma source(%dma_start3A_67 : memref<10000x128xf32, #tpu.memory_space<hbm>>) target(%dma_start3A_63 : memref<32x128xf32, #tpu.memory_space<vmem>>) offsets(%dma_start3A_64 : memref<32xi32, #tpu.memory_space<vmem>>) semaphore(%dma_start3A_69 : memref<!tpu.dma_semaphore, #tpu.memory_space<semaphore_mem>>)
    %add3A_70 = arith.constant 96 : i32
    %add3A_71 = arith.addi %sub3A, %add3A_70 : i32
    %dma_start3A_72 = arith.constant 3 : i32
    %dma_start3A_73 = arith.constant 3 : i32
    %dma_start3A_74 = arith.constant 0 : i32
    %dma_start3A_75 = arith.constant 0 : i32
    %dma_start3A_76 = tpu.memref_slice %arg9[%dma_start3A_72, %dma_start3A_74, %dma_start3A_75] : memref<5x32x128xf32, #tpu.memory_space<vmem>> -> memref<1x32x128xf32, #tpu.memory_space<vmem>>
    %dma_start3A_77 = tpu.memref_squeeze %dma_start3A_76 : memref<1x32x128xf32, #tpu.memory_space<vmem>> -> memref<32x128xf32, #tpu.memory_space<vmem>>
    %dma_start3A_78 = tpu.memref_slice %arg7[%add3A_71] : memref<10240xi32, #tpu.memory_space<vmem>> -> memref<32xi32, #tpu.memory_space<vmem>>
    %dma_start3A_79 = arith.constant 0 : i32
    %dma_start3A_80 = arith.constant 0 : i32
    %dma_start3A_81 = tpu.memref_slice %arg2[%dma_start3A_79, %dma_start3A_80] : memref<10000x128xf32, #tpu.memory_space<hbm>> -> memref<10000x128xf32, #tpu.memory_space<hbm>>
    %dma_start3A_82 = tpu.memref_slice %arg10[%dma_start3A_73] : memref<5x!tpu.dma_semaphore, #tpu.memory_space<semaphore_mem>> -> memref<1x!tpu.dma_semaphore, #tpu.memory_space<semaphore_mem>>
    %dma_start3A_83 = tpu.memref_squeeze %dma_start3A_82 : memref<1x!tpu.dma_semaphore, #tpu.memory_space<semaphore_mem>> -> memref<!tpu.dma_semaphore, #tpu.memory_space<semaphore_mem>>
    tpu.enqueue_indirect_dma source(%dma_start3A_81 : memref<10000x128xf32, #tpu.memory_space<hbm>>) target(%dma_start3A_77 : memref<32x128xf32, #tpu.memory_space<vmem>>) offsets(%dma_start3A_78 : memref<32xi32, #tpu.memory_space<vmem>>) semaphore(%dma_start3A_83 : memref<!tpu.dma_semaphore, #tpu.memory_space<semaphore_mem>>)
    %add3A_84 = arith.constant 128 : i32
    %add3A_85 = arith.addi %sub3A, %add3A_84 : i32
    %dma_start3A_86 = arith.constant 4 : i32
    %dma_start3A_87 = arith.constant 4 : i32
    %dma_start3A_88 = arith.constant 0 : i32
    %dma_start3A_89 = arith.constant 0 : i32
    %dma_start3A_90 = tpu.memref_slice %arg9[%dma_start3A_86, %dma_start3A_88, %dma_start3A_89] : memref<5x32x128xf32, #tpu.memory_space<vmem>> -> memref<1x32x128xf32, #tpu.memory_space<vmem>>
    %dma_start3A_91 = tpu.memref_squeeze %dma_start3A_90 : memref<1x32x128xf32, #tpu.memory_space<vmem>> -> memref<32x128xf32, #tpu.memory_space<vmem>>
    %dma_start3A_92 = tpu.memref_slice %arg7[%add3A_85] : memref<10240xi32, #tpu.memory_space<vmem>> -> memref<32xi32, #tpu.memory_space<vmem>>
    %dma_start3A_93 = arith.constant 0 : i32
    %dma_start3A_94 = arith.constant 0 : i32
    %dma_start3A_95 = tpu.memref_slice %arg2[%dma_start3A_93, %dma_start3A_94] : memref<10000x128xf32, #tpu.memory_space<hbm>> -> memref<10000x128xf32, #tpu.memory_space<hbm>>
    %dma_start3A_96 = tpu.memref_slice %arg10[%dma_start3A_87] : memref<5x!tpu.dma_semaphore, #tpu.memory_space<semaphore_mem>> -> memref<1x!tpu.dma_semaphore, #tpu.memory_space<semaphore_mem>>
    %dma_start3A_97 = tpu.memref_squeeze %dma_start3A_96 : memref<1x!tpu.dma_semaphore, #tpu.memory_space<semaphore_mem>> -> memref<!tpu.dma_semaphore, #tpu.memory_space<semaphore_mem>>
    tpu.enqueue_indirect_dma source(%dma_start3A_95 : memref<10000x128xf32, #tpu.memory_space<hbm>>) target(%dma_start3A_91 : memref<32x128xf32, #tpu.memory_space<vmem>>) offsets(%dma_start3A_92 : memref<32xi32, #tpu.memory_space<vmem>>) semaphore(%dma_start3A_97 : memref<!tpu.dma_semaphore, #tpu.memory_space<semaphore_mem>>)
    %jit3A_98 = arith.constant 5 : i32
    %div3A_99 = arith.divsi %min3A_24, %jit3A_98 : i32
    %sign3A_100 = arith.constant 0 : i32
    %sign3A_101 = arith.cmpi sgt, %min3A_24, %sign3A_100 : i32
    %sign3A_102 = arith.extui %sign3A_101 : i1 to i32
    %sign3A_103 = arith.constant 0 : i32
    %sign3A_104 = arith.cmpi slt, %min3A_24, %sign3A_103 : i32
    %sign3A_105 = arith.extui %sign3A_104 : i1 to i32
    %sign3A_106 = arith.subi %sign3A_102, %sign3A_105 : i32
    %sign3A_107 = arith.constant 0 : i32
    %sign3A_108 = arith.cmpi sgt, %jit3A_98, %sign3A_107 : i32
    %sign3A_109 = arith.extui %sign3A_108 : i1 to i32
    %sign3A_110 = arith.constant 0 : i32
    %sign3A_111 = arith.cmpi slt, %jit3A_98, %sign3A_110 : i32
    %sign3A_112 = arith.extui %sign3A_111 : i1 to i32
    %sign3A_113 = arith.subi %sign3A_109, %sign3A_112 : i32
    %ne3A_114 = arith.cmpi ne, %sign3A_106, %sign3A_113 : i32
    %rem3A_115 = arith.remsi %min3A_24, %jit3A_98 : i32
    %ne3A_116 = arith.constant 0 : i32
    %ne3A_117 = arith.cmpi ne, %rem3A_115, %ne3A_116 : i32
    %and3A_118 = arith.andi %ne3A_114, %ne3A_117 : i1
    %sub3A_119 = arith.constant 1 : i32
    %sub3A_120 = arith.subi %div3A_99, %sub3A_119 : i32
    %select_n3A_121 = arith.select %and3A_118, %sub3A_120, %div3A_99 : i32
    %sub3A_122 = arith.constant 1 : i32
    %sub3A_123 = arith.subi %select_n3A_121, %sub3A_122 : i32
    %while3A = arith.constant 0 : i32
    %while3A_124 = arith.constant 0 : i32
    %while3A_125 = arith.subi %sub3A_123, %while3A : i32
    %while3A_126 = arith.addi %while3A, %while3A_125 : i32
    %while3A_127 = arith.constant 1 : i32
    %while3A_128 = arith.divsi %while3A_125, %while3A_127 : i32
    %while3A_129 = arith.muli %while3A_128, %while3A_127 : i32
    %while3A_130 = arith.addi %while3A, %while3A_129 : i32
    %while3A_131 = arith.constant 1 : i32
    %while3A_132 = scf.for %while3A_253 = %while3A to %while3A_130 step %while3A_131 iter_args(%while3A_254 = %while3A_124) -> (i32)  : i32 {
      %mul3A_255 = arith.constant 5 : i32
      %mul3A_256 = arith.muli %while3A_253, %mul3A_255 : i32
      %add3A_257 = arith.constant 0 : i32
      %add3A_258 = arith.addi %mul3A_256, %add3A_257 : i32
      %mul3A_259 = arith.constant 32 : i32
      %mul3A_260 = arith.muli %add3A_258, %mul3A_259 : i32
      %add3A_261 = arith.addi %sub3A, %mul3A_260 : i32
      %dma_wait3A_262 = arith.constant 0 : i32
      %dma_wait3A_263 = arith.constant 0 : i32
      %dma_wait3A_264 = arith.constant 0 : i32
      %dma_wait3A_265 = arith.constant 0 : i32
      %dma_wait3A_266 = tpu.memref_slice %arg9[%dma_wait3A_262, %dma_wait3A_264, %dma_wait3A_265] : memref<5x32x128xf32, #tpu.memory_space<vmem>> -> memref<1x32x128xf32, #tpu.memory_space<vmem>>
      %dma_wait3A_267 = tpu.memref_squeeze %dma_wait3A_266 : memref<1x32x128xf32, #tpu.memory_space<vmem>> -> memref<32x128xf32, #tpu.memory_space<vmem>>
      %dma_wait3A_268 = tpu.memref_slice %arg7[%add3A_261] : memref<10240xi32, #tpu.memory_space<vmem>> -> memref<32xi32, #tpu.memory_space<vmem>>
      %dma_wait3A_269 = arith.constant 0 : i32
      %dma_wait3A_270 = arith.constant 0 : i32
      %dma_wait3A_271 = tpu.memref_slice %arg2[%dma_wait3A_269, %dma_wait3A_270] : memref<10000x128xf32, #tpu.memory_space<hbm>> -> memref<10000x128xf32, #tpu.memory_space<hbm>>
      %dma_wait3A_272 = tpu.memref_slice %arg10[%dma_wait3A_263] : memref<5x!tpu.dma_semaphore, #tpu.memory_space<semaphore_mem>> -> memref<1x!tpu.dma_semaphore, #tpu.memory_space<semaphore_mem>>
      %dma_wait3A_273 = tpu.memref_squeeze %dma_wait3A_272 : memref<1x!tpu.dma_semaphore, #tpu.memory_space<semaphore_mem>> -> memref<!tpu.dma_semaphore, #tpu.memory_space<semaphore_mem>>
      tpu.wait_indirect_dma semaphore(%dma_wait3A_273 : memref<!tpu.dma_semaphore, #tpu.memory_space<semaphore_mem>>) src(%dma_wait3A_271 : memref<10000x128xf32, #tpu.memory_space<hbm>>) dst(%dma_wait3A_267 : memref<32x128xf32, #tpu.memory_space<vmem>>)
      %mul3A_274 = arith.constant 32 : i32
      %mul3A_275 = arith.muli %add3A_258, %mul3A_274 : i32
      %add3A_276 = arith.addi %sub3A, %mul3A_275 : i32
      %run_scoped3A_277 = arith.constant 0 : i32
      "tpu.region"() ({
        %run_scoped3A_456 = tpu.sem_alloc : memref<!tpu.dma_semaphore, #tpu.memory_space<semaphore_mem>>
        %dma_start3A_457 = arith.constant 0 : i32
        %dma_start3A_458 = arith.constant 0 : i32
        %dma_start3A_459 = tpu.memref_slice %arg9[%run_scoped3A_277, %dma_start3A_457, %dma_start3A_458] : memref<5x32x128xf32, #tpu.memory_space<vmem>> -> memref<1x32x128xf32, #tpu.memory_space<vmem>>
        %dma_start3A_460 = tpu.memref_squeeze %dma_start3A_459 : memref<1x32x128xf32, #tpu.memory_space<vmem>> -> memref<32x128xf32, #tpu.memory_space<vmem>>
        %dma_start3A_461 = tpu.memref_slice %arg8[%add3A_276] : memref<10240xi32, #tpu.memory_space<vmem>> -> memref<32xi32, #tpu.memory_space<vmem>>
        %dma_start3A_462 = arith.constant 0 : i32
        %dma_start3A_463 = arith.constant 0 : i32
        %dma_start3A_464 = tpu.memref_slice %arg11[%dma_start3A_462, %dma_start3A_463] : memref<10240x128xf32, #tpu.memory_space<vmem_shared>> -> memref<10240x128xf32, #tpu.memory_space<vmem_shared>>
        tpu.enqueue_indirect_dma source(%dma_start3A_460 : memref<32x128xf32, #tpu.memory_space<vmem>>) target(%dma_start3A_464 : memref<10240x128xf32, #tpu.memory_space<vmem_shared>>) offsets(%dma_start3A_461 : memref<32xi32, #tpu.memory_space<vmem>>) semaphore(%run_scoped3A_456 : memref<!tpu.dma_semaphore, #tpu.memory_space<semaphore_mem>>) {add = true}
        %dma_wait3A_465 = arith.constant 0 : i32
        %dma_wait3A_466 = arith.constant 0 : i32
        %dma_wait3A_467 = tpu.memref_slice %arg9[%run_scoped3A_277, %dma_wait3A_465, %dma_wait3A_466] : memref<5x32x128xf32, #tpu.memory_space<vmem>> -> memref<1x32x128xf32, #tpu.memory_space<vmem>>
        %dma_wait3A_468 = tpu.memref_squeeze %dma_wait3A_467 : memref<1x32x128xf32, #tpu.memory_space<vmem>> -> memref<32x128xf32, #tpu.memory_space<vmem>>
        %dma_wait3A_469 = tpu.memref_slice %arg8[%add3A_276] : memref<10240xi32, #tpu.memory_space<vmem>> -> memref<32xi32, #tpu.memory_space<vmem>>
        %dma_wait3A_470 = arith.constant 0 : i32
        %dma_wait3A_471 = arith.constant 0 : i32
        %dma_wait3A_472 = tpu.memref_slice %arg11[%dma_wait3A_470, %dma_wait3A_471] : memref<10240x128xf32, #tpu.memory_space<vmem_shared>> -> memref<10240x128xf32, #tpu.memory_space<vmem_shared>>
        tpu.wait_indirect_dma semaphore(%run_scoped3A_456 : memref<!tpu.dma_semaphore, #tpu.memory_space<semaphore_mem>>) src(%dma_wait3A_468 : memref<32x128xf32, #tpu.memory_space<vmem>>) dst(%dma_wait3A_472 : memref<10240x128xf32, #tpu.memory_space<vmem_shared>>)
        tpu.yield
      }) : () -> ()
      %add3A_278 = arith.constant 5 : i32
      %add3A_279 = arith.addi %add3A_258, %add3A_278 : i32
      %mul3A_280 = arith.constant 32 : i32
      %mul3A_281 = arith.muli %add3A_279, %mul3A_280 : i32
      %add3A_282 = arith.addi %sub3A, %mul3A_281 : i32
      %dma_start3A_283 = arith.constant 0 : i32
      %dma_start3A_284 = arith.constant 0 : i32
      %dma_start3A_285 = arith.constant 0 : i32
      %dma_start3A_286 = arith.constant 0 : i32
      %dma_start3A_287 = tpu.memref_slice %arg9[%dma_start3A_283, %dma_start3A_285, %dma_start3A_286] : memref<5x32x128xf32, #tpu.memory_space<vmem>> -> memref<1x32x128xf32, #tpu.memory_space<vmem>>
      %dma_start3A_288 = tpu.memref_squeeze %dma_start3A_287 : memref<1x32x128xf32, #tpu.memory_space<vmem>> -> memref<32x128xf32, #tpu.memory_space<vmem>>
      %dma_start3A_289 = tpu.memref_slice %arg7[%add3A_282] : memref<10240xi32, #tpu.memory_space<vmem>> -> memref<32xi32, #tpu.memory_space<vmem>>
      %dma_start3A_290 = arith.constant 0 : i32
      %dma_start3A_291 = arith.constant 0 : i32
      %dma_start3A_292 = tpu.memref_slice %arg2[%dma_start3A_290, %dma_start3A_291] : memref<10000x128xf32, #tpu.memory_space<hbm>> -> memref<10000x128xf32, #tpu.memory_space<hbm>>
      %dma_start3A_293 = tpu.memref_slice %arg10[%dma_start3A_284] : memref<5x!tpu.dma_semaphore, #tpu.memory_space<semaphore_mem>> -> memref<1x!tpu.dma_semaphore, #tpu.memory_space<semaphore_mem>>
      %dma_start3A_294 = tpu.memref_squeeze %dma_start3A_293 : memref<1x!tpu.dma_semaphore, #tpu.memory_space<semaphore_mem>> -> memref<!tpu.dma_semaphore, #tpu.memory_space<semaphore_mem>>
      tpu.enqueue_indirect_dma source(%dma_start3A_292 : memref<10000x128xf32, #tpu.memory_space<hbm>>) target(%dma_start3A_288 : memref<32x128xf32, #tpu.memory_space<vmem>>) offsets(%dma_start3A_289 : memref<32xi32, #tpu.memory_space<vmem>>) semaphore(%dma_start3A_294 : memref<!tpu.dma_semaphore, #tpu.memory_space<semaphore_mem>>)
      %mul3A_295 = arith.constant 5 : i32
      %mul3A_296 = arith.muli %while3A_253, %mul3A_295 : i32
      %add3A_297 = arith.constant 1 : i32
      %add3A_298 = arith.addi %mul3A_296, %add3A_297 : i32
      %mul3A_299 = arith.constant 32 : i32
      %mul3A_300 = arith.muli %add3A_298, %mul3A_299 : i32
      %add3A_301 = arith.addi %sub3A, %mul3A_300 : i32
      %dma_wait3A_302 = arith.constant 1 : i32
      %dma_wait3A_303 = arith.constant 1 : i32
      %dma_wait3A_304 = arith.constant 0 : i32
      %dma_wait3A_305 = arith.constant 0 : i32
      %dma_wait3A_306 = tpu.memref_slice %arg9[%dma_wait3A_302, %dma_wait3A_304, %dma_wait3A_305] : memref<5x32x128xf32, #tpu.memory_space<vmem>> -> memref<1x32x128xf32, #tpu.memory_space<vmem>>
      %dma_wait3A_307 = tpu.memref_squeeze %dma_wait3A_306 : memref<1x32x128xf32, #tpu.memory_space<vmem>> -> memref<32x128xf32, #tpu.memory_space<vmem>>
      %dma_wait3A_308 = tpu.memref_slice %arg7[%add3A_301] : memref<10240xi32, #tpu.memory_space<vmem>> -> memref<32xi32, #tpu.memory_space<vmem>>
      %dma_wait3A_309 = arith.constant 0 : i32
      %dma_wait3A_310 = arith.constant 0 : i32
      %dma_wait3A_311 = tpu.memref_slice %arg2[%dma_wait3A_309, %dma_wait3A_310] : memref<10000x128xf32, #tpu.memory_space<hbm>> -> memref<10000x128xf32, #tpu.memory_space<hbm>>
      %dma_wait3A_312 = tpu.memref_slice %arg10[%dma_wait3A_303] : memref<5x!tpu.dma_semaphore, #tpu.memory_space<semaphore_mem>> -> memref<1x!tpu.dma_semaphore, #tpu.memory_space<semaphore_mem>>
      %dma_wait3A_313 = tpu.memref_squeeze %dma_wait3A_312 : memref<1x!tpu.dma_semaphore, #tpu.memory_space<semaphore_mem>> -> memref<!tpu.dma_semaphore, #tpu.memory_space<semaphore_mem>>
      tpu.wait_indirect_dma semaphore(%dma_wait3A_313 : memref<!tpu.dma_semaphore, #tpu.memory_space<semaphore_mem>>) src(%dma_wait3A_311 : memref<10000x128xf32, #tpu.memory_space<hbm>>) dst(%dma_wait3A_307 : memref<32x128xf32, #tpu.memory_space<vmem>>)
      %mul3A_314 = arith.constant 32 : i32
      %mul3A_315 = arith.muli %add3A_298, %mul3A_314 : i32
      %add3A_316 = arith.addi %sub3A, %mul3A_315 : i32
      %run_scoped3A_317 = arith.constant 1 : i32
      "tpu.region"() ({
        %run_scoped3A_456 = tpu.sem_alloc : memref<!tpu.dma_semaphore, #tpu.memory_space<semaphore_mem>>
        %dma_start3A_457 = arith.constant 0 : i32
        %dma_start3A_458 = arith.constant 0 : i32
        %dma_start3A_459 = tpu.memref_slice %arg9[%run_scoped3A_317, %dma_start3A_457, %dma_start3A_458] : memref<5x32x128xf32, #tpu.memory_space<vmem>> -> memref<1x32x128xf32, #tpu.memory_space<vmem>>
        %dma_start3A_460 = tpu.memref_squeeze %dma_start3A_459 : memref<1x32x128xf32, #tpu.memory_space<vmem>> -> memref<32x128xf32, #tpu.memory_space<vmem>>
        %dma_start3A_461 = tpu.memref_slice %arg8[%add3A_316] : memref<10240xi32, #tpu.memory_space<vmem>> -> memref<32xi32, #tpu.memory_space<vmem>>
        %dma_start3A_462 = arith.constant 0 : i32
        %dma_start3A_463 = arith.constant 0 : i32
        %dma_start3A_464 = tpu.memref_slice %arg11[%dma_start3A_462, %dma_start3A_463] : memref<10240x128xf32, #tpu.memory_space<vmem_shared>> -> memref<10240x128xf32, #tpu.memory_space<vmem_shared>>
        tpu.enqueue_indirect_dma source(%dma_start3A_460 : memref<32x128xf32, #tpu.memory_space<vmem>>) target(%dma_start3A_464 : memref<10240x128xf32, #tpu.memory_space<vmem_shared>>) offsets(%dma_start3A_461 : memref<32xi32, #tpu.memory_space<vmem>>) semaphore(%run_scoped3A_456 : memref<!tpu.dma_semaphore, #tpu.memory_space<semaphore_mem>>) {add = true}
        %dma_wait3A_465 = arith.constant 0 : i32
        %dma_wait3A_466 = arith.constant 0 : i32
        %dma_wait3A_467 = tpu.memref_slice %arg9[%run_scoped3A_317, %dma_wait3A_465, %dma_wait3A_466] : memref<5x32x128xf32, #tpu.memory_space<vmem>> -> memref<1x32x128xf32, #tpu.memory_space<vmem>>
        %dma_wait3A_468 = tpu.memref_squeeze %dma_wait3A_467 : memref<1x32x128xf32, #tpu.memory_space<vmem>> -> memref<32x128xf32, #tpu.memory_space<vmem>>
        %dma_wait3A_469 = tpu.memref_slice %arg8[%add3A_316] : memref<10240xi32, #tpu.memory_space<vmem>> -> memref<32xi32, #tpu.memory_space<vmem>>
        %dma_wait3A_470 = arith.constant 0 : i32
        %dma_wait3A_471 = arith.constant 0 : i32
        %dma_wait3A_472 = tpu.memref_slice %arg11[%dma_wait3A_470, %dma_wait3A_471] : memref<10240x128xf32, #tpu.memory_space<vmem_shared>> -> memref<10240x128xf32, #tpu.memory_space<vmem_shared>>
        tpu.wait_indirect_dma semaphore(%run_scoped3A_456 : memref<!tpu.dma_semaphore, #tpu.memory_space<semaphore_mem>>) src(%dma_wait3A_468 : memref<32x128xf32, #tpu.memory_space<vmem>>) dst(%dma_wait3A_472 : memref<10240x128xf32, #tpu.memory_space<vmem_shared>>)
        tpu.yield
      }) : () -> ()
      %add3A_318 = arith.constant 5 : i32
      %add3A_319 = arith.addi %add3A_298, %add3A_318 : i32
      %mul3A_320 = arith.constant 32 : i32
      %mul3A_321 = arith.muli %add3A_319, %mul3A_320 : i32
      %add3A_322 = arith.addi %sub3A, %mul3A_321 : i32
      %dma_start3A_323 = arith.constant 1 : i32
      %dma_start3A_324 = arith.constant 1 : i32
      %dma_start3A_325 = arith.constant 0 : i32
      %dma_start3A_326 = arith.constant 0 : i32
      %dma_start3A_327 = tpu.memref_slice %arg9[%dma_start3A_323, %dma_start3A_325, %dma_start3A_326] : memref<5x32x128xf32, #tpu.memory_space<vmem>> -> memref<1x32x128xf32, #tpu.memory_space<vmem>>
      %dma_start3A_328 = tpu.memref_squeeze %dma_start3A_327 : memref<1x32x128xf32, #tpu.memory_space<vmem>> -> memref<32x128xf32, #tpu.memory_space<vmem>>
      %dma_start3A_329 = tpu.memref_slice %arg7[%add3A_322] : memref<10240xi32, #tpu.memory_space<vmem>> -> memref<32xi32, #tpu.memory_space<vmem>>
      %dma_start3A_330 = arith.constant 0 : i32
      %dma_start3A_331 = arith.constant 0 : i32
      %dma_start3A_332 = tpu.memref_slice %arg2[%dma_start3A_330, %dma_start3A_331] : memref<10000x128xf32, #tpu.memory_space<hbm>> -> memref<10000x128xf32, #tpu.memory_space<hbm>>
      %dma_start3A_333 = tpu.memref_slice %arg10[%dma_start3A_324] : memref<5x!tpu.dma_semaphore, #tpu.memory_space<semaphore_mem>> -> memref<1x!tpu.dma_semaphore, #tpu.memory_space<semaphore_mem>>
      %dma_start3A_334 = tpu.memref_squeeze %dma_start3A_333 : memref<1x!tpu.dma_semaphore, #tpu.memory_space<semaphore_mem>> -> memref<!tpu.dma_semaphore, #tpu.memory_space<semaphore_mem>>
      tpu.enqueue_indirect_dma source(%dma_start3A_332 : memref<10000x128xf32, #tpu.memory_space<hbm>>) target(%dma_start3A_328 : memref<32x128xf32, #tpu.memory_space<vmem>>) offsets(%dma_start3A_329 : memref<32xi32, #tpu.memory_space<vmem>>) semaphore(%dma_start3A_334 : memref<!tpu.dma_semaphore, #tpu.memory_space<semaphore_mem>>)
      %mul3A_335 = arith.constant 5 : i32
      %mul3A_336 = arith.muli %while3A_253, %mul3A_335 : i32
      %add3A_337 = arith.constant 2 : i32
      %add3A_338 = arith.addi %mul3A_336, %add3A_337 : i32
      %mul3A_339 = arith.constant 32 : i32
      %mul3A_340 = arith.muli %add3A_338, %mul3A_339 : i32
      %add3A_341 = arith.addi %sub3A, %mul3A_340 : i32
      %dma_wait3A_342 = arith.constant 2 : i32
      %dma_wait3A_343 = arith.constant 2 : i32
      %dma_wait3A_344 = arith.constant 0 : i32
      %dma_wait3A_345 = arith.constant 0 : i32
      %dma_wait3A_346 = tpu.memref_slice %arg9[%dma_wait3A_342, %dma_wait3A_344, %dma_wait3A_345] : memref<5x32x128xf32, #tpu.memory_space<vmem>> -> memref<1x32x128xf32, #tpu.memory_space<vmem>>
      %dma_wait3A_347 = tpu.memref_squeeze %dma_wait3A_346 : memref<1x32x128xf32, #tpu.memory_space<vmem>> -> memref<32x128xf32, #tpu.memory_space<vmem>>
      %dma_wait3A_348 = tpu.memref_slice %arg7[%add3A_341] : memref<10240xi32, #tpu.memory_space<vmem>> -> memref<32xi32, #tpu.memory_space<vmem>>
      %dma_wait3A_349 = arith.constant 0 : i32
      %dma_wait3A_350 = arith.constant 0 : i32
      %dma_wait3A_351 = tpu.memref_slice %arg2[%dma_wait3A_349, %dma_wait3A_350] : memref<10000x128xf32, #tpu.memory_space<hbm>> -> memref<10000x128xf32, #tpu.memory_space<hbm>>
      %dma_wait3A_352 = tpu.memref_slice %arg10[%dma_wait3A_343] : memref<5x!tpu.dma_semaphore, #tpu.memory_space<semaphore_mem>> -> memref<1x!tpu.dma_semaphore, #tpu.memory_space<semaphore_mem>>
      %dma_wait3A_353 = tpu.memref_squeeze %dma_wait3A_352 : memref<1x!tpu.dma_semaphore, #tpu.memory_space<semaphore_mem>> -> memref<!tpu.dma_semaphore, #tpu.memory_space<semaphore_mem>>
      tpu.wait_indirect_dma semaphore(%dma_wait3A_353 : memref<!tpu.dma_semaphore, #tpu.memory_space<semaphore_mem>>) src(%dma_wait3A_351 : memref<10000x128xf32, #tpu.memory_space<hbm>>) dst(%dma_wait3A_347 : memref<32x128xf32, #tpu.memory_space<vmem>>)
      %mul3A_354 = arith.constant 32 : i32
      %mul3A_355 = arith.muli %add3A_338, %mul3A_354 : i32
      %add3A_356 = arith.addi %sub3A, %mul3A_355 : i32
      %run_scoped3A_357 = arith.constant 2 : i32
      "tpu.region"() ({
        %run_scoped3A_456 = tpu.sem_alloc : memref<!tpu.dma_semaphore, #tpu.memory_space<semaphore_mem>>
        %dma_start3A_457 = arith.constant 0 : i32
        %dma_start3A_458 = arith.constant 0 : i32
        %dma_start3A_459 = tpu.memref_slice %arg9[%run_scoped3A_357, %dma_start3A_457, %dma_start3A_458] : memref<5x32x128xf32, #tpu.memory_space<vmem>> -> memref<1x32x128xf32, #tpu.memory_space<vmem>>
        %dma_start3A_460 = tpu.memref_squeeze %dma_start3A_459 : memref<1x32x128xf32, #tpu.memory_space<vmem>> -> memref<32x128xf32, #tpu.memory_space<vmem>>
        %dma_start3A_461 = tpu.memref_slice %arg8[%add3A_356] : memref<10240xi32, #tpu.memory_space<vmem>> -> memref<32xi32, #tpu.memory_space<vmem>>
        %dma_start3A_462 = arith.constant 0 : i32
        %dma_start3A_463 = arith.constant 0 : i32
        %dma_start3A_464 = tpu.memref_slice %arg11[%dma_start3A_462, %dma_start3A_463] : memref<10240x128xf32, #tpu.memory_space<vmem_shared>> -> memref<10240x128xf32, #tpu.memory_space<vmem_shared>>
        tpu.enqueue_indirect_dma source(%dma_start3A_460 : memref<32x128xf32, #tpu.memory_space<vmem>>) target(%dma_start3A_464 : memref<10240x128xf32, #tpu.memory_space<vmem_shared>>) offsets(%dma_start3A_461 : memref<32xi32, #tpu.memory_space<vmem>>) semaphore(%run_scoped3A_456 : memref<!tpu.dma_semaphore, #tpu.memory_space<semaphore_mem>>) {add = true}
        %dma_wait3A_465 = arith.constant 0 : i32
        %dma_wait3A_466 = arith.constant 0 : i32
        %dma_wait3A_467 = tpu.memref_slice %arg9[%run_scoped3A_357, %dma_wait3A_465, %dma_wait3A_466] : memref<5x32x128xf32, #tpu.memory_space<vmem>> -> memref<1x32x128xf32, #tpu.memory_space<vmem>>
        %dma_wait3A_468 = tpu.memref_squeeze %dma_wait3A_467 : memref<1x32x128xf32, #tpu.memory_space<vmem>> -> memref<32x128xf32, #tpu.memory_space<vmem>>
        %dma_wait3A_469 = tpu.memref_slice %arg8[%add3A_356] : memref<10240xi32, #tpu.memory_space<vmem>> -> memref<32xi32, #tpu.memory_space<vmem>>
        %dma_wait3A_470 = arith.constant 0 : i32
        %dma_wait3A_471 = arith.constant 0 : i32
        %dma_wait3A_472 = tpu.memref_slice %arg11[%dma_wait3A_470, %dma_wait3A_471] : memref<10240x128xf32, #tpu.memory_space<vmem_shared>> -> memref<10240x128xf32, #tpu.memory_space<vmem_shared>>
        tpu.wait_indirect_dma semaphore(%run_scoped3A_456 : memref<!tpu.dma_semaphore, #tpu.memory_space<semaphore_mem>>) src(%dma_wait3A_468 : memref<32x128xf32, #tpu.memory_space<vmem>>) dst(%dma_wait3A_472 : memref<10240x128xf32, #tpu.memory_space<vmem_shared>>)
        tpu.yield
      }) : () -> ()
      %add3A_358 = arith.constant 5 : i32
      %add3A_359 = arith.addi %add3A_338, %add3A_358 : i32
      %mul3A_360 = arith.constant 32 : i32
      %mul3A_361 = arith.muli %add3A_359, %mul3A_360 : i32
      %add3A_362 = arith.addi %sub3A, %mul3A_361 : i32
      %dma_start3A_363 = arith.constant 2 : i32
      %dma_start3A_364 = arith.constant 2 : i32
      %dma_start3A_365 = arith.constant 0 : i32
      %dma_start3A_366 = arith.constant 0 : i32
      %dma_start3A_367 = tpu.memref_slice %arg9[%dma_start3A_363, %dma_start3A_365, %dma_start3A_366] : memref<5x32x128xf32, #tpu.memory_space<vmem>> -> memref<1x32x128xf32, #tpu.memory_space<vmem>>
      %dma_start3A_368 = tpu.memref_squeeze %dma_start3A_367 : memref<1x32x128xf32, #tpu.memory_space<vmem>> -> memref<32x128xf32, #tpu.memory_space<vmem>>
      %dma_start3A_369 = tpu.memref_slice %arg7[%add3A_362] : memref<10240xi32, #tpu.memory_space<vmem>> -> memref<32xi32, #tpu.memory_space<vmem>>
      %dma_start3A_370 = arith.constant 0 : i32
      %dma_start3A_371 = arith.constant 0 : i32
      %dma_start3A_372 = tpu.memref_slice %arg2[%dma_start3A_370, %dma_start3A_371] : memref<10000x128xf32, #tpu.memory_space<hbm>> -> memref<10000x128xf32, #tpu.memory_space<hbm>>
      %dma_start3A_373 = tpu.memref_slice %arg10[%dma_start3A_364] : memref<5x!tpu.dma_semaphore, #tpu.memory_space<semaphore_mem>> -> memref<1x!tpu.dma_semaphore, #tpu.memory_space<semaphore_mem>>
      %dma_start3A_374 = tpu.memref_squeeze %dma_start3A_373 : memref<1x!tpu.dma_semaphore, #tpu.memory_space<semaphore_mem>> -> memref<!tpu.dma_semaphore, #tpu.memory_space<semaphore_mem>>
      tpu.enqueue_indirect_dma source(%dma_start3A_372 : memref<10000x128xf32, #tpu.memory_space<hbm>>) target(%dma_start3A_368 : memref<32x128xf32, #tpu.memory_space<vmem>>) offsets(%dma_start3A_369 : memref<32xi32, #tpu.memory_space<vmem>>) semaphore(%dma_start3A_374 : memref<!tpu.dma_semaphore, #tpu.memory_space<semaphore_mem>>)
      %mul3A_375 = arith.constant 5 : i32
      %mul3A_376 = arith.muli %while3A_253, %mul3A_375 : i32
      %add3A_377 = arith.constant 3 : i32
      %add3A_378 = arith.addi %mul3A_376, %add3A_377 : i32
      %mul3A_379 = arith.constant 32 : i32
      %mul3A_380 = arith.muli %add3A_378, %mul3A_379 : i32
      %add3A_381 = arith.addi %sub3A, %mul3A_380 : i32
      %dma_wait3A_382 = arith.constant 3 : i32
      %dma_wait3A_383 = arith.constant 3 : i32
      %dma_wait3A_384 = arith.constant 0 : i32
      %dma_wait3A_385 = arith.constant 0 : i32
      %dma_wait3A_386 = tpu.memref_slice %arg9[%dma_wait3A_382, %dma_wait3A_384, %dma_wait3A_385] : memref<5x32x128xf32, #tpu.memory_space<vmem>> -> memref<1x32x128xf32, #tpu.memory_space<vmem>>
      %dma_wait3A_387 = tpu.memref_squeeze %dma_wait3A_386 : memref<1x32x128xf32, #tpu.memory_space<vmem>> -> memref<32x128xf32, #tpu.memory_space<vmem>>
      %dma_wait3A_388 = tpu.memref_slice %arg7[%add3A_381] : memref<10240xi32, #tpu.memory_space<vmem>> -> memref<32xi32, #tpu.memory_space<vmem>>
      %dma_wait3A_389 = arith.constant 0 : i32
      %dma_wait3A_390 = arith.constant 0 : i32
      %dma_wait3A_391 = tpu.memref_slice %arg2[%dma_wait3A_389, %dma_wait3A_390] : memref<10000x128xf32, #tpu.memory_space<hbm>> -> memref<10000x128xf32, #tpu.memory_space<hbm>>
      %dma_wait3A_392 = tpu.memref_slice %arg10[%dma_wait3A_383] : memref<5x!tpu.dma_semaphore, #tpu.memory_space<semaphore_mem>> -> memref<1x!tpu.dma_semaphore, #tpu.memory_space<semaphore_mem>>
      %dma_wait3A_393 = tpu.memref_squeeze %dma_wait3A_392 : memref<1x!tpu.dma_semaphore, #tpu.memory_space<semaphore_mem>> -> memref<!tpu.dma_semaphore, #tpu.memory_space<semaphore_mem>>
      tpu.wait_indirect_dma semaphore(%dma_wait3A_393 : memref<!tpu.dma_semaphore, #tpu.memory_space<semaphore_mem>>) src(%dma_wait3A_391 : memref<10000x128xf32, #tpu.memory_space<hbm>>) dst(%dma_wait3A_387 : memref<32x128xf32, #tpu.memory_space<vmem>>)
      %mul3A_394 = arith.constant 32 : i32
      %mul3A_395 = arith.muli %add3A_378, %mul3A_394 : i32
      %add3A_396 = arith.addi %sub3A, %mul3A_395 : i32
      %run_scoped3A_397 = arith.constant 3 : i32
      "tpu.region"() ({
        %run_scoped3A_456 = tpu.sem_alloc : memref<!tpu.dma_semaphore, #tpu.memory_space<semaphore_mem>>
        %dma_start3A_457 = arith.constant 0 : i32
        %dma_start3A_458 = arith.constant 0 : i32
        %dma_start3A_459 = tpu.memref_slice %arg9[%run_scoped3A_397, %dma_start3A_457, %dma_start3A_458] : memref<5x32x128xf32, #tpu.memory_space<vmem>> -> memref<1x32x128xf32, #tpu.memory_space<vmem>>
        %dma_start3A_460 = tpu.memref_squeeze %dma_start3A_459 : memref<1x32x128xf32, #tpu.memory_space<vmem>> -> memref<32x128xf32, #tpu.memory_space<vmem>>
        %dma_start3A_461 = tpu.memref_slice %arg8[%add3A_396] : memref<10240xi32, #tpu.memory_space<vmem>> -> memref<32xi32, #tpu.memory_space<vmem>>
        %dma_start3A_462 = arith.constant 0 : i32
        %dma_start3A_463 = arith.constant 0 : i32
        %dma_start3A_464 = tpu.memref_slice %arg11[%dma_start3A_462, %dma_start3A_463] : memref<10240x128xf32, #tpu.memory_space<vmem_shared>> -> memref<10240x128xf32, #tpu.memory_space<vmem_shared>>
        tpu.enqueue_indirect_dma source(%dma_start3A_460 : memref<32x128xf32, #tpu.memory_space<vmem>>) target(%dma_start3A_464 : memref<10240x128xf32, #tpu.memory_space<vmem_shared>>) offsets(%dma_start3A_461 : memref<32xi32, #tpu.memory_space<vmem>>) semaphore(%run_scoped3A_456 : memref<!tpu.dma_semaphore, #tpu.memory_space<semaphore_mem>>) {add = true}
        %dma_wait3A_465 = arith.constant 0 : i32
        %dma_wait3A_466 = arith.constant 0 : i32
        %dma_wait3A_467 = tpu.memref_slice %arg9[%run_scoped3A_397, %dma_wait3A_465, %dma_wait3A_466] : memref<5x32x128xf32, #tpu.memory_space<vmem>> -> memref<1x32x128xf32, #tpu.memory_space<vmem>>
        %dma_wait3A_468 = tpu.memref_squeeze %dma_wait3A_467 : memref<1x32x128xf32, #tpu.memory_space<vmem>> -> memref<32x128xf32, #tpu.memory_space<vmem>>
        %dma_wait3A_469 = tpu.memref_slice %arg8[%add3A_396] : memref<10240xi32, #tpu.memory_space<vmem>> -> memref<32xi32, #tpu.memory_space<vmem>>
        %dma_wait3A_470 = arith.constant 0 : i32
        %dma_wait3A_471 = arith.constant 0 : i32
        %dma_wait3A_472 = tpu.memref_slice %arg11[%dma_wait3A_470, %dma_wait3A_471] : memref<10240x128xf32, #tpu.memory_space<vmem_shared>> -> memref<10240x128xf32, #tpu.memory_space<vmem_shared>>
        tpu.wait_indirect_dma semaphore(%run_scoped3A_456 : memref<!tpu.dma_semaphore, #tpu.memory_space<semaphore_mem>>) src(%dma_wait3A_468 : memref<32x128xf32, #tpu.memory_space<vmem>>) dst(%dma_wait3A_472 : memref<10240x128xf32, #tpu.memory_space<vmem_shared>>)
        tpu.yield
      }) : () -> ()
      %add3A_398 = arith.constant 5 : i32
      %add3A_399 = arith.addi %add3A_378, %add3A_398 : i32
      %mul3A_400 = arith.constant 32 : i32
      %mul3A_401 = arith.muli %add3A_399, %mul3A_400 : i32
      %add3A_402 = arith.addi %sub3A, %mul3A_401 : i32
      %dma_start3A_403 = arith.constant 3 : i32
      %dma_start3A_404 = arith.constant 3 : i32
      %dma_start3A_405 = arith.constant 0 : i32
      %dma_start3A_406 = arith.constant 0 : i32
      %dma_start3A_407 = tpu.memref_slice %arg9[%dma_start3A_403, %dma_start3A_405, %dma_start3A_406] : memref<5x32x128xf32, #tpu.memory_space<vmem>> -> memref<1x32x128xf32, #tpu.memory_space<vmem>>
      %dma_start3A_408 = tpu.memref_squeeze %dma_start3A_407 : memref<1x32x128xf32, #tpu.memory_space<vmem>> -> memref<32x128xf32, #tpu.memory_space<vmem>>
      %dma_start3A_409 = tpu.memref_slice %arg7[%add3A_402] : memref<10240xi32, #tpu.memory_space<vmem>> -> memref<32xi32, #tpu.memory_space<vmem>>
      %dma_start3A_410 = arith.constant 0 : i32
      %dma_start3A_411 = arith.constant 0 : i32
      %dma_start3A_412 = tpu.memref_slice %arg2[%dma_start3A_410, %dma_start3A_411] : memref<10000x128xf32, #tpu.memory_space<hbm>> -> memref<10000x128xf32, #tpu.memory_space<hbm>>
      %dma_start3A_413 = tpu.memref_slice %arg10[%dma_start3A_404] : memref<5x!tpu.dma_semaphore, #tpu.memory_space<semaphore_mem>> -> memref<1x!tpu.dma_semaphore, #tpu.memory_space<semaphore_mem>>
      %dma_start3A_414 = tpu.memref_squeeze %dma_start3A_413 : memref<1x!tpu.dma_semaphore, #tpu.memory_space<semaphore_mem>> -> memref<!tpu.dma_semaphore, #tpu.memory_space<semaphore_mem>>
      tpu.enqueue_indirect_dma source(%dma_start3A_412 : memref<10000x128xf32, #tpu.memory_space<hbm>>) target(%dma_start3A_408 : memref<32x128xf32, #tpu.memory_space<vmem>>) offsets(%dma_start3A_409 : memref<32xi32, #tpu.memory_space<vmem>>) semaphore(%dma_start3A_414 : memref<!tpu.dma_semaphore, #tpu.memory_space<semaphore_mem>>)
      %mul3A_415 = arith.constant 5 : i32
      %mul3A_416 = arith.muli %while3A_253, %mul3A_415 : i32
      %add3A_417 = arith.constant 4 : i32
      %add3A_418 = arith.addi %mul3A_416, %add3A_417 : i32
      %mul3A_419 = arith.constant 32 : i32
      %mul3A_420 = arith.muli %add3A_418, %mul3A_419 : i32
      %add3A_421 = arith.addi %sub3A, %mul3A_420 : i32
      %dma_wait3A_422 = arith.constant 4 : i32
      %dma_wait3A_423 = arith.constant 4 : i32
      %dma_wait3A_424 = arith.constant 0 : i32
      %dma_wait3A_425 = arith.constant 0 : i32
      %dma_wait3A_426 = tpu.memref_slice %arg9[%dma_wait3A_422, %dma_wait3A_424, %dma_wait3A_425] : memref<5x32x128xf32, #tpu.memory_space<vmem>> -> memref<1x32x128xf32, #tpu.memory_space<vmem>>
      %dma_wait3A_427 = tpu.memref_squeeze %dma_wait3A_426 : memref<1x32x128xf32, #tpu.memory_space<vmem>> -> memref<32x128xf32, #tpu.memory_space<vmem>>
      %dma_wait3A_428 = tpu.memref_slice %arg7[%add3A_421] : memref<10240xi32, #tpu.memory_space<vmem>> -> memref<32xi32, #tpu.memory_space<vmem>>
      %dma_wait3A_429 = arith.constant 0 : i32
      %dma_wait3A_430 = arith.constant 0 : i32
      %dma_wait3A_431 = tpu.memref_slice %arg2[%dma_wait3A_429, %dma_wait3A_430] : memref<10000x128xf32, #tpu.memory_space<hbm>> -> memref<10000x128xf32, #tpu.memory_space<hbm>>
      %dma_wait3A_432 = tpu.memref_slice %arg10[%dma_wait3A_423] : memref<5x!tpu.dma_semaphore, #tpu.memory_space<semaphore_mem>> -> memref<1x!tpu.dma_semaphore, #tpu.memory_space<semaphore_mem>>
      %dma_wait3A_433 = tpu.memref_squeeze %dma_wait3A_432 : memref<1x!tpu.dma_semaphore, #tpu.memory_space<semaphore_mem>> -> memref<!tpu.dma_semaphore, #tpu.memory_space<semaphore_mem>>
      tpu.wait_indirect_dma semaphore(%dma_wait3A_433 : memref<!tpu.dma_semaphore, #tpu.memory_space<semaphore_mem>>) src(%dma_wait3A_431 : memref<10000x128xf32, #tpu.memory_space<hbm>>) dst(%dma_wait3A_427 : memref<32x128xf32, #tpu.memory_space<vmem>>)
      %mul3A_434 = arith.constant 32 : i32
      %mul3A_435 = arith.muli %add3A_418, %mul3A_434 : i32
      %add3A_436 = arith.addi %sub3A, %mul3A_435 : i32
      %run_scoped3A_437 = arith.constant 4 : i32
      "tpu.region"() ({
        %run_scoped3A_456 = tpu.sem_alloc : memref<!tpu.dma_semaphore, #tpu.memory_space<semaphore_mem>>
        %dma_start3A_457 = arith.constant 0 : i32
        %dma_start3A_458 = arith.constant 0 : i32
        %dma_start3A_459 = tpu.memref_slice %arg9[%run_scoped3A_437, %dma_start3A_457, %dma_start3A_458] : memref<5x32x128xf32, #tpu.memory_space<vmem>> -> memref<1x32x128xf32, #tpu.memory_space<vmem>>
        %dma_start3A_460 = tpu.memref_squeeze %dma_start3A_459 : memref<1x32x128xf32, #tpu.memory_space<vmem>> -> memref<32x128xf32, #tpu.memory_space<vmem>>
        %dma_start3A_461 = tpu.memref_slice %arg8[%add3A_436] : memref<10240xi32, #tpu.memory_space<vmem>> -> memref<32xi32, #tpu.memory_space<vmem>>
        %dma_start3A_462 = arith.constant 0 : i32
        %dma_start3A_463 = arith.constant 0 : i32
        %dma_start3A_464 = tpu.memref_slice %arg11[%dma_start3A_462, %dma_start3A_463] : memref<10240x128xf32, #tpu.memory_space<vmem_shared>> -> memref<10240x128xf32, #tpu.memory_space<vmem_shared>>
        tpu.enqueue_indirect_dma source(%dma_start3A_460 : memref<32x128xf32, #tpu.memory_space<vmem>>) target(%dma_start3A_464 : memref<10240x128xf32, #tpu.memory_space<vmem_shared>>) offsets(%dma_start3A_461 : memref<32xi32, #tpu.memory_space<vmem>>) semaphore(%run_scoped3A_456 : memref<!tpu.dma_semaphore, #tpu.memory_space<semaphore_mem>>) {add = true}
        %dma_wait3A_465 = arith.constant 0 : i32
        %dma_wait3A_466 = arith.constant 0 : i32
        %dma_wait3A_467 = tpu.memref_slice %arg9[%run_scoped3A_437, %dma_wait3A_465, %dma_wait3A_466] : memref<5x32x128xf32, #tpu.memory_space<vmem>> -> memref<1x32x128xf32, #tpu.memory_space<vmem>>
        %dma_wait3A_468 = tpu.memref_squeeze %dma_wait3A_467 : memref<1x32x128xf32, #tpu.memory_space<vmem>> -> memref<32x128xf32, #tpu.memory_space<vmem>>
        %dma_wait3A_469 = tpu.memref_slice %arg8[%add3A_436] : memref<10240xi32, #tpu.memory_space<vmem>> -> memref<32xi32, #tpu.memory_space<vmem>>
        %dma_wait3A_470 = arith.constant 0 : i32
        %dma_wait3A_471 = arith.constant 0 : i32
        %dma_wait3A_472 = tpu.memref_slice %arg11[%dma_wait3A_470, %dma_wait3A_471] : memref<10240x128xf32, #tpu.memory_space<vmem_shared>> -> memref<10240x128xf32, #tpu.memory_space<vmem_shared>>
        tpu.wait_indirect_dma semaphore(%run_scoped3A_456 : memref<!tpu.dma_semaphore, #tpu.memory_space<semaphore_mem>>) src(%dma_wait3A_468 : memref<32x128xf32, #tpu.memory_space<vmem>>) dst(%dma_wait3A_472 : memref<10240x128xf32, #tpu.memory_space<vmem_shared>>)
        tpu.yield
      }) : () -> ()
      %add3A_438 = arith.constant 5 : i32
      %add3A_439 = arith.addi %add3A_418, %add3A_438 : i32
      %mul3A_440 = arith.constant 32 : i32
      %mul3A_441 = arith.muli %add3A_439, %mul3A_440 : i32
      %add3A_442 = arith.addi %sub3A, %mul3A_441 : i32
      %dma_start3A_443 = arith.constant 4 : i32
      %dma_start3A_444 = arith.constant 4 : i32
      %dma_start3A_445 = arith.constant 0 : i32
      %dma_start3A_446 = arith.constant 0 : i32
      %dma_start3A_447 = tpu.memref_slice %arg9[%dma_start3A_443, %dma_start3A_445, %dma_start3A_446] : memref<5x32x128xf32, #tpu.memory_space<vmem>> -> memref<1x32x128xf32, #tpu.memory_space<vmem>>
      %dma_start3A_448 = tpu.memref_squeeze %dma_start3A_447 : memref<1x32x128xf32, #tpu.memory_space<vmem>> -> memref<32x128xf32, #tpu.memory_space<vmem>>
      %dma_start3A_449 = tpu.memref_slice %arg7[%add3A_442] : memref<10240xi32, #tpu.memory_space<vmem>> -> memref<32xi32, #tpu.memory_space<vmem>>
      %dma_start3A_450 = arith.constant 0 : i32
      %dma_start3A_451 = arith.constant 0 : i32
      %dma_start3A_452 = tpu.memref_slice %arg2[%dma_start3A_450, %dma_start3A_451] : memref<10000x128xf32, #tpu.memory_space<hbm>> -> memref<10000x128xf32, #tpu.memory_space<hbm>>
      %dma_start3A_453 = tpu.memref_slice %arg10[%dma_start3A_444] : memref<5x!tpu.dma_semaphore, #tpu.memory_space<semaphore_mem>> -> memref<1x!tpu.dma_semaphore, #tpu.memory_space<semaphore_mem>>
      %dma_start3A_454 = tpu.memref_squeeze %dma_start3A_453 : memref<1x!tpu.dma_semaphore, #tpu.memory_space<semaphore_mem>> -> memref<!tpu.dma_semaphore, #tpu.memory_space<semaphore_mem>>
      tpu.enqueue_indirect_dma source(%dma_start3A_452 : memref<10000x128xf32, #tpu.memory_space<hbm>>) target(%dma_start3A_448 : memref<32x128xf32, #tpu.memory_space<vmem>>) offsets(%dma_start3A_449 : memref<32xi32, #tpu.memory_space<vmem>>) semaphore(%dma_start3A_454 : memref<!tpu.dma_semaphore, #tpu.memory_space<semaphore_mem>>)
      %while3A_455 = arith.constant 0 : i32
      scf.yield %while3A_455 : i32
    }
    %while3A_133 = arith.constant 1 : i32
    %while3A_134 = scf.for %while3A_253 = %while3A_130 to %while3A_126 step %while3A_133 iter_args(%while3A_254 = %while3A_132) -> (i32)  : i32 {
      %mul3A_255 = arith.constant 5 : i32
      %mul3A_256 = arith.muli %while3A_253, %mul3A_255 : i32
      %add3A_257 = arith.constant 0 : i32
      %add3A_258 = arith.addi %mul3A_256, %add3A_257 : i32
      %mul3A_259 = arith.constant 32 : i32
      %mul3A_260 = arith.muli %add3A_258, %mul3A_259 : i32
      %add3A_261 = arith.addi %sub3A, %mul3A_260 : i32
      %dma_wait3A_262 = arith.constant 0 : i32
      %dma_wait3A_263 = arith.constant 0 : i32
      %dma_wait3A_264 = arith.constant 0 : i32
      %dma_wait3A_265 = arith.constant 0 : i32
      %dma_wait3A_266 = tpu.memref_slice %arg9[%dma_wait3A_262, %dma_wait3A_264, %dma_wait3A_265] : memref<5x32x128xf32, #tpu.memory_space<vmem>> -> memref<1x32x128xf32, #tpu.memory_space<vmem>>
      %dma_wait3A_267 = tpu.memref_squeeze %dma_wait3A_266 : memref<1x32x128xf32, #tpu.memory_space<vmem>> -> memref<32x128xf32, #tpu.memory_space<vmem>>
      %dma_wait3A_268 = tpu.memref_slice %arg7[%add3A_261] : memref<10240xi32, #tpu.memory_space<vmem>> -> memref<32xi32, #tpu.memory_space<vmem>>
      %dma_wait3A_269 = arith.constant 0 : i32
      %dma_wait3A_270 = arith.constant 0 : i32
      %dma_wait3A_271 = tpu.memref_slice %arg2[%dma_wait3A_269, %dma_wait3A_270] : memref<10000x128xf32, #tpu.memory_space<hbm>> -> memref<10000x128xf32, #tpu.memory_space<hbm>>
      %dma_wait3A_272 = tpu.memref_slice %arg10[%dma_wait3A_263] : memref<5x!tpu.dma_semaphore, #tpu.memory_space<semaphore_mem>> -> memref<1x!tpu.dma_semaphore, #tpu.memory_space<semaphore_mem>>
      %dma_wait3A_273 = tpu.memref_squeeze %dma_wait3A_272 : memref<1x!tpu.dma_semaphore, #tpu.memory_space<semaphore_mem>> -> memref<!tpu.dma_semaphore, #tpu.memory_space<semaphore_mem>>
      tpu.wait_indirect_dma semaphore(%dma_wait3A_273 : memref<!tpu.dma_semaphore, #tpu.memory_space<semaphore_mem>>) src(%dma_wait3A_271 : memref<10000x128xf32, #tpu.memory_space<hbm>>) dst(%dma_wait3A_267 : memref<32x128xf32, #tpu.memory_space<vmem>>)
      %mul3A_274 = arith.constant 32 : i32
      %mul3A_275 = arith.muli %add3A_258, %mul3A_274 : i32
      %add3A_276 = arith.addi %sub3A, %mul3A_275 : i32
      %run_scoped3A_277 = arith.constant 0 : i32
      "tpu.region"() ({
        %run_scoped3A_456 = tpu.sem_alloc : memref<!tpu.dma_semaphore, #tpu.memory_space<semaphore_mem>>
        %dma_start3A_457 = arith.constant 0 : i32
        %dma_start3A_458 = arith.constant 0 : i32
        %dma_start3A_459 = tpu.memref_slice %arg9[%run_scoped3A_277, %dma_start3A_457, %dma_start3A_458] : memref<5x32x128xf32, #tpu.memory_space<vmem>> -> memref<1x32x128xf32, #tpu.memory_space<vmem>>
        %dma_start3A_460 = tpu.memref_squeeze %dma_start3A_459 : memref<1x32x128xf32, #tpu.memory_space<vmem>> -> memref<32x128xf32, #tpu.memory_space<vmem>>
        %dma_start3A_461 = tpu.memref_slice %arg8[%add3A_276] : memref<10240xi32, #tpu.memory_space<vmem>> -> memref<32xi32, #tpu.memory_space<vmem>>
        %dma_start3A_462 = arith.constant 0 : i32
        %dma_start3A_463 = arith.constant 0 : i32
        %dma_start3A_464 = tpu.memref_slice %arg11[%dma_start3A_462, %dma_start3A_463] : memref<10240x128xf32, #tpu.memory_space<vmem_shared>> -> memref<10240x128xf32, #tpu.memory_space<vmem_shared>>
        tpu.enqueue_indirect_dma source(%dma_start3A_460 : memref<32x128xf32, #tpu.memory_space<vmem>>) target(%dma_start3A_464 : memref<10240x128xf32, #tpu.memory_space<vmem_shared>>) offsets(%dma_start3A_461 : memref<32xi32, #tpu.memory_space<vmem>>) semaphore(%run_scoped3A_456 : memref<!tpu.dma_semaphore, #tpu.memory_space<semaphore_mem>>) {add = true}
        %dma_wait3A_465 = arith.constant 0 : i32
        %dma_wait3A_466 = arith.constant 0 : i32
        %dma_wait3A_467 = tpu.memref_slice %arg9[%run_scoped3A_277, %dma_wait3A_465, %dma_wait3A_466] : memref<5x32x128xf32, #tpu.memory_space<vmem>> -> memref<1x32x128xf32, #tpu.memory_space<vmem>>
        %dma_wait3A_468 = tpu.memref_squeeze %dma_wait3A_467 : memref<1x32x128xf32, #tpu.memory_space<vmem>> -> memref<32x128xf32, #tpu.memory_space<vmem>>
        %dma_wait3A_469 = tpu.memref_slice %arg8[%add3A_276] : memref<10240xi32, #tpu.memory_space<vmem>> -> memref<32xi32, #tpu.memory_space<vmem>>
        %dma_wait3A_470 = arith.constant 0 : i32
        %dma_wait3A_471 = arith.constant 0 : i32
        %dma_wait3A_472 = tpu.memref_slice %arg11[%dma_wait3A_470, %dma_wait3A_471] : memref<10240x128xf32, #tpu.memory_space<vmem_shared>> -> memref<10240x128xf32, #tpu.memory_space<vmem_shared>>
        tpu.wait_indirect_dma semaphore(%run_scoped3A_456 : memref<!tpu.dma_semaphore, #tpu.memory_space<semaphore_mem>>) src(%dma_wait3A_468 : memref<32x128xf32, #tpu.memory_space<vmem>>) dst(%dma_wait3A_472 : memref<10240x128xf32, #tpu.memory_space<vmem_shared>>)
        tpu.yield
      }) : () -> ()
      %add3A_278 = arith.constant 5 : i32
      %add3A_279 = arith.addi %add3A_258, %add3A_278 : i32
      %mul3A_280 = arith.constant 32 : i32
      %mul3A_281 = arith.muli %add3A_279, %mul3A_280 : i32
      %add3A_282 = arith.addi %sub3A, %mul3A_281 : i32
      %dma_start3A_283 = arith.constant 0 : i32
      %dma_start3A_284 = arith.constant 0 : i32
      %dma_start3A_285 = arith.constant 0 : i32
      %dma_start3A_286 = arith.constant 0 : i32
      %dma_start3A_287 = tpu.memref_slice %arg9[%dma_start3A_283, %dma_start3A_285, %dma_start3A_286] : memref<5x32x128xf32, #tpu.memory_space<vmem>> -> memref<1x32x128xf32, #tpu.memory_space<vmem>>
      %dma_start3A_288 = tpu.memref_squeeze %dma_start3A_287 : memref<1x32x128xf32, #tpu.memory_space<vmem>> -> memref<32x128xf32, #tpu.memory_space<vmem>>
      %dma_start3A_289 = tpu.memref_slice %arg7[%add3A_282] : memref<10240xi32, #tpu.memory_space<vmem>> -> memref<32xi32, #tpu.memory_space<vmem>>
      %dma_start3A_290 = arith.constant 0 : i32
      %dma_start3A_291 = arith.constant 0 : i32
      %dma_start3A_292 = tpu.memref_slice %arg2[%dma_start3A_290, %dma_start3A_291] : memref<10000x128xf32, #tpu.memory_space<hbm>> -> memref<10000x128xf32, #tpu.memory_space<hbm>>
      %dma_start3A_293 = tpu.memref_slice %arg10[%dma_start3A_284] : memref<5x!tpu.dma_semaphore, #tpu.memory_space<semaphore_mem>> -> memref<1x!tpu.dma_semaphore, #tpu.memory_space<semaphore_mem>>
      %dma_start3A_294 = tpu.memref_squeeze %dma_start3A_293 : memref<1x!tpu.dma_semaphore, #tpu.memory_space<semaphore_mem>> -> memref<!tpu.dma_semaphore, #tpu.memory_space<semaphore_mem>>
      tpu.enqueue_indirect_dma source(%dma_start3A_292 : memref<10000x128xf32, #tpu.memory_space<hbm>>) target(%dma_start3A_288 : memref<32x128xf32, #tpu.memory_space<vmem>>) offsets(%dma_start3A_289 : memref<32xi32, #tpu.memory_space<vmem>>) semaphore(%dma_start3A_294 : memref<!tpu.dma_semaphore, #tpu.memory_space<semaphore_mem>>)
      %mul3A_295 = arith.constant 5 : i32
      %mul3A_296 = arith.muli %while3A_253, %mul3A_295 : i32
      %add3A_297 = arith.constant 1 : i32
      %add3A_298 = arith.addi %mul3A_296, %add3A_297 : i32
      %mul3A_299 = arith.constant 32 : i32
      %mul3A_300 = arith.muli %add3A_298, %mul3A_299 : i32
      %add3A_301 = arith.addi %sub3A, %mul3A_300 : i32
      %dma_wait3A_302 = arith.constant 1 : i32
      %dma_wait3A_303 = arith.constant 1 : i32
      %dma_wait3A_304 = arith.constant 0 : i32
      %dma_wait3A_305 = arith.constant 0 : i32
      %dma_wait3A_306 = tpu.memref_slice %arg9[%dma_wait3A_302, %dma_wait3A_304, %dma_wait3A_305] : memref<5x32x128xf32, #tpu.memory_space<vmem>> -> memref<1x32x128xf32, #tpu.memory_space<vmem>>
      %dma_wait3A_307 = tpu.memref_squeeze %dma_wait3A_306 : memref<1x32x128xf32, #tpu.memory_space<vmem>> -> memref<32x128xf32, #tpu.memory_space<vmem>>
      %dma_wait3A_308 = tpu.memref_slice %arg7[%add3A_301] : memref<10240xi32, #tpu.memory_space<vmem>> -> memref<32xi32, #tpu.memory_space<vmem>>
      %dma_wait3A_309 = arith.constant 0 : i32
      %dma_wait3A_310 = arith.constant 0 : i32
      %dma_wait3A_311 = tpu.memref_slice %arg2[%dma_wait3A_309, %dma_wait3A_310] : memref<10000x128xf32, #tpu.memory_space<hbm>> -> memref<10000x128xf32, #tpu.memory_space<hbm>>
      %dma_wait3A_312 = tpu.memref_slice %arg10[%dma_wait3A_303] : memref<5x!tpu.dma_semaphore, #tpu.memory_space<semaphore_mem>> -> memref<1x!tpu.dma_semaphore, #tpu.memory_space<semaphore_mem>>
      %dma_wait3A_313 = tpu.memref_squeeze %dma_wait3A_312 : memref<1x!tpu.dma_semaphore, #tpu.memory_space<semaphore_mem>> -> memref<!tpu.dma_semaphore, #tpu.memory_space<semaphore_mem>>
      tpu.wait_indirect_dma semaphore(%dma_wait3A_313 : memref<!tpu.dma_semaphore, #tpu.memory_space<semaphore_mem>>) src(%dma_wait3A_311 : memref<10000x128xf32, #tpu.memory_space<hbm>>) dst(%dma_wait3A_307 : memref<32x128xf32, #tpu.memory_space<vmem>>)
      %mul3A_314 = arith.constant 32 : i32
      %mul3A_315 = arith.muli %add3A_298, %mul3A_314 : i32
      %add3A_316 = arith.addi %sub3A, %mul3A_315 : i32
      %run_scoped3A_317 = arith.constant 1 : i32
      "tpu.region"() ({
        %run_scoped3A_456 = tpu.sem_alloc : memref<!tpu.dma_semaphore, #tpu.memory_space<semaphore_mem>>
        %dma_start3A_457 = arith.constant 0 : i32
        %dma_start3A_458 = arith.constant 0 : i32
        %dma_start3A_459 = tpu.memref_slice %arg9[%run_scoped3A_317, %dma_start3A_457, %dma_start3A_458] : memref<5x32x128xf32, #tpu.memory_space<vmem>> -> memref<1x32x128xf32, #tpu.memory_space<vmem>>
        %dma_start3A_460 = tpu.memref_squeeze %dma_start3A_459 : memref<1x32x128xf32, #tpu.memory_space<vmem>> -> memref<32x128xf32, #tpu.memory_space<vmem>>
        %dma_start3A_461 = tpu.memref_slice %arg8[%add3A_316] : memref<10240xi32, #tpu.memory_space<vmem>> -> memref<32xi32, #tpu.memory_space<vmem>>
        %dma_start3A_462 = arith.constant 0 : i32
        %dma_start3A_463 = arith.constant 0 : i32
        %dma_start3A_464 = tpu.memref_slice %arg11[%dma_start3A_462, %dma_start3A_463] : memref<10240x128xf32, #tpu.memory_space<vmem_shared>> -> memref<10240x128xf32, #tpu.memory_space<vmem_shared>>
        tpu.enqueue_indirect_dma source(%dma_start3A_460 : memref<32x128xf32, #tpu.memory_space<vmem>>) target(%dma_start3A_464 : memref<10240x128xf32, #tpu.memory_space<vmem_shared>>) offsets(%dma_start3A_461 : memref<32xi32, #tpu.memory_space<vmem>>) semaphore(%run_scoped3A_456 : memref<!tpu.dma_semaphore, #tpu.memory_space<semaphore_mem>>) {add = true}
        %dma_wait3A_465 = arith.constant 0 : i32
        %dma_wait3A_466 = arith.constant 0 : i32
        %dma_wait3A_467 = tpu.memref_slice %arg9[%run_scoped3A_317, %dma_wait3A_465, %dma_wait3A_466] : memref<5x32x128xf32, #tpu.memory_space<vmem>> -> memref<1x32x128xf32, #tpu.memory_space<vmem>>
        %dma_wait3A_468 = tpu.memref_squeeze %dma_wait3A_467 : memref<1x32x128xf32, #tpu.memory_space<vmem>> -> memref<32x128xf32, #tpu.memory_space<vmem>>
        %dma_wait3A_469 = tpu.memref_slice %arg8[%add3A_316] : memref<10240xi32, #tpu.memory_space<vmem>> -> memref<32xi32, #tpu.memory_space<vmem>>
        %dma_wait3A_470 = arith.constant 0 : i32
        %dma_wait3A_471 = arith.constant 0 : i32
        %dma_wait3A_472 = tpu.memref_slice %arg11[%dma_wait3A_470, %dma_wait3A_471] : memref<10240x128xf32, #tpu.memory_space<vmem_shared>> -> memref<10240x128xf32, #tpu.memory_space<vmem_shared>>
        tpu.wait_indirect_dma semaphore(%run_scoped3A_456 : memref<!tpu.dma_semaphore, #tpu.memory_space<semaphore_mem>>) src(%dma_wait3A_468 : memref<32x128xf32, #tpu.memory_space<vmem>>) dst(%dma_wait3A_472 : memref<10240x128xf32, #tpu.memory_space<vmem_shared>>)
        tpu.yield
      }) : () -> ()
      %add3A_318 = arith.constant 5 : i32
      %add3A_319 = arith.addi %add3A_298, %add3A_318 : i32
      %mul3A_320 = arith.constant 32 : i32
      %mul3A_321 = arith.muli %add3A_319, %mul3A_320 : i32
      %add3A_322 = arith.addi %sub3A, %mul3A_321 : i32
      %dma_start3A_323 = arith.constant 1 : i32
      %dma_start3A_324 = arith.constant 1 : i32
      %dma_start3A_325 = arith.constant 0 : i32
      %dma_start3A_326 = arith.constant 0 : i32
      %dma_start3A_327 = tpu.memref_slice %arg9[%dma_start3A_323, %dma_start3A_325, %dma_start3A_326] : memref<5x32x128xf32, #tpu.memory_space<vmem>> -> memref<1x32x128xf32, #tpu.memory_space<vmem>>
      %dma_start3A_328 = tpu.memref_squeeze %dma_start3A_327 : memref<1x32x128xf32, #tpu.memory_space<vmem>> -> memref<32x128xf32, #tpu.memory_space<vmem>>
      %dma_start3A_329 = tpu.memref_slice %arg7[%add3A_322] : memref<10240xi32, #tpu.memory_space<vmem>> -> memref<32xi32, #tpu.memory_space<vmem>>
      %dma_start3A_330 = arith.constant 0 : i32
      %dma_start3A_331 = arith.constant 0 : i32
      %dma_start3A_332 = tpu.memref_slice %arg2[%dma_start3A_330, %dma_start3A_331] : memref<10000x128xf32, #tpu.memory_space<hbm>> -> memref<10000x128xf32, #tpu.memory_space<hbm>>
      %dma_start3A_333 = tpu.memref_slice %arg10[%dma_start3A_324] : memref<5x!tpu.dma_semaphore, #tpu.memory_space<semaphore_mem>> -> memref<1x!tpu.dma_semaphore, #tpu.memory_space<semaphore_mem>>
      %dma_start3A_334 = tpu.memref_squeeze %dma_start3A_333 : memref<1x!tpu.dma_semaphore, #tpu.memory_space<semaphore_mem>> -> memref<!tpu.dma_semaphore, #tpu.memory_space<semaphore_mem>>
      tpu.enqueue_indirect_dma source(%dma_start3A_332 : memref<10000x128xf32, #tpu.memory_space<hbm>>) target(%dma_start3A_328 : memref<32x128xf32, #tpu.memory_space<vmem>>) offsets(%dma_start3A_329 : memref<32xi32, #tpu.memory_space<vmem>>) semaphore(%dma_start3A_334 : memref<!tpu.dma_semaphore, #tpu.memory_space<semaphore_mem>>)
      %mul3A_335 = arith.constant 5 : i32
      %mul3A_336 = arith.muli %while3A_253, %mul3A_335 : i32
      %add3A_337 = arith.constant 2 : i32
      %add3A_338 = arith.addi %mul3A_336, %add3A_337 : i32
      %mul3A_339 = arith.constant 32 : i32
      %mul3A_340 = arith.muli %add3A_338, %mul3A_339 : i32
      %add3A_341 = arith.addi %sub3A, %mul3A_340 : i32
      %dma_wait3A_342 = arith.constant 2 : i32
      %dma_wait3A_343 = arith.constant 2 : i32
      %dma_wait3A_344 = arith.constant 0 : i32
      %dma_wait3A_345 = arith.constant 0 : i32
      %dma_wait3A_346 = tpu.memref_slice %arg9[%dma_wait3A_342, %dma_wait3A_344, %dma_wait3A_345] : memref<5x32x128xf32, #tpu.memory_space<vmem>> -> memref<1x32x128xf32, #tpu.memory_space<vmem>>
      %dma_wait3A_347 = tpu.memref_squeeze %dma_wait3A_346 : memref<1x32x128xf32, #tpu.memory_space<vmem>> -> memref<32x128xf32, #tpu.memory_space<vmem>>
      %dma_wait3A_348 = tpu.memref_slice %arg7[%add3A_341] : memref<10240xi32, #tpu.memory_space<vmem>> -> memref<32xi32, #tpu.memory_space<vmem>>
      %dma_wait3A_349 = arith.constant 0 : i32
      %dma_wait3A_350 = arith.constant 0 : i32
      %dma_wait3A_351 = tpu.memref_slice %arg2[%dma_wait3A_349, %dma_wait3A_350] : memref<10000x128xf32, #tpu.memory_space<hbm>> -> memref<10000x128xf32, #tpu.memory_space<hbm>>
      %dma_wait3A_352 = tpu.memref_slice %arg10[%dma_wait3A_343] : memref<5x!tpu.dma_semaphore, #tpu.memory_space<semaphore_mem>> -> memref<1x!tpu.dma_semaphore, #tpu.memory_space<semaphore_mem>>
      %dma_wait3A_353 = tpu.memref_squeeze %dma_wait3A_352 : memref<1x!tpu.dma_semaphore, #tpu.memory_space<semaphore_mem>> -> memref<!tpu.dma_semaphore, #tpu.memory_space<semaphore_mem>>
      tpu.wait_indirect_dma semaphore(%dma_wait3A_353 : memref<!tpu.dma_semaphore, #tpu.memory_space<semaphore_mem>>) src(%dma_wait3A_351 : memref<10000x128xf32, #tpu.memory_space<hbm>>) dst(%dma_wait3A_347 : memref<32x128xf32, #tpu.memory_space<vmem>>)
      %mul3A_354 = arith.constant 32 : i32
      %mul3A_355 = arith.muli %add3A_338, %mul3A_354 : i32
      %add3A_356 = arith.addi %sub3A, %mul3A_355 : i32
      %run_scoped3A_357 = arith.constant 2 : i32
      "tpu.region"() ({
        %run_scoped3A_456 = tpu.sem_alloc : memref<!tpu.dma_semaphore, #tpu.memory_space<semaphore_mem>>
        %dma_start3A_457 = arith.constant 0 : i32
        %dma_start3A_458 = arith.constant 0 : i32
        %dma_start3A_459 = tpu.memref_slice %arg9[%run_scoped3A_357, %dma_start3A_457, %dma_start3A_458] : memref<5x32x128xf32, #tpu.memory_space<vmem>> -> memref<1x32x128xf32, #tpu.memory_space<vmem>>
        %dma_start3A_460 = tpu.memref_squeeze %dma_start3A_459 : memref<1x32x128xf32, #tpu.memory_space<vmem>> -> memref<32x128xf32, #tpu.memory_space<vmem>>
        %dma_start3A_461 = tpu.memref_slice %arg8[%add3A_356] : memref<10240xi32, #tpu.memory_space<vmem>> -> memref<32xi32, #tpu.memory_space<vmem>>
        %dma_start3A_462 = arith.constant 0 : i32
        %dma_start3A_463 = arith.constant 0 : i32
        %dma_start3A_464 = tpu.memref_slice %arg11[%dma_start3A_462, %dma_start3A_463] : memref<10240x128xf32, #tpu.memory_space<vmem_shared>> -> memref<10240x128xf32, #tpu.memory_space<vmem_shared>>
        tpu.enqueue_indirect_dma source(%dma_start3A_460 : memref<32x128xf32, #tpu.memory_space<vmem>>) target(%dma_start3A_464 : memref<10240x128xf32, #tpu.memory_space<vmem_shared>>) offsets(%dma_start3A_461 : memref<32xi32, #tpu.memory_space<vmem>>) semaphore(%run_scoped3A_456 : memref<!tpu.dma_semaphore, #tpu.memory_space<semaphore_mem>>) {add = true}
        %dma_wait3A_465 = arith.constant 0 : i32
        %dma_wait3A_466 = arith.constant 0 : i32
        %dma_wait3A_467 = tpu.memref_slice %arg9[%run_scoped3A_357, %dma_wait3A_465, %dma_wait3A_466] : memref<5x32x128xf32, #tpu.memory_space<vmem>> -> memref<1x32x128xf32, #tpu.memory_space<vmem>>
        %dma_wait3A_468 = tpu.memref_squeeze %dma_wait3A_467 : memref<1x32x128xf32, #tpu.memory_space<vmem>> -> memref<32x128xf32, #tpu.memory_space<vmem>>
        %dma_wait3A_469 = tpu.memref_slice %arg8[%add3A_356] : memref<10240xi32, #tpu.memory_space<vmem>> -> memref<32xi32, #tpu.memory_space<vmem>>
        %dma_wait3A_470 = arith.constant 0 : i32
        %dma_wait3A_471 = arith.constant 0 : i32
        %dma_wait3A_472 = tpu.memref_slice %arg11[%dma_wait3A_470, %dma_wait3A_471] : memref<10240x128xf32, #tpu.memory_space<vmem_shared>> -> memref<10240x128xf32, #tpu.memory_space<vmem_shared>>
        tpu.wait_indirect_dma semaphore(%run_scoped3A_456 : memref<!tpu.dma_semaphore, #tpu.memory_space<semaphore_mem>>) src(%dma_wait3A_468 : memref<32x128xf32, #tpu.memory_space<vmem>>) dst(%dma_wait3A_472 : memref<10240x128xf32, #tpu.memory_space<vmem_shared>>)
        tpu.yield
      }) : () -> ()
      %add3A_358 = arith.constant 5 : i32
      %add3A_359 = arith.addi %add3A_338, %add3A_358 : i32
      %mul3A_360 = arith.constant 32 : i32
      %mul3A_361 = arith.muli %add3A_359, %mul3A_360 : i32
      %add3A_362 = arith.addi %sub3A, %mul3A_361 : i32
      %dma_start3A_363 = arith.constant 2 : i32
      %dma_start3A_364 = arith.constant 2 : i32
      %dma_start3A_365 = arith.constant 0 : i32
      %dma_start3A_366 = arith.constant 0 : i32
      %dma_start3A_367 = tpu.memref_slice %arg9[%dma_start3A_363, %dma_start3A_365, %dma_start3A_366] : memref<5x32x128xf32, #tpu.memory_space<vmem>> -> memref<1x32x128xf32, #tpu.memory_space<vmem>>
      %dma_start3A_368 = tpu.memref_squeeze %dma_start3A_367 : memref<1x32x128xf32, #tpu.memory_space<vmem>> -> memref<32x128xf32, #tpu.memory_space<vmem>>
      %dma_start3A_369 = tpu.memref_slice %arg7[%add3A_362] : memref<10240xi32, #tpu.memory_space<vmem>> -> memref<32xi32, #tpu.memory_space<vmem>>
      %dma_start3A_370 = arith.constant 0 : i32
      %dma_start3A_371 = arith.constant 0 : i32
      %dma_start3A_372 = tpu.memref_slice %arg2[%dma_start3A_370, %dma_start3A_371] : memref<10000x128xf32, #tpu.memory_space<hbm>> -> memref<10000x128xf32, #tpu.memory_space<hbm>>
      %dma_start3A_373 = tpu.memref_slice %arg10[%dma_start3A_364] : memref<5x!tpu.dma_semaphore, #tpu.memory_space<semaphore_mem>> -> memref<1x!tpu.dma_semaphore, #tpu.memory_space<semaphore_mem>>
      %dma_start3A_374 = tpu.memref_squeeze %dma_start3A_373 : memref<1x!tpu.dma_semaphore, #tpu.memory_space<semaphore_mem>> -> memref<!tpu.dma_semaphore, #tpu.memory_space<semaphore_mem>>
      tpu.enqueue_indirect_dma source(%dma_start3A_372 : memref<10000x128xf32, #tpu.memory_space<hbm>>) target(%dma_start3A_368 : memref<32x128xf32, #tpu.memory_space<vmem>>) offsets(%dma_start3A_369 : memref<32xi32, #tpu.memory_space<vmem>>) semaphore(%dma_start3A_374 : memref<!tpu.dma_semaphore, #tpu.memory_space<semaphore_mem>>)
      %mul3A_375 = arith.constant 5 : i32
      %mul3A_376 = arith.muli %while3A_253, %mul3A_375 : i32
      %add3A_377 = arith.constant 3 : i32
      %add3A_378 = arith.addi %mul3A_376, %add3A_377 : i32
      %mul3A_379 = arith.constant 32 : i32
      %mul3A_380 = arith.muli %add3A_378, %mul3A_379 : i32
      %add3A_381 = arith.addi %sub3A, %mul3A_380 : i32
      %dma_wait3A_382 = arith.constant 3 : i32
      %dma_wait3A_383 = arith.constant 3 : i32
      %dma_wait3A_384 = arith.constant 0 : i32
      %dma_wait3A_385 = arith.constant 0 : i32
      %dma_wait3A_386 = tpu.memref_slice %arg9[%dma_wait3A_382, %dma_wait3A_384, %dma_wait3A_385] : memref<5x32x128xf32, #tpu.memory_space<vmem>> -> memref<1x32x128xf32, #tpu.memory_space<vmem>>
      %dma_wait3A_387 = tpu.memref_squeeze %dma_wait3A_386 : memref<1x32x128xf32, #tpu.memory_space<vmem>> -> memref<32x128xf32, #tpu.memory_space<vmem>>
      %dma_wait3A_388 = tpu.memref_slice %arg7[%add3A_381] : memref<10240xi32, #tpu.memory_space<vmem>> -> memref<32xi32, #tpu.memory_space<vmem>>
      %dma_wait3A_389 = arith.constant 0 : i32
      %dma_wait3A_390 = arith.constant 0 : i32
      %dma_wait3A_391 = tpu.memref_slice %arg2[%dma_wait3A_389, %dma_wait3A_390] : memref<10000x128xf32, #tpu.memory_space<hbm>> -> memref<10000x128xf32, #tpu.memory_space<hbm>>
      %dma_wait3A_392 = tpu.memref_slice %arg10[%dma_wait3A_383] : memref<5x!tpu.dma_semaphore, #tpu.memory_space<semaphore_mem>> -> memref<1x!tpu.dma_semaphore, #tpu.memory_space<semaphore_mem>>
      %dma_wait3A_393 = tpu.memref_squeeze %dma_wait3A_392 : memref<1x!tpu.dma_semaphore, #tpu.memory_space<semaphore_mem>> -> memref<!tpu.dma_semaphore, #tpu.memory_space<semaphore_mem>>
      tpu.wait_indirect_dma semaphore(%dma_wait3A_393 : memref<!tpu.dma_semaphore, #tpu.memory_space<semaphore_mem>>) src(%dma_wait3A_391 : memref<10000x128xf32, #tpu.memory_space<hbm>>) dst(%dma_wait3A_387 : memref<32x128xf32, #tpu.memory_space<vmem>>)
      %mul3A_394 = arith.constant 32 : i32
      %mul3A_395 = arith.muli %add3A_378, %mul3A_394 : i32
      %add3A_396 = arith.addi %sub3A, %mul3A_395 : i32
      %run_scoped3A_397 = arith.constant 3 : i32
      "tpu.region"() ({
        %run_scoped3A_456 = tpu.sem_alloc : memref<!tpu.dma_semaphore, #tpu.memory_space<semaphore_mem>>
        %dma_start3A_457 = arith.constant 0 : i32
        %dma_start3A_458 = arith.constant 0 : i32
        %dma_start3A_459 = tpu.memref_slice %arg9[%run_scoped3A_397, %dma_start3A_457, %dma_start3A_458] : memref<5x32x128xf32, #tpu.memory_space<vmem>> -> memref<1x32x128xf32, #tpu.memory_space<vmem>>
        %dma_start3A_460 = tpu.memref_squeeze %dma_start3A_459 : memref<1x32x128xf32, #tpu.memory_space<vmem>> -> memref<32x128xf32, #tpu.memory_space<vmem>>
        %dma_start3A_461 = tpu.memref_slice %arg8[%add3A_396] : memref<10240xi32, #tpu.memory_space<vmem>> -> memref<32xi32, #tpu.memory_space<vmem>>
        %dma_start3A_462 = arith.constant 0 : i32
        %dma_start3A_463 = arith.constant 0 : i32
        %dma_start3A_464 = tpu.memref_slice %arg11[%dma_start3A_462, %dma_start3A_463] : memref<10240x128xf32, #tpu.memory_space<vmem_shared>> -> memref<10240x128xf32, #tpu.memory_space<vmem_shared>>
        tpu.enqueue_indirect_dma source(%dma_start3A_460 : memref<32x128xf32, #tpu.memory_space<vmem>>) target(%dma_start3A_464 : memref<10240x128xf32, #tpu.memory_space<vmem_shared>>) offsets(%dma_start3A_461 : memref<32xi32, #tpu.memory_space<vmem>>) semaphore(%run_scoped3A_456 : memref<!tpu.dma_semaphore, #tpu.memory_space<semaphore_mem>>) {add = true}
        %dma_wait3A_465 = arith.constant 0 : i32
        %dma_wait3A_466 = arith.constant 0 : i32
        %dma_wait3A_467 = tpu.memref_slice %arg9[%run_scoped3A_397, %dma_wait3A_465, %dma_wait3A_466] : memref<5x32x128xf32, #tpu.memory_space<vmem>> -> memref<1x32x128xf32, #tpu.memory_space<vmem>>
        %dma_wait3A_468 = tpu.memref_squeeze %dma_wait3A_467 : memref<1x32x128xf32, #tpu.memory_space<vmem>> -> memref<32x128xf32, #tpu.memory_space<vmem>>
        %dma_wait3A_469 = tpu.memref_slice %arg8[%add3A_396] : memref<10240xi32, #tpu.memory_space<vmem>> -> memref<32xi32, #tpu.memory_space<vmem>>
        %dma_wait3A_470 = arith.constant 0 : i32
        %dma_wait3A_471 = arith.constant 0 : i32
        %dma_wait3A_472 = tpu.memref_slice %arg11[%dma_wait3A_470, %dma_wait3A_471] : memref<10240x128xf32, #tpu.memory_space<vmem_shared>> -> memref<10240x128xf32, #tpu.memory_space<vmem_shared>>
        tpu.wait_indirect_dma semaphore(%run_scoped3A_456 : memref<!tpu.dma_semaphore, #tpu.memory_space<semaphore_mem>>) src(%dma_wait3A_468 : memref<32x128xf32, #tpu.memory_space<vmem>>) dst(%dma_wait3A_472 : memref<10240x128xf32, #tpu.memory_space<vmem_shared>>)
        tpu.yield
      }) : () -> ()
      %add3A_398 = arith.constant 5 : i32
      %add3A_399 = arith.addi %add3A_378, %add3A_398 : i32
      %mul3A_400 = arith.constant 32 : i32
      %mul3A_401 = arith.muli %add3A_399, %mul3A_400 : i32
      %add3A_402 = arith.addi %sub3A, %mul3A_401 : i32
      %dma_start3A_403 = arith.constant 3 : i32
      %dma_start3A_404 = arith.constant 3 : i32
      %dma_start3A_405 = arith.constant 0 : i32
      %dma_start3A_406 = arith.constant 0 : i32
      %dma_start3A_407 = tpu.memref_slice %arg9[%dma_start3A_403, %dma_start3A_405, %dma_start3A_406] : memref<5x32x128xf32, #tpu.memory_space<vmem>> -> memref<1x32x128xf32, #tpu.memory_space<vmem>>
      %dma_start3A_408 = tpu.memref_squeeze %dma_start3A_407 : memref<1x32x128xf32, #tpu.memory_space<vmem>> -> memref<32x128xf32, #tpu.memory_space<vmem>>
      %dma_start3A_409 = tpu.memref_slice %arg7[%add3A_402] : memref<10240xi32, #tpu.memory_space<vmem>> -> memref<32xi32, #tpu.memory_space<vmem>>
      %dma_start3A_410 = arith.constant 0 : i32
      %dma_start3A_411 = arith.constant 0 : i32
      %dma_start3A_412 = tpu.memref_slice %arg2[%dma_start3A_410, %dma_start3A_411] : memref<10000x128xf32, #tpu.memory_space<hbm>> -> memref<10000x128xf32, #tpu.memory_space<hbm>>
      %dma_start3A_413 = tpu.memref_slice %arg10[%dma_start3A_404] : memref<5x!tpu.dma_semaphore, #tpu.memory_space<semaphore_mem>> -> memref<1x!tpu.dma_semaphore, #tpu.memory_space<semaphore_mem>>
      %dma_start3A_414 = tpu.memref_squeeze %dma_start3A_413 : memref<1x!tpu.dma_semaphore, #tpu.memory_space<semaphore_mem>> -> memref<!tpu.dma_semaphore, #tpu.memory_space<semaphore_mem>>
      tpu.enqueue_indirect_dma source(%dma_start3A_412 : memref<10000x128xf32, #tpu.memory_space<hbm>>) target(%dma_start3A_408 : memref<32x128xf32, #tpu.memory_space<vmem>>) offsets(%dma_start3A_409 : memref<32xi32, #tpu.memory_space<vmem>>) semaphore(%dma_start3A_414 : memref<!tpu.dma_semaphore, #tpu.memory_space<semaphore_mem>>)
      %mul3A_415 = arith.constant 5 : i32
      %mul3A_416 = arith.muli %while3A_253, %mul3A_415 : i32
      %add3A_417 = arith.constant 4 : i32
      %add3A_418 = arith.addi %mul3A_416, %add3A_417 : i32
      %mul3A_419 = arith.constant 32 : i32
      %mul3A_420 = arith.muli %add3A_418, %mul3A_419 : i32
      %add3A_421 = arith.addi %sub3A, %mul3A_420 : i32
      %dma_wait3A_422 = arith.constant 4 : i32
      %dma_wait3A_423 = arith.constant 4 : i32
      %dma_wait3A_424 = arith.constant 0 : i32
      %dma_wait3A_425 = arith.constant 0 : i32
      %dma_wait3A_426 = tpu.memref_slice %arg9[%dma_wait3A_422, %dma_wait3A_424, %dma_wait3A_425] : memref<5x32x128xf32, #tpu.memory_space<vmem>> -> memref<1x32x128xf32, #tpu.memory_space<vmem>>
      %dma_wait3A_427 = tpu.memref_squeeze %dma_wait3A_426 : memref<1x32x128xf32, #tpu.memory_space<vmem>> -> memref<32x128xf32, #tpu.memory_space<vmem>>
      %dma_wait3A_428 = tpu.memref_slice %arg7[%add3A_421] : memref<10240xi32, #tpu.memory_space<vmem>> -> memref<32xi32, #tpu.memory_space<vmem>>
      %dma_wait3A_429 = arith.constant 0 : i32
      %dma_wait3A_430 = arith.constant 0 : i32
      %dma_wait3A_431 = tpu.memref_slice %arg2[%dma_wait3A_429, %dma_wait3A_430] : memref<10000x128xf32, #tpu.memory_space<hbm>> -> memref<10000x128xf32, #tpu.memory_space<hbm>>
      %dma_wait3A_432 = tpu.memref_slice %arg10[%dma_wait3A_423] : memref<5x!tpu.dma_semaphore, #tpu.memory_space<semaphore_mem>> -> memref<1x!tpu.dma_semaphore, #tpu.memory_space<semaphore_mem>>
      %dma_wait3A_433 = tpu.memref_squeeze %dma_wait3A_432 : memref<1x!tpu.dma_semaphore, #tpu.memory_space<semaphore_mem>> -> memref<!tpu.dma_semaphore, #tpu.memory_space<semaphore_mem>>
      tpu.wait_indirect_dma semaphore(%dma_wait3A_433 : memref<!tpu.dma_semaphore, #tpu.memory_space<semaphore_mem>>) src(%dma_wait3A_431 : memref<10000x128xf32, #tpu.memory_space<hbm>>) dst(%dma_wait3A_427 : memref<32x128xf32, #tpu.memory_space<vmem>>)
      %mul3A_434 = arith.constant 32 : i32
      %mul3A_435 = arith.muli %add3A_418, %mul3A_434 : i32
      %add3A_436 = arith.addi %sub3A, %mul3A_435 : i32
      %run_scoped3A_437 = arith.constant 4 : i32
      "tpu.region"() ({
        %run_scoped3A_456 = tpu.sem_alloc : memref<!tpu.dma_semaphore, #tpu.memory_space<semaphore_mem>>
        %dma_start3A_457 = arith.constant 0 : i32
        %dma_start3A_458 = arith.constant 0 : i32
        %dma_start3A_459 = tpu.memref_slice %arg9[%run_scoped3A_437, %dma_start3A_457, %dma_start3A_458] : memref<5x32x128xf32, #tpu.memory_space<vmem>> -> memref<1x32x128xf32, #tpu.memory_space<vmem>>
        %dma_start3A_460 = tpu.memref_squeeze %dma_start3A_459 : memref<1x32x128xf32, #tpu.memory_space<vmem>> -> memref<32x128xf32, #tpu.memory_space<vmem>>
        %dma_start3A_461 = tpu.memref_slice %arg8[%add3A_436] : memref<10240xi32, #tpu.memory_space<vmem>> -> memref<32xi32, #tpu.memory_space<vmem>>
        %dma_start3A_462 = arith.constant 0 : i32
        %dma_start3A_463 = arith.constant 0 : i32
        %dma_start3A_464 = tpu.memref_slice %arg11[%dma_start3A_462, %dma_start3A_463] : memref<10240x128xf32, #tpu.memory_space<vmem_shared>> -> memref<10240x128xf32, #tpu.memory_space<vmem_shared>>
        tpu.enqueue_indirect_dma source(%dma_start3A_460 : memref<32x128xf32, #tpu.memory_space<vmem>>) target(%dma_start3A_464 : memref<10240x128xf32, #tpu.memory_space<vmem_shared>>) offsets(%dma_start3A_461 : memref<32xi32, #tpu.memory_space<vmem>>) semaphore(%run_scoped3A_456 : memref<!tpu.dma_semaphore, #tpu.memory_space<semaphore_mem>>) {add = true}
        %dma_wait3A_465 = arith.constant 0 : i32
        %dma_wait3A_466 = arith.constant 0 : i32
        %dma_wait3A_467 = tpu.memref_slice %arg9[%run_scoped3A_437, %dma_wait3A_465, %dma_wait3A_466] : memref<5x32x128xf32, #tpu.memory_space<vmem>> -> memref<1x32x128xf32, #tpu.memory_space<vmem>>
        %dma_wait3A_468 = tpu.memref_squeeze %dma_wait3A_467 : memref<1x32x128xf32, #tpu.memory_space<vmem>> -> memref<32x128xf32, #tpu.memory_space<vmem>>
        %dma_wait3A_469 = tpu.memref_slice %arg8[%add3A_436] : memref<10240xi32, #tpu.memory_space<vmem>> -> memref<32xi32, #tpu.memory_space<vmem>>
        %dma_wait3A_470 = arith.constant 0 : i32
        %dma_wait3A_471 = arith.constant 0 : i32
        %dma_wait3A_472 = tpu.memref_slice %arg11[%dma_wait3A_470, %dma_wait3A_471] : memref<10240x128xf32, #tpu.memory_space<vmem_shared>> -> memref<10240x128xf32, #tpu.memory_space<vmem_shared>>
        tpu.wait_indirect_dma semaphore(%run_scoped3A_456 : memref<!tpu.dma_semaphore, #tpu.memory_space<semaphore_mem>>) src(%dma_wait3A_468 : memref<32x128xf32, #tpu.memory_space<vmem>>) dst(%dma_wait3A_472 : memref<10240x128xf32, #tpu.memory_space<vmem_shared>>)
        tpu.yield
      }) : () -> ()
      %add3A_438 = arith.constant 5 : i32
      %add3A_439 = arith.addi %add3A_418, %add3A_438 : i32
      %mul3A_440 = arith.constant 32 : i32
      %mul3A_441 = arith.muli %add3A_439, %mul3A_440 : i32
      %add3A_442 = arith.addi %sub3A, %mul3A_441 : i32
      %dma_start3A_443 = arith.constant 4 : i32
      %dma_start3A_444 = arith.constant 4 : i32
      %dma_start3A_445 = arith.constant 0 : i32
      %dma_start3A_446 = arith.constant 0 : i32
      %dma_start3A_447 = tpu.memref_slice %arg9[%dma_start3A_443, %dma_start3A_445, %dma_start3A_446] : memref<5x32x128xf32, #tpu.memory_space<vmem>> -> memref<1x32x128xf32, #tpu.memory_space<vmem>>
      %dma_start3A_448 = tpu.memref_squeeze %dma_start3A_447 : memref<1x32x128xf32, #tpu.memory_space<vmem>> -> memref<32x128xf32, #tpu.memory_space<vmem>>
      %dma_start3A_449 = tpu.memref_slice %arg7[%add3A_442] : memref<10240xi32, #tpu.memory_space<vmem>> -> memref<32xi32, #tpu.memory_space<vmem>>
      %dma_start3A_450 = arith.constant 0 : i32
      %dma_start3A_451 = arith.constant 0 : i32
      %dma_start3A_452 = tpu.memref_slice %arg2[%dma_start3A_450, %dma_start3A_451] : memref<10000x128xf32, #tpu.memory_space<hbm>> -> memref<10000x128xf32, #tpu.memory_space<hbm>>
      %dma_start3A_453 = tpu.memref_slice %arg10[%dma_start3A_444] : memref<5x!tpu.dma_semaphore, #tpu.memory_space<semaphore_mem>> -> memref<1x!tpu.dma_semaphore, #tpu.memory_space<semaphore_mem>>
      %dma_start3A_454 = tpu.memref_squeeze %dma_start3A_453 : memref<1x!tpu.dma_semaphore, #tpu.memory_space<semaphore_mem>> -> memref<!tpu.dma_semaphore, #tpu.memory_space<semaphore_mem>>
      tpu.enqueue_indirect_dma source(%dma_start3A_452 : memref<10000x128xf32, #tpu.memory_space<hbm>>) target(%dma_start3A_448 : memref<32x128xf32, #tpu.memory_space<vmem>>) offsets(%dma_start3A_449 : memref<32xi32, #tpu.memory_space<vmem>>) semaphore(%dma_start3A_454 : memref<!tpu.dma_semaphore, #tpu.memory_space<semaphore_mem>>)
      %while3A_455 = arith.constant 0 : i32
      scf.yield %while3A_455 : i32
    }
    %sub3A_135 = arith.constant 5 : i32
    %sub3A_136 = arith.subi %min3A_24, %sub3A_135 : i32
    %add3A_137 = arith.constant 0 : i32
    %add3A_138 = arith.addi %sub3A_136, %add3A_137 : i32
    %mul3A_139 = arith.constant 32 : i32
    %mul3A_140 = arith.muli %add3A_138, %mul3A_139 : i32
    %add3A_141 = arith.addi %sub3A, %mul3A_140 : i32
    %dma_wait3A = arith.constant 0 : i32
    %dma_wait3A_142 = arith.constant 0 : i32
    %dma_wait3A_143 = arith.constant 0 : i32
    %dma_wait3A_144 = arith.constant 0 : i32
    %dma_wait3A_145 = tpu.memref_slice %arg9[%dma_wait3A, %dma_wait3A_143, %dma_wait3A_144] : memref<5x32x128xf32, #tpu.memory_space<vmem>> -> memref<1x32x128xf32, #tpu.memory_space<vmem>>
    %dma_wait3A_146 = tpu.memref_squeeze %dma_wait3A_145 : memref<1x32x128xf32, #tpu.memory_space<vmem>> -> memref<32x128xf32, #tpu.memory_space<vmem>>
    %dma_wait3A_147 = tpu.memref_slice %arg7[%add3A_141] : memref<10240xi32, #tpu.memory_space<vmem>> -> memref<32xi32, #tpu.memory_space<vmem>>
    %dma_wait3A_148 = arith.constant 0 : i32
    %dma_wait3A_149 = arith.constant 0 : i32
    %dma_wait3A_150 = tpu.memref_slice %arg2[%dma_wait3A_148, %dma_wait3A_149] : memref<10000x128xf32, #tpu.memory_space<hbm>> -> memref<10000x128xf32, #tpu.memory_space<hbm>>
    %dma_wait3A_151 = tpu.memref_slice %arg10[%dma_wait3A_142] : memref<5x!tpu.dma_semaphore, #tpu.memory_space<semaphore_mem>> -> memref<1x!tpu.dma_semaphore, #tpu.memory_space<semaphore_mem>>
    %dma_wait3A_152 = tpu.memref_squeeze %dma_wait3A_151 : memref<1x!tpu.dma_semaphore, #tpu.memory_space<semaphore_mem>> -> memref<!tpu.dma_semaphore, #tpu.memory_space<semaphore_mem>>
    tpu.wait_indirect_dma semaphore(%dma_wait3A_152 : memref<!tpu.dma_semaphore, #tpu.memory_space<semaphore_mem>>) src(%dma_wait3A_150 : memref<10000x128xf32, #tpu.memory_space<hbm>>) dst(%dma_wait3A_146 : memref<32x128xf32, #tpu.memory_space<vmem>>)
    %mul3A_153 = arith.constant 32 : i32
    %mul3A_154 = arith.muli %add3A_138, %mul3A_153 : i32
    %add3A_155 = arith.addi %sub3A, %mul3A_154 : i32
    %run_scoped3A = arith.constant 0 : i32
    "tpu.region"() ({
      %run_scoped3A_253 = tpu.sem_alloc : memref<!tpu.dma_semaphore, #tpu.memory_space<semaphore_mem>>
      %dma_start3A_254 = arith.constant 0 : i32
      %dma_start3A_255 = arith.constant 0 : i32
      %dma_start3A_256 = tpu.memref_slice %arg9[%run_scoped3A, %dma_start3A_254, %dma_start3A_255] : memref<5x32x128xf32, #tpu.memory_space<vmem>> -> memref<1x32x128xf32, #tpu.memory_space<vmem>>
      %dma_start3A_257 = tpu.memref_squeeze %dma_start3A_256 : memref<1x32x128xf32, #tpu.memory_space<vmem>> -> memref<32x128xf32, #tpu.memory_space<vmem>>
      %dma_start3A_258 = tpu.memref_slice %arg8[%add3A_155] : memref<10240xi32, #tpu.memory_space<vmem>> -> memref<32xi32, #tpu.memory_space<vmem>>
      %dma_start3A_259 = arith.constant 0 : i32
      %dma_start3A_260 = arith.constant 0 : i32
      %dma_start3A_261 = tpu.memref_slice %arg11[%dma_start3A_259, %dma_start3A_260] : memref<10240x128xf32, #tpu.memory_space<vmem_shared>> -> memref<10240x128xf32, #tpu.memory_space<vmem_shared>>
      tpu.enqueue_indirect_dma source(%dma_start3A_257 : memref<32x128xf32, #tpu.memory_space<vmem>>) target(%dma_start3A_261 : memref<10240x128xf32, #tpu.memory_space<vmem_shared>>) offsets(%dma_start3A_258 : memref<32xi32, #tpu.memory_space<vmem>>) semaphore(%run_scoped3A_253 : memref<!tpu.dma_semaphore, #tpu.memory_space<semaphore_mem>>) {add = true}
      %dma_wait3A_262 = arith.constant 0 : i32
      %dma_wait3A_263 = arith.constant 0 : i32
      %dma_wait3A_264 = tpu.memref_slice %arg9[%run_scoped3A, %dma_wait3A_262, %dma_wait3A_263] : memref<5x32x128xf32, #tpu.memory_space<vmem>> -> memref<1x32x128xf32, #tpu.memory_space<vmem>>
      %dma_wait3A_265 = tpu.memref_squeeze %dma_wait3A_264 : memref<1x32x128xf32, #tpu.memory_space<vmem>> -> memref<32x128xf32, #tpu.memory_space<vmem>>
      %dma_wait3A_266 = tpu.memref_slice %arg8[%add3A_155] : memref<10240xi32, #tpu.memory_space<vmem>> -> memref<32xi32, #tpu.memory_space<vmem>>
      %dma_wait3A_267 = arith.constant 0 : i32
      %dma_wait3A_268 = arith.constant 0 : i32
      %dma_wait3A_269 = tpu.memref_slice %arg11[%dma_wait3A_267, %dma_wait3A_268] : memref<10240x128xf32, #tpu.memory_space<vmem_shared>> -> memref<10240x128xf32, #tpu.memory_space<vmem_shared>>
      tpu.wait_indirect_dma semaphore(%run_scoped3A_253 : memref<!tpu.dma_semaphore, #tpu.memory_space<semaphore_mem>>) src(%dma_wait3A_265 : memref<32x128xf32, #tpu.memory_space<vmem>>) dst(%dma_wait3A_269 : memref<10240x128xf32, #tpu.memory_space<vmem_shared>>)
      tpu.yield
    }) : () -> ()
    %sub3A_156 = arith.constant 5 : i32
    %sub3A_157 = arith.subi %min3A_24, %sub3A_156 : i32
    %add3A_158 = arith.constant 1 : i32
    %add3A_159 = arith.addi %sub3A_157, %add3A_158 : i32
    %mul3A_160 = arith.constant 32 : i32
    %mul3A_161 = arith.muli %add3A_159, %mul3A_160 : i32
    %add3A_162 = arith.addi %sub3A, %mul3A_161 : i32
    %dma_wait3A_163 = arith.constant 1 : i32
    %dma_wait3A_164 = arith.constant 1 : i32
    %dma_wait3A_165 = arith.constant 0 : i32
    %dma_wait3A_166 = arith.constant 0 : i32
    %dma_wait3A_167 = tpu.memref_slice %arg9[%dma_wait3A_163, %dma_wait3A_165, %dma_wait3A_166] : memref<5x32x128xf32, #tpu.memory_space<vmem>> -> memref<1x32x128xf32, #tpu.memory_space<vmem>>
    %dma_wait3A_168 = tpu.memref_squeeze %dma_wait3A_167 : memref<1x32x128xf32, #tpu.memory_space<vmem>> -> memref<32x128xf32, #tpu.memory_space<vmem>>
    %dma_wait3A_169 = tpu.memref_slice %arg7[%add3A_162] : memref<10240xi32, #tpu.memory_space<vmem>> -> memref<32xi32, #tpu.memory_space<vmem>>
    %dma_wait3A_170 = arith.constant 0 : i32
    %dma_wait3A_171 = arith.constant 0 : i32
    %dma_wait3A_172 = tpu.memref_slice %arg2[%dma_wait3A_170, %dma_wait3A_171] : memref<10000x128xf32, #tpu.memory_space<hbm>> -> memref<10000x128xf32, #tpu.memory_space<hbm>>
    %dma_wait3A_173 = tpu.memref_slice %arg10[%dma_wait3A_164] : memref<5x!tpu.dma_semaphore, #tpu.memory_space<semaphore_mem>> -> memref<1x!tpu.dma_semaphore, #tpu.memory_space<semaphore_mem>>
    %dma_wait3A_174 = tpu.memref_squeeze %dma_wait3A_173 : memref<1x!tpu.dma_semaphore, #tpu.memory_space<semaphore_mem>> -> memref<!tpu.dma_semaphore, #tpu.memory_space<semaphore_mem>>
    tpu.wait_indirect_dma semaphore(%dma_wait3A_174 : memref<!tpu.dma_semaphore, #tpu.memory_space<semaphore_mem>>) src(%dma_wait3A_172 : memref<10000x128xf32, #tpu.memory_space<hbm>>) dst(%dma_wait3A_168 : memref<32x128xf32, #tpu.memory_space<vmem>>)
    %mul3A_175 = arith.constant 32 : i32
    %mul3A_176 = arith.muli %add3A_159, %mul3A_175 : i32
    %add3A_177 = arith.addi %sub3A, %mul3A_176 : i32
    %run_scoped3A_178 = arith.constant 1 : i32
    "tpu.region"() ({
      %run_scoped3A_253 = tpu.sem_alloc : memref<!tpu.dma_semaphore, #tpu.memory_space<semaphore_mem>>
      %dma_start3A_254 = arith.constant 0 : i32
      %dma_start3A_255 = arith.constant 0 : i32
      %dma_start3A_256 = tpu.memref_slice %arg9[%run_scoped3A_178, %dma_start3A_254, %dma_start3A_255] : memref<5x32x128xf32, #tpu.memory_space<vmem>> -> memref<1x32x128xf32, #tpu.memory_space<vmem>>
      %dma_start3A_257 = tpu.memref_squeeze %dma_start3A_256 : memref<1x32x128xf32, #tpu.memory_space<vmem>> -> memref<32x128xf32, #tpu.memory_space<vmem>>
      %dma_start3A_258 = tpu.memref_slice %arg8[%add3A_177] : memref<10240xi32, #tpu.memory_space<vmem>> -> memref<32xi32, #tpu.memory_space<vmem>>
      %dma_start3A_259 = arith.constant 0 : i32
      %dma_start3A_260 = arith.constant 0 : i32
      %dma_start3A_261 = tpu.memref_slice %arg11[%dma_start3A_259, %dma_start3A_260] : memref<10240x128xf32, #tpu.memory_space<vmem_shared>> -> memref<10240x128xf32, #tpu.memory_space<vmem_shared>>
      tpu.enqueue_indirect_dma source(%dma_start3A_257 : memref<32x128xf32, #tpu.memory_space<vmem>>) target(%dma_start3A_261 : memref<10240x128xf32, #tpu.memory_space<vmem_shared>>) offsets(%dma_start3A_258 : memref<32xi32, #tpu.memory_space<vmem>>) semaphore(%run_scoped3A_253 : memref<!tpu.dma_semaphore, #tpu.memory_space<semaphore_mem>>) {add = true}
      %dma_wait3A_262 = arith.constant 0 : i32
      %dma_wait3A_263 = arith.constant 0 : i32
      %dma_wait3A_264 = tpu.memref_slice %arg9[%run_scoped3A_178, %dma_wait3A_262, %dma_wait3A_263] : memref<5x32x128xf32, #tpu.memory_space<vmem>> -> memref<1x32x128xf32, #tpu.memory_space<vmem>>
      %dma_wait3A_265 = tpu.memref_squeeze %dma_wait3A_264 : memref<1x32x128xf32, #tpu.memory_space<vmem>> -> memref<32x128xf32, #tpu.memory_space<vmem>>
      %dma_wait3A_266 = tpu.memref_slice %arg8[%add3A_177] : memref<10240xi32, #tpu.memory_space<vmem>> -> memref<32xi32, #tpu.memory_space<vmem>>
      %dma_wait3A_267 = arith.constant 0 : i32
      %dma_wait3A_268 = arith.constant 0 : i32
      %dma_wait3A_269 = tpu.memref_slice %arg11[%dma_wait3A_267, %dma_wait3A_268] : memref<10240x128xf32, #tpu.memory_space<vmem_shared>> -> memref<10240x128xf32, #tpu.memory_space<vmem_shared>>
      tpu.wait_indirect_dma semaphore(%run_scoped3A_253 : memref<!tpu.dma_semaphore, #tpu.memory_space<semaphore_mem>>) src(%dma_wait3A_265 : memref<32x128xf32, #tpu.memory_space<vmem>>) dst(%dma_wait3A_269 : memref<10240x128xf32, #tpu.memory_space<vmem_shared>>)
      tpu.yield
    }) : () -> ()
    %sub3A_179 = arith.constant 5 : i32
    %sub3A_180 = arith.subi %min3A_24, %sub3A_179 : i32
    %add3A_181 = arith.constant 2 : i32
    %add3A_182 = arith.addi %sub3A_180, %add3A_181 : i32
    %mul3A_183 = arith.constant 32 : i32
    %mul3A_184 = arith.muli %add3A_182, %mul3A_183 : i32
    %add3A_185 = arith.addi %sub3A, %mul3A_184 : i32
    %dma_wait3A_186 = arith.constant 2 : i32
    %dma_wait3A_187 = arith.constant 2 : i32
    %dma_wait3A_188 = arith.constant 0 : i32
    %dma_wait3A_189 = arith.constant 0 : i32
    %dma_wait3A_190 = tpu.memref_slice %arg9[%dma_wait3A_186, %dma_wait3A_188, %dma_wait3A_189] : memref<5x32x128xf32, #tpu.memory_space<vmem>> -> memref<1x32x128xf32, #tpu.memory_space<vmem>>
    %dma_wait3A_191 = tpu.memref_squeeze %dma_wait3A_190 : memref<1x32x128xf32, #tpu.memory_space<vmem>> -> memref<32x128xf32, #tpu.memory_space<vmem>>
    %dma_wait3A_192 = tpu.memref_slice %arg7[%add3A_185] : memref<10240xi32, #tpu.memory_space<vmem>> -> memref<32xi32, #tpu.memory_space<vmem>>
    %dma_wait3A_193 = arith.constant 0 : i32
    %dma_wait3A_194 = arith.constant 0 : i32
    %dma_wait3A_195 = tpu.memref_slice %arg2[%dma_wait3A_193, %dma_wait3A_194] : memref<10000x128xf32, #tpu.memory_space<hbm>> -> memref<10000x128xf32, #tpu.memory_space<hbm>>
    %dma_wait3A_196 = tpu.memref_slice %arg10[%dma_wait3A_187] : memref<5x!tpu.dma_semaphore, #tpu.memory_space<semaphore_mem>> -> memref<1x!tpu.dma_semaphore, #tpu.memory_space<semaphore_mem>>
    %dma_wait3A_197 = tpu.memref_squeeze %dma_wait3A_196 : memref<1x!tpu.dma_semaphore, #tpu.memory_space<semaphore_mem>> -> memref<!tpu.dma_semaphore, #tpu.memory_space<semaphore_mem>>
    tpu.wait_indirect_dma semaphore(%dma_wait3A_197 : memref<!tpu.dma_semaphore, #tpu.memory_space<semaphore_mem>>) src(%dma_wait3A_195 : memref<10000x128xf32, #tpu.memory_space<hbm>>) dst(%dma_wait3A_191 : memref<32x128xf32, #tpu.memory_space<vmem>>)
    %mul3A_198 = arith.constant 32 : i32
    %mul3A_199 = arith.muli %add3A_182, %mul3A_198 : i32
    %add3A_200 = arith.addi %sub3A, %mul3A_199 : i32
    %run_scoped3A_201 = arith.constant 2 : i32
    "tpu.region"() ({
      %run_scoped3A_253 = tpu.sem_alloc : memref<!tpu.dma_semaphore, #tpu.memory_space<semaphore_mem>>
      %dma_start3A_254 = arith.constant 0 : i32
      %dma_start3A_255 = arith.constant 0 : i32
      %dma_start3A_256 = tpu.memref_slice %arg9[%run_scoped3A_201, %dma_start3A_254, %dma_start3A_255] : memref<5x32x128xf32, #tpu.memory_space<vmem>> -> memref<1x32x128xf32, #tpu.memory_space<vmem>>
      %dma_start3A_257 = tpu.memref_squeeze %dma_start3A_256 : memref<1x32x128xf32, #tpu.memory_space<vmem>> -> memref<32x128xf32, #tpu.memory_space<vmem>>
      %dma_start3A_258 = tpu.memref_slice %arg8[%add3A_200] : memref<10240xi32, #tpu.memory_space<vmem>> -> memref<32xi32, #tpu.memory_space<vmem>>
      %dma_start3A_259 = arith.constant 0 : i32
      %dma_start3A_260 = arith.constant 0 : i32
      %dma_start3A_261 = tpu.memref_slice %arg11[%dma_start3A_259, %dma_start3A_260] : memref<10240x128xf32, #tpu.memory_space<vmem_shared>> -> memref<10240x128xf32, #tpu.memory_space<vmem_shared>>
      tpu.enqueue_indirect_dma source(%dma_start3A_257 : memref<32x128xf32, #tpu.memory_space<vmem>>) target(%dma_start3A_261 : memref<10240x128xf32, #tpu.memory_space<vmem_shared>>) offsets(%dma_start3A_258 : memref<32xi32, #tpu.memory_space<vmem>>) semaphore(%run_scoped3A_253 : memref<!tpu.dma_semaphore, #tpu.memory_space<semaphore_mem>>) {add = true}
      %dma_wait3A_262 = arith.constant 0 : i32
      %dma_wait3A_263 = arith.constant 0 : i32
      %dma_wait3A_264 = tpu.memref_slice %arg9[%run_scoped3A_201, %dma_wait3A_262, %dma_wait3A_263] : memref<5x32x128xf32, #tpu.memory_space<vmem>> -> memref<1x32x128xf32, #tpu.memory_space<vmem>>
      %dma_wait3A_265 = tpu.memref_squeeze %dma_wait3A_264 : memref<1x32x128xf32, #tpu.memory_space<vmem>> -> memref<32x128xf32, #tpu.memory_space<vmem>>
      %dma_wait3A_266 = tpu.memref_slice %arg8[%add3A_200] : memref<10240xi32, #tpu.memory_space<vmem>> -> memref<32xi32, #tpu.memory_space<vmem>>
      %dma_wait3A_267 = arith.constant 0 : i32
      %dma_wait3A_268 = arith.constant 0 : i32
      %dma_wait3A_269 = tpu.memref_slice %arg11[%dma_wait3A_267, %dma_wait3A_268] : memref<10240x128xf32, #tpu.memory_space<vmem_shared>> -> memref<10240x128xf32, #tpu.memory_space<vmem_shared>>
      tpu.wait_indirect_dma semaphore(%run_scoped3A_253 : memref<!tpu.dma_semaphore, #tpu.memory_space<semaphore_mem>>) src(%dma_wait3A_265 : memref<32x128xf32, #tpu.memory_space<vmem>>) dst(%dma_wait3A_269 : memref<10240x128xf32, #tpu.memory_space<vmem_shared>>)
      tpu.yield
    }) : () -> ()
    %sub3A_202 = arith.constant 5 : i32
    %sub3A_203 = arith.subi %min3A_24, %sub3A_202 : i32
    %add3A_204 = arith.constant 3 : i32
    %add3A_205 = arith.addi %sub3A_203, %add3A_204 : i32
    %mul3A_206 = arith.constant 32 : i32
    %mul3A_207 = arith.muli %add3A_205, %mul3A_206 : i32
    %add3A_208 = arith.addi %sub3A, %mul3A_207 : i32
    %dma_wait3A_209 = arith.constant 3 : i32
    %dma_wait3A_210 = arith.constant 3 : i32
    %dma_wait3A_211 = arith.constant 0 : i32
    %dma_wait3A_212 = arith.constant 0 : i32
    %dma_wait3A_213 = tpu.memref_slice %arg9[%dma_wait3A_209, %dma_wait3A_211, %dma_wait3A_212] : memref<5x32x128xf32, #tpu.memory_space<vmem>> -> memref<1x32x128xf32, #tpu.memory_space<vmem>>
    %dma_wait3A_214 = tpu.memref_squeeze %dma_wait3A_213 : memref<1x32x128xf32, #tpu.memory_space<vmem>> -> memref<32x128xf32, #tpu.memory_space<vmem>>
    %dma_wait3A_215 = tpu.memref_slice %arg7[%add3A_208] : memref<10240xi32, #tpu.memory_space<vmem>> -> memref<32xi32, #tpu.memory_space<vmem>>
    %dma_wait3A_216 = arith.constant 0 : i32
    %dma_wait3A_217 = arith.constant 0 : i32
    %dma_wait3A_218 = tpu.memref_slice %arg2[%dma_wait3A_216, %dma_wait3A_217] : memref<10000x128xf32, #tpu.memory_space<hbm>> -> memref<10000x128xf32, #tpu.memory_space<hbm>>
    %dma_wait3A_219 = tpu.memref_slice %arg10[%dma_wait3A_210] : memref<5x!tpu.dma_semaphore, #tpu.memory_space<semaphore_mem>> -> memref<1x!tpu.dma_semaphore, #tpu.memory_space<semaphore_mem>>
    %dma_wait3A_220 = tpu.memref_squeeze %dma_wait3A_219 : memref<1x!tpu.dma_semaphore, #tpu.memory_space<semaphore_mem>> -> memref<!tpu.dma_semaphore, #tpu.memory_space<semaphore_mem>>
    tpu.wait_indirect_dma semaphore(%dma_wait3A_220 : memref<!tpu.dma_semaphore, #tpu.memory_space<semaphore_mem>>) src(%dma_wait3A_218 : memref<10000x128xf32, #tpu.memory_space<hbm>>) dst(%dma_wait3A_214 : memref<32x128xf32, #tpu.memory_space<vmem>>)
    %mul3A_221 = arith.constant 32 : i32
    %mul3A_222 = arith.muli %add3A_205, %mul3A_221 : i32
    %add3A_223 = arith.addi %sub3A, %mul3A_222 : i32
    %run_scoped3A_224 = arith.constant 3 : i32
    "tpu.region"() ({
      %run_scoped3A_253 = tpu.sem_alloc : memref<!tpu.dma_semaphore, #tpu.memory_space<semaphore_mem>>
      %dma_start3A_254 = arith.constant 0 : i32
      %dma_start3A_255 = arith.constant 0 : i32
      %dma_start3A_256 = tpu.memref_slice %arg9[%run_scoped3A_224, %dma_start3A_254, %dma_start3A_255] : memref<5x32x128xf32, #tpu.memory_space<vmem>> -> memref<1x32x128xf32, #tpu.memory_space<vmem>>
      %dma_start3A_257 = tpu.memref_squeeze %dma_start3A_256 : memref<1x32x128xf32, #tpu.memory_space<vmem>> -> memref<32x128xf32, #tpu.memory_space<vmem>>
      %dma_start3A_258 = tpu.memref_slice %arg8[%add3A_223] : memref<10240xi32, #tpu.memory_space<vmem>> -> memref<32xi32, #tpu.memory_space<vmem>>
      %dma_start3A_259 = arith.constant 0 : i32
      %dma_start3A_260 = arith.constant 0 : i32
      %dma_start3A_261 = tpu.memref_slice %arg11[%dma_start3A_259, %dma_start3A_260] : memref<10240x128xf32, #tpu.memory_space<vmem_shared>> -> memref<10240x128xf32, #tpu.memory_space<vmem_shared>>
      tpu.enqueue_indirect_dma source(%dma_start3A_257 : memref<32x128xf32, #tpu.memory_space<vmem>>) target(%dma_start3A_261 : memref<10240x128xf32, #tpu.memory_space<vmem_shared>>) offsets(%dma_start3A_258 : memref<32xi32, #tpu.memory_space<vmem>>) semaphore(%run_scoped3A_253 : memref<!tpu.dma_semaphore, #tpu.memory_space<semaphore_mem>>) {add = true}
      %dma_wait3A_262 = arith.constant 0 : i32
      %dma_wait3A_263 = arith.constant 0 : i32
      %dma_wait3A_264 = tpu.memref_slice %arg9[%run_scoped3A_224, %dma_wait3A_262, %dma_wait3A_263] : memref<5x32x128xf32, #tpu.memory_space<vmem>> -> memref<1x32x128xf32, #tpu.memory_space<vmem>>
      %dma_wait3A_265 = tpu.memref_squeeze %dma_wait3A_264 : memref<1x32x128xf32, #tpu.memory_space<vmem>> -> memref<32x128xf32, #tpu.memory_space<vmem>>
      %dma_wait3A_266 = tpu.memref_slice %arg8[%add3A_223] : memref<10240xi32, #tpu.memory_space<vmem>> -> memref<32xi32, #tpu.memory_space<vmem>>
      %dma_wait3A_267 = arith.constant 0 : i32
      %dma_wait3A_268 = arith.constant 0 : i32
      %dma_wait3A_269 = tpu.memref_slice %arg11[%dma_wait3A_267, %dma_wait3A_268] : memref<10240x128xf32, #tpu.memory_space<vmem_shared>> -> memref<10240x128xf32, #tpu.memory_space<vmem_shared>>
      tpu.wait_indirect_dma semaphore(%run_scoped3A_253 : memref<!tpu.dma_semaphore, #tpu.memory_space<semaphore_mem>>) src(%dma_wait3A_265 : memref<32x128xf32, #tpu.memory_space<vmem>>) dst(%dma_wait3A_269 : memref<10240x128xf32, #tpu.memory_space<vmem_shared>>)
      tpu.yield
    }) : () -> ()
    %sub3A_225 = arith.constant 5 : i32
    %sub3A_226 = arith.subi %min3A_24, %sub3A_225 : i32
    %add3A_227 = arith.constant 4 : i32
    %add3A_228 = arith.addi %sub3A_226, %add3A_227 : i32
    %mul3A_229 = arith.constant 32 : i32
    %mul3A_230 = arith.muli %add3A_228, %mul3A_229 : i32
    %add3A_231 = arith.addi %sub3A, %mul3A_230 : i32
    %dma_wait3A_232 = arith.constant 4 : i32
    %dma_wait3A_233 = arith.constant 4 : i32
    %dma_wait3A_234 = arith.constant 0 : i32
    %dma_wait3A_235 = arith.constant 0 : i32
    %dma_wait3A_236 = tpu.memref_slice %arg9[%dma_wait3A_232, %dma_wait3A_234, %dma_wait3A_235] : memref<5x32x128xf32, #tpu.memory_space<vmem>> -> memref<1x32x128xf32, #tpu.memory_space<vmem>>
    %dma_wait3A_237 = tpu.memref_squeeze %dma_wait3A_236 : memref<1x32x128xf32, #tpu.memory_space<vmem>> -> memref<32x128xf32, #tpu.memory_space<vmem>>
    %dma_wait3A_238 = tpu.memref_slice %arg7[%add3A_231] : memref<10240xi32, #tpu.memory_space<vmem>> -> memref<32xi32, #tpu.memory_space<vmem>>
    %dma_wait3A_239 = arith.constant 0 : i32
    %dma_wait3A_240 = arith.constant 0 : i32
    %dma_wait3A_241 = tpu.memref_slice %arg2[%dma_wait3A_239, %dma_wait3A_240] : memref<10000x128xf32, #tpu.memory_space<hbm>> -> memref<10000x128xf32, #tpu.memory_space<hbm>>
    %dma_wait3A_242 = tpu.memref_slice %arg10[%dma_wait3A_233] : memref<5x!tpu.dma_semaphore, #tpu.memory_space<semaphore_mem>> -> memref<1x!tpu.dma_semaphore, #tpu.memory_space<semaphore_mem>>
    %dma_wait3A_243 = tpu.memref_squeeze %dma_wait3A_242 : memref<1x!tpu.dma_semaphore, #tpu.memory_space<semaphore_mem>> -> memref<!tpu.dma_semaphore, #tpu.memory_space<semaphore_mem>>
    tpu.wait_indirect_dma semaphore(%dma_wait3A_243 : memref<!tpu.dma_semaphore, #tpu.memory_space<semaphore_mem>>) src(%dma_wait3A_241 : memref<10000x128xf32, #tpu.memory_space<hbm>>) dst(%dma_wait3A_237 : memref<32x128xf32, #tpu.memory_space<vmem>>)
    %mul3A_244 = arith.constant 32 : i32
    %mul3A_245 = arith.muli %add3A_228, %mul3A_244 : i32
    %add3A_246 = arith.addi %sub3A, %mul3A_245 : i32
    %run_scoped3A_247 = arith.constant 4 : i32
    "tpu.region"() ({
      %run_scoped3A_253 = tpu.sem_alloc : memref<!tpu.dma_semaphore, #tpu.memory_space<semaphore_mem>>
      %dma_start3A_254 = arith.constant 0 : i32
      %dma_start3A_255 = arith.constant 0 : i32
      %dma_start3A_256 = tpu.memref_slice %arg9[%run_scoped3A_247, %dma_start3A_254, %dma_start3A_255] : memref<5x32x128xf32, #tpu.memory_space<vmem>> -> memref<1x32x128xf32, #tpu.memory_space<vmem>>
      %dma_start3A_257 = tpu.memref_squeeze %dma_start3A_256 : memref<1x32x128xf32, #tpu.memory_space<vmem>> -> memref<32x128xf32, #tpu.memory_space<vmem>>
      %dma_start3A_258 = tpu.memref_slice %arg8[%add3A_246] : memref<10240xi32, #tpu.memory_space<vmem>> -> memref<32xi32, #tpu.memory_space<vmem>>
      %dma_start3A_259 = arith.constant 0 : i32
      %dma_start3A_260 = arith.constant 0 : i32
      %dma_start3A_261 = tpu.memref_slice %arg11[%dma_start3A_259, %dma_start3A_260] : memref<10240x128xf32, #tpu.memory_space<vmem_shared>> -> memref<10240x128xf32, #tpu.memory_space<vmem_shared>>
      tpu.enqueue_indirect_dma source(%dma_start3A_257 : memref<32x128xf32, #tpu.memory_space<vmem>>) target(%dma_start3A_261 : memref<10240x128xf32, #tpu.memory_space<vmem_shared>>) offsets(%dma_start3A_258 : memref<32xi32, #tpu.memory_space<vmem>>) semaphore(%run_scoped3A_253 : memref<!tpu.dma_semaphore, #tpu.memory_space<semaphore_mem>>) {add = true}
      %dma_wait3A_262 = arith.constant 0 : i32
      %dma_wait3A_263 = arith.constant 0 : i32
      %dma_wait3A_264 = tpu.memref_slice %arg9[%run_scoped3A_247, %dma_wait3A_262, %dma_wait3A_263] : memref<5x32x128xf32, #tpu.memory_space<vmem>> -> memref<1x32x128xf32, #tpu.memory_space<vmem>>
      %dma_wait3A_265 = tpu.memref_squeeze %dma_wait3A_264 : memref<1x32x128xf32, #tpu.memory_space<vmem>> -> memref<32x128xf32, #tpu.memory_space<vmem>>
      %dma_wait3A_266 = tpu.memref_slice %arg8[%add3A_246] : memref<10240xi32, #tpu.memory_space<vmem>> -> memref<32xi32, #tpu.memory_space<vmem>>
      %dma_wait3A_267 = arith.constant 0 : i32
      %dma_wait3A_268 = arith.constant 0 : i32
      %dma_wait3A_269 = tpu.memref_slice %arg11[%dma_wait3A_267, %dma_wait3A_268] : memref<10240x128xf32, #tpu.memory_space<vmem_shared>> -> memref<10240x128xf32, #tpu.memory_space<vmem_shared>>
      tpu.wait_indirect_dma semaphore(%run_scoped3A_253 : memref<!tpu.dma_semaphore, #tpu.memory_space<semaphore_mem>>) src(%dma_wait3A_265 : memref<32x128xf32, #tpu.memory_space<vmem>>) dst(%dma_wait3A_269 : memref<10240x128xf32, #tpu.memory_space<vmem_shared>>)
      tpu.yield
    }) : () -> ()
    %barrier3A_248 = arith.constant 0 : index
    tpu.barrier barrier_id(%barrier3A_248)
    %mul3A_249 = arith.constant 640 : i32
    %mul3A_250 = arith.muli %arg1, %mul3A_249 : i32
    %mul3A_251 = arith.constant 640 : i32
    %mul3A_252 = arith.muli %arg1, %mul3A_251 : i32
    "tpu.region"() ({
      %run_scoped3A_253 = tpu.sem_alloc : memref<!tpu.dma_semaphore, #tpu.memory_space<semaphore_mem>>
      %dma_start3A_254 = arith.constant 0 : i32
      %dma_start3A_255 = tpu.memref_slice %arg6[%arg0, %mul3A_252, %dma_start3A_254] : memref<2x10240x128xf32, #tpu.memory_space<hbm>> -> memref<1x640x128xf32, #tpu.memory_space<hbm>>
      %dma_start3A_256 = tpu.memref_squeeze %dma_start3A_255 : memref<1x640x128xf32, #tpu.memory_space<hbm>> -> memref<640x128xf32, #tpu.memory_space<hbm>>
      %dma_start3A_257 = arith.constant 0 : i32
      %dma_start3A_258 = tpu.memref_slice %arg11[%mul3A_250, %dma_start3A_257] : memref<10240x128xf32, #tpu.memory_space<vmem_shared>> -> memref<640x128xf32, #tpu.memory_space<vmem_shared>>
      tpu.enqueue_dma source(%dma_start3A_258 : memref<640x128xf32, #tpu.memory_space<vmem_shared>>) target(%dma_start3A_256 : memref<640x128xf32, #tpu.memory_space<hbm>>) target_semaphore(%run_scoped3A_253 : memref<!tpu.dma_semaphore, #tpu.memory_space<semaphore_mem>>)
      %dma_wait3A_259 = arith.constant 0 : i32
      %dma_wait3A_260 = tpu.memref_slice %arg6[%arg0, %mul3A_252, %dma_wait3A_259] : memref<2x10240x128xf32, #tpu.memory_space<hbm>> -> memref<1x640x128xf32, #tpu.memory_space<hbm>>
      %dma_wait3A_261 = tpu.memref_squeeze %dma_wait3A_260 : memref<1x640x128xf32, #tpu.memory_space<hbm>> -> memref<640x128xf32, #tpu.memory_space<hbm>>
      %dma_wait3A_262 = arith.constant 0 : i32
      %dma_wait3A_263 = tpu.memref_slice %arg11[%mul3A_250, %dma_wait3A_262] : memref<10240x128xf32, #tpu.memory_space<vmem_shared>> -> memref<640x128xf32, #tpu.memory_space<vmem_shared>>
      tpu.wait_dma2 semaphore(%run_scoped3A_253 : memref<!tpu.dma_semaphore, #tpu.memory_space<semaphore_mem>>) src(%dma_wait3A_263 : memref<640x128xf32, #tpu.memory_space<vmem_shared>>) dst(%dma_wait3A_261 : memref<640x128xf32, #tpu.memory_space<hbm>>)
      tpu.yield
    }) : () -> ()
    return
  }
}

#map = affine_map<(d0, d1) -> (0, 0)>
#map1 = affine_map<(d0, d1) -> (0)>
#map2 = affine_map<(d0, d1) -> (0, 0, 0)>
module attributes {stable_mosaic.version = 14 : i64} {
  func.func @_sc_agg(%arg0: i32, %arg1: i32, %arg2: memref<10000x128xf32, #tpu.memory_space<hbm>>, %arg3: memref<320000xi32, #tpu.memory_space<hbm>>, %arg4: memref<320000xi32, #tpu.memory_space<hbm>>, %arg5: memref<10240x128xf32, #tpu.memory_space<hbm>>, %arg6: memref<2x10240x128xf32, #tpu.memory_space<hbm>>, %arg7: memref<10240xi32, #tpu.memory_space<vmem>>, %arg8: memref<10240xi32, #tpu.memory_space<vmem>>, %arg9: memref<5x32x128xf32, #tpu.memory_space<vmem>>, %arg10: memref<5x!tpu.dma_semaphore, #tpu.memory_space<semaphore_mem>>, %arg11: memref<10240x128xf32, #tpu.memory_space<vmem_shared>>) attributes {dimension_semantics = [#tpu.dimension_semantics<core_parallel>, #tpu.dimension_semantics<subcore_parallel>], iteration_bounds = array<i64: 2, 16>, scalar_prefetch = 0 : i64, scratch_operands = 5 : i64, tpu.core_type = #tpu.core_type<sc_vector_subcore>, window_params = [{transform_indices = #map}, {transform_indices = #map1}, {transform_indices = #map1}, {transform_indices = #map}, {transform_indices = #map2}]} {
    %mul3A = arith.constant 2 : i32
    %mul3A_0 = arith.muli %arg1, %mul3A : i32
    %add3A = arith.addi %mul3A_0, %arg0 : i32
    %mul3A_1 = arith.constant 10240 : i32
    %mul3A_2 = arith.muli %add3A, %mul3A_1 : i32
    %min3A = arith.constant 309760 : i32
    %min3A_3 = arith.minsi %mul3A_2, %min3A : i32
    %sub3A = arith.subi %mul3A_2, %min3A_3 : i32
    %sub3A_4 = arith.constant 320000 : i32
    %sub3A_5 = arith.subi %sub3A_4, %mul3A_2 : i32
    %jit3A = arith.constant 32 : i32
    %div3A = arith.divsi %sub3A_5, %jit3A : i32
    %sign3A = arith.constant 0 : i32
    %sign3A_6 = arith.cmpi sgt, %sub3A_5, %sign3A : i32
    %sign3A_7 = arith.extui %sign3A_6 : i1 to i32
    %sign3A_8 = arith.constant 0 : i32
    %sign3A_9 = arith.cmpi slt, %sub3A_5, %sign3A_8 : i32
    %sign3A_10 = arith.extui %sign3A_9 : i1 to i32
    %sign3A_11 = arith.subi %sign3A_7, %sign3A_10 : i32
    %sign3A_12 = arith.constant 0 : i32
    %sign3A_13 = arith.cmpi sgt, %jit3A, %sign3A_12 : i32
    %sign3A_14 = arith.extui %sign3A_13 : i1 to i32
    %sign3A_15 = arith.constant 0 : i32
    %sign3A_16 = arith.cmpi slt, %jit3A, %sign3A_15 : i32
    %sign3A_17 = arith.extui %sign3A_16 : i1 to i32
    %sign3A_18 = arith.subi %sign3A_14, %sign3A_17 : i32
    %ne3A = arith.cmpi ne, %sign3A_11, %sign3A_18 : i32
    %rem3A = arith.remsi %sub3A_5, %jit3A : i32
    %ne3A_19 = arith.constant 0 : i32
    %ne3A_20 = arith.cmpi ne, %rem3A, %ne3A_19 : i32
    %and3A = arith.andi %ne3A, %ne3A_20 : i1
    %sub3A_21 = arith.constant 1 : i32
    %sub3A_22 = arith.subi %div3A, %sub3A_21 : i32
    %select_n3A = arith.select %and3A, %sub3A_22, %div3A : i32
    %min3A_23 = arith.constant 320 : i32
    %min3A_24 = arith.minsi %min3A_23, %select_n3A : i32
    %mul3A_25 = arith.constant 640 : i32
    %mul3A_26 = arith.muli %arg1, %mul3A_25 : i32
    %mul3A_27 = arith.constant 640 : i32
    %mul3A_28 = arith.muli %arg1, %mul3A_27 : i32
    "tpu.region"() ({
      %run_scoped3A_253 = tpu.sem_alloc : memref<!tpu.dma_semaphore, #tpu.memory_space<semaphore_mem>>
      %dma_start3A_254 = arith.constant 0 : i32
      %dma_start3A_255 = tpu.memref_slice %arg11[%mul3A_28, %dma_start3A_254] : memref<10240x128xf32, #tpu.memory_space<vmem_shared>> -> memref<640x128xf32, #tpu.memory_space<vmem_shared>>
      %dma_start3A_256 = arith.constant 0 : i32
      %dma_start3A_257 = tpu.memref_slice %arg5[%mul3A_26, %dma_start3A_256] : memref<10240x128xf32, #tpu.memory_space<hbm>> -> memref<640x128xf32, #tpu.memory_space<hbm>>
      tpu.enqueue_dma source(%dma_start3A_257 : memref<640x128xf32, #tpu.memory_space<hbm>>) target(%dma_start3A_255 : memref<640x128xf32, #tpu.memory_space<vmem_shared>>) target_semaphore(%run_scoped3A_253 : memref<!tpu.dma_semaphore, #tpu.memory_space<semaphore_mem>>)
      %dma_wait3A_258 = arith.constant 0 : i32
      %dma_wait3A_259 = tpu.memref_slice %arg11[%mul3A_28, %dma_wait3A_258] : memref<10240x128xf32, #tpu.memory_space<vmem_shared>> -> memref<640x128xf32, #tpu.memory_space<vmem_shared>>
      %dma_wait3A_260 = arith.constant 0 : i32
      %dma_wait3A_261 = tpu.memref_slice %arg5[%mul3A_26, %dma_wait3A_260] : memref<10240x128xf32, #tpu.memory_space<hbm>> -> memref<640x128xf32, #tpu.memory_space<hbm>>
      tpu.wait_dma2 semaphore(%run_scoped3A_253 : memref<!tpu.dma_semaphore, #tpu.memory_space<semaphore_mem>>) src(%dma_wait3A_261 : memref<640x128xf32, #tpu.memory_space<hbm>>) dst(%dma_wait3A_259 : memref<640x128xf32, #tpu.memory_space<vmem_shared>>)
      tpu.yield
    }) : () -> ()
    "tpu.region"() ({
      %run_scoped3A_253 = tpu.sem_alloc : memref<!tpu.dma_semaphore, #tpu.memory_space<semaphore_mem>>
      %dma_start3A_254 = tpu.memref_slice %arg3[%min3A_3] : memref<320000xi32, #tpu.memory_space<hbm>> -> memref<10240xi32, #tpu.memory_space<hbm>>
      %dma_start3A_255 = tpu.memref_slice %arg3[%min3A_3] : memref<320000xi32, #tpu.memory_space<hbm>> -> memref<10240xi32, #tpu.memory_space<hbm>>
      tpu.enqueue_dma source(%dma_start3A_255 : memref<10240xi32, #tpu.memory_space<hbm>>) target(%arg7 : memref<10240xi32, #tpu.memory_space<vmem>>) target_semaphore(%run_scoped3A_253 : memref<!tpu.dma_semaphore, #tpu.memory_space<semaphore_mem>>)
      %dma_wait3A_256 = tpu.memref_slice %arg3[%min3A_3] : memref<320000xi32, #tpu.memory_space<hbm>> -> memref<10240xi32, #tpu.memory_space<hbm>>
      %dma_wait3A_257 = tpu.memref_slice %arg3[%min3A_3] : memref<320000xi32, #tpu.memory_space<hbm>> -> memref<10240xi32, #tpu.memory_space<hbm>>
      tpu.wait_dma2 semaphore(%run_scoped3A_253 : memref<!tpu.dma_semaphore, #tpu.memory_space<semaphore_mem>>) src(%dma_wait3A_257 : memref<10240xi32, #tpu.memory_space<hbm>>) dst(%arg7 : memref<10240xi32, #tpu.memory_space<vmem>>)
      tpu.yield
    }) : () -> ()
    "tpu.region"() ({
      %run_scoped3A_253 = tpu.sem_alloc : memref<!tpu.dma_semaphore, #tpu.memory_space<semaphore_mem>>
      %dma_start3A_254 = tpu.memref_slice %arg4[%min3A_3] : memref<320000xi32, #tpu.memory_space<hbm>> -> memref<10240xi32, #tpu.memory_space<hbm>>
      %dma_start3A_255 = tpu.memref_slice %arg4[%min3A_3] : memref<320000xi32, #tpu.memory_space<hbm>> -> memref<10240xi32, #tpu.memory_space<hbm>>
      tpu.enqueue_dma source(%dma_start3A_255 : memref<10240xi32, #tpu.memory_space<hbm>>) target(%arg8 : memref<10240xi32, #tpu.memory_space<vmem>>) target_semaphore(%run_scoped3A_253 : memref<!tpu.dma_semaphore, #tpu.memory_space<semaphore_mem>>)
      %dma_wait3A_256 = tpu.memref_slice %arg4[%min3A_3] : memref<320000xi32, #tpu.memory_space<hbm>> -> memref<10240xi32, #tpu.memory_space<hbm>>
      %dma_wait3A_257 = tpu.memref_slice %arg4[%min3A_3] : memref<320000xi32, #tpu.memory_space<hbm>> -> memref<10240xi32, #tpu.memory_space<hbm>>
      tpu.wait_dma2 semaphore(%run_scoped3A_253 : memref<!tpu.dma_semaphore, #tpu.memory_space<semaphore_mem>>) src(%dma_wait3A_257 : memref<10240xi32, #tpu.memory_space<hbm>>) dst(%arg8 : memref<10240xi32, #tpu.memory_space<vmem>>)
      tpu.yield
    }) : () -> ()
    %barrier3A = arith.constant 0 : index
    tpu.barrier barrier_id(%barrier3A)
    %add3A_29 = arith.constant 0 : i32
    %add3A_30 = arith.addi %sub3A, %add3A_29 : i32
    %dma_start3A = arith.constant 0 : i32
    %dma_start3A_31 = arith.constant 0 : i32
    %dma_start3A_32 = arith.constant 0 : i32
    %dma_start3A_33 = arith.constant 0 : i32
    %dma_start3A_34 = tpu.memref_slice %arg9[%dma_start3A, %dma_start3A_32, %dma_start3A_33] : memref<5x32x128xf32, #tpu.memory_space<vmem>> -> memref<1x32x128xf32, #tpu.memory_space<vmem>>
    %dma_start3A_35 = tpu.memref_squeeze %dma_start3A_34 : memref<1x32x128xf32, #tpu.memory_space<vmem>> -> memref<32x128xf32, #tpu.memory_space<vmem>>
    %dma_start3A_36 = tpu.memref_slice %arg7[%add3A_30] : memref<10240xi32, #tpu.memory_space<vmem>> -> memref<32xi32, #tpu.memory_space<vmem>>
    %dma_start3A_37 = arith.constant 0 : i32
    %dma_start3A_38 = arith.constant 0 : i32
    %dma_start3A_39 = tpu.memref_slice %arg2[%dma_start3A_37, %dma_start3A_38] : memref<10000x128xf32, #tpu.memory_space<hbm>> -> memref<10000x128xf32, #tpu.memory_space<hbm>>
    %dma_start3A_40 = tpu.memref_slice %arg10[%dma_start3A_31] : memref<5x!tpu.dma_semaphore, #tpu.memory_space<semaphore_mem>> -> memref<1x!tpu.dma_semaphore, #tpu.memory_space<semaphore_mem>>
    %dma_start3A_41 = tpu.memref_squeeze %dma_start3A_40 : memref<1x!tpu.dma_semaphore, #tpu.memory_space<semaphore_mem>> -> memref<!tpu.dma_semaphore, #tpu.memory_space<semaphore_mem>>
    tpu.enqueue_indirect_dma source(%dma_start3A_39 : memref<10000x128xf32, #tpu.memory_space<hbm>>) target(%dma_start3A_35 : memref<32x128xf32, #tpu.memory_space<vmem>>) offsets(%dma_start3A_36 : memref<32xi32, #tpu.memory_space<vmem>>) semaphore(%dma_start3A_41 : memref<!tpu.dma_semaphore, #tpu.memory_space<semaphore_mem>>)
    %add3A_42 = arith.constant 32 : i32
    %add3A_43 = arith.addi %sub3A, %add3A_42 : i32
    %dma_start3A_44 = arith.constant 1 : i32
    %dma_start3A_45 = arith.constant 1 : i32
    %dma_start3A_46 = arith.constant 0 : i32
    %dma_start3A_47 = arith.constant 0 : i32
    %dma_start3A_48 = tpu.memref_slice %arg9[%dma_start3A_44, %dma_start3A_46, %dma_start3A_47] : memref<5x32x128xf32, #tpu.memory_space<vmem>> -> memref<1x32x128xf32, #tpu.memory_space<vmem>>
    %dma_start3A_49 = tpu.memref_squeeze %dma_start3A_48 : memref<1x32x128xf32, #tpu.memory_space<vmem>> -> memref<32x128xf32, #tpu.memory_space<vmem>>
    %dma_start3A_50 = tpu.memref_slice %arg7[%add3A_43] : memref<10240xi32, #tpu.memory_space<vmem>> -> memref<32xi32, #tpu.memory_space<vmem>>
    %dma_start3A_51 = arith.constant 0 : i32
    %dma_start3A_52 = arith.constant 0 : i32
    %dma_start3A_53 = tpu.memref_slice %arg2[%dma_start3A_51, %dma_start3A_52] : memref<10000x128xf32, #tpu.memory_space<hbm>> -> memref<10000x128xf32, #tpu.memory_space<hbm>>
    %dma_start3A_54 = tpu.memref_slice %arg10[%dma_start3A_45] : memref<5x!tpu.dma_semaphore, #tpu.memory_space<semaphore_mem>> -> memref<1x!tpu.dma_semaphore, #tpu.memory_space<semaphore_mem>>
    %dma_start3A_55 = tpu.memref_squeeze %dma_start3A_54 : memref<1x!tpu.dma_semaphore, #tpu.memory_space<semaphore_mem>> -> memref<!tpu.dma_semaphore, #tpu.memory_space<semaphore_mem>>
    tpu.enqueue_indirect_dma source(%dma_start3A_53 : memref<10000x128xf32, #tpu.memory_space<hbm>>) target(%dma_start3A_49 : memref<32x128xf32, #tpu.memory_space<vmem>>) offsets(%dma_start3A_50 : memref<32xi32, #tpu.memory_space<vmem>>) semaphore(%dma_start3A_55 : memref<!tpu.dma_semaphore, #tpu.memory_space<semaphore_mem>>)
    %add3A_56 = arith.constant 64 : i32
    %add3A_57 = arith.addi %sub3A, %add3A_56 : i32
    %dma_start3A_58 = arith.constant 2 : i32
    %dma_start3A_59 = arith.constant 2 : i32
    %dma_start3A_60 = arith.constant 0 : i32
    %dma_start3A_61 = arith.constant 0 : i32
    %dma_start3A_62 = tpu.memref_slice %arg9[%dma_start3A_58, %dma_start3A_60, %dma_start3A_61] : memref<5x32x128xf32, #tpu.memory_space<vmem>> -> memref<1x32x128xf32, #tpu.memory_space<vmem>>
    %dma_start3A_63 = tpu.memref_squeeze %dma_start3A_62 : memref<1x32x128xf32, #tpu.memory_space<vmem>> -> memref<32x128xf32, #tpu.memory_space<vmem>>
    %dma_start3A_64 = tpu.memref_slice %arg7[%add3A_57] : memref<10240xi32, #tpu.memory_space<vmem>> -> memref<32xi32, #tpu.memory_space<vmem>>
    %dma_start3A_65 = arith.constant 0 : i32
    %dma_start3A_66 = arith.constant 0 : i32
    %dma_start3A_67 = tpu.memref_slice %arg2[%dma_start3A_65, %dma_start3A_66] : memref<10000x128xf32, #tpu.memory_space<hbm>> -> memref<10000x128xf32, #tpu.memory_space<hbm>>
    %dma_start3A_68 = tpu.memref_slice %arg10[%dma_start3A_59] : memref<5x!tpu.dma_semaphore, #tpu.memory_space<semaphore_mem>> -> memref<1x!tpu.dma_semaphore, #tpu.memory_space<semaphore_mem>>
    %dma_start3A_69 = tpu.memref_squeeze %dma_start3A_68 : memref<1x!tpu.dma_semaphore, #tpu.memory_space<semaphore_mem>> -> memref<!tpu.dma_semaphore, #tpu.memory_space<semaphore_mem>>
    tpu.enqueue_indirect_dma source(%dma_start3A_67 : memref<10000x128xf32, #tpu.memory_space<hbm>>) target(%dma_start3A_63 : memref<32x128xf32, #tpu.memory_space<vmem>>) offsets(%dma_start3A_64 : memref<32xi32, #tpu.memory_space<vmem>>) semaphore(%dma_start3A_69 : memref<!tpu.dma_semaphore, #tpu.memory_space<semaphore_mem>>)
    %add3A_70 = arith.constant 96 : i32
    %add3A_71 = arith.addi %sub3A, %add3A_70 : i32
    %dma_start3A_72 = arith.constant 3 : i32
    %dma_start3A_73 = arith.constant 3 : i32
    %dma_start3A_74 = arith.constant 0 : i32
    %dma_start3A_75 = arith.constant 0 : i32
    %dma_start3A_76 = tpu.memref_slice %arg9[%dma_start3A_72, %dma_start3A_74, %dma_start3A_75] : memref<5x32x128xf32, #tpu.memory_space<vmem>> -> memref<1x32x128xf32, #tpu.memory_space<vmem>>
    %dma_start3A_77 = tpu.memref_squeeze %dma_start3A_76 : memref<1x32x128xf32, #tpu.memory_space<vmem>> -> memref<32x128xf32, #tpu.memory_space<vmem>>
    %dma_start3A_78 = tpu.memref_slice %arg7[%add3A_71] : memref<10240xi32, #tpu.memory_space<vmem>> -> memref<32xi32, #tpu.memory_space<vmem>>
    %dma_start3A_79 = arith.constant 0 : i32
    %dma_start3A_80 = arith.constant 0 : i32
    %dma_start3A_81 = tpu.memref_slice %arg2[%dma_start3A_79, %dma_start3A_80] : memref<10000x128xf32, #tpu.memory_space<hbm>> -> memref<10000x128xf32, #tpu.memory_space<hbm>>
    %dma_start3A_82 = tpu.memref_slice %arg10[%dma_start3A_73] : memref<5x!tpu.dma_semaphore, #tpu.memory_space<semaphore_mem>> -> memref<1x!tpu.dma_semaphore, #tpu.memory_space<semaphore_mem>>
    %dma_start3A_83 = tpu.memref_squeeze %dma_start3A_82 : memref<1x!tpu.dma_semaphore, #tpu.memory_space<semaphore_mem>> -> memref<!tpu.dma_semaphore, #tpu.memory_space<semaphore_mem>>
    tpu.enqueue_indirect_dma source(%dma_start3A_81 : memref<10000x128xf32, #tpu.memory_space<hbm>>) target(%dma_start3A_77 : memref<32x128xf32, #tpu.memory_space<vmem>>) offsets(%dma_start3A_78 : memref<32xi32, #tpu.memory_space<vmem>>) semaphore(%dma_start3A_83 : memref<!tpu.dma_semaphore, #tpu.memory_space<semaphore_mem>>)
    %add3A_84 = arith.constant 128 : i32
    %add3A_85 = arith.addi %sub3A, %add3A_84 : i32
    %dma_start3A_86 = arith.constant 4 : i32
    %dma_start3A_87 = arith.constant 4 : i32
    %dma_start3A_88 = arith.constant 0 : i32
    %dma_start3A_89 = arith.constant 0 : i32
    %dma_start3A_90 = tpu.memref_slice %arg9[%dma_start3A_86, %dma_start3A_88, %dma_start3A_89] : memref<5x32x128xf32, #tpu.memory_space<vmem>> -> memref<1x32x128xf32, #tpu.memory_space<vmem>>
    %dma_start3A_91 = tpu.memref_squeeze %dma_start3A_90 : memref<1x32x128xf32, #tpu.memory_space<vmem>> -> memref<32x128xf32, #tpu.memory_space<vmem>>
    %dma_start3A_92 = tpu.memref_slice %arg7[%add3A_85] : memref<10240xi32, #tpu.memory_space<vmem>> -> memref<32xi32, #tpu.memory_space<vmem>>
    %dma_start3A_93 = arith.constant 0 : i32
    %dma_start3A_94 = arith.constant 0 : i32
    %dma_start3A_95 = tpu.memref_slice %arg2[%dma_start3A_93, %dma_start3A_94] : memref<10000x128xf32, #tpu.memory_space<hbm>> -> memref<10000x128xf32, #tpu.memory_space<hbm>>
    %dma_start3A_96 = tpu.memref_slice %arg10[%dma_start3A_87] : memref<5x!tpu.dma_semaphore, #tpu.memory_space<semaphore_mem>> -> memref<1x!tpu.dma_semaphore, #tpu.memory_space<semaphore_mem>>
    %dma_start3A_97 = tpu.memref_squeeze %dma_start3A_96 : memref<1x!tpu.dma_semaphore, #tpu.memory_space<semaphore_mem>> -> memref<!tpu.dma_semaphore, #tpu.memory_space<semaphore_mem>>
    tpu.enqueue_indirect_dma source(%dma_start3A_95 : memref<10000x128xf32, #tpu.memory_space<hbm>>) target(%dma_start3A_91 : memref<32x128xf32, #tpu.memory_space<vmem>>) offsets(%dma_start3A_92 : memref<32xi32, #tpu.memory_space<vmem>>) semaphore(%dma_start3A_97 : memref<!tpu.dma_semaphore, #tpu.memory_space<semaphore_mem>>)
    %jit3A_98 = arith.constant 5 : i32
    %div3A_99 = arith.divsi %min3A_24, %jit3A_98 : i32
    %sign3A_100 = arith.constant 0 : i32
    %sign3A_101 = arith.cmpi sgt, %min3A_24, %sign3A_100 : i32
    %sign3A_102 = arith.extui %sign3A_101 : i1 to i32
    %sign3A_103 = arith.constant 0 : i32
    %sign3A_104 = arith.cmpi slt, %min3A_24, %sign3A_103 : i32
    %sign3A_105 = arith.extui %sign3A_104 : i1 to i32
    %sign3A_106 = arith.subi %sign3A_102, %sign3A_105 : i32
    %sign3A_107 = arith.constant 0 : i32
    %sign3A_108 = arith.cmpi sgt, %jit3A_98, %sign3A_107 : i32
    %sign3A_109 = arith.extui %sign3A_108 : i1 to i32
    %sign3A_110 = arith.constant 0 : i32
    %sign3A_111 = arith.cmpi slt, %jit3A_98, %sign3A_110 : i32
    %sign3A_112 = arith.extui %sign3A_111 : i1 to i32
    %sign3A_113 = arith.subi %sign3A_109, %sign3A_112 : i32
    %ne3A_114 = arith.cmpi ne, %sign3A_106, %sign3A_113 : i32
    %rem3A_115 = arith.remsi %min3A_24, %jit3A_98 : i32
    %ne3A_116 = arith.constant 0 : i32
    %ne3A_117 = arith.cmpi ne, %rem3A_115, %ne3A_116 : i32
    %and3A_118 = arith.andi %ne3A_114, %ne3A_117 : i1
    %sub3A_119 = arith.constant 1 : i32
    %sub3A_120 = arith.subi %div3A_99, %sub3A_119 : i32
    %select_n3A_121 = arith.select %and3A_118, %sub3A_120, %div3A_99 : i32
    %sub3A_122 = arith.constant 1 : i32
    %sub3A_123 = arith.subi %select_n3A_121, %sub3A_122 : i32
    %while3A = arith.constant 0 : i32
    %while3A_124 = arith.constant 0 : i32
    %while3A_125 = arith.subi %sub3A_123, %while3A : i32
    %while3A_126 = arith.addi %while3A, %while3A_125 : i32
    %while3A_127 = arith.constant 1 : i32
    %while3A_128 = arith.divsi %while3A_125, %while3A_127 : i32
    %while3A_129 = arith.muli %while3A_128, %while3A_127 : i32
    %while3A_130 = arith.addi %while3A, %while3A_129 : i32
    %while3A_131 = arith.constant 1 : i32
    %while3A_132 = scf.for %while3A_253 = %while3A to %while3A_130 step %while3A_131 iter_args(%while3A_254 = %while3A_124) -> (i32)  : i32 {
      %mul3A_255 = arith.constant 5 : i32
      %mul3A_256 = arith.muli %while3A_253, %mul3A_255 : i32
      %add3A_257 = arith.constant 0 : i32
      %add3A_258 = arith.addi %mul3A_256, %add3A_257 : i32
      %mul3A_259 = arith.constant 32 : i32
      %mul3A_260 = arith.muli %add3A_258, %mul3A_259 : i32
      %add3A_261 = arith.addi %sub3A, %mul3A_260 : i32
      %dma_wait3A_262 = arith.constant 0 : i32
      %dma_wait3A_263 = arith.constant 0 : i32
      %dma_wait3A_264 = arith.constant 0 : i32
      %dma_wait3A_265 = arith.constant 0 : i32
      %dma_wait3A_266 = tpu.memref_slice %arg9[%dma_wait3A_262, %dma_wait3A_264, %dma_wait3A_265] : memref<5x32x128xf32, #tpu.memory_space<vmem>> -> memref<1x32x128xf32, #tpu.memory_space<vmem>>
      %dma_wait3A_267 = tpu.memref_squeeze %dma_wait3A_266 : memref<1x32x128xf32, #tpu.memory_space<vmem>> -> memref<32x128xf32, #tpu.memory_space<vmem>>
      %dma_wait3A_268 = tpu.memref_slice %arg7[%add3A_261] : memref<10240xi32, #tpu.memory_space<vmem>> -> memref<32xi32, #tpu.memory_space<vmem>>
      %dma_wait3A_269 = arith.constant 0 : i32
      %dma_wait3A_270 = arith.constant 0 : i32
      %dma_wait3A_271 = tpu.memref_slice %arg2[%dma_wait3A_269, %dma_wait3A_270] : memref<10000x128xf32, #tpu.memory_space<hbm>> -> memref<10000x128xf32, #tpu.memory_space<hbm>>
      %dma_wait3A_272 = tpu.memref_slice %arg10[%dma_wait3A_263] : memref<5x!tpu.dma_semaphore, #tpu.memory_space<semaphore_mem>> -> memref<1x!tpu.dma_semaphore, #tpu.memory_space<semaphore_mem>>
      %dma_wait3A_273 = tpu.memref_squeeze %dma_wait3A_272 : memref<1x!tpu.dma_semaphore, #tpu.memory_space<semaphore_mem>> -> memref<!tpu.dma_semaphore, #tpu.memory_space<semaphore_mem>>
      tpu.wait_indirect_dma semaphore(%dma_wait3A_273 : memref<!tpu.dma_semaphore, #tpu.memory_space<semaphore_mem>>) src(%dma_wait3A_271 : memref<10000x128xf32, #tpu.memory_space<hbm>>) dst(%dma_wait3A_267 : memref<32x128xf32, #tpu.memory_space<vmem>>)
      %mul3A_274 = arith.constant 32 : i32
      %mul3A_275 = arith.muli %add3A_258, %mul3A_274 : i32
      %add3A_276 = arith.addi %sub3A, %mul3A_275 : i32
      %run_scoped3A_277 = arith.constant 0 : i32
      "tpu.region"() ({
        %run_scoped3A_456 = tpu.sem_alloc : memref<!tpu.dma_semaphore, #tpu.memory_space<semaphore_mem>>
        %dma_start3A_457 = arith.constant 0 : i32
        %dma_start3A_458 = arith.constant 0 : i32
        %dma_start3A_459 = tpu.memref_slice %arg9[%run_scoped3A_277, %dma_start3A_457, %dma_start3A_458] : memref<5x32x128xf32, #tpu.memory_space<vmem>> -> memref<1x32x128xf32, #tpu.memory_space<vmem>>
        %dma_start3A_460 = tpu.memref_squeeze %dma_start3A_459 : memref<1x32x128xf32, #tpu.memory_space<vmem>> -> memref<32x128xf32, #tpu.memory_space<vmem>>
        %dma_start3A_461 = tpu.memref_slice %arg8[%add3A_276] : memref<10240xi32, #tpu.memory_space<vmem>> -> memref<32xi32, #tpu.memory_space<vmem>>
        %dma_start3A_462 = arith.constant 0 : i32
        %dma_start3A_463 = arith.constant 0 : i32
        %dma_start3A_464 = tpu.memref_slice %arg11[%dma_start3A_462, %dma_start3A_463] : memref<10240x128xf32, #tpu.memory_space<vmem_shared>> -> memref<10240x128xf32, #tpu.memory_space<vmem_shared>>
        tpu.enqueue_indirect_dma source(%dma_start3A_460 : memref<32x128xf32, #tpu.memory_space<vmem>>) target(%dma_start3A_464 : memref<10240x128xf32, #tpu.memory_space<vmem_shared>>) offsets(%dma_start3A_461 : memref<32xi32, #tpu.memory_space<vmem>>) semaphore(%run_scoped3A_456 : memref<!tpu.dma_semaphore, #tpu.memory_space<semaphore_mem>>) {add = true}
        %dma_wait3A_465 = arith.constant 0 : i32
        %dma_wait3A_466 = arith.constant 0 : i32
        %dma_wait3A_467 = tpu.memref_slice %arg9[%run_scoped3A_277, %dma_wait3A_465, %dma_wait3A_466] : memref<5x32x128xf32, #tpu.memory_space<vmem>> -> memref<1x32x128xf32, #tpu.memory_space<vmem>>
        %dma_wait3A_468 = tpu.memref_squeeze %dma_wait3A_467 : memref<1x32x128xf32, #tpu.memory_space<vmem>> -> memref<32x128xf32, #tpu.memory_space<vmem>>
        %dma_wait3A_469 = tpu.memref_slice %arg8[%add3A_276] : memref<10240xi32, #tpu.memory_space<vmem>> -> memref<32xi32, #tpu.memory_space<vmem>>
        %dma_wait3A_470 = arith.constant 0 : i32
        %dma_wait3A_471 = arith.constant 0 : i32
        %dma_wait3A_472 = tpu.memref_slice %arg11[%dma_wait3A_470, %dma_wait3A_471] : memref<10240x128xf32, #tpu.memory_space<vmem_shared>> -> memref<10240x128xf32, #tpu.memory_space<vmem_shared>>
        tpu.wait_indirect_dma semaphore(%run_scoped3A_456 : memref<!tpu.dma_semaphore, #tpu.memory_space<semaphore_mem>>) src(%dma_wait3A_468 : memref<32x128xf32, #tpu.memory_space<vmem>>) dst(%dma_wait3A_472 : memref<10240x128xf32, #tpu.memory_space<vmem_shared>>)
        tpu.yield
      }) : () -> ()
      %add3A_278 = arith.constant 5 : i32
      %add3A_279 = arith.addi %add3A_258, %add3A_278 : i32
      %mul3A_280 = arith.constant 32 : i32
      %mul3A_281 = arith.muli %add3A_279, %mul3A_280 : i32
      %add3A_282 = arith.addi %sub3A, %mul3A_281 : i32
      %dma_start3A_283 = arith.constant 0 : i32
      %dma_start3A_284 = arith.constant 0 : i32
      %dma_start3A_285 = arith.constant 0 : i32
      %dma_start3A_286 = arith.constant 0 : i32
      %dma_start3A_287 = tpu.memref_slice %arg9[%dma_start3A_283, %dma_start3A_285, %dma_start3A_286] : memref<5x32x128xf32, #tpu.memory_space<vmem>> -> memref<1x32x128xf32, #tpu.memory_space<vmem>>
      %dma_start3A_288 = tpu.memref_squeeze %dma_start3A_287 : memref<1x32x128xf32, #tpu.memory_space<vmem>> -> memref<32x128xf32, #tpu.memory_space<vmem>>
      %dma_start3A_289 = tpu.memref_slice %arg7[%add3A_282] : memref<10240xi32, #tpu.memory_space<vmem>> -> memref<32xi32, #tpu.memory_space<vmem>>
      %dma_start3A_290 = arith.constant 0 : i32
      %dma_start3A_291 = arith.constant 0 : i32
      %dma_start3A_292 = tpu.memref_slice %arg2[%dma_start3A_290, %dma_start3A_291] : memref<10000x128xf32, #tpu.memory_space<hbm>> -> memref<10000x128xf32, #tpu.memory_space<hbm>>
      %dma_start3A_293 = tpu.memref_slice %arg10[%dma_start3A_284] : memref<5x!tpu.dma_semaphore, #tpu.memory_space<semaphore_mem>> -> memref<1x!tpu.dma_semaphore, #tpu.memory_space<semaphore_mem>>
      %dma_start3A_294 = tpu.memref_squeeze %dma_start3A_293 : memref<1x!tpu.dma_semaphore, #tpu.memory_space<semaphore_mem>> -> memref<!tpu.dma_semaphore, #tpu.memory_space<semaphore_mem>>
      tpu.enqueue_indirect_dma source(%dma_start3A_292 : memref<10000x128xf32, #tpu.memory_space<hbm>>) target(%dma_start3A_288 : memref<32x128xf32, #tpu.memory_space<vmem>>) offsets(%dma_start3A_289 : memref<32xi32, #tpu.memory_space<vmem>>) semaphore(%dma_start3A_294 : memref<!tpu.dma_semaphore, #tpu.memory_space<semaphore_mem>>)
      %mul3A_295 = arith.constant 5 : i32
      %mul3A_296 = arith.muli %while3A_253, %mul3A_295 : i32
      %add3A_297 = arith.constant 1 : i32
      %add3A_298 = arith.addi %mul3A_296, %add3A_297 : i32
      %mul3A_299 = arith.constant 32 : i32
      %mul3A_300 = arith.muli %add3A_298, %mul3A_299 : i32
      %add3A_301 = arith.addi %sub3A, %mul3A_300 : i32
      %dma_wait3A_302 = arith.constant 1 : i32
      %dma_wait3A_303 = arith.constant 1 : i32
      %dma_wait3A_304 = arith.constant 0 : i32
      %dma_wait3A_305 = arith.constant 0 : i32
      %dma_wait3A_306 = tpu.memref_slice %arg9[%dma_wait3A_302, %dma_wait3A_304, %dma_wait3A_305] : memref<5x32x128xf32, #tpu.memory_space<vmem>> -> memref<1x32x128xf32, #tpu.memory_space<vmem>>
      %dma_wait3A_307 = tpu.memref_squeeze %dma_wait3A_306 : memref<1x32x128xf32, #tpu.memory_space<vmem>> -> memref<32x128xf32, #tpu.memory_space<vmem>>
      %dma_wait3A_308 = tpu.memref_slice %arg7[%add3A_301] : memref<10240xi32, #tpu.memory_space<vmem>> -> memref<32xi32, #tpu.memory_space<vmem>>
      %dma_wait3A_309 = arith.constant 0 : i32
      %dma_wait3A_310 = arith.constant 0 : i32
      %dma_wait3A_311 = tpu.memref_slice %arg2[%dma_wait3A_309, %dma_wait3A_310] : memref<10000x128xf32, #tpu.memory_space<hbm>> -> memref<10000x128xf32, #tpu.memory_space<hbm>>
      %dma_wait3A_312 = tpu.memref_slice %arg10[%dma_wait3A_303] : memref<5x!tpu.dma_semaphore, #tpu.memory_space<semaphore_mem>> -> memref<1x!tpu.dma_semaphore, #tpu.memory_space<semaphore_mem>>
      %dma_wait3A_313 = tpu.memref_squeeze %dma_wait3A_312 : memref<1x!tpu.dma_semaphore, #tpu.memory_space<semaphore_mem>> -> memref<!tpu.dma_semaphore, #tpu.memory_space<semaphore_mem>>
      tpu.wait_indirect_dma semaphore(%dma_wait3A_313 : memref<!tpu.dma_semaphore, #tpu.memory_space<semaphore_mem>>) src(%dma_wait3A_311 : memref<10000x128xf32, #tpu.memory_space<hbm>>) dst(%dma_wait3A_307 : memref<32x128xf32, #tpu.memory_space<vmem>>)
      %mul3A_314 = arith.constant 32 : i32
      %mul3A_315 = arith.muli %add3A_298, %mul3A_314 : i32
      %add3A_316 = arith.addi %sub3A, %mul3A_315 : i32
      %run_scoped3A_317 = arith.constant 1 : i32
      "tpu.region"() ({
        %run_scoped3A_456 = tpu.sem_alloc : memref<!tpu.dma_semaphore, #tpu.memory_space<semaphore_mem>>
        %dma_start3A_457 = arith.constant 0 : i32
        %dma_start3A_458 = arith.constant 0 : i32
        %dma_start3A_459 = tpu.memref_slice %arg9[%run_scoped3A_317, %dma_start3A_457, %dma_start3A_458] : memref<5x32x128xf32, #tpu.memory_space<vmem>> -> memref<1x32x128xf32, #tpu.memory_space<vmem>>
        %dma_start3A_460 = tpu.memref_squeeze %dma_start3A_459 : memref<1x32x128xf32, #tpu.memory_space<vmem>> -> memref<32x128xf32, #tpu.memory_space<vmem>>
        %dma_start3A_461 = tpu.memref_slice %arg8[%add3A_316] : memref<10240xi32, #tpu.memory_space<vmem>> -> memref<32xi32, #tpu.memory_space<vmem>>
        %dma_start3A_462 = arith.constant 0 : i32
        %dma_start3A_463 = arith.constant 0 : i32
        %dma_start3A_464 = tpu.memref_slice %arg11[%dma_start3A_462, %dma_start3A_463] : memref<10240x128xf32, #tpu.memory_space<vmem_shared>> -> memref<10240x128xf32, #tpu.memory_space<vmem_shared>>
        tpu.enqueue_indirect_dma source(%dma_start3A_460 : memref<32x128xf32, #tpu.memory_space<vmem>>) target(%dma_start3A_464 : memref<10240x128xf32, #tpu.memory_space<vmem_shared>>) offsets(%dma_start3A_461 : memref<32xi32, #tpu.memory_space<vmem>>) semaphore(%run_scoped3A_456 : memref<!tpu.dma_semaphore, #tpu.memory_space<semaphore_mem>>) {add = true}
        %dma_wait3A_465 = arith.constant 0 : i32
        %dma_wait3A_466 = arith.constant 0 : i32
        %dma_wait3A_467 = tpu.memref_slice %arg9[%run_scoped3A_317, %dma_wait3A_465, %dma_wait3A_466] : memref<5x32x128xf32, #tpu.memory_space<vmem>> -> memref<1x32x128xf32, #tpu.memory_space<vmem>>
        %dma_wait3A_468 = tpu.memref_squeeze %dma_wait3A_467 : memref<1x32x128xf32, #tpu.memory_space<vmem>> -> memref<32x128xf32, #tpu.memory_space<vmem>>
        %dma_wait3A_469 = tpu.memref_slice %arg8[%add3A_316] : memref<10240xi32, #tpu.memory_space<vmem>> -> memref<32xi32, #tpu.memory_space<vmem>>
        %dma_wait3A_470 = arith.constant 0 : i32
        %dma_wait3A_471 = arith.constant 0 : i32
        %dma_wait3A_472 = tpu.memref_slice %arg11[%dma_wait3A_470, %dma_wait3A_471] : memref<10240x128xf32, #tpu.memory_space<vmem_shared>> -> memref<10240x128xf32, #tpu.memory_space<vmem_shared>>
        tpu.wait_indirect_dma semaphore(%run_scoped3A_456 : memref<!tpu.dma_semaphore, #tpu.memory_space<semaphore_mem>>) src(%dma_wait3A_468 : memref<32x128xf32, #tpu.memory_space<vmem>>) dst(%dma_wait3A_472 : memref<10240x128xf32, #tpu.memory_space<vmem_shared>>)
        tpu.yield
      }) : () -> ()
      %add3A_318 = arith.constant 5 : i32
      %add3A_319 = arith.addi %add3A_298, %add3A_318 : i32
      %mul3A_320 = arith.constant 32 : i32
      %mul3A_321 = arith.muli %add3A_319, %mul3A_320 : i32
      %add3A_322 = arith.addi %sub3A, %mul3A_321 : i32
      %dma_start3A_323 = arith.constant 1 : i32
      %dma_start3A_324 = arith.constant 1 : i32
      %dma_start3A_325 = arith.constant 0 : i32
      %dma_start3A_326 = arith.constant 0 : i32
      %dma_start3A_327 = tpu.memref_slice %arg9[%dma_start3A_323, %dma_start3A_325, %dma_start3A_326] : memref<5x32x128xf32, #tpu.memory_space<vmem>> -> memref<1x32x128xf32, #tpu.memory_space<vmem>>
      %dma_start3A_328 = tpu.memref_squeeze %dma_start3A_327 : memref<1x32x128xf32, #tpu.memory_space<vmem>> -> memref<32x128xf32, #tpu.memory_space<vmem>>
      %dma_start3A_329 = tpu.memref_slice %arg7[%add3A_322] : memref<10240xi32, #tpu.memory_space<vmem>> -> memref<32xi32, #tpu.memory_space<vmem>>
      %dma_start3A_330 = arith.constant 0 : i32
      %dma_start3A_331 = arith.constant 0 : i32
      %dma_start3A_332 = tpu.memref_slice %arg2[%dma_start3A_330, %dma_start3A_331] : memref<10000x128xf32, #tpu.memory_space<hbm>> -> memref<10000x128xf32, #tpu.memory_space<hbm>>
      %dma_start3A_333 = tpu.memref_slice %arg10[%dma_start3A_324] : memref<5x!tpu.dma_semaphore, #tpu.memory_space<semaphore_mem>> -> memref<1x!tpu.dma_semaphore, #tpu.memory_space<semaphore_mem>>
      %dma_start3A_334 = tpu.memref_squeeze %dma_start3A_333 : memref<1x!tpu.dma_semaphore, #tpu.memory_space<semaphore_mem>> -> memref<!tpu.dma_semaphore, #tpu.memory_space<semaphore_mem>>
      tpu.enqueue_indirect_dma source(%dma_start3A_332 : memref<10000x128xf32, #tpu.memory_space<hbm>>) target(%dma_start3A_328 : memref<32x128xf32, #tpu.memory_space<vmem>>) offsets(%dma_start3A_329 : memref<32xi32, #tpu.memory_space<vmem>>) semaphore(%dma_start3A_334 : memref<!tpu.dma_semaphore, #tpu.memory_space<semaphore_mem>>)
      %mul3A_335 = arith.constant 5 : i32
      %mul3A_336 = arith.muli %while3A_253, %mul3A_335 : i32
      %add3A_337 = arith.constant 2 : i32
      %add3A_338 = arith.addi %mul3A_336, %add3A_337 : i32
      %mul3A_339 = arith.constant 32 : i32
      %mul3A_340 = arith.muli %add3A_338, %mul3A_339 : i32
      %add3A_341 = arith.addi %sub3A, %mul3A_340 : i32
      %dma_wait3A_342 = arith.constant 2 : i32
      %dma_wait3A_343 = arith.constant 2 : i32
      %dma_wait3A_344 = arith.constant 0 : i32
      %dma_wait3A_345 = arith.constant 0 : i32
      %dma_wait3A_346 = tpu.memref_slice %arg9[%dma_wait3A_342, %dma_wait3A_344, %dma_wait3A_345] : memref<5x32x128xf32, #tpu.memory_space<vmem>> -> memref<1x32x128xf32, #tpu.memory_space<vmem>>
      %dma_wait3A_347 = tpu.memref_squeeze %dma_wait3A_346 : memref<1x32x128xf32, #tpu.memory_space<vmem>> -> memref<32x128xf32, #tpu.memory_space<vmem>>
      %dma_wait3A_348 = tpu.memref_slice %arg7[%add3A_341] : memref<10240xi32, #tpu.memory_space<vmem>> -> memref<32xi32, #tpu.memory_space<vmem>>
      %dma_wait3A_349 = arith.constant 0 : i32
      %dma_wait3A_350 = arith.constant 0 : i32
      %dma_wait3A_351 = tpu.memref_slice %arg2[%dma_wait3A_349, %dma_wait3A_350] : memref<10000x128xf32, #tpu.memory_space<hbm>> -> memref<10000x128xf32, #tpu.memory_space<hbm>>
      %dma_wait3A_352 = tpu.memref_slice %arg10[%dma_wait3A_343] : memref<5x!tpu.dma_semaphore, #tpu.memory_space<semaphore_mem>> -> memref<1x!tpu.dma_semaphore, #tpu.memory_space<semaphore_mem>>
      %dma_wait3A_353 = tpu.memref_squeeze %dma_wait3A_352 : memref<1x!tpu.dma_semaphore, #tpu.memory_space<semaphore_mem>> -> memref<!tpu.dma_semaphore, #tpu.memory_space<semaphore_mem>>
      tpu.wait_indirect_dma semaphore(%dma_wait3A_353 : memref<!tpu.dma_semaphore, #tpu.memory_space<semaphore_mem>>) src(%dma_wait3A_351 : memref<10000x128xf32, #tpu.memory_space<hbm>>) dst(%dma_wait3A_347 : memref<32x128xf32, #tpu.memory_space<vmem>>)
      %mul3A_354 = arith.constant 32 : i32
      %mul3A_355 = arith.muli %add3A_338, %mul3A_354 : i32
      %add3A_356 = arith.addi %sub3A, %mul3A_355 : i32
      %run_scoped3A_357 = arith.constant 2 : i32
      "tpu.region"() ({
        %run_scoped3A_456 = tpu.sem_alloc : memref<!tpu.dma_semaphore, #tpu.memory_space<semaphore_mem>>
        %dma_start3A_457 = arith.constant 0 : i32
        %dma_start3A_458 = arith.constant 0 : i32
        %dma_start3A_459 = tpu.memref_slice %arg9[%run_scoped3A_357, %dma_start3A_457, %dma_start3A_458] : memref<5x32x128xf32, #tpu.memory_space<vmem>> -> memref<1x32x128xf32, #tpu.memory_space<vmem>>
        %dma_start3A_460 = tpu.memref_squeeze %dma_start3A_459 : memref<1x32x128xf32, #tpu.memory_space<vmem>> -> memref<32x128xf32, #tpu.memory_space<vmem>>
        %dma_start3A_461 = tpu.memref_slice %arg8[%add3A_356] : memref<10240xi32, #tpu.memory_space<vmem>> -> memref<32xi32, #tpu.memory_space<vmem>>
        %dma_start3A_462 = arith.constant 0 : i32
        %dma_start3A_463 = arith.constant 0 : i32
        %dma_start3A_464 = tpu.memref_slice %arg11[%dma_start3A_462, %dma_start3A_463] : memref<10240x128xf32, #tpu.memory_space<vmem_shared>> -> memref<10240x128xf32, #tpu.memory_space<vmem_shared>>
        tpu.enqueue_indirect_dma source(%dma_start3A_460 : memref<32x128xf32, #tpu.memory_space<vmem>>) target(%dma_start3A_464 : memref<10240x128xf32, #tpu.memory_space<vmem_shared>>) offsets(%dma_start3A_461 : memref<32xi32, #tpu.memory_space<vmem>>) semaphore(%run_scoped3A_456 : memref<!tpu.dma_semaphore, #tpu.memory_space<semaphore_mem>>) {add = true}
        %dma_wait3A_465 = arith.constant 0 : i32
        %dma_wait3A_466 = arith.constant 0 : i32
        %dma_wait3A_467 = tpu.memref_slice %arg9[%run_scoped3A_357, %dma_wait3A_465, %dma_wait3A_466] : memref<5x32x128xf32, #tpu.memory_space<vmem>> -> memref<1x32x128xf32, #tpu.memory_space<vmem>>
        %dma_wait3A_468 = tpu.memref_squeeze %dma_wait3A_467 : memref<1x32x128xf32, #tpu.memory_space<vmem>> -> memref<32x128xf32, #tpu.memory_space<vmem>>
        %dma_wait3A_469 = tpu.memref_slice %arg8[%add3A_356] : memref<10240xi32, #tpu.memory_space<vmem>> -> memref<32xi32, #tpu.memory_space<vmem>>
        %dma_wait3A_470 = arith.constant 0 : i32
        %dma_wait3A_471 = arith.constant 0 : i32
        %dma_wait3A_472 = tpu.memref_slice %arg11[%dma_wait3A_470, %dma_wait3A_471] : memref<10240x128xf32, #tpu.memory_space<vmem_shared>> -> memref<10240x128xf32, #tpu.memory_space<vmem_shared>>
        tpu.wait_indirect_dma semaphore(%run_scoped3A_456 : memref<!tpu.dma_semaphore, #tpu.memory_space<semaphore_mem>>) src(%dma_wait3A_468 : memref<32x128xf32, #tpu.memory_space<vmem>>) dst(%dma_wait3A_472 : memref<10240x128xf32, #tpu.memory_space<vmem_shared>>)
        tpu.yield
      }) : () -> ()
      %add3A_358 = arith.constant 5 : i32
      %add3A_359 = arith.addi %add3A_338, %add3A_358 : i32
      %mul3A_360 = arith.constant 32 : i32
      %mul3A_361 = arith.muli %add3A_359, %mul3A_360 : i32
      %add3A_362 = arith.addi %sub3A, %mul3A_361 : i32
      %dma_start3A_363 = arith.constant 2 : i32
      %dma_start3A_364 = arith.constant 2 : i32
      %dma_start3A_365 = arith.constant 0 : i32
      %dma_start3A_366 = arith.constant 0 : i32
      %dma_start3A_367 = tpu.memref_slice %arg9[%dma_start3A_363, %dma_start3A_365, %dma_start3A_366] : memref<5x32x128xf32, #tpu.memory_space<vmem>> -> memref<1x32x128xf32, #tpu.memory_space<vmem>>
      %dma_start3A_368 = tpu.memref_squeeze %dma_start3A_367 : memref<1x32x128xf32, #tpu.memory_space<vmem>> -> memref<32x128xf32, #tpu.memory_space<vmem>>
      %dma_start3A_369 = tpu.memref_slice %arg7[%add3A_362] : memref<10240xi32, #tpu.memory_space<vmem>> -> memref<32xi32, #tpu.memory_space<vmem>>
      %dma_start3A_370 = arith.constant 0 : i32
      %dma_start3A_371 = arith.constant 0 : i32
      %dma_start3A_372 = tpu.memref_slice %arg2[%dma_start3A_370, %dma_start3A_371] : memref<10000x128xf32, #tpu.memory_space<hbm>> -> memref<10000x128xf32, #tpu.memory_space<hbm>>
      %dma_start3A_373 = tpu.memref_slice %arg10[%dma_start3A_364] : memref<5x!tpu.dma_semaphore, #tpu.memory_space<semaphore_mem>> -> memref<1x!tpu.dma_semaphore, #tpu.memory_space<semaphore_mem>>
      %dma_start3A_374 = tpu.memref_squeeze %dma_start3A_373 : memref<1x!tpu.dma_semaphore, #tpu.memory_space<semaphore_mem>> -> memref<!tpu.dma_semaphore, #tpu.memory_space<semaphore_mem>>
      tpu.enqueue_indirect_dma source(%dma_start3A_372 : memref<10000x128xf32, #tpu.memory_space<hbm>>) target(%dma_start3A_368 : memref<32x128xf32, #tpu.memory_space<vmem>>) offsets(%dma_start3A_369 : memref<32xi32, #tpu.memory_space<vmem>>) semaphore(%dma_start3A_374 : memref<!tpu.dma_semaphore, #tpu.memory_space<semaphore_mem>>)
      %mul3A_375 = arith.constant 5 : i32
      %mul3A_376 = arith.muli %while3A_253, %mul3A_375 : i32
      %add3A_377 = arith.constant 3 : i32
      %add3A_378 = arith.addi %mul3A_376, %add3A_377 : i32
      %mul3A_379 = arith.constant 32 : i32
      %mul3A_380 = arith.muli %add3A_378, %mul3A_379 : i32
      %add3A_381 = arith.addi %sub3A, %mul3A_380 : i32
      %dma_wait3A_382 = arith.constant 3 : i32
      %dma_wait3A_383 = arith.constant 3 : i32
      %dma_wait3A_384 = arith.constant 0 : i32
      %dma_wait3A_385 = arith.constant 0 : i32
      %dma_wait3A_386 = tpu.memref_slice %arg9[%dma_wait3A_382, %dma_wait3A_384, %dma_wait3A_385] : memref<5x32x128xf32, #tpu.memory_space<vmem>> -> memref<1x32x128xf32, #tpu.memory_space<vmem>>
      %dma_wait3A_387 = tpu.memref_squeeze %dma_wait3A_386 : memref<1x32x128xf32, #tpu.memory_space<vmem>> -> memref<32x128xf32, #tpu.memory_space<vmem>>
      %dma_wait3A_388 = tpu.memref_slice %arg7[%add3A_381] : memref<10240xi32, #tpu.memory_space<vmem>> -> memref<32xi32, #tpu.memory_space<vmem>>
      %dma_wait3A_389 = arith.constant 0 : i32
      %dma_wait3A_390 = arith.constant 0 : i32
      %dma_wait3A_391 = tpu.memref_slice %arg2[%dma_wait3A_389, %dma_wait3A_390] : memref<10000x128xf32, #tpu.memory_space<hbm>> -> memref<10000x128xf32, #tpu.memory_space<hbm>>
      %dma_wait3A_392 = tpu.memref_slice %arg10[%dma_wait3A_383] : memref<5x!tpu.dma_semaphore, #tpu.memory_space<semaphore_mem>> -> memref<1x!tpu.dma_semaphore, #tpu.memory_space<semaphore_mem>>
      %dma_wait3A_393 = tpu.memref_squeeze %dma_wait3A_392 : memref<1x!tpu.dma_semaphore, #tpu.memory_space<semaphore_mem>> -> memref<!tpu.dma_semaphore, #tpu.memory_space<semaphore_mem>>
      tpu.wait_indirect_dma semaphore(%dma_wait3A_393 : memref<!tpu.dma_semaphore, #tpu.memory_space<semaphore_mem>>) src(%dma_wait3A_391 : memref<10000x128xf32, #tpu.memory_space<hbm>>) dst(%dma_wait3A_387 : memref<32x128xf32, #tpu.memory_space<vmem>>)
      %mul3A_394 = arith.constant 32 : i32
      %mul3A_395 = arith.muli %add3A_378, %mul3A_394 : i32
      %add3A_396 = arith.addi %sub3A, %mul3A_395 : i32
      %run_scoped3A_397 = arith.constant 3 : i32
      "tpu.region"() ({
        %run_scoped3A_456 = tpu.sem_alloc : memref<!tpu.dma_semaphore, #tpu.memory_space<semaphore_mem>>
        %dma_start3A_457 = arith.constant 0 : i32
        %dma_start3A_458 = arith.constant 0 : i32
        %dma_start3A_459 = tpu.memref_slice %arg9[%run_scoped3A_397, %dma_start3A_457, %dma_start3A_458] : memref<5x32x128xf32, #tpu.memory_space<vmem>> -> memref<1x32x128xf32, #tpu.memory_space<vmem>>
        %dma_start3A_460 = tpu.memref_squeeze %dma_start3A_459 : memref<1x32x128xf32, #tpu.memory_space<vmem>> -> memref<32x128xf32, #tpu.memory_space<vmem>>
        %dma_start3A_461 = tpu.memref_slice %arg8[%add3A_396] : memref<10240xi32, #tpu.memory_space<vmem>> -> memref<32xi32, #tpu.memory_space<vmem>>
        %dma_start3A_462 = arith.constant 0 : i32
        %dma_start3A_463 = arith.constant 0 : i32
        %dma_start3A_464 = tpu.memref_slice %arg11[%dma_start3A_462, %dma_start3A_463] : memref<10240x128xf32, #tpu.memory_space<vmem_shared>> -> memref<10240x128xf32, #tpu.memory_space<vmem_shared>>
        tpu.enqueue_indirect_dma source(%dma_start3A_460 : memref<32x128xf32, #tpu.memory_space<vmem>>) target(%dma_start3A_464 : memref<10240x128xf32, #tpu.memory_space<vmem_shared>>) offsets(%dma_start3A_461 : memref<32xi32, #tpu.memory_space<vmem>>) semaphore(%run_scoped3A_456 : memref<!tpu.dma_semaphore, #tpu.memory_space<semaphore_mem>>) {add = true}
        %dma_wait3A_465 = arith.constant 0 : i32
        %dma_wait3A_466 = arith.constant 0 : i32
        %dma_wait3A_467 = tpu.memref_slice %arg9[%run_scoped3A_397, %dma_wait3A_465, %dma_wait3A_466] : memref<5x32x128xf32, #tpu.memory_space<vmem>> -> memref<1x32x128xf32, #tpu.memory_space<vmem>>
        %dma_wait3A_468 = tpu.memref_squeeze %dma_wait3A_467 : memref<1x32x128xf32, #tpu.memory_space<vmem>> -> memref<32x128xf32, #tpu.memory_space<vmem>>
        %dma_wait3A_469 = tpu.memref_slice %arg8[%add3A_396] : memref<10240xi32, #tpu.memory_space<vmem>> -> memref<32xi32, #tpu.memory_space<vmem>>
        %dma_wait3A_470 = arith.constant 0 : i32
        %dma_wait3A_471 = arith.constant 0 : i32
        %dma_wait3A_472 = tpu.memref_slice %arg11[%dma_wait3A_470, %dma_wait3A_471] : memref<10240x128xf32, #tpu.memory_space<vmem_shared>> -> memref<10240x128xf32, #tpu.memory_space<vmem_shared>>
        tpu.wait_indirect_dma semaphore(%run_scoped3A_456 : memref<!tpu.dma_semaphore, #tpu.memory_space<semaphore_mem>>) src(%dma_wait3A_468 : memref<32x128xf32, #tpu.memory_space<vmem>>) dst(%dma_wait3A_472 : memref<10240x128xf32, #tpu.memory_space<vmem_shared>>)
        tpu.yield
      }) : () -> ()
      %add3A_398 = arith.constant 5 : i32
      %add3A_399 = arith.addi %add3A_378, %add3A_398 : i32
      %mul3A_400 = arith.constant 32 : i32
      %mul3A_401 = arith.muli %add3A_399, %mul3A_400 : i32
      %add3A_402 = arith.addi %sub3A, %mul3A_401 : i32
      %dma_start3A_403 = arith.constant 3 : i32
      %dma_start3A_404 = arith.constant 3 : i32
      %dma_start3A_405 = arith.constant 0 : i32
      %dma_start3A_406 = arith.constant 0 : i32
      %dma_start3A_407 = tpu.memref_slice %arg9[%dma_start3A_403, %dma_start3A_405, %dma_start3A_406] : memref<5x32x128xf32, #tpu.memory_space<vmem>> -> memref<1x32x128xf32, #tpu.memory_space<vmem>>
      %dma_start3A_408 = tpu.memref_squeeze %dma_start3A_407 : memref<1x32x128xf32, #tpu.memory_space<vmem>> -> memref<32x128xf32, #tpu.memory_space<vmem>>
      %dma_start3A_409 = tpu.memref_slice %arg7[%add3A_402] : memref<10240xi32, #tpu.memory_space<vmem>> -> memref<32xi32, #tpu.memory_space<vmem>>
      %dma_start3A_410 = arith.constant 0 : i32
      %dma_start3A_411 = arith.constant 0 : i32
      %dma_start3A_412 = tpu.memref_slice %arg2[%dma_start3A_410, %dma_start3A_411] : memref<10000x128xf32, #tpu.memory_space<hbm>> -> memref<10000x128xf32, #tpu.memory_space<hbm>>
      %dma_start3A_413 = tpu.memref_slice %arg10[%dma_start3A_404] : memref<5x!tpu.dma_semaphore, #tpu.memory_space<semaphore_mem>> -> memref<1x!tpu.dma_semaphore, #tpu.memory_space<semaphore_mem>>
      %dma_start3A_414 = tpu.memref_squeeze %dma_start3A_413 : memref<1x!tpu.dma_semaphore, #tpu.memory_space<semaphore_mem>> -> memref<!tpu.dma_semaphore, #tpu.memory_space<semaphore_mem>>
      tpu.enqueue_indirect_dma source(%dma_start3A_412 : memref<10000x128xf32, #tpu.memory_space<hbm>>) target(%dma_start3A_408 : memref<32x128xf32, #tpu.memory_space<vmem>>) offsets(%dma_start3A_409 : memref<32xi32, #tpu.memory_space<vmem>>) semaphore(%dma_start3A_414 : memref<!tpu.dma_semaphore, #tpu.memory_space<semaphore_mem>>)
      %mul3A_415 = arith.constant 5 : i32
      %mul3A_416 = arith.muli %while3A_253, %mul3A_415 : i32
      %add3A_417 = arith.constant 4 : i32
      %add3A_418 = arith.addi %mul3A_416, %add3A_417 : i32
      %mul3A_419 = arith.constant 32 : i32
      %mul3A_420 = arith.muli %add3A_418, %mul3A_419 : i32
      %add3A_421 = arith.addi %sub3A, %mul3A_420 : i32
      %dma_wait3A_422 = arith.constant 4 : i32
      %dma_wait3A_423 = arith.constant 4 : i32
      %dma_wait3A_424 = arith.constant 0 : i32
      %dma_wait3A_425 = arith.constant 0 : i32
      %dma_wait3A_426 = tpu.memref_slice %arg9[%dma_wait3A_422, %dma_wait3A_424, %dma_wait3A_425] : memref<5x32x128xf32, #tpu.memory_space<vmem>> -> memref<1x32x128xf32, #tpu.memory_space<vmem>>
      %dma_wait3A_427 = tpu.memref_squeeze %dma_wait3A_426 : memref<1x32x128xf32, #tpu.memory_space<vmem>> -> memref<32x128xf32, #tpu.memory_space<vmem>>
      %dma_wait3A_428 = tpu.memref_slice %arg7[%add3A_421] : memref<10240xi32, #tpu.memory_space<vmem>> -> memref<32xi32, #tpu.memory_space<vmem>>
      %dma_wait3A_429 = arith.constant 0 : i32
      %dma_wait3A_430 = arith.constant 0 : i32
      %dma_wait3A_431 = tpu.memref_slice %arg2[%dma_wait3A_429, %dma_wait3A_430] : memref<10000x128xf32, #tpu.memory_space<hbm>> -> memref<10000x128xf32, #tpu.memory_space<hbm>>
      %dma_wait3A_432 = tpu.memref_slice %arg10[%dma_wait3A_423] : memref<5x!tpu.dma_semaphore, #tpu.memory_space<semaphore_mem>> -> memref<1x!tpu.dma_semaphore, #tpu.memory_space<semaphore_mem>>
      %dma_wait3A_433 = tpu.memref_squeeze %dma_wait3A_432 : memref<1x!tpu.dma_semaphore, #tpu.memory_space<semaphore_mem>> -> memref<!tpu.dma_semaphore, #tpu.memory_space<semaphore_mem>>
      tpu.wait_indirect_dma semaphore(%dma_wait3A_433 : memref<!tpu.dma_semaphore, #tpu.memory_space<semaphore_mem>>) src(%dma_wait3A_431 : memref<10000x128xf32, #tpu.memory_space<hbm>>) dst(%dma_wait3A_427 : memref<32x128xf32, #tpu.memory_space<vmem>>)
      %mul3A_434 = arith.constant 32 : i32
      %mul3A_435 = arith.muli %add3A_418, %mul3A_434 : i32
      %add3A_436 = arith.addi %sub3A, %mul3A_435 : i32
      %run_scoped3A_437 = arith.constant 4 : i32
      "tpu.region"() ({
        %run_scoped3A_456 = tpu.sem_alloc : memref<!tpu.dma_semaphore, #tpu.memory_space<semaphore_mem>>
        %dma_start3A_457 = arith.constant 0 : i32
        %dma_start3A_458 = arith.constant 0 : i32
        %dma_start3A_459 = tpu.memref_slice %arg9[%run_scoped3A_437, %dma_start3A_457, %dma_start3A_458] : memref<5x32x128xf32, #tpu.memory_space<vmem>> -> memref<1x32x128xf32, #tpu.memory_space<vmem>>
        %dma_start3A_460 = tpu.memref_squeeze %dma_start3A_459 : memref<1x32x128xf32, #tpu.memory_space<vmem>> -> memref<32x128xf32, #tpu.memory_space<vmem>>
        %dma_start3A_461 = tpu.memref_slice %arg8[%add3A_436] : memref<10240xi32, #tpu.memory_space<vmem>> -> memref<32xi32, #tpu.memory_space<vmem>>
        %dma_start3A_462 = arith.constant 0 : i32
        %dma_start3A_463 = arith.constant 0 : i32
        %dma_start3A_464 = tpu.memref_slice %arg11[%dma_start3A_462, %dma_start3A_463] : memref<10240x128xf32, #tpu.memory_space<vmem_shared>> -> memref<10240x128xf32, #tpu.memory_space<vmem_shared>>
        tpu.enqueue_indirect_dma source(%dma_start3A_460 : memref<32x128xf32, #tpu.memory_space<vmem>>) target(%dma_start3A_464 : memref<10240x128xf32, #tpu.memory_space<vmem_shared>>) offsets(%dma_start3A_461 : memref<32xi32, #tpu.memory_space<vmem>>) semaphore(%run_scoped3A_456 : memref<!tpu.dma_semaphore, #tpu.memory_space<semaphore_mem>>) {add = true}
        %dma_wait3A_465 = arith.constant 0 : i32
        %dma_wait3A_466 = arith.constant 0 : i32
        %dma_wait3A_467 = tpu.memref_slice %arg9[%run_scoped3A_437, %dma_wait3A_465, %dma_wait3A_466] : memref<5x32x128xf32, #tpu.memory_space<vmem>> -> memref<1x32x128xf32, #tpu.memory_space<vmem>>
        %dma_wait3A_468 = tpu.memref_squeeze %dma_wait3A_467 : memref<1x32x128xf32, #tpu.memory_space<vmem>> -> memref<32x128xf32, #tpu.memory_space<vmem>>
        %dma_wait3A_469 = tpu.memref_slice %arg8[%add3A_436] : memref<10240xi32, #tpu.memory_space<vmem>> -> memref<32xi32, #tpu.memory_space<vmem>>
        %dma_wait3A_470 = arith.constant 0 : i32
        %dma_wait3A_471 = arith.constant 0 : i32
        %dma_wait3A_472 = tpu.memref_slice %arg11[%dma_wait3A_470, %dma_wait3A_471] : memref<10240x128xf32, #tpu.memory_space<vmem_shared>> -> memref<10240x128xf32, #tpu.memory_space<vmem_shared>>
        tpu.wait_indirect_dma semaphore(%run_scoped3A_456 : memref<!tpu.dma_semaphore, #tpu.memory_space<semaphore_mem>>) src(%dma_wait3A_468 : memref<32x128xf32, #tpu.memory_space<vmem>>) dst(%dma_wait3A_472 : memref<10240x128xf32, #tpu.memory_space<vmem_shared>>)
        tpu.yield
      }) : () -> ()
      %add3A_438 = arith.constant 5 : i32
      %add3A_439 = arith.addi %add3A_418, %add3A_438 : i32
      %mul3A_440 = arith.constant 32 : i32
      %mul3A_441 = arith.muli %add3A_439, %mul3A_440 : i32
      %add3A_442 = arith.addi %sub3A, %mul3A_441 : i32
      %dma_start3A_443 = arith.constant 4 : i32
      %dma_start3A_444 = arith.constant 4 : i32
      %dma_start3A_445 = arith.constant 0 : i32
      %dma_start3A_446 = arith.constant 0 : i32
      %dma_start3A_447 = tpu.memref_slice %arg9[%dma_start3A_443, %dma_start3A_445, %dma_start3A_446] : memref<5x32x128xf32, #tpu.memory_space<vmem>> -> memref<1x32x128xf32, #tpu.memory_space<vmem>>
      %dma_start3A_448 = tpu.memref_squeeze %dma_start3A_447 : memref<1x32x128xf32, #tpu.memory_space<vmem>> -> memref<32x128xf32, #tpu.memory_space<vmem>>
      %dma_start3A_449 = tpu.memref_slice %arg7[%add3A_442] : memref<10240xi32, #tpu.memory_space<vmem>> -> memref<32xi32, #tpu.memory_space<vmem>>
      %dma_start3A_450 = arith.constant 0 : i32
      %dma_start3A_451 = arith.constant 0 : i32
      %dma_start3A_452 = tpu.memref_slice %arg2[%dma_start3A_450, %dma_start3A_451] : memref<10000x128xf32, #tpu.memory_space<hbm>> -> memref<10000x128xf32, #tpu.memory_space<hbm>>
      %dma_start3A_453 = tpu.memref_slice %arg10[%dma_start3A_444] : memref<5x!tpu.dma_semaphore, #tpu.memory_space<semaphore_mem>> -> memref<1x!tpu.dma_semaphore, #tpu.memory_space<semaphore_mem>>
      %dma_start3A_454 = tpu.memref_squeeze %dma_start3A_453 : memref<1x!tpu.dma_semaphore, #tpu.memory_space<semaphore_mem>> -> memref<!tpu.dma_semaphore, #tpu.memory_space<semaphore_mem>>
      tpu.enqueue_indirect_dma source(%dma_start3A_452 : memref<10000x128xf32, #tpu.memory_space<hbm>>) target(%dma_start3A_448 : memref<32x128xf32, #tpu.memory_space<vmem>>) offsets(%dma_start3A_449 : memref<32xi32, #tpu.memory_space<vmem>>) semaphore(%dma_start3A_454 : memref<!tpu.dma_semaphore, #tpu.memory_space<semaphore_mem>>)
      %while3A_455 = arith.constant 0 : i32
      scf.yield %while3A_455 : i32
    }
    %while3A_133 = arith.constant 1 : i32
    %while3A_134 = scf.for %while3A_253 = %while3A_130 to %while3A_126 step %while3A_133 iter_args(%while3A_254 = %while3A_132) -> (i32)  : i32 {
      %mul3A_255 = arith.constant 5 : i32
      %mul3A_256 = arith.muli %while3A_253, %mul3A_255 : i32
      %add3A_257 = arith.constant 0 : i32
      %add3A_258 = arith.addi %mul3A_256, %add3A_257 : i32
      %mul3A_259 = arith.constant 32 : i32
      %mul3A_260 = arith.muli %add3A_258, %mul3A_259 : i32
      %add3A_261 = arith.addi %sub3A, %mul3A_260 : i32
      %dma_wait3A_262 = arith.constant 0 : i32
      %dma_wait3A_263 = arith.constant 0 : i32
      %dma_wait3A_264 = arith.constant 0 : i32
      %dma_wait3A_265 = arith.constant 0 : i32
      %dma_wait3A_266 = tpu.memref_slice %arg9[%dma_wait3A_262, %dma_wait3A_264, %dma_wait3A_265] : memref<5x32x128xf32, #tpu.memory_space<vmem>> -> memref<1x32x128xf32, #tpu.memory_space<vmem>>
      %dma_wait3A_267 = tpu.memref_squeeze %dma_wait3A_266 : memref<1x32x128xf32, #tpu.memory_space<vmem>> -> memref<32x128xf32, #tpu.memory_space<vmem>>
      %dma_wait3A_268 = tpu.memref_slice %arg7[%add3A_261] : memref<10240xi32, #tpu.memory_space<vmem>> -> memref<32xi32, #tpu.memory_space<vmem>>
      %dma_wait3A_269 = arith.constant 0 : i32
      %dma_wait3A_270 = arith.constant 0 : i32
      %dma_wait3A_271 = tpu.memref_slice %arg2[%dma_wait3A_269, %dma_wait3A_270] : memref<10000x128xf32, #tpu.memory_space<hbm>> -> memref<10000x128xf32, #tpu.memory_space<hbm>>
      %dma_wait3A_272 = tpu.memref_slice %arg10[%dma_wait3A_263] : memref<5x!tpu.dma_semaphore, #tpu.memory_space<semaphore_mem>> -> memref<1x!tpu.dma_semaphore, #tpu.memory_space<semaphore_mem>>
      %dma_wait3A_273 = tpu.memref_squeeze %dma_wait3A_272 : memref<1x!tpu.dma_semaphore, #tpu.memory_space<semaphore_mem>> -> memref<!tpu.dma_semaphore, #tpu.memory_space<semaphore_mem>>
      tpu.wait_indirect_dma semaphore(%dma_wait3A_273 : memref<!tpu.dma_semaphore, #tpu.memory_space<semaphore_mem>>) src(%dma_wait3A_271 : memref<10000x128xf32, #tpu.memory_space<hbm>>) dst(%dma_wait3A_267 : memref<32x128xf32, #tpu.memory_space<vmem>>)
      %mul3A_274 = arith.constant 32 : i32
      %mul3A_275 = arith.muli %add3A_258, %mul3A_274 : i32
      %add3A_276 = arith.addi %sub3A, %mul3A_275 : i32
      %run_scoped3A_277 = arith.constant 0 : i32
      "tpu.region"() ({
        %run_scoped3A_456 = tpu.sem_alloc : memref<!tpu.dma_semaphore, #tpu.memory_space<semaphore_mem>>
        %dma_start3A_457 = arith.constant 0 : i32
        %dma_start3A_458 = arith.constant 0 : i32
        %dma_start3A_459 = tpu.memref_slice %arg9[%run_scoped3A_277, %dma_start3A_457, %dma_start3A_458] : memref<5x32x128xf32, #tpu.memory_space<vmem>> -> memref<1x32x128xf32, #tpu.memory_space<vmem>>
        %dma_start3A_460 = tpu.memref_squeeze %dma_start3A_459 : memref<1x32x128xf32, #tpu.memory_space<vmem>> -> memref<32x128xf32, #tpu.memory_space<vmem>>
        %dma_start3A_461 = tpu.memref_slice %arg8[%add3A_276] : memref<10240xi32, #tpu.memory_space<vmem>> -> memref<32xi32, #tpu.memory_space<vmem>>
        %dma_start3A_462 = arith.constant 0 : i32
        %dma_start3A_463 = arith.constant 0 : i32
        %dma_start3A_464 = tpu.memref_slice %arg11[%dma_start3A_462, %dma_start3A_463] : memref<10240x128xf32, #tpu.memory_space<vmem_shared>> -> memref<10240x128xf32, #tpu.memory_space<vmem_shared>>
        tpu.enqueue_indirect_dma source(%dma_start3A_460 : memref<32x128xf32, #tpu.memory_space<vmem>>) target(%dma_start3A_464 : memref<10240x128xf32, #tpu.memory_space<vmem_shared>>) offsets(%dma_start3A_461 : memref<32xi32, #tpu.memory_space<vmem>>) semaphore(%run_scoped3A_456 : memref<!tpu.dma_semaphore, #tpu.memory_space<semaphore_mem>>) {add = true}
        %dma_wait3A_465 = arith.constant 0 : i32
        %dma_wait3A_466 = arith.constant 0 : i32
        %dma_wait3A_467 = tpu.memref_slice %arg9[%run_scoped3A_277, %dma_wait3A_465, %dma_wait3A_466] : memref<5x32x128xf32, #tpu.memory_space<vmem>> -> memref<1x32x128xf32, #tpu.memory_space<vmem>>
        %dma_wait3A_468 = tpu.memref_squeeze %dma_wait3A_467 : memref<1x32x128xf32, #tpu.memory_space<vmem>> -> memref<32x128xf32, #tpu.memory_space<vmem>>
        %dma_wait3A_469 = tpu.memref_slice %arg8[%add3A_276] : memref<10240xi32, #tpu.memory_space<vmem>> -> memref<32xi32, #tpu.memory_space<vmem>>
        %dma_wait3A_470 = arith.constant 0 : i32
        %dma_wait3A_471 = arith.constant 0 : i32
        %dma_wait3A_472 = tpu.memref_slice %arg11[%dma_wait3A_470, %dma_wait3A_471] : memref<10240x128xf32, #tpu.memory_space<vmem_shared>> -> memref<10240x128xf32, #tpu.memory_space<vmem_shared>>
        tpu.wait_indirect_dma semaphore(%run_scoped3A_456 : memref<!tpu.dma_semaphore, #tpu.memory_space<semaphore_mem>>) src(%dma_wait3A_468 : memref<32x128xf32, #tpu.memory_space<vmem>>) dst(%dma_wait3A_472 : memref<10240x128xf32, #tpu.memory_space<vmem_shared>>)
        tpu.yield
      }) : () -> ()
      %add3A_278 = arith.constant 5 : i32
      %add3A_279 = arith.addi %add3A_258, %add3A_278 : i32
      %mul3A_280 = arith.constant 32 : i32
      %mul3A_281 = arith.muli %add3A_279, %mul3A_280 : i32
      %add3A_282 = arith.addi %sub3A, %mul3A_281 : i32
      %dma_start3A_283 = arith.constant 0 : i32
      %dma_start3A_284 = arith.constant 0 : i32
      %dma_start3A_285 = arith.constant 0 : i32
      %dma_start3A_286 = arith.constant 0 : i32
      %dma_start3A_287 = tpu.memref_slice %arg9[%dma_start3A_283, %dma_start3A_285, %dma_start3A_286] : memref<5x32x128xf32, #tpu.memory_space<vmem>> -> memref<1x32x128xf32, #tpu.memory_space<vmem>>
      %dma_start3A_288 = tpu.memref_squeeze %dma_start3A_287 : memref<1x32x128xf32, #tpu.memory_space<vmem>> -> memref<32x128xf32, #tpu.memory_space<vmem>>
      %dma_start3A_289 = tpu.memref_slice %arg7[%add3A_282] : memref<10240xi32, #tpu.memory_space<vmem>> -> memref<32xi32, #tpu.memory_space<vmem>>
      %dma_start3A_290 = arith.constant 0 : i32
      %dma_start3A_291 = arith.constant 0 : i32
      %dma_start3A_292 = tpu.memref_slice %arg2[%dma_start3A_290, %dma_start3A_291] : memref<10000x128xf32, #tpu.memory_space<hbm>> -> memref<10000x128xf32, #tpu.memory_space<hbm>>
      %dma_start3A_293 = tpu.memref_slice %arg10[%dma_start3A_284] : memref<5x!tpu.dma_semaphore, #tpu.memory_space<semaphore_mem>> -> memref<1x!tpu.dma_semaphore, #tpu.memory_space<semaphore_mem>>
      %dma_start3A_294 = tpu.memref_squeeze %dma_start3A_293 : memref<1x!tpu.dma_semaphore, #tpu.memory_space<semaphore_mem>> -> memref<!tpu.dma_semaphore, #tpu.memory_space<semaphore_mem>>
      tpu.enqueue_indirect_dma source(%dma_start3A_292 : memref<10000x128xf32, #tpu.memory_space<hbm>>) target(%dma_start3A_288 : memref<32x128xf32, #tpu.memory_space<vmem>>) offsets(%dma_start3A_289 : memref<32xi32, #tpu.memory_space<vmem>>) semaphore(%dma_start3A_294 : memref<!tpu.dma_semaphore, #tpu.memory_space<semaphore_mem>>)
      %mul3A_295 = arith.constant 5 : i32
      %mul3A_296 = arith.muli %while3A_253, %mul3A_295 : i32
      %add3A_297 = arith.constant 1 : i32
      %add3A_298 = arith.addi %mul3A_296, %add3A_297 : i32
      %mul3A_299 = arith.constant 32 : i32
      %mul3A_300 = arith.muli %add3A_298, %mul3A_299 : i32
      %add3A_301 = arith.addi %sub3A, %mul3A_300 : i32
      %dma_wait3A_302 = arith.constant 1 : i32
      %dma_wait3A_303 = arith.constant 1 : i32
      %dma_wait3A_304 = arith.constant 0 : i32
      %dma_wait3A_305 = arith.constant 0 : i32
      %dma_wait3A_306 = tpu.memref_slice %arg9[%dma_wait3A_302, %dma_wait3A_304, %dma_wait3A_305] : memref<5x32x128xf32, #tpu.memory_space<vmem>> -> memref<1x32x128xf32, #tpu.memory_space<vmem>>
      %dma_wait3A_307 = tpu.memref_squeeze %dma_wait3A_306 : memref<1x32x128xf32, #tpu.memory_space<vmem>> -> memref<32x128xf32, #tpu.memory_space<vmem>>
      %dma_wait3A_308 = tpu.memref_slice %arg7[%add3A_301] : memref<10240xi32, #tpu.memory_space<vmem>> -> memref<32xi32, #tpu.memory_space<vmem>>
      %dma_wait3A_309 = arith.constant 0 : i32
      %dma_wait3A_310 = arith.constant 0 : i32
      %dma_wait3A_311 = tpu.memref_slice %arg2[%dma_wait3A_309, %dma_wait3A_310] : memref<10000x128xf32, #tpu.memory_space<hbm>> -> memref<10000x128xf32, #tpu.memory_space<hbm>>
      %dma_wait3A_312 = tpu.memref_slice %arg10[%dma_wait3A_303] : memref<5x!tpu.dma_semaphore, #tpu.memory_space<semaphore_mem>> -> memref<1x!tpu.dma_semaphore, #tpu.memory_space<semaphore_mem>>
      %dma_wait3A_313 = tpu.memref_squeeze %dma_wait3A_312 : memref<1x!tpu.dma_semaphore, #tpu.memory_space<semaphore_mem>> -> memref<!tpu.dma_semaphore, #tpu.memory_space<semaphore_mem>>
      tpu.wait_indirect_dma semaphore(%dma_wait3A_313 : memref<!tpu.dma_semaphore, #tpu.memory_space<semaphore_mem>>) src(%dma_wait3A_311 : memref<10000x128xf32, #tpu.memory_space<hbm>>) dst(%dma_wait3A_307 : memref<32x128xf32, #tpu.memory_space<vmem>>)
      %mul3A_314 = arith.constant 32 : i32
      %mul3A_315 = arith.muli %add3A_298, %mul3A_314 : i32
      %add3A_316 = arith.addi %sub3A, %mul3A_315 : i32
      %run_scoped3A_317 = arith.constant 1 : i32
      "tpu.region"() ({
        %run_scoped3A_456 = tpu.sem_alloc : memref<!tpu.dma_semaphore, #tpu.memory_space<semaphore_mem>>
        %dma_start3A_457 = arith.constant 0 : i32
        %dma_start3A_458 = arith.constant 0 : i32
        %dma_start3A_459 = tpu.memref_slice %arg9[%run_scoped3A_317, %dma_start3A_457, %dma_start3A_458] : memref<5x32x128xf32, #tpu.memory_space<vmem>> -> memref<1x32x128xf32, #tpu.memory_space<vmem>>
        %dma_start3A_460 = tpu.memref_squeeze %dma_start3A_459 : memref<1x32x128xf32, #tpu.memory_space<vmem>> -> memref<32x128xf32, #tpu.memory_space<vmem>>
        %dma_start3A_461 = tpu.memref_slice %arg8[%add3A_316] : memref<10240xi32, #tpu.memory_space<vmem>> -> memref<32xi32, #tpu.memory_space<vmem>>
        %dma_start3A_462 = arith.constant 0 : i32
        %dma_start3A_463 = arith.constant 0 : i32
        %dma_start3A_464 = tpu.memref_slice %arg11[%dma_start3A_462, %dma_start3A_463] : memref<10240x128xf32, #tpu.memory_space<vmem_shared>> -> memref<10240x128xf32, #tpu.memory_space<vmem_shared>>
        tpu.enqueue_indirect_dma source(%dma_start3A_460 : memref<32x128xf32, #tpu.memory_space<vmem>>) target(%dma_start3A_464 : memref<10240x128xf32, #tpu.memory_space<vmem_shared>>) offsets(%dma_start3A_461 : memref<32xi32, #tpu.memory_space<vmem>>) semaphore(%run_scoped3A_456 : memref<!tpu.dma_semaphore, #tpu.memory_space<semaphore_mem>>) {add = true}
        %dma_wait3A_465 = arith.constant 0 : i32
        %dma_wait3A_466 = arith.constant 0 : i32
        %dma_wait3A_467 = tpu.memref_slice %arg9[%run_scoped3A_317, %dma_wait3A_465, %dma_wait3A_466] : memref<5x32x128xf32, #tpu.memory_space<vmem>> -> memref<1x32x128xf32, #tpu.memory_space<vmem>>
        %dma_wait3A_468 = tpu.memref_squeeze %dma_wait3A_467 : memref<1x32x128xf32, #tpu.memory_space<vmem>> -> memref<32x128xf32, #tpu.memory_space<vmem>>
        %dma_wait3A_469 = tpu.memref_slice %arg8[%add3A_316] : memref<10240xi32, #tpu.memory_space<vmem>> -> memref<32xi32, #tpu.memory_space<vmem>>
        %dma_wait3A_470 = arith.constant 0 : i32
        %dma_wait3A_471 = arith.constant 0 : i32
        %dma_wait3A_472 = tpu.memref_slice %arg11[%dma_wait3A_470, %dma_wait3A_471] : memref<10240x128xf32, #tpu.memory_space<vmem_shared>> -> memref<10240x128xf32, #tpu.memory_space<vmem_shared>>
        tpu.wait_indirect_dma semaphore(%run_scoped3A_456 : memref<!tpu.dma_semaphore, #tpu.memory_space<semaphore_mem>>) src(%dma_wait3A_468 : memref<32x128xf32, #tpu.memory_space<vmem>>) dst(%dma_wait3A_472 : memref<10240x128xf32, #tpu.memory_space<vmem_shared>>)
        tpu.yield
      }) : () -> ()
      %add3A_318 = arith.constant 5 : i32
      %add3A_319 = arith.addi %add3A_298, %add3A_318 : i32
      %mul3A_320 = arith.constant 32 : i32
      %mul3A_321 = arith.muli %add3A_319, %mul3A_320 : i32
      %add3A_322 = arith.addi %sub3A, %mul3A_321 : i32
      %dma_start3A_323 = arith.constant 1 : i32
      %dma_start3A_324 = arith.constant 1 : i32
      %dma_start3A_325 = arith.constant 0 : i32
      %dma_start3A_326 = arith.constant 0 : i32
      %dma_start3A_327 = tpu.memref_slice %arg9[%dma_start3A_323, %dma_start3A_325, %dma_start3A_326] : memref<5x32x128xf32, #tpu.memory_space<vmem>> -> memref<1x32x128xf32, #tpu.memory_space<vmem>>
      %dma_start3A_328 = tpu.memref_squeeze %dma_start3A_327 : memref<1x32x128xf32, #tpu.memory_space<vmem>> -> memref<32x128xf32, #tpu.memory_space<vmem>>
      %dma_start3A_329 = tpu.memref_slice %arg7[%add3A_322] : memref<10240xi32, #tpu.memory_space<vmem>> -> memref<32xi32, #tpu.memory_space<vmem>>
      %dma_start3A_330 = arith.constant 0 : i32
      %dma_start3A_331 = arith.constant 0 : i32
      %dma_start3A_332 = tpu.memref_slice %arg2[%dma_start3A_330, %dma_start3A_331] : memref<10000x128xf32, #tpu.memory_space<hbm>> -> memref<10000x128xf32, #tpu.memory_space<hbm>>
      %dma_start3A_333 = tpu.memref_slice %arg10[%dma_start3A_324] : memref<5x!tpu.dma_semaphore, #tpu.memory_space<semaphore_mem>> -> memref<1x!tpu.dma_semaphore, #tpu.memory_space<semaphore_mem>>
      %dma_start3A_334 = tpu.memref_squeeze %dma_start3A_333 : memref<1x!tpu.dma_semaphore, #tpu.memory_space<semaphore_mem>> -> memref<!tpu.dma_semaphore, #tpu.memory_space<semaphore_mem>>
      tpu.enqueue_indirect_dma source(%dma_start3A_332 : memref<10000x128xf32, #tpu.memory_space<hbm>>) target(%dma_start3A_328 : memref<32x128xf32, #tpu.memory_space<vmem>>) offsets(%dma_start3A_329 : memref<32xi32, #tpu.memory_space<vmem>>) semaphore(%dma_start3A_334 : memref<!tpu.dma_semaphore, #tpu.memory_space<semaphore_mem>>)
      %mul3A_335 = arith.constant 5 : i32
      %mul3A_336 = arith.muli %while3A_253, %mul3A_335 : i32
      %add3A_337 = arith.constant 2 : i32
      %add3A_338 = arith.addi %mul3A_336, %add3A_337 : i32
      %mul3A_339 = arith.constant 32 : i32
      %mul3A_340 = arith.muli %add3A_338, %mul3A_339 : i32
      %add3A_341 = arith.addi %sub3A, %mul3A_340 : i32
      %dma_wait3A_342 = arith.constant 2 : i32
      %dma_wait3A_343 = arith.constant 2 : i32
      %dma_wait3A_344 = arith.constant 0 : i32
      %dma_wait3A_345 = arith.constant 0 : i32
      %dma_wait3A_346 = tpu.memref_slice %arg9[%dma_wait3A_342, %dma_wait3A_344, %dma_wait3A_345] : memref<5x32x128xf32, #tpu.memory_space<vmem>> -> memref<1x32x128xf32, #tpu.memory_space<vmem>>
      %dma_wait3A_347 = tpu.memref_squeeze %dma_wait3A_346 : memref<1x32x128xf32, #tpu.memory_space<vmem>> -> memref<32x128xf32, #tpu.memory_space<vmem>>
      %dma_wait3A_348 = tpu.memref_slice %arg7[%add3A_341] : memref<10240xi32, #tpu.memory_space<vmem>> -> memref<32xi32, #tpu.memory_space<vmem>>
      %dma_wait3A_349 = arith.constant 0 : i32
      %dma_wait3A_350 = arith.constant 0 : i32
      %dma_wait3A_351 = tpu.memref_slice %arg2[%dma_wait3A_349, %dma_wait3A_350] : memref<10000x128xf32, #tpu.memory_space<hbm>> -> memref<10000x128xf32, #tpu.memory_space<hbm>>
      %dma_wait3A_352 = tpu.memref_slice %arg10[%dma_wait3A_343] : memref<5x!tpu.dma_semaphore, #tpu.memory_space<semaphore_mem>> -> memref<1x!tpu.dma_semaphore, #tpu.memory_space<semaphore_mem>>
      %dma_wait3A_353 = tpu.memref_squeeze %dma_wait3A_352 : memref<1x!tpu.dma_semaphore, #tpu.memory_space<semaphore_mem>> -> memref<!tpu.dma_semaphore, #tpu.memory_space<semaphore_mem>>
      tpu.wait_indirect_dma semaphore(%dma_wait3A_353 : memref<!tpu.dma_semaphore, #tpu.memory_space<semaphore_mem>>) src(%dma_wait3A_351 : memref<10000x128xf32, #tpu.memory_space<hbm>>) dst(%dma_wait3A_347 : memref<32x128xf32, #tpu.memory_space<vmem>>)
      %mul3A_354 = arith.constant 32 : i32
      %mul3A_355 = arith.muli %add3A_338, %mul3A_354 : i32
      %add3A_356 = arith.addi %sub3A, %mul3A_355 : i32
      %run_scoped3A_357 = arith.constant 2 : i32
      "tpu.region"() ({
        %run_scoped3A_456 = tpu.sem_alloc : memref<!tpu.dma_semaphore, #tpu.memory_space<semaphore_mem>>
        %dma_start3A_457 = arith.constant 0 : i32
        %dma_start3A_458 = arith.constant 0 : i32
        %dma_start3A_459 = tpu.memref_slice %arg9[%run_scoped3A_357, %dma_start3A_457, %dma_start3A_458] : memref<5x32x128xf32, #tpu.memory_space<vmem>> -> memref<1x32x128xf32, #tpu.memory_space<vmem>>
        %dma_start3A_460 = tpu.memref_squeeze %dma_start3A_459 : memref<1x32x128xf32, #tpu.memory_space<vmem>> -> memref<32x128xf32, #tpu.memory_space<vmem>>
        %dma_start3A_461 = tpu.memref_slice %arg8[%add3A_356] : memref<10240xi32, #tpu.memory_space<vmem>> -> memref<32xi32, #tpu.memory_space<vmem>>
        %dma_start3A_462 = arith.constant 0 : i32
        %dma_start3A_463 = arith.constant 0 : i32
        %dma_start3A_464 = tpu.memref_slice %arg11[%dma_start3A_462, %dma_start3A_463] : memref<10240x128xf32, #tpu.memory_space<vmem_shared>> -> memref<10240x128xf32, #tpu.memory_space<vmem_shared>>
        tpu.enqueue_indirect_dma source(%dma_start3A_460 : memref<32x128xf32, #tpu.memory_space<vmem>>) target(%dma_start3A_464 : memref<10240x128xf32, #tpu.memory_space<vmem_shared>>) offsets(%dma_start3A_461 : memref<32xi32, #tpu.memory_space<vmem>>) semaphore(%run_scoped3A_456 : memref<!tpu.dma_semaphore, #tpu.memory_space<semaphore_mem>>) {add = true}
        %dma_wait3A_465 = arith.constant 0 : i32
        %dma_wait3A_466 = arith.constant 0 : i32
        %dma_wait3A_467 = tpu.memref_slice %arg9[%run_scoped3A_357, %dma_wait3A_465, %dma_wait3A_466] : memref<5x32x128xf32, #tpu.memory_space<vmem>> -> memref<1x32x128xf32, #tpu.memory_space<vmem>>
        %dma_wait3A_468 = tpu.memref_squeeze %dma_wait3A_467 : memref<1x32x128xf32, #tpu.memory_space<vmem>> -> memref<32x128xf32, #tpu.memory_space<vmem>>
        %dma_wait3A_469 = tpu.memref_slice %arg8[%add3A_356] : memref<10240xi32, #tpu.memory_space<vmem>> -> memref<32xi32, #tpu.memory_space<vmem>>
        %dma_wait3A_470 = arith.constant 0 : i32
        %dma_wait3A_471 = arith.constant 0 : i32
        %dma_wait3A_472 = tpu.memref_slice %arg11[%dma_wait3A_470, %dma_wait3A_471] : memref<10240x128xf32, #tpu.memory_space<vmem_shared>> -> memref<10240x128xf32, #tpu.memory_space<vmem_shared>>
        tpu.wait_indirect_dma semaphore(%run_scoped3A_456 : memref<!tpu.dma_semaphore, #tpu.memory_space<semaphore_mem>>) src(%dma_wait3A_468 : memref<32x128xf32, #tpu.memory_space<vmem>>) dst(%dma_wait3A_472 : memref<10240x128xf32, #tpu.memory_space<vmem_shared>>)
        tpu.yield
      }) : () -> ()
      %add3A_358 = arith.constant 5 : i32
      %add3A_359 = arith.addi %add3A_338, %add3A_358 : i32
      %mul3A_360 = arith.constant 32 : i32
      %mul3A_361 = arith.muli %add3A_359, %mul3A_360 : i32
      %add3A_362 = arith.addi %sub3A, %mul3A_361 : i32
      %dma_start3A_363 = arith.constant 2 : i32
      %dma_start3A_364 = arith.constant 2 : i32
      %dma_start3A_365 = arith.constant 0 : i32
      %dma_start3A_366 = arith.constant 0 : i32
      %dma_start3A_367 = tpu.memref_slice %arg9[%dma_start3A_363, %dma_start3A_365, %dma_start3A_366] : memref<5x32x128xf32, #tpu.memory_space<vmem>> -> memref<1x32x128xf32, #tpu.memory_space<vmem>>
      %dma_start3A_368 = tpu.memref_squeeze %dma_start3A_367 : memref<1x32x128xf32, #tpu.memory_space<vmem>> -> memref<32x128xf32, #tpu.memory_space<vmem>>
      %dma_start3A_369 = tpu.memref_slice %arg7[%add3A_362] : memref<10240xi32, #tpu.memory_space<vmem>> -> memref<32xi32, #tpu.memory_space<vmem>>
      %dma_start3A_370 = arith.constant 0 : i32
      %dma_start3A_371 = arith.constant 0 : i32
      %dma_start3A_372 = tpu.memref_slice %arg2[%dma_start3A_370, %dma_start3A_371] : memref<10000x128xf32, #tpu.memory_space<hbm>> -> memref<10000x128xf32, #tpu.memory_space<hbm>>
      %dma_start3A_373 = tpu.memref_slice %arg10[%dma_start3A_364] : memref<5x!tpu.dma_semaphore, #tpu.memory_space<semaphore_mem>> -> memref<1x!tpu.dma_semaphore, #tpu.memory_space<semaphore_mem>>
      %dma_start3A_374 = tpu.memref_squeeze %dma_start3A_373 : memref<1x!tpu.dma_semaphore, #tpu.memory_space<semaphore_mem>> -> memref<!tpu.dma_semaphore, #tpu.memory_space<semaphore_mem>>
      tpu.enqueue_indirect_dma source(%dma_start3A_372 : memref<10000x128xf32, #tpu.memory_space<hbm>>) target(%dma_start3A_368 : memref<32x128xf32, #tpu.memory_space<vmem>>) offsets(%dma_start3A_369 : memref<32xi32, #tpu.memory_space<vmem>>) semaphore(%dma_start3A_374 : memref<!tpu.dma_semaphore, #tpu.memory_space<semaphore_mem>>)
      %mul3A_375 = arith.constant 5 : i32
      %mul3A_376 = arith.muli %while3A_253, %mul3A_375 : i32
      %add3A_377 = arith.constant 3 : i32
      %add3A_378 = arith.addi %mul3A_376, %add3A_377 : i32
      %mul3A_379 = arith.constant 32 : i32
      %mul3A_380 = arith.muli %add3A_378, %mul3A_379 : i32
      %add3A_381 = arith.addi %sub3A, %mul3A_380 : i32
      %dma_wait3A_382 = arith.constant 3 : i32
      %dma_wait3A_383 = arith.constant 3 : i32
      %dma_wait3A_384 = arith.constant 0 : i32
      %dma_wait3A_385 = arith.constant 0 : i32
      %dma_wait3A_386 = tpu.memref_slice %arg9[%dma_wait3A_382, %dma_wait3A_384, %dma_wait3A_385] : memref<5x32x128xf32, #tpu.memory_space<vmem>> -> memref<1x32x128xf32, #tpu.memory_space<vmem>>
      %dma_wait3A_387 = tpu.memref_squeeze %dma_wait3A_386 : memref<1x32x128xf32, #tpu.memory_space<vmem>> -> memref<32x128xf32, #tpu.memory_space<vmem>>
      %dma_wait3A_388 = tpu.memref_slice %arg7[%add3A_381] : memref<10240xi32, #tpu.memory_space<vmem>> -> memref<32xi32, #tpu.memory_space<vmem>>
      %dma_wait3A_389 = arith.constant 0 : i32
      %dma_wait3A_390 = arith.constant 0 : i32
      %dma_wait3A_391 = tpu.memref_slice %arg2[%dma_wait3A_389, %dma_wait3A_390] : memref<10000x128xf32, #tpu.memory_space<hbm>> -> memref<10000x128xf32, #tpu.memory_space<hbm>>
      %dma_wait3A_392 = tpu.memref_slice %arg10[%dma_wait3A_383] : memref<5x!tpu.dma_semaphore, #tpu.memory_space<semaphore_mem>> -> memref<1x!tpu.dma_semaphore, #tpu.memory_space<semaphore_mem>>
      %dma_wait3A_393 = tpu.memref_squeeze %dma_wait3A_392 : memref<1x!tpu.dma_semaphore, #tpu.memory_space<semaphore_mem>> -> memref<!tpu.dma_semaphore, #tpu.memory_space<semaphore_mem>>
      tpu.wait_indirect_dma semaphore(%dma_wait3A_393 : memref<!tpu.dma_semaphore, #tpu.memory_space<semaphore_mem>>) src(%dma_wait3A_391 : memref<10000x128xf32, #tpu.memory_space<hbm>>) dst(%dma_wait3A_387 : memref<32x128xf32, #tpu.memory_space<vmem>>)
      %mul3A_394 = arith.constant 32 : i32
      %mul3A_395 = arith.muli %add3A_378, %mul3A_394 : i32
      %add3A_396 = arith.addi %sub3A, %mul3A_395 : i32
      %run_scoped3A_397 = arith.constant 3 : i32
      "tpu.region"() ({
        %run_scoped3A_456 = tpu.sem_alloc : memref<!tpu.dma_semaphore, #tpu.memory_space<semaphore_mem>>
        %dma_start3A_457 = arith.constant 0 : i32
        %dma_start3A_458 = arith.constant 0 : i32
        %dma_start3A_459 = tpu.memref_slice %arg9[%run_scoped3A_397, %dma_start3A_457, %dma_start3A_458] : memref<5x32x128xf32, #tpu.memory_space<vmem>> -> memref<1x32x128xf32, #tpu.memory_space<vmem>>
        %dma_start3A_460 = tpu.memref_squeeze %dma_start3A_459 : memref<1x32x128xf32, #tpu.memory_space<vmem>> -> memref<32x128xf32, #tpu.memory_space<vmem>>
        %dma_start3A_461 = tpu.memref_slice %arg8[%add3A_396] : memref<10240xi32, #tpu.memory_space<vmem>> -> memref<32xi32, #tpu.memory_space<vmem>>
        %dma_start3A_462 = arith.constant 0 : i32
        %dma_start3A_463 = arith.constant 0 : i32
        %dma_start3A_464 = tpu.memref_slice %arg11[%dma_start3A_462, %dma_start3A_463] : memref<10240x128xf32, #tpu.memory_space<vmem_shared>> -> memref<10240x128xf32, #tpu.memory_space<vmem_shared>>
        tpu.enqueue_indirect_dma source(%dma_start3A_460 : memref<32x128xf32, #tpu.memory_space<vmem>>) target(%dma_start3A_464 : memref<10240x128xf32, #tpu.memory_space<vmem_shared>>) offsets(%dma_start3A_461 : memref<32xi32, #tpu.memory_space<vmem>>) semaphore(%run_scoped3A_456 : memref<!tpu.dma_semaphore, #tpu.memory_space<semaphore_mem>>) {add = true}
        %dma_wait3A_465 = arith.constant 0 : i32
        %dma_wait3A_466 = arith.constant 0 : i32
        %dma_wait3A_467 = tpu.memref_slice %arg9[%run_scoped3A_397, %dma_wait3A_465, %dma_wait3A_466] : memref<5x32x128xf32, #tpu.memory_space<vmem>> -> memref<1x32x128xf32, #tpu.memory_space<vmem>>
        %dma_wait3A_468 = tpu.memref_squeeze %dma_wait3A_467 : memref<1x32x128xf32, #tpu.memory_space<vmem>> -> memref<32x128xf32, #tpu.memory_space<vmem>>
        %dma_wait3A_469 = tpu.memref_slice %arg8[%add3A_396] : memref<10240xi32, #tpu.memory_space<vmem>> -> memref<32xi32, #tpu.memory_space<vmem>>
        %dma_wait3A_470 = arith.constant 0 : i32
        %dma_wait3A_471 = arith.constant 0 : i32
        %dma_wait3A_472 = tpu.memref_slice %arg11[%dma_wait3A_470, %dma_wait3A_471] : memref<10240x128xf32, #tpu.memory_space<vmem_shared>> -> memref<10240x128xf32, #tpu.memory_space<vmem_shared>>
        tpu.wait_indirect_dma semaphore(%run_scoped3A_456 : memref<!tpu.dma_semaphore, #tpu.memory_space<semaphore_mem>>) src(%dma_wait3A_468 : memref<32x128xf32, #tpu.memory_space<vmem>>) dst(%dma_wait3A_472 : memref<10240x128xf32, #tpu.memory_space<vmem_shared>>)
        tpu.yield
      }) : () -> ()
      %add3A_398 = arith.constant 5 : i32
      %add3A_399 = arith.addi %add3A_378, %add3A_398 : i32
      %mul3A_400 = arith.constant 32 : i32
      %mul3A_401 = arith.muli %add3A_399, %mul3A_400 : i32
      %add3A_402 = arith.addi %sub3A, %mul3A_401 : i32
      %dma_start3A_403 = arith.constant 3 : i32
      %dma_start3A_404 = arith.constant 3 : i32
      %dma_start3A_405 = arith.constant 0 : i32
      %dma_start3A_406 = arith.constant 0 : i32
      %dma_start3A_407 = tpu.memref_slice %arg9[%dma_start3A_403, %dma_start3A_405, %dma_start3A_406] : memref<5x32x128xf32, #tpu.memory_space<vmem>> -> memref<1x32x128xf32, #tpu.memory_space<vmem>>
      %dma_start3A_408 = tpu.memref_squeeze %dma_start3A_407 : memref<1x32x128xf32, #tpu.memory_space<vmem>> -> memref<32x128xf32, #tpu.memory_space<vmem>>
      %dma_start3A_409 = tpu.memref_slice %arg7[%add3A_402] : memref<10240xi32, #tpu.memory_space<vmem>> -> memref<32xi32, #tpu.memory_space<vmem>>
      %dma_start3A_410 = arith.constant 0 : i32
      %dma_start3A_411 = arith.constant 0 : i32
      %dma_start3A_412 = tpu.memref_slice %arg2[%dma_start3A_410, %dma_start3A_411] : memref<10000x128xf32, #tpu.memory_space<hbm>> -> memref<10000x128xf32, #tpu.memory_space<hbm>>
      %dma_start3A_413 = tpu.memref_slice %arg10[%dma_start3A_404] : memref<5x!tpu.dma_semaphore, #tpu.memory_space<semaphore_mem>> -> memref<1x!tpu.dma_semaphore, #tpu.memory_space<semaphore_mem>>
      %dma_start3A_414 = tpu.memref_squeeze %dma_start3A_413 : memref<1x!tpu.dma_semaphore, #tpu.memory_space<semaphore_mem>> -> memref<!tpu.dma_semaphore, #tpu.memory_space<semaphore_mem>>
      tpu.enqueue_indirect_dma source(%dma_start3A_412 : memref<10000x128xf32, #tpu.memory_space<hbm>>) target(%dma_start3A_408 : memref<32x128xf32, #tpu.memory_space<vmem>>) offsets(%dma_start3A_409 : memref<32xi32, #tpu.memory_space<vmem>>) semaphore(%dma_start3A_414 : memref<!tpu.dma_semaphore, #tpu.memory_space<semaphore_mem>>)
      %mul3A_415 = arith.constant 5 : i32
      %mul3A_416 = arith.muli %while3A_253, %mul3A_415 : i32
      %add3A_417 = arith.constant 4 : i32
      %add3A_418 = arith.addi %mul3A_416, %add3A_417 : i32
      %mul3A_419 = arith.constant 32 : i32
      %mul3A_420 = arith.muli %add3A_418, %mul3A_419 : i32
      %add3A_421 = arith.addi %sub3A, %mul3A_420 : i32
      %dma_wait3A_422 = arith.constant 4 : i32
      %dma_wait3A_423 = arith.constant 4 : i32
      %dma_wait3A_424 = arith.constant 0 : i32
      %dma_wait3A_425 = arith.constant 0 : i32
      %dma_wait3A_426 = tpu.memref_slice %arg9[%dma_wait3A_422, %dma_wait3A_424, %dma_wait3A_425] : memref<5x32x128xf32, #tpu.memory_space<vmem>> -> memref<1x32x128xf32, #tpu.memory_space<vmem>>
      %dma_wait3A_427 = tpu.memref_squeeze %dma_wait3A_426 : memref<1x32x128xf32, #tpu.memory_space<vmem>> -> memref<32x128xf32, #tpu.memory_space<vmem>>
      %dma_wait3A_428 = tpu.memref_slice %arg7[%add3A_421] : memref<10240xi32, #tpu.memory_space<vmem>> -> memref<32xi32, #tpu.memory_space<vmem>>
      %dma_wait3A_429 = arith.constant 0 : i32
      %dma_wait3A_430 = arith.constant 0 : i32
      %dma_wait3A_431 = tpu.memref_slice %arg2[%dma_wait3A_429, %dma_wait3A_430] : memref<10000x128xf32, #tpu.memory_space<hbm>> -> memref<10000x128xf32, #tpu.memory_space<hbm>>
      %dma_wait3A_432 = tpu.memref_slice %arg10[%dma_wait3A_423] : memref<5x!tpu.dma_semaphore, #tpu.memory_space<semaphore_mem>> -> memref<1x!tpu.dma_semaphore, #tpu.memory_space<semaphore_mem>>
      %dma_wait3A_433 = tpu.memref_squeeze %dma_wait3A_432 : memref<1x!tpu.dma_semaphore, #tpu.memory_space<semaphore_mem>> -> memref<!tpu.dma_semaphore, #tpu.memory_space<semaphore_mem>>
      tpu.wait_indirect_dma semaphore(%dma_wait3A_433 : memref<!tpu.dma_semaphore, #tpu.memory_space<semaphore_mem>>) src(%dma_wait3A_431 : memref<10000x128xf32, #tpu.memory_space<hbm>>) dst(%dma_wait3A_427 : memref<32x128xf32, #tpu.memory_space<vmem>>)
      %mul3A_434 = arith.constant 32 : i32
      %mul3A_435 = arith.muli %add3A_418, %mul3A_434 : i32
      %add3A_436 = arith.addi %sub3A, %mul3A_435 : i32
      %run_scoped3A_437 = arith.constant 4 : i32
      "tpu.region"() ({
        %run_scoped3A_456 = tpu.sem_alloc : memref<!tpu.dma_semaphore, #tpu.memory_space<semaphore_mem>>
        %dma_start3A_457 = arith.constant 0 : i32
        %dma_start3A_458 = arith.constant 0 : i32
        %dma_start3A_459 = tpu.memref_slice %arg9[%run_scoped3A_437, %dma_start3A_457, %dma_start3A_458] : memref<5x32x128xf32, #tpu.memory_space<vmem>> -> memref<1x32x128xf32, #tpu.memory_space<vmem>>
        %dma_start3A_460 = tpu.memref_squeeze %dma_start3A_459 : memref<1x32x128xf32, #tpu.memory_space<vmem>> -> memref<32x128xf32, #tpu.memory_space<vmem>>
        %dma_start3A_461 = tpu.memref_slice %arg8[%add3A_436] : memref<10240xi32, #tpu.memory_space<vmem>> -> memref<32xi32, #tpu.memory_space<vmem>>
        %dma_start3A_462 = arith.constant 0 : i32
        %dma_start3A_463 = arith.constant 0 : i32
        %dma_start3A_464 = tpu.memref_slice %arg11[%dma_start3A_462, %dma_start3A_463] : memref<10240x128xf32, #tpu.memory_space<vmem_shared>> -> memref<10240x128xf32, #tpu.memory_space<vmem_shared>>
        tpu.enqueue_indirect_dma source(%dma_start3A_460 : memref<32x128xf32, #tpu.memory_space<vmem>>) target(%dma_start3A_464 : memref<10240x128xf32, #tpu.memory_space<vmem_shared>>) offsets(%dma_start3A_461 : memref<32xi32, #tpu.memory_space<vmem>>) semaphore(%run_scoped3A_456 : memref<!tpu.dma_semaphore, #tpu.memory_space<semaphore_mem>>) {add = true}
        %dma_wait3A_465 = arith.constant 0 : i32
        %dma_wait3A_466 = arith.constant 0 : i32
        %dma_wait3A_467 = tpu.memref_slice %arg9[%run_scoped3A_437, %dma_wait3A_465, %dma_wait3A_466] : memref<5x32x128xf32, #tpu.memory_space<vmem>> -> memref<1x32x128xf32, #tpu.memory_space<vmem>>
        %dma_wait3A_468 = tpu.memref_squeeze %dma_wait3A_467 : memref<1x32x128xf32, #tpu.memory_space<vmem>> -> memref<32x128xf32, #tpu.memory_space<vmem>>
        %dma_wait3A_469 = tpu.memref_slice %arg8[%add3A_436] : memref<10240xi32, #tpu.memory_space<vmem>> -> memref<32xi32, #tpu.memory_space<vmem>>
        %dma_wait3A_470 = arith.constant 0 : i32
        %dma_wait3A_471 = arith.constant 0 : i32
        %dma_wait3A_472 = tpu.memref_slice %arg11[%dma_wait3A_470, %dma_wait3A_471] : memref<10240x128xf32, #tpu.memory_space<vmem_shared>> -> memref<10240x128xf32, #tpu.memory_space<vmem_shared>>
        tpu.wait_indirect_dma semaphore(%run_scoped3A_456 : memref<!tpu.dma_semaphore, #tpu.memory_space<semaphore_mem>>) src(%dma_wait3A_468 : memref<32x128xf32, #tpu.memory_space<vmem>>) dst(%dma_wait3A_472 : memref<10240x128xf32, #tpu.memory_space<vmem_shared>>)
        tpu.yield
      }) : () -> ()
      %add3A_438 = arith.constant 5 : i32
      %add3A_439 = arith.addi %add3A_418, %add3A_438 : i32
      %mul3A_440 = arith.constant 32 : i32
      %mul3A_441 = arith.muli %add3A_439, %mul3A_440 : i32
      %add3A_442 = arith.addi %sub3A, %mul3A_441 : i32
      %dma_start3A_443 = arith.constant 4 : i32
      %dma_start3A_444 = arith.constant 4 : i32
      %dma_start3A_445 = arith.constant 0 : i32
      %dma_start3A_446 = arith.constant 0 : i32
      %dma_start3A_447 = tpu.memref_slice %arg9[%dma_start3A_443, %dma_start3A_445, %dma_start3A_446] : memref<5x32x128xf32, #tpu.memory_space<vmem>> -> memref<1x32x128xf32, #tpu.memory_space<vmem>>
      %dma_start3A_448 = tpu.memref_squeeze %dma_start3A_447 : memref<1x32x128xf32, #tpu.memory_space<vmem>> -> memref<32x128xf32, #tpu.memory_space<vmem>>
      %dma_start3A_449 = tpu.memref_slice %arg7[%add3A_442] : memref<10240xi32, #tpu.memory_space<vmem>> -> memref<32xi32, #tpu.memory_space<vmem>>
      %dma_start3A_450 = arith.constant 0 : i32
      %dma_start3A_451 = arith.constant 0 : i32
      %dma_start3A_452 = tpu.memref_slice %arg2[%dma_start3A_450, %dma_start3A_451] : memref<10000x128xf32, #tpu.memory_space<hbm>> -> memref<10000x128xf32, #tpu.memory_space<hbm>>
      %dma_start3A_453 = tpu.memref_slice %arg10[%dma_start3A_444] : memref<5x!tpu.dma_semaphore, #tpu.memory_space<semaphore_mem>> -> memref<1x!tpu.dma_semaphore, #tpu.memory_space<semaphore_mem>>
      %dma_start3A_454 = tpu.memref_squeeze %dma_start3A_453 : memref<1x!tpu.dma_semaphore, #tpu.memory_space<semaphore_mem>> -> memref<!tpu.dma_semaphore, #tpu.memory_space<semaphore_mem>>
      tpu.enqueue_indirect_dma source(%dma_start3A_452 : memref<10000x128xf32, #tpu.memory_space<hbm>>) target(%dma_start3A_448 : memref<32x128xf32, #tpu.memory_space<vmem>>) offsets(%dma_start3A_449 : memref<32xi32, #tpu.memory_space<vmem>>) semaphore(%dma_start3A_454 : memref<!tpu.dma_semaphore, #tpu.memory_space<semaphore_mem>>)
      %while3A_455 = arith.constant 0 : i32
      scf.yield %while3A_455 : i32
    }
    %sub3A_135 = arith.constant 5 : i32
    %sub3A_136 = arith.subi %min3A_24, %sub3A_135 : i32
    %add3A_137 = arith.constant 0 : i32
    %add3A_138 = arith.addi %sub3A_136, %add3A_137 : i32
    %mul3A_139 = arith.constant 32 : i32
    %mul3A_140 = arith.muli %add3A_138, %mul3A_139 : i32
    %add3A_141 = arith.addi %sub3A, %mul3A_140 : i32
    %dma_wait3A = arith.constant 0 : i32
    %dma_wait3A_142 = arith.constant 0 : i32
    %dma_wait3A_143 = arith.constant 0 : i32
    %dma_wait3A_144 = arith.constant 0 : i32
    %dma_wait3A_145 = tpu.memref_slice %arg9[%dma_wait3A, %dma_wait3A_143, %dma_wait3A_144] : memref<5x32x128xf32, #tpu.memory_space<vmem>> -> memref<1x32x128xf32, #tpu.memory_space<vmem>>
    %dma_wait3A_146 = tpu.memref_squeeze %dma_wait3A_145 : memref<1x32x128xf32, #tpu.memory_space<vmem>> -> memref<32x128xf32, #tpu.memory_space<vmem>>
    %dma_wait3A_147 = tpu.memref_slice %arg7[%add3A_141] : memref<10240xi32, #tpu.memory_space<vmem>> -> memref<32xi32, #tpu.memory_space<vmem>>
    %dma_wait3A_148 = arith.constant 0 : i32
    %dma_wait3A_149 = arith.constant 0 : i32
    %dma_wait3A_150 = tpu.memref_slice %arg2[%dma_wait3A_148, %dma_wait3A_149] : memref<10000x128xf32, #tpu.memory_space<hbm>> -> memref<10000x128xf32, #tpu.memory_space<hbm>>
    %dma_wait3A_151 = tpu.memref_slice %arg10[%dma_wait3A_142] : memref<5x!tpu.dma_semaphore, #tpu.memory_space<semaphore_mem>> -> memref<1x!tpu.dma_semaphore, #tpu.memory_space<semaphore_mem>>
    %dma_wait3A_152 = tpu.memref_squeeze %dma_wait3A_151 : memref<1x!tpu.dma_semaphore, #tpu.memory_space<semaphore_mem>> -> memref<!tpu.dma_semaphore, #tpu.memory_space<semaphore_mem>>
    tpu.wait_indirect_dma semaphore(%dma_wait3A_152 : memref<!tpu.dma_semaphore, #tpu.memory_space<semaphore_mem>>) src(%dma_wait3A_150 : memref<10000x128xf32, #tpu.memory_space<hbm>>) dst(%dma_wait3A_146 : memref<32x128xf32, #tpu.memory_space<vmem>>)
    %mul3A_153 = arith.constant 32 : i32
    %mul3A_154 = arith.muli %add3A_138, %mul3A_153 : i32
    %add3A_155 = arith.addi %sub3A, %mul3A_154 : i32
    %run_scoped3A = arith.constant 0 : i32
    "tpu.region"() ({
      %run_scoped3A_253 = tpu.sem_alloc : memref<!tpu.dma_semaphore, #tpu.memory_space<semaphore_mem>>
      %dma_start3A_254 = arith.constant 0 : i32
      %dma_start3A_255 = arith.constant 0 : i32
      %dma_start3A_256 = tpu.memref_slice %arg9[%run_scoped3A, %dma_start3A_254, %dma_start3A_255] : memref<5x32x128xf32, #tpu.memory_space<vmem>> -> memref<1x32x128xf32, #tpu.memory_space<vmem>>
      %dma_start3A_257 = tpu.memref_squeeze %dma_start3A_256 : memref<1x32x128xf32, #tpu.memory_space<vmem>> -> memref<32x128xf32, #tpu.memory_space<vmem>>
      %dma_start3A_258 = tpu.memref_slice %arg8[%add3A_155] : memref<10240xi32, #tpu.memory_space<vmem>> -> memref<32xi32, #tpu.memory_space<vmem>>
      %dma_start3A_259 = arith.constant 0 : i32
      %dma_start3A_260 = arith.constant 0 : i32
      %dma_start3A_261 = tpu.memref_slice %arg11[%dma_start3A_259, %dma_start3A_260] : memref<10240x128xf32, #tpu.memory_space<vmem_shared>> -> memref<10240x128xf32, #tpu.memory_space<vmem_shared>>
      tpu.enqueue_indirect_dma source(%dma_start3A_257 : memref<32x128xf32, #tpu.memory_space<vmem>>) target(%dma_start3A_261 : memref<10240x128xf32, #tpu.memory_space<vmem_shared>>) offsets(%dma_start3A_258 : memref<32xi32, #tpu.memory_space<vmem>>) semaphore(%run_scoped3A_253 : memref<!tpu.dma_semaphore, #tpu.memory_space<semaphore_mem>>) {add = true}
      %dma_wait3A_262 = arith.constant 0 : i32
      %dma_wait3A_263 = arith.constant 0 : i32
      %dma_wait3A_264 = tpu.memref_slice %arg9[%run_scoped3A, %dma_wait3A_262, %dma_wait3A_263] : memref<5x32x128xf32, #tpu.memory_space<vmem>> -> memref<1x32x128xf32, #tpu.memory_space<vmem>>
      %dma_wait3A_265 = tpu.memref_squeeze %dma_wait3A_264 : memref<1x32x128xf32, #tpu.memory_space<vmem>> -> memref<32x128xf32, #tpu.memory_space<vmem>>
      %dma_wait3A_266 = tpu.memref_slice %arg8[%add3A_155] : memref<10240xi32, #tpu.memory_space<vmem>> -> memref<32xi32, #tpu.memory_space<vmem>>
      %dma_wait3A_267 = arith.constant 0 : i32
      %dma_wait3A_268 = arith.constant 0 : i32
      %dma_wait3A_269 = tpu.memref_slice %arg11[%dma_wait3A_267, %dma_wait3A_268] : memref<10240x128xf32, #tpu.memory_space<vmem_shared>> -> memref<10240x128xf32, #tpu.memory_space<vmem_shared>>
      tpu.wait_indirect_dma semaphore(%run_scoped3A_253 : memref<!tpu.dma_semaphore, #tpu.memory_space<semaphore_mem>>) src(%dma_wait3A_265 : memref<32x128xf32, #tpu.memory_space<vmem>>) dst(%dma_wait3A_269 : memref<10240x128xf32, #tpu.memory_space<vmem_shared>>)
      tpu.yield
    }) : () -> ()
    %sub3A_156 = arith.constant 5 : i32
    %sub3A_157 = arith.subi %min3A_24, %sub3A_156 : i32
    %add3A_158 = arith.constant 1 : i32
    %add3A_159 = arith.addi %sub3A_157, %add3A_158 : i32
    %mul3A_160 = arith.constant 32 : i32
    %mul3A_161 = arith.muli %add3A_159, %mul3A_160 : i32
    %add3A_162 = arith.addi %sub3A, %mul3A_161 : i32
    %dma_wait3A_163 = arith.constant 1 : i32
    %dma_wait3A_164 = arith.constant 1 : i32
    %dma_wait3A_165 = arith.constant 0 : i32
    %dma_wait3A_166 = arith.constant 0 : i32
    %dma_wait3A_167 = tpu.memref_slice %arg9[%dma_wait3A_163, %dma_wait3A_165, %dma_wait3A_166] : memref<5x32x128xf32, #tpu.memory_space<vmem>> -> memref<1x32x128xf32, #tpu.memory_space<vmem>>
    %dma_wait3A_168 = tpu.memref_squeeze %dma_wait3A_167 : memref<1x32x128xf32, #tpu.memory_space<vmem>> -> memref<32x128xf32, #tpu.memory_space<vmem>>
    %dma_wait3A_169 = tpu.memref_slice %arg7[%add3A_162] : memref<10240xi32, #tpu.memory_space<vmem>> -> memref<32xi32, #tpu.memory_space<vmem>>
    %dma_wait3A_170 = arith.constant 0 : i32
    %dma_wait3A_171 = arith.constant 0 : i32
    %dma_wait3A_172 = tpu.memref_slice %arg2[%dma_wait3A_170, %dma_wait3A_171] : memref<10000x128xf32, #tpu.memory_space<hbm>> -> memref<10000x128xf32, #tpu.memory_space<hbm>>
    %dma_wait3A_173 = tpu.memref_slice %arg10[%dma_wait3A_164] : memref<5x!tpu.dma_semaphore, #tpu.memory_space<semaphore_mem>> -> memref<1x!tpu.dma_semaphore, #tpu.memory_space<semaphore_mem>>
    %dma_wait3A_174 = tpu.memref_squeeze %dma_wait3A_173 : memref<1x!tpu.dma_semaphore, #tpu.memory_space<semaphore_mem>> -> memref<!tpu.dma_semaphore, #tpu.memory_space<semaphore_mem>>
    tpu.wait_indirect_dma semaphore(%dma_wait3A_174 : memref<!tpu.dma_semaphore, #tpu.memory_space<semaphore_mem>>) src(%dma_wait3A_172 : memref<10000x128xf32, #tpu.memory_space<hbm>>) dst(%dma_wait3A_168 : memref<32x128xf32, #tpu.memory_space<vmem>>)
    %mul3A_175 = arith.constant 32 : i32
    %mul3A_176 = arith.muli %add3A_159, %mul3A_175 : i32
    %add3A_177 = arith.addi %sub3A, %mul3A_176 : i32
    %run_scoped3A_178 = arith.constant 1 : i32
    "tpu.region"() ({
      %run_scoped3A_253 = tpu.sem_alloc : memref<!tpu.dma_semaphore, #tpu.memory_space<semaphore_mem>>
      %dma_start3A_254 = arith.constant 0 : i32
      %dma_start3A_255 = arith.constant 0 : i32
      %dma_start3A_256 = tpu.memref_slice %arg9[%run_scoped3A_178, %dma_start3A_254, %dma_start3A_255] : memref<5x32x128xf32, #tpu.memory_space<vmem>> -> memref<1x32x128xf32, #tpu.memory_space<vmem>>
      %dma_start3A_257 = tpu.memref_squeeze %dma_start3A_256 : memref<1x32x128xf32, #tpu.memory_space<vmem>> -> memref<32x128xf32, #tpu.memory_space<vmem>>
      %dma_start3A_258 = tpu.memref_slice %arg8[%add3A_177] : memref<10240xi32, #tpu.memory_space<vmem>> -> memref<32xi32, #tpu.memory_space<vmem>>
      %dma_start3A_259 = arith.constant 0 : i32
      %dma_start3A_260 = arith.constant 0 : i32
      %dma_start3A_261 = tpu.memref_slice %arg11[%dma_start3A_259, %dma_start3A_260] : memref<10240x128xf32, #tpu.memory_space<vmem_shared>> -> memref<10240x128xf32, #tpu.memory_space<vmem_shared>>
      tpu.enqueue_indirect_dma source(%dma_start3A_257 : memref<32x128xf32, #tpu.memory_space<vmem>>) target(%dma_start3A_261 : memref<10240x128xf32, #tpu.memory_space<vmem_shared>>) offsets(%dma_start3A_258 : memref<32xi32, #tpu.memory_space<vmem>>) semaphore(%run_scoped3A_253 : memref<!tpu.dma_semaphore, #tpu.memory_space<semaphore_mem>>) {add = true}
      %dma_wait3A_262 = arith.constant 0 : i32
      %dma_wait3A_263 = arith.constant 0 : i32
      %dma_wait3A_264 = tpu.memref_slice %arg9[%run_scoped3A_178, %dma_wait3A_262, %dma_wait3A_263] : memref<5x32x128xf32, #tpu.memory_space<vmem>> -> memref<1x32x128xf32, #tpu.memory_space<vmem>>
      %dma_wait3A_265 = tpu.memref_squeeze %dma_wait3A_264 : memref<1x32x128xf32, #tpu.memory_space<vmem>> -> memref<32x128xf32, #tpu.memory_space<vmem>>
      %dma_wait3A_266 = tpu.memref_slice %arg8[%add3A_177] : memref<10240xi32, #tpu.memory_space<vmem>> -> memref<32xi32, #tpu.memory_space<vmem>>
      %dma_wait3A_267 = arith.constant 0 : i32
      %dma_wait3A_268 = arith.constant 0 : i32
      %dma_wait3A_269 = tpu.memref_slice %arg11[%dma_wait3A_267, %dma_wait3A_268] : memref<10240x128xf32, #tpu.memory_space<vmem_shared>> -> memref<10240x128xf32, #tpu.memory_space<vmem_shared>>
      tpu.wait_indirect_dma semaphore(%run_scoped3A_253 : memref<!tpu.dma_semaphore, #tpu.memory_space<semaphore_mem>>) src(%dma_wait3A_265 : memref<32x128xf32, #tpu.memory_space<vmem>>) dst(%dma_wait3A_269 : memref<10240x128xf32, #tpu.memory_space<vmem_shared>>)
      tpu.yield
    }) : () -> ()
    %sub3A_179 = arith.constant 5 : i32
    %sub3A_180 = arith.subi %min3A_24, %sub3A_179 : i32
    %add3A_181 = arith.constant 2 : i32
    %add3A_182 = arith.addi %sub3A_180, %add3A_181 : i32
    %mul3A_183 = arith.constant 32 : i32
    %mul3A_184 = arith.muli %add3A_182, %mul3A_183 : i32
    %add3A_185 = arith.addi %sub3A, %mul3A_184 : i32
    %dma_wait3A_186 = arith.constant 2 : i32
    %dma_wait3A_187 = arith.constant 2 : i32
    %dma_wait3A_188 = arith.constant 0 : i32
    %dma_wait3A_189 = arith.constant 0 : i32
    %dma_wait3A_190 = tpu.memref_slice %arg9[%dma_wait3A_186, %dma_wait3A_188, %dma_wait3A_189] : memref<5x32x128xf32, #tpu.memory_space<vmem>> -> memref<1x32x128xf32, #tpu.memory_space<vmem>>
    %dma_wait3A_191 = tpu.memref_squeeze %dma_wait3A_190 : memref<1x32x128xf32, #tpu.memory_space<vmem>> -> memref<32x128xf32, #tpu.memory_space<vmem>>
    %dma_wait3A_192 = tpu.memref_slice %arg7[%add3A_185] : memref<10240xi32, #tpu.memory_space<vmem>> -> memref<32xi32, #tpu.memory_space<vmem>>
    %dma_wait3A_193 = arith.constant 0 : i32
    %dma_wait3A_194 = arith.constant 0 : i32
    %dma_wait3A_195 = tpu.memref_slice %arg2[%dma_wait3A_193, %dma_wait3A_194] : memref<10000x128xf32, #tpu.memory_space<hbm>> -> memref<10000x128xf32, #tpu.memory_space<hbm>>
    %dma_wait3A_196 = tpu.memref_slice %arg10[%dma_wait3A_187] : memref<5x!tpu.dma_semaphore, #tpu.memory_space<semaphore_mem>> -> memref<1x!tpu.dma_semaphore, #tpu.memory_space<semaphore_mem>>
    %dma_wait3A_197 = tpu.memref_squeeze %dma_wait3A_196 : memref<1x!tpu.dma_semaphore, #tpu.memory_space<semaphore_mem>> -> memref<!tpu.dma_semaphore, #tpu.memory_space<semaphore_mem>>
    tpu.wait_indirect_dma semaphore(%dma_wait3A_197 : memref<!tpu.dma_semaphore, #tpu.memory_space<semaphore_mem>>) src(%dma_wait3A_195 : memref<10000x128xf32, #tpu.memory_space<hbm>>) dst(%dma_wait3A_191 : memref<32x128xf32, #tpu.memory_space<vmem>>)
    %mul3A_198 = arith.constant 32 : i32
    %mul3A_199 = arith.muli %add3A_182, %mul3A_198 : i32
    %add3A_200 = arith.addi %sub3A, %mul3A_199 : i32
    %run_scoped3A_201 = arith.constant 2 : i32
    "tpu.region"() ({
      %run_scoped3A_253 = tpu.sem_alloc : memref<!tpu.dma_semaphore, #tpu.memory_space<semaphore_mem>>
      %dma_start3A_254 = arith.constant 0 : i32
      %dma_start3A_255 = arith.constant 0 : i32
      %dma_start3A_256 = tpu.memref_slice %arg9[%run_scoped3A_201, %dma_start3A_254, %dma_start3A_255] : memref<5x32x128xf32, #tpu.memory_space<vmem>> -> memref<1x32x128xf32, #tpu.memory_space<vmem>>
      %dma_start3A_257 = tpu.memref_squeeze %dma_start3A_256 : memref<1x32x128xf32, #tpu.memory_space<vmem>> -> memref<32x128xf32, #tpu.memory_space<vmem>>
      %dma_start3A_258 = tpu.memref_slice %arg8[%add3A_200] : memref<10240xi32, #tpu.memory_space<vmem>> -> memref<32xi32, #tpu.memory_space<vmem>>
      %dma_start3A_259 = arith.constant 0 : i32
      %dma_start3A_260 = arith.constant 0 : i32
      %dma_start3A_261 = tpu.memref_slice %arg11[%dma_start3A_259, %dma_start3A_260] : memref<10240x128xf32, #tpu.memory_space<vmem_shared>> -> memref<10240x128xf32, #tpu.memory_space<vmem_shared>>
      tpu.enqueue_indirect_dma source(%dma_start3A_257 : memref<32x128xf32, #tpu.memory_space<vmem>>) target(%dma_start3A_261 : memref<10240x128xf32, #tpu.memory_space<vmem_shared>>) offsets(%dma_start3A_258 : memref<32xi32, #tpu.memory_space<vmem>>) semaphore(%run_scoped3A_253 : memref<!tpu.dma_semaphore, #tpu.memory_space<semaphore_mem>>) {add = true}
      %dma_wait3A_262 = arith.constant 0 : i32
      %dma_wait3A_263 = arith.constant 0 : i32
      %dma_wait3A_264 = tpu.memref_slice %arg9[%run_scoped3A_201, %dma_wait3A_262, %dma_wait3A_263] : memref<5x32x128xf32, #tpu.memory_space<vmem>> -> memref<1x32x128xf32, #tpu.memory_space<vmem>>
      %dma_wait3A_265 = tpu.memref_squeeze %dma_wait3A_264 : memref<1x32x128xf32, #tpu.memory_space<vmem>> -> memref<32x128xf32, #tpu.memory_space<vmem>>
      %dma_wait3A_266 = tpu.memref_slice %arg8[%add3A_200] : memref<10240xi32, #tpu.memory_space<vmem>> -> memref<32xi32, #tpu.memory_space<vmem>>
      %dma_wait3A_267 = arith.constant 0 : i32
      %dma_wait3A_268 = arith.constant 0 : i32
      %dma_wait3A_269 = tpu.memref_slice %arg11[%dma_wait3A_267, %dma_wait3A_268] : memref<10240x128xf32, #tpu.memory_space<vmem_shared>> -> memref<10240x128xf32, #tpu.memory_space<vmem_shared>>
      tpu.wait_indirect_dma semaphore(%run_scoped3A_253 : memref<!tpu.dma_semaphore, #tpu.memory_space<semaphore_mem>>) src(%dma_wait3A_265 : memref<32x128xf32, #tpu.memory_space<vmem>>) dst(%dma_wait3A_269 : memref<10240x128xf32, #tpu.memory_space<vmem_shared>>)
      tpu.yield
    }) : () -> ()
    %sub3A_202 = arith.constant 5 : i32
    %sub3A_203 = arith.subi %min3A_24, %sub3A_202 : i32
    %add3A_204 = arith.constant 3 : i32
    %add3A_205 = arith.addi %sub3A_203, %add3A_204 : i32
    %mul3A_206 = arith.constant 32 : i32
    %mul3A_207 = arith.muli %add3A_205, %mul3A_206 : i32
    %add3A_208 = arith.addi %sub3A, %mul3A_207 : i32
    %dma_wait3A_209 = arith.constant 3 : i32
    %dma_wait3A_210 = arith.constant 3 : i32
    %dma_wait3A_211 = arith.constant 0 : i32
    %dma_wait3A_212 = arith.constant 0 : i32
    %dma_wait3A_213 = tpu.memref_slice %arg9[%dma_wait3A_209, %dma_wait3A_211, %dma_wait3A_212] : memref<5x32x128xf32, #tpu.memory_space<vmem>> -> memref<1x32x128xf32, #tpu.memory_space<vmem>>
    %dma_wait3A_214 = tpu.memref_squeeze %dma_wait3A_213 : memref<1x32x128xf32, #tpu.memory_space<vmem>> -> memref<32x128xf32, #tpu.memory_space<vmem>>
    %dma_wait3A_215 = tpu.memref_slice %arg7[%add3A_208] : memref<10240xi32, #tpu.memory_space<vmem>> -> memref<32xi32, #tpu.memory_space<vmem>>
    %dma_wait3A_216 = arith.constant 0 : i32
    %dma_wait3A_217 = arith.constant 0 : i32
    %dma_wait3A_218 = tpu.memref_slice %arg2[%dma_wait3A_216, %dma_wait3A_217] : memref<10000x128xf32, #tpu.memory_space<hbm>> -> memref<10000x128xf32, #tpu.memory_space<hbm>>
    %dma_wait3A_219 = tpu.memref_slice %arg10[%dma_wait3A_210] : memref<5x!tpu.dma_semaphore, #tpu.memory_space<semaphore_mem>> -> memref<1x!tpu.dma_semaphore, #tpu.memory_space<semaphore_mem>>
    %dma_wait3A_220 = tpu.memref_squeeze %dma_wait3A_219 : memref<1x!tpu.dma_semaphore, #tpu.memory_space<semaphore_mem>> -> memref<!tpu.dma_semaphore, #tpu.memory_space<semaphore_mem>>
    tpu.wait_indirect_dma semaphore(%dma_wait3A_220 : memref<!tpu.dma_semaphore, #tpu.memory_space<semaphore_mem>>) src(%dma_wait3A_218 : memref<10000x128xf32, #tpu.memory_space<hbm>>) dst(%dma_wait3A_214 : memref<32x128xf32, #tpu.memory_space<vmem>>)
    %mul3A_221 = arith.constant 32 : i32
    %mul3A_222 = arith.muli %add3A_205, %mul3A_221 : i32
    %add3A_223 = arith.addi %sub3A, %mul3A_222 : i32
    %run_scoped3A_224 = arith.constant 3 : i32
    "tpu.region"() ({
      %run_scoped3A_253 = tpu.sem_alloc : memref<!tpu.dma_semaphore, #tpu.memory_space<semaphore_mem>>
      %dma_start3A_254 = arith.constant 0 : i32
      %dma_start3A_255 = arith.constant 0 : i32
      %dma_start3A_256 = tpu.memref_slice %arg9[%run_scoped3A_224, %dma_start3A_254, %dma_start3A_255] : memref<5x32x128xf32, #tpu.memory_space<vmem>> -> memref<1x32x128xf32, #tpu.memory_space<vmem>>
      %dma_start3A_257 = tpu.memref_squeeze %dma_start3A_256 : memref<1x32x128xf32, #tpu.memory_space<vmem>> -> memref<32x128xf32, #tpu.memory_space<vmem>>
      %dma_start3A_258 = tpu.memref_slice %arg8[%add3A_223] : memref<10240xi32, #tpu.memory_space<vmem>> -> memref<32xi32, #tpu.memory_space<vmem>>
      %dma_start3A_259 = arith.constant 0 : i32
      %dma_start3A_260 = arith.constant 0 : i32
      %dma_start3A_261 = tpu.memref_slice %arg11[%dma_start3A_259, %dma_start3A_260] : memref<10240x128xf32, #tpu.memory_space<vmem_shared>> -> memref<10240x128xf32, #tpu.memory_space<vmem_shared>>
      tpu.enqueue_indirect_dma source(%dma_start3A_257 : memref<32x128xf32, #tpu.memory_space<vmem>>) target(%dma_start3A_261 : memref<10240x128xf32, #tpu.memory_space<vmem_shared>>) offsets(%dma_start3A_258 : memref<32xi32, #tpu.memory_space<vmem>>) semaphore(%run_scoped3A_253 : memref<!tpu.dma_semaphore, #tpu.memory_space<semaphore_mem>>) {add = true}
      %dma_wait3A_262 = arith.constant 0 : i32
      %dma_wait3A_263 = arith.constant 0 : i32
      %dma_wait3A_264 = tpu.memref_slice %arg9[%run_scoped3A_224, %dma_wait3A_262, %dma_wait3A_263] : memref<5x32x128xf32, #tpu.memory_space<vmem>> -> memref<1x32x128xf32, #tpu.memory_space<vmem>>
      %dma_wait3A_265 = tpu.memref_squeeze %dma_wait3A_264 : memref<1x32x128xf32, #tpu.memory_space<vmem>> -> memref<32x128xf32, #tpu.memory_space<vmem>>
      %dma_wait3A_266 = tpu.memref_slice %arg8[%add3A_223] : memref<10240xi32, #tpu.memory_space<vmem>> -> memref<32xi32, #tpu.memory_space<vmem>>
      %dma_wait3A_267 = arith.constant 0 : i32
      %dma_wait3A_268 = arith.constant 0 : i32
      %dma_wait3A_269 = tpu.memref_slice %arg11[%dma_wait3A_267, %dma_wait3A_268] : memref<10240x128xf32, #tpu.memory_space<vmem_shared>> -> memref<10240x128xf32, #tpu.memory_space<vmem_shared>>
      tpu.wait_indirect_dma semaphore(%run_scoped3A_253 : memref<!tpu.dma_semaphore, #tpu.memory_space<semaphore_mem>>) src(%dma_wait3A_265 : memref<32x128xf32, #tpu.memory_space<vmem>>) dst(%dma_wait3A_269 : memref<10240x128xf32, #tpu.memory_space<vmem_shared>>)
      tpu.yield
    }) : () -> ()
    %sub3A_225 = arith.constant 5 : i32
    %sub3A_226 = arith.subi %min3A_24, %sub3A_225 : i32
    %add3A_227 = arith.constant 4 : i32
    %add3A_228 = arith.addi %sub3A_226, %add3A_227 : i32
    %mul3A_229 = arith.constant 32 : i32
    %mul3A_230 = arith.muli %add3A_228, %mul3A_229 : i32
    %add3A_231 = arith.addi %sub3A, %mul3A_230 : i32
    %dma_wait3A_232 = arith.constant 4 : i32
    %dma_wait3A_233 = arith.constant 4 : i32
    %dma_wait3A_234 = arith.constant 0 : i32
    %dma_wait3A_235 = arith.constant 0 : i32
    %dma_wait3A_236 = tpu.memref_slice %arg9[%dma_wait3A_232, %dma_wait3A_234, %dma_wait3A_235] : memref<5x32x128xf32, #tpu.memory_space<vmem>> -> memref<1x32x128xf32, #tpu.memory_space<vmem>>
    %dma_wait3A_237 = tpu.memref_squeeze %dma_wait3A_236 : memref<1x32x128xf32, #tpu.memory_space<vmem>> -> memref<32x128xf32, #tpu.memory_space<vmem>>
    %dma_wait3A_238 = tpu.memref_slice %arg7[%add3A_231] : memref<10240xi32, #tpu.memory_space<vmem>> -> memref<32xi32, #tpu.memory_space<vmem>>
    %dma_wait3A_239 = arith.constant 0 : i32
    %dma_wait3A_240 = arith.constant 0 : i32
    %dma_wait3A_241 = tpu.memref_slice %arg2[%dma_wait3A_239, %dma_wait3A_240] : memref<10000x128xf32, #tpu.memory_space<hbm>> -> memref<10000x128xf32, #tpu.memory_space<hbm>>
    %dma_wait3A_242 = tpu.memref_slice %arg10[%dma_wait3A_233] : memref<5x!tpu.dma_semaphore, #tpu.memory_space<semaphore_mem>> -> memref<1x!tpu.dma_semaphore, #tpu.memory_space<semaphore_mem>>
    %dma_wait3A_243 = tpu.memref_squeeze %dma_wait3A_242 : memref<1x!tpu.dma_semaphore, #tpu.memory_space<semaphore_mem>> -> memref<!tpu.dma_semaphore, #tpu.memory_space<semaphore_mem>>
    tpu.wait_indirect_dma semaphore(%dma_wait3A_243 : memref<!tpu.dma_semaphore, #tpu.memory_space<semaphore_mem>>) src(%dma_wait3A_241 : memref<10000x128xf32, #tpu.memory_space<hbm>>) dst(%dma_wait3A_237 : memref<32x128xf32, #tpu.memory_space<vmem>>)
    %mul3A_244 = arith.constant 32 : i32
    %mul3A_245 = arith.muli %add3A_228, %mul3A_244 : i32
    %add3A_246 = arith.addi %sub3A, %mul3A_245 : i32
    %run_scoped3A_247 = arith.constant 4 : i32
    "tpu.region"() ({
      %run_scoped3A_253 = tpu.sem_alloc : memref<!tpu.dma_semaphore, #tpu.memory_space<semaphore_mem>>
      %dma_start3A_254 = arith.constant 0 : i32
      %dma_start3A_255 = arith.constant 0 : i32
      %dma_start3A_256 = tpu.memref_slice %arg9[%run_scoped3A_247, %dma_start3A_254, %dma_start3A_255] : memref<5x32x128xf32, #tpu.memory_space<vmem>> -> memref<1x32x128xf32, #tpu.memory_space<vmem>>
      %dma_start3A_257 = tpu.memref_squeeze %dma_start3A_256 : memref<1x32x128xf32, #tpu.memory_space<vmem>> -> memref<32x128xf32, #tpu.memory_space<vmem>>
      %dma_start3A_258 = tpu.memref_slice %arg8[%add3A_246] : memref<10240xi32, #tpu.memory_space<vmem>> -> memref<32xi32, #tpu.memory_space<vmem>>
      %dma_start3A_259 = arith.constant 0 : i32
      %dma_start3A_260 = arith.constant 0 : i32
      %dma_start3A_261 = tpu.memref_slice %arg11[%dma_start3A_259, %dma_start3A_260] : memref<10240x128xf32, #tpu.memory_space<vmem_shared>> -> memref<10240x128xf32, #tpu.memory_space<vmem_shared>>
      tpu.enqueue_indirect_dma source(%dma_start3A_257 : memref<32x128xf32, #tpu.memory_space<vmem>>) target(%dma_start3A_261 : memref<10240x128xf32, #tpu.memory_space<vmem_shared>>) offsets(%dma_start3A_258 : memref<32xi32, #tpu.memory_space<vmem>>) semaphore(%run_scoped3A_253 : memref<!tpu.dma_semaphore, #tpu.memory_space<semaphore_mem>>) {add = true}
      %dma_wait3A_262 = arith.constant 0 : i32
      %dma_wait3A_263 = arith.constant 0 : i32
      %dma_wait3A_264 = tpu.memref_slice %arg9[%run_scoped3A_247, %dma_wait3A_262, %dma_wait3A_263] : memref<5x32x128xf32, #tpu.memory_space<vmem>> -> memref<1x32x128xf32, #tpu.memory_space<vmem>>
      %dma_wait3A_265 = tpu.memref_squeeze %dma_wait3A_264 : memref<1x32x128xf32, #tpu.memory_space<vmem>> -> memref<32x128xf32, #tpu.memory_space<vmem>>
      %dma_wait3A_266 = tpu.memref_slice %arg8[%add3A_246] : memref<10240xi32, #tpu.memory_space<vmem>> -> memref<32xi32, #tpu.memory_space<vmem>>
      %dma_wait3A_267 = arith.constant 0 : i32
      %dma_wait3A_268 = arith.constant 0 : i32
      %dma_wait3A_269 = tpu.memref_slice %arg11[%dma_wait3A_267, %dma_wait3A_268] : memref<10240x128xf32, #tpu.memory_space<vmem_shared>> -> memref<10240x128xf32, #tpu.memory_space<vmem_shared>>
      tpu.wait_indirect_dma semaphore(%run_scoped3A_253 : memref<!tpu.dma_semaphore, #tpu.memory_space<semaphore_mem>>) src(%dma_wait3A_265 : memref<32x128xf32, #tpu.memory_space<vmem>>) dst(%dma_wait3A_269 : memref<10240x128xf32, #tpu.memory_space<vmem_shared>>)
      tpu.yield
    }) : () -> ()
    %barrier3A_248 = arith.constant 0 : index
    tpu.barrier barrier_id(%barrier3A_248)
    %mul3A_249 = arith.constant 640 : i32
    %mul3A_250 = arith.muli %arg1, %mul3A_249 : i32
    %mul3A_251 = arith.constant 640 : i32
    %mul3A_252 = arith.muli %arg1, %mul3A_251 : i32
    "tpu.region"() ({
      %run_scoped3A_253 = tpu.sem_alloc : memref<!tpu.dma_semaphore, #tpu.memory_space<semaphore_mem>>
      %dma_start3A_254 = arith.constant 0 : i32
      %dma_start3A_255 = tpu.memref_slice %arg6[%arg0, %mul3A_252, %dma_start3A_254] : memref<2x10240x128xf32, #tpu.memory_space<hbm>> -> memref<1x640x128xf32, #tpu.memory_space<hbm>>
      %dma_start3A_256 = tpu.memref_squeeze %dma_start3A_255 : memref<1x640x128xf32, #tpu.memory_space<hbm>> -> memref<640x128xf32, #tpu.memory_space<hbm>>
      %dma_start3A_257 = arith.constant 0 : i32
      %dma_start3A_258 = tpu.memref_slice %arg11[%mul3A_250, %dma_start3A_257] : memref<10240x128xf32, #tpu.memory_space<vmem_shared>> -> memref<640x128xf32, #tpu.memory_space<vmem_shared>>
      tpu.enqueue_dma source(%dma_start3A_258 : memref<640x128xf32, #tpu.memory_space<vmem_shared>>) target(%dma_start3A_256 : memref<640x128xf32, #tpu.memory_space<hbm>>) target_semaphore(%run_scoped3A_253 : memref<!tpu.dma_semaphore, #tpu.memory_space<semaphore_mem>>)
      %dma_wait3A_259 = arith.constant 0 : i32
      %dma_wait3A_260 = tpu.memref_slice %arg6[%arg0, %mul3A_252, %dma_wait3A_259] : memref<2x10240x128xf32, #tpu.memory_space<hbm>> -> memref<1x640x128xf32, #tpu.memory_space<hbm>>
      %dma_wait3A_261 = tpu.memref_squeeze %dma_wait3A_260 : memref<1x640x128xf32, #tpu.memory_space<hbm>> -> memref<640x128xf32, #tpu.memory_space<hbm>>
      %dma_wait3A_262 = arith.constant 0 : i32
      %dma_wait3A_263 = tpu.memref_slice %arg11[%mul3A_250, %dma_wait3A_262] : memref<10240x128xf32, #tpu.memory_space<vmem_shared>> -> memref<640x128xf32, #tpu.memory_space<vmem_shared>>
      tpu.wait_dma2 semaphore(%run_scoped3A_253 : memref<!tpu.dma_semaphore, #tpu.memory_space<semaphore_mem>>) src(%dma_wait3A_263 : memref<640x128xf32, #tpu.memory_space<vmem_shared>>) dst(%dma_wait3A_261 : memref<640x128xf32, #tpu.memory_space<hbm>>)
      tpu.yield
    }) : () -> ()
    return
  }
}

module attributes {stable_mosaic.version = 14 : i64} {
  func.func @_t12_body(%arg0: i32, %arg1: memref<2000x128xf32, #tpu.memory_space<vmem>>, %arg2: memref<128x128xf32, #tpu.memory_space<vmem>>, %arg3: memref<2000x1xf32, #tpu.memory_space<vmem>>, %arg4: memref<2000x128xf32, #tpu.memory_space<vmem>>, %arg5: memref<2000x1xf32, #tpu.memory_space<vmem>>) attributes {dimension_semantics = [#tpu.dimension_semantics<arbitrary>], iteration_bounds = array<i64: 5>, scalar_prefetch = 0 : i64, scratch_operands = 0 : i64, tpu.core_type = #tpu.core_type<tc>, window_params = [{transform_indices = @transform_0, window_bounds = array<i64: 2000, 128>}, {pipeline_mode = #tpu.pipeline_mode<synchronous>, transform_indices = @transform_1, window_bounds = array<i64: 128, 128>}, {transform_indices = @transform_2, window_bounds = array<i64: 2000, 1>}, {transform_indices = @transform_3, window_bounds = array<i64: 2000, 128>}, {transform_indices = @transform_4, window_bounds = array<i64: 2000, 1>}]} {
    %get3A = arith.constant 0 : index
    %get3A_0 = arith.constant 0 : index
    %get3A_1 = vector.load %arg3[%get3A, %get3A_0] : memref<2000x1xf32, #tpu.memory_space<vmem>>, vector<2000x1xf32>
    %add3A = arith.constant 1.000000e+00 : f32
    %add3A_2 = vector.broadcast %add3A : f32 to vector<2000x1xf32>
    %add3A_3 = arith.addf %add3A_2, %get3A_1 : vector<2000x1xf32>
    %rsqrt3A = math.rsqrt %add3A_3 : vector<2000x1xf32>
    %get3A_4 = arith.constant 0 : index
    %get3A_5 = arith.constant 0 : index
    %get3A_6 = vector.load %arg1[%get3A_4, %get3A_5] : memref<2000x128xf32, #tpu.memory_space<vmem>>, vector<2000x128xf32>
    %get3A_7 = arith.constant 0 : index
    %get3A_8 = arith.constant 0 : index
    %get3A_9 = vector.load %arg2[%get3A_7, %get3A_8] : memref<128x128xf32, #tpu.memory_space<vmem>>, vector<128x128xf32>
    %dot_general3A = arith.constant dense<0.000000e+00> : vector<2000x128xf32>
    %dot_general3A_10 = tpu.matmul %get3A_6, %get3A_9, %dot_general3A {dimension_numbers = #tpu.dot_dimension_numbers<[1], [0], [0], [1], [0, 0, 1, 1], [], []>, transpose_lhs_hint = false} : vector<2000x128xf32>, vector<128x128xf32>, vector<2000x128xf32> -> vector<2000x128xf32>
    %mul3A = vector.broadcast %rsqrt3A : vector<2000x1xf32> to vector<2000x128xf32>
    %mul3A_11 = arith.mulf %dot_general3A_10, %mul3A : vector<2000x128xf32>
    %swap3A = arith.constant 0 : index
    %swap3A_12 = arith.constant 0 : index
    %swap3A_13 = vector.load %arg4[%swap3A, %swap3A_12] : memref<2000x128xf32, #tpu.memory_space<vmem>>, vector<2000x128xf32>
    tpu.vector_store %arg4[%swap3A, %swap3A_12], %mul3A_11 {strides = array<i32>} : memref<2000x128xf32, #tpu.memory_space<vmem>>, vector<2000x128xf32>,
    %swap3A_14 = arith.constant 0 : index
    %swap3A_15 = arith.constant 0 : index
    %swap3A_16 = vector.load %arg5[%swap3A_14, %swap3A_15] : memref<2000x1xf32, #tpu.memory_space<vmem>>, vector<2000x1xf32>
    tpu.vector_store %arg5[%swap3A_14, %swap3A_15], %rsqrt3A {strides = array<i32>} : memref<2000x1xf32, #tpu.memory_space<vmem>>, vector<2000x1xf32>,
    return
  }
  func.func @transform_0(%arg0: i32) -> (i32, i32) {
    %c0_i32 = arith.constant 0 : i32
    %c0_i32_0 = arith.constant 0 : i32
    return %arg0, %c0_i32 : i32, i32
  }
  func.func @transform_1(%arg0: i32) -> (i32, i32) {
    %c0_i32 = arith.constant 0 : i32
    %c0_i32_0 = arith.constant 0 : i32
    %c0_i32_1 = arith.constant 0 : i32
    return %c0_i32, %c0_i32_0 : i32, i32
  }
  func.func @transform_2(%arg0: i32) -> (i32, i32) {
    %c0_i32 = arith.constant 0 : i32
    %c0_i32_0 = arith.constant 0 : i32
    return %arg0, %c0_i32 : i32, i32
  }
  func.func @transform_3(%arg0: i32) -> (i32, i32) {
    %c0_i32 = arith.constant 0 : i32
    %c0_i32_0 = arith.constant 0 : i32
    return %arg0, %c0_i32 : i32, i32
  }
  func.func @transform_4(%arg0: i32) -> (i32, i32) {
    %c0_i32 = arith.constant 0 : i32
    %c0_i32_0 = arith.constant 0 : i32
    return %arg0, %c0_i32 : i32, i32
  }
}

module attributes {stable_mosaic.version = 14 : i64} {
  func.func @_tmid_body(%arg0: i32, %arg1: memref<2x2000x128xf32, #tpu.memory_space<vmem>>, %arg2: memref<2000x128xf32, #tpu.memory_space<vmem>>, %arg3: memref<2000x1xf32, #tpu.memory_space<vmem>>, %arg4: memref<1x128xf32, #tpu.memory_space<vmem>>, %arg5: memref<128x128xf32, #tpu.memory_space<vmem>>, %arg6: memref<2000x128xf32, #tpu.memory_space<vmem>>) attributes {dimension_semantics = [#tpu.dimension_semantics<arbitrary>], iteration_bounds = array<i64: 5>, scalar_prefetch = 0 : i64, scratch_operands = 0 : i64, tpu.core_type = #tpu.core_type<tc>, window_params = [{transform_indices = @transform_0, window_bounds = array<i64: 2, 2000, 128>}, {transform_indices = @transform_1, window_bounds = array<i64: 2000, 128>}, {transform_indices = @transform_2, window_bounds = array<i64: 2000, 1>}, {pipeline_mode = #tpu.pipeline_mode<synchronous>, transform_indices = @transform_3, window_bounds = array<i64: 1, 128>}, {pipeline_mode = #tpu.pipeline_mode<synchronous>, transform_indices = @transform_4, window_bounds = array<i64: 128, 128>}, {transform_indices = @transform_5, window_bounds = array<i64: 2000, 128>}]} {
    %get3A = arith.constant 0 : index
    %get3A_0 = arith.constant 0 : index
    %get3A_1 = vector.load %arg3[%get3A, %get3A_0] : memref<2000x1xf32, #tpu.memory_space<vmem>>, vector<2000x1xf32>
    %get3A_2 = arith.constant 0 : index
    %get3A_3 = arith.constant 0 : index
    %get3A_4 = arith.constant 0 : index
    %get3A_5 = vector.load %arg1[%get3A_2, %get3A_3, %get3A_4] : memref<2x2000x128xf32, #tpu.memory_space<vmem>>, vector<1x2000x128xf32>
    %get3A_6 = vector.shape_cast %get3A_5 : vector<1x2000x128xf32> to vector<2000x128xf32>
    %get3A_7 = arith.constant 1 : index
    %get3A_8 = arith.constant 0 : index
    %get3A_9 = arith.constant 0 : index
    %get3A_10 = vector.load %arg1[%get3A_7, %get3A_8, %get3A_9] : memref<2x2000x128xf32, #tpu.memory_space<vmem>>, vector<1x2000x128xf32>
    %get3A_11 = vector.shape_cast %get3A_10 : vector<1x2000x128xf32> to vector<2000x128xf32>
    %add3A = arith.addf %get3A_6, %get3A_11 : vector<2000x128xf32>
    %get3A_12 = arith.constant 0 : index
    %get3A_13 = arith.constant 0 : index
    %get3A_14 = vector.load %arg2[%get3A_12, %get3A_13] : memref<2000x128xf32, #tpu.memory_space<vmem>>, vector<2000x128xf32>
    %add3A_15 = arith.addf %add3A, %get3A_14 : vector<2000x128xf32>
    %mul3A = vector.broadcast %get3A_1 : vector<2000x1xf32> to vector<2000x128xf32>
    %mul3A_16 = arith.mulf %mul3A, %add3A_15 : vector<2000x128xf32>
    %get3A_17 = arith.constant 0 : index
    %get3A_18 = arith.constant 0 : index
    %get3A_19 = vector.load %arg4[%get3A_17, %get3A_18] : memref<1x128xf32, #tpu.memory_space<vmem>>, vector<1x128xf32>
    %add3A_20 = vector.broadcast %get3A_19 : vector<1x128xf32> to vector<2000x128xf32>
    %add3A_21 = arith.addf %mul3A_16, %add3A_20 : vector<2000x128xf32>
    %max3A = arith.constant 0.000000e+00 : f32
    %max3A_22 = vector.broadcast %max3A : f32 to vector<2000x128xf32>
    %max3A_23 = arith.maximumf %add3A_21, %max3A_22 : vector<2000x128xf32>
    %get3A_24 = arith.constant 0 : index
    %get3A_25 = arith.constant 0 : index
    %get3A_26 = vector.load %arg5[%get3A_24, %get3A_25] : memref<128x128xf32, #tpu.memory_space<vmem>>, vector<128x128xf32>
    %dot_general3A = arith.constant dense<0.000000e+00> : vector<2000x128xf32>
    %dot_general3A_27 = tpu.matmul %max3A_23, %get3A_26, %dot_general3A {dimension_numbers = #tpu.dot_dimension_numbers<[1], [0], [0], [1], [0, 0, 1, 1], [], []>, transpose_lhs_hint = false} : vector<2000x128xf32>, vector<128x128xf32>, vector<2000x128xf32> -> vector<2000x128xf32>
    %mul3A_28 = vector.broadcast %get3A_1 : vector<2000x1xf32> to vector<2000x128xf32>
    %mul3A_29 = arith.mulf %dot_general3A_27, %mul3A_28 : vector<2000x128xf32>
    %swap3A = arith.constant 0 : index
    %swap3A_30 = arith.constant 0 : index
    %swap3A_31 = vector.load %arg6[%swap3A, %swap3A_30] : memref<2000x128xf32, #tpu.memory_space<vmem>>, vector<2000x128xf32>
    tpu.vector_store %arg6[%swap3A, %swap3A_30], %mul3A_29 {strides = array<i32>} : memref<2000x128xf32, #tpu.memory_space<vmem>>, vector<2000x128xf32>,
    return
  }
  func.func @transform_0(%arg0: i32) -> (i32, i32, i32) {
    %c0_i32 = arith.constant 0 : i32
    %c0_i32_0 = arith.constant 0 : i32
    %c0_i32_1 = arith.constant 0 : i32
    return %c0_i32, %arg0, %c0_i32_0 : i32, i32, i32
  }
  func.func @transform_1(%arg0: i32) -> (i32, i32) {
    %c0_i32 = arith.constant 0 : i32
    %c0_i32_0 = arith.constant 0 : i32
    return %arg0, %c0_i32 : i32, i32
  }
  func.func @transform_2(%arg0: i32) -> (i32, i32) {
    %c0_i32 = arith.constant 0 : i32
    %c0_i32_0 = arith.constant 0 : i32
    return %arg0, %c0_i32 : i32, i32
  }
  func.func @transform_3(%arg0: i32) -> (i32, i32) {
    %c0_i32 = arith.constant 0 : i32
    %c0_i32_0 = arith.constant 0 : i32
    %c0_i32_1 = arith.constant 0 : i32
    return %c0_i32, %c0_i32_0 : i32, i32
  }
  func.func @transform_4(%arg0: i32) -> (i32, i32) {
    %c0_i32 = arith.constant 0 : i32
    %c0_i32_0 = arith.constant 0 : i32
    %c0_i32_1 = arith.constant 0 : i32
    return %c0_i32, %c0_i32_0 : i32, i32
  }
  func.func @transform_5(%arg0: i32) -> (i32, i32) {
    %c0_i32 = arith.constant 0 : i32
    %c0_i32_0 = arith.constant 0 : i32
    return %arg0, %c0_i32 : i32, i32
  }
}

module attributes {stable_mosaic.version = 14 : i64} {
  func.func @_t4_body(%arg0: i32, %arg1: memref<2x2000x128xf32, #tpu.memory_space<vmem>>, %arg2: memref<2000x128xf32, #tpu.memory_space<vmem>>, %arg3: memref<2000x1xf32, #tpu.memory_space<vmem>>, %arg4: memref<1x128xf32, #tpu.memory_space<vmem>>, %arg5: memref<2000x128xf32, #tpu.memory_space<vmem>>) attributes {dimension_semantics = [#tpu.dimension_semantics<arbitrary>], iteration_bounds = array<i64: 5>, scalar_prefetch = 0 : i64, scratch_operands = 0 : i64, tpu.core_type = #tpu.core_type<tc>, window_params = [{transform_indices = @transform_0, window_bounds = array<i64: 2, 2000, 128>}, {transform_indices = @transform_1, window_bounds = array<i64: 2000, 128>}, {transform_indices = @transform_2, window_bounds = array<i64: 2000, 1>}, {pipeline_mode = #tpu.pipeline_mode<synchronous>, transform_indices = @transform_3, window_bounds = array<i64: 1, 128>}, {transform_indices = @transform_4, window_bounds = array<i64: 2000, 128>}]} {
    %get3A = arith.constant 0 : index
    %get3A_0 = arith.constant 0 : index
    %get3A_1 = vector.load %arg3[%get3A, %get3A_0] : memref<2000x1xf32, #tpu.memory_space<vmem>>, vector<2000x1xf32>
    %get3A_2 = arith.constant 0 : index
    %get3A_3 = arith.constant 0 : index
    %get3A_4 = arith.constant 0 : index
    %get3A_5 = vector.load %arg1[%get3A_2, %get3A_3, %get3A_4] : memref<2x2000x128xf32, #tpu.memory_space<vmem>>, vector<1x2000x128xf32>
    %get3A_6 = vector.shape_cast %get3A_5 : vector<1x2000x128xf32> to vector<2000x128xf32>
    %get3A_7 = arith.constant 1 : index
    %get3A_8 = arith.constant 0 : index
    %get3A_9 = arith.constant 0 : index
    %get3A_10 = vector.load %arg1[%get3A_7, %get3A_8, %get3A_9] : memref<2x2000x128xf32, #tpu.memory_space<vmem>>, vector<1x2000x128xf32>
    %get3A_11 = vector.shape_cast %get3A_10 : vector<1x2000x128xf32> to vector<2000x128xf32>
    %add3A = arith.addf %get3A_6, %get3A_11 : vector<2000x128xf32>
    %get3A_12 = arith.constant 0 : index
    %get3A_13 = arith.constant 0 : index
    %get3A_14 = vector.load %arg2[%get3A_12, %get3A_13] : memref<2000x128xf32, #tpu.memory_space<vmem>>, vector<2000x128xf32>
    %add3A_15 = arith.addf %add3A, %get3A_14 : vector<2000x128xf32>
    %mul3A = vector.broadcast %get3A_1 : vector<2000x1xf32> to vector<2000x128xf32>
    %mul3A_16 = arith.mulf %mul3A, %add3A_15 : vector<2000x128xf32>
    %get3A_17 = arith.constant 0 : index
    %get3A_18 = arith.constant 0 : index
    %get3A_19 = vector.load %arg4[%get3A_17, %get3A_18] : memref<1x128xf32, #tpu.memory_space<vmem>>, vector<1x128xf32>
    %add3A_20 = vector.broadcast %get3A_19 : vector<1x128xf32> to vector<2000x128xf32>
    %add3A_21 = arith.addf %mul3A_16, %add3A_20 : vector<2000x128xf32>
    %max3A = arith.constant 0.000000e+00 : f32
    %max3A_22 = vector.broadcast %max3A : f32 to vector<2000x128xf32>
    %max3A_23 = arith.maximumf %add3A_21, %max3A_22 : vector<2000x128xf32>
    %mul3A_24 = vector.broadcast %get3A_1 : vector<2000x1xf32> to vector<2000x128xf32>
    %mul3A_25 = arith.mulf %mul3A_24, %max3A_23 : vector<2000x128xf32>
    %swap3A = arith.constant 0 : index
    %swap3A_26 = arith.constant 0 : index
    %swap3A_27 = vector.load %arg5[%swap3A, %swap3A_26] : memref<2000x128xf32, #tpu.memory_space<vmem>>, vector<2000x128xf32>
    tpu.vector_store %arg5[%swap3A, %swap3A_26], %mul3A_25 {strides = array<i32>} : memref<2000x128xf32, #tpu.memory_space<vmem>>, vector<2000x128xf32>,
    return
  }
  func.func @transform_0(%arg0: i32) -> (i32, i32, i32) {
    %c0_i32 = arith.constant 0 : i32
    %c0_i32_0 = arith.constant 0 : i32
    %c0_i32_1 = arith.constant 0 : i32
    return %c0_i32, %arg0, %c0_i32_0 : i32, i32, i32
  }
  func.func @transform_1(%arg0: i32) -> (i32, i32) {
    %c0_i32 = arith.constant 0 : i32
    %c0_i32_0 = arith.constant 0 : i32
    return %arg0, %c0_i32 : i32, i32
  }
  func.func @transform_2(%arg0: i32) -> (i32, i32) {
    %c0_i32 = arith.constant 0 : i32
    %c0_i32_0 = arith.constant 0 : i32
    return %arg0, %c0_i32 : i32, i32
  }
  func.func @transform_3(%arg0: i32) -> (i32, i32) {
    %c0_i32 = arith.constant 0 : i32
    %c0_i32_0 = arith.constant 0 : i32
    %c0_i32_1 = arith.constant 0 : i32
    return %c0_i32, %c0_i32_0 : i32, i32
  }
  func.func @transform_4(%arg0: i32) -> (i32, i32) {
    %c0_i32 = arith.constant 0 : i32
    %c0_i32_0 = arith.constant 0 : i32
    return %arg0, %c0_i32 : i32, i32
  }
}

module attributes {stable_mosaic.version = 14 : i64} {
  func.func @_t5_body(%arg0: i32, %arg1: memref<2x2000x128xf32, #tpu.memory_space<vmem>>, %arg2: memref<2000x128xf32, #tpu.memory_space<vmem>>, %arg3: memref<2000x1xf32, #tpu.memory_space<vmem>>, %arg4: memref<128x16xf32, #tpu.memory_space<vmem>>, %arg5: memref<1x16xf32, #tpu.memory_space<vmem>>, %arg6: memref<2000x16xf32, #tpu.memory_space<vmem>>) attributes {dimension_semantics = [#tpu.dimension_semantics<arbitrary>], iteration_bounds = array<i64: 5>, scalar_prefetch = 0 : i64, scratch_operands = 0 : i64, tpu.core_type = #tpu.core_type<tc>, window_params = [{transform_indices = @transform_0, window_bounds = array<i64: 2, 2000, 128>}, {transform_indices = @transform_1, window_bounds = array<i64: 2000, 128>}, {transform_indices = @transform_2, window_bounds = array<i64: 2000, 1>}, {pipeline_mode = #tpu.pipeline_mode<synchronous>, transform_indices = @transform_3, window_bounds = array<i64: 128, 16>}, {pipeline_mode = #tpu.pipeline_mode<synchronous>, transform_indices = @transform_4, window_bounds = array<i64: 1, 16>}, {transform_indices = @transform_5, window_bounds = array<i64: 2000, 16>}]} {
    %get3A = arith.constant 0 : index
    %get3A_0 = arith.constant 0 : index
    %get3A_1 = vector.load %arg3[%get3A, %get3A_0] : memref<2000x1xf32, #tpu.memory_space<vmem>>, vector<2000x1xf32>
    %get3A_2 = arith.constant 0 : index
    %get3A_3 = arith.constant 0 : index
    %get3A_4 = arith.constant 0 : index
    %get3A_5 = vector.load %arg1[%get3A_2, %get3A_3, %get3A_4] : memref<2x2000x128xf32, #tpu.memory_space<vmem>>, vector<1x2000x128xf32>
    %get3A_6 = vector.shape_cast %get3A_5 : vector<1x2000x128xf32> to vector<2000x128xf32>
    %get3A_7 = arith.constant 1 : index
    %get3A_8 = arith.constant 0 : index
    %get3A_9 = arith.constant 0 : index
    %get3A_10 = vector.load %arg1[%get3A_7, %get3A_8, %get3A_9] : memref<2x2000x128xf32, #tpu.memory_space<vmem>>, vector<1x2000x128xf32>
    %get3A_11 = vector.shape_cast %get3A_10 : vector<1x2000x128xf32> to vector<2000x128xf32>
    %add3A = arith.addf %get3A_6, %get3A_11 : vector<2000x128xf32>
    %get3A_12 = arith.constant 0 : index
    %get3A_13 = arith.constant 0 : index
    %get3A_14 = vector.load %arg2[%get3A_12, %get3A_13] : memref<2000x128xf32, #tpu.memory_space<vmem>>, vector<2000x128xf32>
    %add3A_15 = arith.addf %add3A, %get3A_14 : vector<2000x128xf32>
    %mul3A = vector.broadcast %get3A_1 : vector<2000x1xf32> to vector<2000x128xf32>
    %mul3A_16 = arith.mulf %mul3A, %add3A_15 : vector<2000x128xf32>
    %get3A_17 = arith.constant 0 : index
    %get3A_18 = arith.constant 0 : index
    %get3A_19 = vector.load %arg4[%get3A_17, %get3A_18] : memref<128x16xf32, #tpu.memory_space<vmem>>, vector<128x16xf32>
    %dot_general3A = arith.constant dense<0.000000e+00> : vector<2000x16xf32>
    %dot_general3A_20 = tpu.matmul %mul3A_16, %get3A_19, %dot_general3A {dimension_numbers = #tpu.dot_dimension_numbers<[1], [0], [0], [1], [0, 0, 1, 1], [], []>, transpose_lhs_hint = false} : vector<2000x128xf32>, vector<128x16xf32>, vector<2000x16xf32> -> vector<2000x16xf32>
    %get3A_21 = arith.constant 0 : index
    %get3A_22 = arith.constant 0 : index
    %get3A_23 = vector.load %arg5[%get3A_21, %get3A_22] : memref<1x16xf32, #tpu.memory_space<vmem>>, vector<1x16xf32>
    %add3A_24 = vector.broadcast %get3A_23 : vector<1x16xf32> to vector<2000x16xf32>
    %add3A_25 = arith.addf %dot_general3A_20, %add3A_24 : vector<2000x16xf32>
    %swap3A = arith.constant 0 : index
    %swap3A_26 = arith.constant 0 : index
    %swap3A_27 = vector.load %arg6[%swap3A, %swap3A_26] : memref<2000x16xf32, #tpu.memory_space<vmem>>, vector<2000x16xf32>
    tpu.vector_store %arg6[%swap3A, %swap3A_26], %add3A_25 {strides = array<i32>} : memref<2000x16xf32, #tpu.memory_space<vmem>>, vector<2000x16xf32>,
    return
  }
  func.func @transform_0(%arg0: i32) -> (i32, i32, i32) {
    %c0_i32 = arith.constant 0 : i32
    %c0_i32_0 = arith.constant 0 : i32
    %c0_i32_1 = arith.constant 0 : i32
    return %c0_i32, %arg0, %c0_i32_0 : i32, i32, i32
  }
  func.func @transform_1(%arg0: i32) -> (i32, i32) {
    %c0_i32 = arith.constant 0 : i32
    %c0_i32_0 = arith.constant 0 : i32
    return %arg0, %c0_i32 : i32, i32
  }
  func.func @transform_2(%arg0: i32) -> (i32, i32) {
    %c0_i32 = arith.constant 0 : i32
    %c0_i32_0 = arith.constant 0 : i32
    return %arg0, %c0_i32 : i32, i32
  }
  func.func @transform_3(%arg0: i32) -> (i32, i32) {
    %c0_i32 = arith.constant 0 : i32
    %c0_i32_0 = arith.constant 0 : i32
    %c0_i32_1 = arith.constant 0 : i32
    return %c0_i32, %c0_i32_0 : i32, i32
  }
  func.func @transform_4(%arg0: i32) -> (i32, i32) {
    %c0_i32 = arith.constant 0 : i32
    %c0_i32_0 = arith.constant 0 : i32
    %c0_i32_1 = arith.constant 0 : i32
    return %c0_i32, %c0_i32_0 : i32, i32
  }
  func.func @transform_5(%arg0: i32) -> (i32, i32) {
    %c0_i32 = arith.constant 0 : i32
    %c0_i32_0 = arith.constant 0 : i32
    return %arg0, %c0_i32 : i32, i32
  }
}

</mosaic_0001>

<sc_bundles>
// kernel: kernel.10.cloned.1.call-start
scs
__scs_entry_jumppad:
0x0: {  	(pc) =	sbr.rel $0x88, $3  }
0x1: {  	(tag) =	ssettag $0x0;
	lr =	simm.s32 $0x1  }
0x2: {  	[smem:$0x3F99] =	sst lr;
	_ =	strace $0xD0000000  }
0x3: {  	_ = 	snop  }
0x4: {  	_ = 	snop  }
0x5: {  	_ = 	snop  }
0x6: {  	_ = 	snop  }
0x7: {  	_ = 	snop  }
__scs_overlays_trampoline_lowered:
0x8: {  	[smem:$0x3FA8] =	sst s0  }
0x9: {  	[smem:$0x3FA9] =	sst s1  }
0xa: {  	[smem:$0x3FAA] =	sst s2  }
0xb: {  	[smem:$0x3FAB] =	sst s3  }
0xc: {  	[smem:$0x3FAC] =	sst s4  }
0xd: {  	[smem:$0x3FAD] =	sst s5  }
0xe: {  	[smem:$0x3FAE] =	sst s6  }
0xf: {  	[smem:$0x3FAF] =	sst s7  }
0x10: {  	[smem:$0x3FB0] =	sst s8  }
0x11: {  	[smem:$0x3FB1] =	sst s9;
	s0 =	simm.s32 @!p0 $0x0  }
0x12: {  	s1 =	sld [smem:$0x3F97];
	s0 =	simm.s32 @p0 $0x1  }
0x13: {  	[smem:$0x3FB2] =	sst s0;
	s0 =	simm.s32 @!p1 $0x0  }
0x14: {  	s2 =	sld [smem:$0x3F96];
	s0 =	simm.s32 @p1 $0x1  }
0x15: {  	[smem:$0x3FB3] =	sst s0;
	s0 =	simm.s32 @!p2 $0x0  }
0x16: {  	s3 =	sld [smem:$0x3FDB];
	s0 =	simm.s32 @p2 $0x1  }
0x17: {  	s4 =	simm.s32 $0x1BF5;
	[smem:$0x3FB5] =	sst s0  }
0x18: {  	s0 =	sld [smem:$0x3F98];
	_ =	swait.ge [sflag:s4], $0x0  }
0x19: {  	s7 =	sld [smem:$0x3F99]  }
0x1a: {  	s8 =	sadd.s32 $0xFFFFE003, lr  }
0x1b: {  	s9 =	sadd.s32 $0xFFFFFEF7, lr;
	s5 =	simm.s32 $0xFFFFFFFF;
	p2 =	slt.u32 s8, $0xFFFFF086  }
0x1c: {  	p1 =	slt.u32 s9, $0xF7A;
	s5 =	simm.s32 @!p2 $0x0  }
0x1d: {  	s5 =	simm.s32 @p1 $0x1;
	p0 =	seq.s32 s7, s2  }
0x1e: {  	s7 =	smul.u32 @!p0 $0xF7A, s2;
	p2 =	seq.s32 @!p0 s5, $0x0  }
0x1f: {  	s9 =	smul.u32 $0xF7A, s1;
	s8 =	simm.s32 @!p0 $0x1BF5;
	p2 =	por !p2, p0  }
0x20: {  	[sflag:s8] =	ssyncset.s32 @!p0 $0xFFFFF086;
	s6 =	sadd.s32 @!p0 s3, s7;
	s7 =	simm.s32 @!p0 $0x108  }
0x21: {  	s3 =	sadd.s32 s3, s9;
	s6 =	sadd.s32 @!p0 $0x88, s6;
	s7 =	simm.s32 @p2 $0x1082  }
0x22: {  	[simem:s7], [sflag:s8] =	dma.local @!p0 [hbm:s6], $0xF7A  }
0x23: {  	s9 =	sor.u32 $0xD0000000, s2;
	s6 =	simm.s32 $0x108;
	_ =	swait.ge @!p0 [sflag:s8], $0x0  }
0x24: {  	s3 =	sadd.s32 $0x88, s3;
	s6 =	simm.s32 @!p1 $0x1082;
	[sflag:s4] =	ssyncset.s32 $0xFFFFF086  }
0x25: {  	[simem:s6], [sflag:s4] =	dma.local [hbm:s3], $0xF7A  }
0x26: {  	[smem:$0x3F99] =	sst s1;
	(tag) =	ssettag s2;
	_ =	strace s9  }
0x27: {  	s1 =	sld [smem:$0x3FA9]  }
0x28: {  	s2 =	sld [smem:$0x3FAA]  }
0x29: {  	s4 =	sld [smem:$0x3FAC]  }
0x2a: {  	p0 =	seq.s32 s5, $0x0;
	s5 =	sld [smem:$0x3FAD]  }
0x2b: {  	s6 =	sld [smem:$0x3FAE]  }
0x2c: {  	s7 =	sld [smem:$0x3FAF]  }
0x2d: {  	s3 =	simm.s32 $0x108;
	s8 =	sld [smem:$0x3FB0]  }
0x2e: {  	s3 =	simm.s32 @!p0 $0x1082;
	s9 =	sld [smem:$0x3FB1]  }
0x2f: {  	lr =	sadd.s32 s0, s3;
	s0 =	sld [smem:$0x3FA8]  }
0x30: {  	s3 =	sld [smem:$0x3FAB]  }
0x31: {  	[smem:$0x3FB4] =	sst s10  }
0x32: {  	s10 =	sld [smem:$0x3FB2];
	_ =	sdelay $0x3  }
0x33: {  	p0 =	seq.s32 s10, $0x1;
	s10 =	sld [smem:$0x3FB4];
	_ =	sdelay $0x3  }
0x34: {  	[smem:$0x3FB4] =	sst s10  }
0x35: {  	s10 =	sld [smem:$0x3FB3];
	_ =	sdelay $0x3  }
0x36: {  	p1 =	seq.s32 s10, $0x1;
	s10 =	sld [smem:$0x3FB4];
	_ =	sdelay $0x3  }
0x37: {  	[smem:$0x3FB4] =	sst s10  }
0x38: {  	s10 =	sld [smem:$0x3FB5]  }
0x39: {  	_ = 	snop;
	(pc) =	sbr.ind lr, $3  }
0x3a: {  	_ = 	snop  }
0x3b: {  	_ = 	snop  }
0x3c: {  	p2 =	seq.s32 s10, $0x1;
	s10 =	sld [smem:$0x3FB4]  }
0x3d: {  	_ =	shalt  }
0x3e: {  	_ =	shalt  }
0x3f: {  	_ =	shalt  }
0x40: {  	_ =	shalt  }
0x41: {  	_ =	shalt  }
0x42: {  	_ =	shalt  }
0x43: {  	_ =	shalt  }
0x44: {  	_ =	shalt  }
0x45: {  	_ =	shalt  }
0x46: {  	_ =	shalt  }
0x47: {  	_ =	shalt  }
0x48: {  	_ =	shalt  }
0x49: {  	_ =	shalt  }
0x4a: {  	_ =	shalt  }
0x4b: {  	_ =	shalt  }
0x4c: {  	_ =	shalt  }
0x4d: {  	_ =	shalt  }
0x4e: {  	_ =	shalt  }
0x4f: {  	_ =	shalt  }
0x50: {  	_ =	shalt  }
0x51: {  	_ =	shalt  }
0x52: {  	_ =	shalt  }
0x53: {  	_ =	shalt  }
0x54: {  	_ =	shalt  }
0x55: {  	_ =	shalt  }
0x56: {  	_ =	shalt  }
0x57: {  	_ =	shalt  }
0x58: {  	_ =	shalt  }
0x59: {  	_ =	shalt  }
0x5a: {  	_ =	shalt  }
0x5b: {  	_ =	shalt  }
0x5c: {  	_ =	shalt  }
0x5d: {  	_ =	shalt  }
0x5e: {  	_ =	shalt  }
0x5f: {  	_ =	shalt  }
0x60: {  	_ =	shalt  }
0x61: {  	_ =	shalt  }
0x62: {  	_ =	shalt  }
0x63: {  	_ =	shalt  }
0x64: {  	_ =	shalt  }
0x65: {  	_ =	shalt  }
0x66: {  	_ =	shalt  }
0x67: {  	_ =	shalt  }
0x68: {  	_ =	shalt  }
0x69: {  	_ =	shalt  }
0x6a: {  	_ =	shalt  }
0x6b: {  	_ =	shalt  }
0x6c: {  	_ =	shalt  }
0x6d: {  	_ =	shalt  }
0x6e: {  	_ =	shalt  }
0x6f: {  	_ =	shalt  }
0x70: {  	_ =	shalt  }
0x71: {  	_ =	shalt  }
0x72: {  	_ =	shalt  }
0x73: {  	_ =	shalt  }
0x74: {  	_ =	shalt  }
0x75: {  	_ =	shalt  }
0x76: {  	_ =	shalt  }
0x77: {  	_ =	shalt  }
0x78: {  	_ =	shalt  }
0x79: {  	_ =	shalt  }
0x7a: {  	_ =	shalt  }
0x7b: {  	_ =	shalt  }
0x7c: {  	_ =	shalt  }
0x7d: {  	_ =	shalt  }
0x7e: {  	_ =	shalt  }
0x7f: {  	_ =	shalt  }
0x80: {  	_ =	shalt  }
0x81: {  	_ =	shalt  }
0x82: {  	_ =	shalt  }
0x83: {  	_ =	shalt  }
0x84: {  	_ =	shalt  }
0x85: {  	_ =	shalt  }
0x86: {  	_ =	shalt  }
0x87: {  	_ =	shalt  }
.Lfunc_end0:
.L_simem_size_0:
called_computation_lowered:
.L_overlay_start_0:
0x88: {  	s2 =	sld [smem:$0x3FD9]  }
0x89: {  	s3 =	sld [smem:$0x3FFE];
	_ =	sdelay $0x1  }
0x8a: {  	s1 =	srdreg.scid  }
0x8b: {  	s0 =	sand.u32 $0x1, s1  }
0x8c: {  	s17 =	sshll.u32 s0, $0xA;
	s2 =	sadd.s32 s3, s2  }
0x8d: {  	s2 =	sadd.s32 s2, s17  }
0x8e: {  	[smem:$0x3FC0] =	sst s2  }
0x8f: {  	_ = 	snop  }
0x90: {  	s2 =	sld [smem:$0x3FD0];
	(tm) =	ssettm $0x1  }
0x91: {  	s18 =	sld [smem:$0x3FFB];
	_ =	sdelay $0x3  }
0x92: {  	_ =	strace s18  }
0x93: {  	s3 =	sld [smem:$0x3FFC];
	_ =	sdelay $0x3  }
0x94: {  	_ =	strace s3  }
0x95: {  	s3 =	sld [smem:$0x3FFD];
	_ =	sdelay $0x3  }
0x96: {  	_ =	strace s3  }
0x97: {  	_ =	strace $0x8FFFFFFF  }
0x98: {  	s19 =	sld [smem:$0x3FDB];
	_ =	sdelay $0x1  }
0x99: {  	s4 =	simm.s32 $_scs_section_size  }
0x9a: {  	s5 =	simm.s32 $_size__tile_overlayer_lowered;
	s6 =	simm.s32 $_tile_overlayer_lowered  }
0x9b: {  	s22 =	simm.s32 $0x1BFF;
	s21 =	sshll.u32 s6, $0x1;
	s3 =	sadd.s32 s4, s19  }
0x9c: {  	s7 =	simm.s32 $0x0;
	s20 =	sshll.u32 s5, $0x1;
	s5 =	sadd.s32 s21, s3  }
0x9d: {  	[timem:s7], [sflag:s22] =	dma.local [hbm:s5], s20  }
0x9e: {  	_ =	swait.ge [sflag:s22], s20  }
0x9f: {  	s4 =	ssub.s32 $0x0, s20;
	[sflag:s22] =	ssyncset.done $0x0  }
0xa0: {  	[sflag:s22] =	ssyncadd.s32 s4;
	_ =	sdelay $0x1  }
0xa1: {  	s23 =	simm.s32 $0x1B8B  }
0xa2: {  	_ =	swait.ge [sflag:s23], $0x1  }
0xa3: {  	[sflag:s23] =	ssyncset.done $0x0  }
0xa4: {  	s25 =	simm.s32 $0x1B8E;
	s24 =	sld [smem:$0x3FFE];
	[sflag:s23] =	ssyncadd.s32 $0xFFFFFFFF  }
0xa5: {  	s26 =	simm.s32 $execute0_lowered;
	[smem:$0x3FD2] =	sst s25  }
0xa6: {  	s5 =	sshll.u32 s26, $0x1;
	_ =	strace $0x80000046;
	[dreg:$0x1] =	wrdreg $0xFFFFFFFF  }
0xa7: {  	s28 =	simm.s32 $_size_execute0_lowered;
	s3 =	sadd.s32 s3, s5;
	[dreg:$0x0] =	wrdreg $0x0  }
0xa8: {  	s5 =	sshll.u32 s28, $0x1;
	[dreg:$0x2] =	wrdreg s3  }
0xa9: {  	[dreg:$0x3] =	wrdreg s5  }
0xaa: {  	[dreg:$0x4] =	wrdreg $0xC0  }
0xab: {  	_ =	task [dreg:s7], $0x5FFFF  }
0xac: {  	[dreg:$0x1] =	wrdreg $0xFFFFFFFF  }
0xad: {  	[dreg:$0x0] =	wrdreg $0x60  }
0xae: {  	[dreg:$0x2] =	wrdreg s24  }
0xaf: {  	[dreg:$0x3] =	wrdreg s2  }
0xb0: {  	[dreg:$0x4] =	wrdreg $0x28800  }
0xb1: {  	[dreg:$0x5] =	wrdreg $0x9  }
0xb2: {  	_ =	task.clear_ibuf [dreg:s7], $0x6FFFF;
	_ =	strace $0x90000046  }
0xb3: {  	s29 =	simm.s32 $0x9;
	_ =	strace $0x80000048  }
0xb4: {  	_ =	swait.ge [sflag:s29], $0x1  }
0xb5: {  	[sflag:s29] =	ssyncadd.s32 $0xFFFFFFFF  }
0xb6: {  	_ =	strace $0x90000048  }
0xb7: {  	_ =	sfence  }
0xb8: {  	s30 =	sld [smem:$0x0];
	_ =	sdelay $0x2  }
0xb9: {  	s31 =	sshll.u32 s1, $0xD;
	s1 =	sshrl.u32 s1, $0x2  }
0xba: {  	s3 =	sand.u32 $0x4000, s31;
	s1 =	sadd.s32 s1, s30  }
0xbb: {  	s0 =	sor.u32 s3, s0;
	s1 =	sshll.u32 s1, $0x11  }
0xbc: {  	s0 =	sor.u32 s1, s0  }
0xbd: {  	s0 =	sadd.s32 $0x8F2B, s0  }
0xbe: {  	[sflag:s0] =	ssyncadd.remote.s32 $0x1  }
0xbf: {  	_ =	sfence.sel $0xFFFF  }
0xc0: {  	[dreg:$0x0] =	wrdreg $0xFFFFFFFF;
	(pc) =	sbr.abs _section_cstart, $3  }
0xc1: {  	[dreg:$0x1] =	wrdreg $0xFFFFFFFF  }
0xc2: {  	_ =	task.clear_ibuf [dreg:s7], $0x2FFFF;
	_ =	strace $0x9FFFFFFF  }
0xc3: {  	(tm) =	ssettm $0x7FFFFFFF  }
tec
execute0_lowered:
.L_overlay_start_1:
0x0: {  	(tag) =	ssettag $0x1  }
0x1: {  	s4 =	rddreg [dreg:$0x0]  }
0x2: {  	s5 =	rddreg [dreg:$0x1];
	s1 =	srdreg.scid  }
0x3: {  	s0 =	stileid.u32;
	s2 =	rddreg [dreg:$0x2]  }
0x4: {  	s3 =	simm.s32 $0x0;
	s20 =	simm.s32 $0x2;
	s7 =	smul.u32 $0x500, s0  }
0x5: {  	s21 =	simm.s32 $0x50;
	s22 =	simm.s32 $0x2800;
	s24 =	smul.u32 $0xFFFFB000, s0  }
0x6: {  	s23 =	simm.s32 $0x1;
	s11 =	sand.u32 $0x1, s1;
	s15 =	smul.u32 $0x280, s0  }
0x7: {  	s6 =	sshll.u32 s0, $0x1;
	s1 =	rddreg [dreg:$0x3];
	s16 =	smul.u32 $0x5000, s0  }
0x8: {  	[smem:$0x7FF] =	sst s3;
	s30 =	sshll.u32 s0, $0x6;
	s10 =	smul.u32 $0xFFFFD800, s11  }
0x9: {  	s6 =	sor.u32 s11, s6;
	_ =	strace $0x80000047;
	s18 =	smul.u32 $0x2800, s11  }
0xa: {  	s9 =	sshll.u32 s11, $0x7;
	s13 =	ssub.s32 $0x2, s11;
	s6 =	smul.u32 $0x2800, s6  }
0xb: {  	s7 =	sor.u32 s9, s7;
	s14 =	sshrl.u32 s13, $0x1;
	s28 =	sshrl.u32 s15, $0x3  }
0xc: {  	s19 =	sadd.s32 s15, s2;
	s7 =	sshrl.u32 s7, $0x3;
	s9 =	sadd.s32 s24, s10  }
0xd: {  	s13 =	ssub.s32 s13, s14;
	s5 =	sadd.s32 s5, s28;
	s18 =	sadd.s32 s18, s16  }
0xe: {  	s19 =	sshrl.u32 s19, $0x3;
	s24 =	simm.s32 $0x20;
	s8 =	smin.u32 s6, $0x4BA00  }
0xf: {  	s25 =	sadd.s32 s7, s4;
	s26 =	sadd.s32 $0x4E200, s9;
	s9 =	smax.u32 s13, $0x1  }
0x10: {  	s18 =	smax.u32 s18, $0x4BA00;
	s12 =	sshrl.u32 s8, $0x3;
	s29 =	smulhi.u32 $0xCCCCCCCD, s26  }
0x11: {  	s18 =	sadd.s32 $0xFFFB4880, s18;
	s26 =	simm.s32 $0x0;
	s12 =	sadd.s32 s12, s4  }
0x12: {  	s4 =	ssub.s32 s6, s8;
	s6 =	sor.u32 $0x1C02, s30;
	s8 =	sadd.s32 $0x16800, s25  }
0x13: {  	s25 =	simm.s32 $0x10;
	s7 =	sadd.s32 $0xCA00, s12;
	s31 =	sshrl.u32 s29, $0x6  }
0x14: {  	s10 =	sor.u32 $0x50, s4;
	s11 =	sor.u32 $0xA0, s4;
	s12 =	sor.u32 $0xF0, s4  }
0x15: {  	s13 =	sor.u32 $0x140, s4;
	s14 =	sor.u32 $0x190, s4;
	s17 =	smin.u32 s31, $0x80  }
0x16: {  	v0 =	vimm.f32 $1.000000000e+00;
	s15 =	sor.u32 $0x1E0, s4;
	s16 =	sadd.s32 $0x230, s4;
	s17 =	sadd.s32 $0xFFFFFFF8, s17  }
.LBB2_1:
0x17: {  	[tilespmem:$0x2800] =	vst v0  }
0x18: {  	[tilespmem:$0x2810] =	vst v0  }
0x19: {  	[tilespmem:$0x2820] =	vst v0  }
0x1a: {  	[tilespmem:$0x2830] =	vst v0  }
0x1b: {  	[tilespmem:$0x2840] =	vst v0  }
0x1c: {  	[spmem:s19], [sflag:s6] =	dma.local [hbm:s5], $0x50  }
0x1d: {  	_ =	swait.ge [sflag:s20], $0x50  }
0x1e: {  	[sflag:s20] =	ssyncset.done $0x0  }
0x1f: {  	[sflag:s20] =	ssyncadd.s32 $0xFFFFFFB0  }
0x20: {  	[tilespmem:s3], [sflag:$0x2] =	stream.linear.gather [hbm4b:s7+s3], $0x2800, $0x38;
	[tilespmem:$0x2B00] =	vst v63  }
0x21: {  	_ =	swait.ge [sflag:s20], $0x2800  }
0x22: {  	[sflag:s20] =	ssyncset.done $0x0  }
0x23: {  	[sflag:s20] =	ssyncadd.s32 $0xFFFFD800  }
0x24: {  	[bflag:$0x0] =	sbarrier.arrive $0xFFFF  }
0x25: {  	[spmem:s2] =	stream.indirect.scatter.add.f32 [tilespmem:s22], [sflag:$0x1], $0x1, s4, s21, $0xb8;
	[tilespmem:$0x2B00] =	vst v63  }
0x26: {  	_ = 	snop  }
0x27: {  	[spmem:s2] =	stream.indirect.scatter.add.f32 [tilespmem:s22], [sflag:$0x1], $0x1, s10, s21, $0xb8;
	[tilespmem:$0x2B00] =	vst v63  }
0x28: {  	_ = 	snop  }
0x29: {  	[spmem:s2] =	stream.indirect.scatter.add.f32 [tilespmem:s22], [sflag:$0x1], $0x1, s11, s21, $0xb8;
	[tilespmem:$0x2B00] =	vst v63  }
0x2a: {  	_ = 	snop  }
0x2b: {  	[spmem:s2] =	stream.indirect.scatter.add.f32 [tilespmem:s22], [sflag:$0x1], $0x1, s12, s21, $0xb8;
	[tilespmem:$0x2B00] =	vst v63  }
0x2c: {  	_ = 	snop  }
0x2d: {  	[spmem:s2] =	stream.indirect.scatter.add.f32 [tilespmem:s22], [sflag:$0x1], $0x1, s13, s21, $0xb8;
	[tilespmem:$0x2B00] =	vst v63  }
0x2e: {  	_ = 	snop  }
0x2f: {  	[spmem:s2] =	stream.indirect.scatter.add.f32 [tilespmem:s22], [sflag:$0x1], $0x1, s14, s21, $0xb8;
	[tilespmem:$0x2B00] =	vst v63  }
0x30: {  	_ = 	snop  }
0x31: {  	[spmem:s2] =	stream.indirect.scatter.add.f32 [tilespmem:s22], [sflag:$0x1], $0x1, s15, s21, $0xb8;
	[tilespmem:$0x2B00] =	vst v63  }
0x32: {  	p0 =	sne.s32 s17, $0x1  }
0x33: {  	[spmem:s2] =	stream.indirect.scatter.add.f32 [tilespmem:s22], [sflag:$0x1], $0x1, s16, s21, $0xb8;
	[tilespmem:$0x2B00] =	vst v63  }
.Ltmp0:
0x34: {  	_ = 	snop;
	(pc) =	sbr.rel @!p0 .LBB2_3-.Ltmp0, $4  }
0x35: {  	_ =	swait.ge [sflag:s23], $0x50  }
0x36: {  	[sflag:s23] =	ssyncset.done $0x0  }
0x37: {  	s28 =	sadd.s32 $0xFFFFFFFF, s17;
	s29 =	smov.u32 s18;
	[sflag:s23] =	ssyncadd.s32 $0xFFFFFFB0  }
0x38: {  	[spmem:s2] =	stream.indirect.scatter.add.f32 [tilespmem:s22], [sflag:$0x1], $0x1, s18, s21, $0xb8;
	[tilespmem:$0x2B00] =	vst v63  }
.LBB2_2:
0x39: {  	_ =	swait.ge [sflag:s23], $0x50;
	p0 =	sne.s32 s28, $0x1  }
.Ltmp1:
0x3a: {  	(pc) =	sbr.rel @p0 .LBB2_2-.Ltmp1, $4  }
0x3b: {  	_ = 	snop  }
0x3c: {  	s29 =	sadd.s32 $0x50, s29;
	[sflag:s23] =	ssyncset.done $0x0  }
0x3d: {  	s28 =	sadd.s32 $0xFFFFFFFF, s28;
	[sflag:s23] =	ssyncadd.s32 $0xFFFFFFB0  }
0x3e: {  	[spmem:s2] =	stream.indirect.scatter.add.f32 [tilespmem:s22], [sflag:$0x1], $0x1, s29, s21, $0xb8;
	[tilespmem:$0x2B00] =	vst v63  }
.LBB2_3:
0x3f: {  	_ =	swait.ge [sflag:s23], $0x50  }
0x40: {  	[sflag:s23] =	ssyncset.done $0x0  }
0x41: {  	[sflag:s23] =	ssyncadd.s32 $0xFFFFFFB0  }
0x42: {  	_ =	swait.ge [sflag:s23], $0x50  }
0x43: {  	[sflag:s23] =	ssyncset.done $0x0  }
0x44: {  	[sflag:s23] =	ssyncadd.s32 $0xFFFFFFB0  }
0x45: {  	_ =	swait.ge [sflag:s23], $0x50  }
0x46: {  	[sflag:s23] =	ssyncset.done $0x0  }
0x47: {  	[sflag:s23] =	ssyncadd.s32 $0xFFFFFFB0  }
0x48: {  	_ =	swait.ge [sflag:s23], $0x50  }
0x49: {  	[sflag:s23] =	ssyncset.done $0x0  }
0x4a: {  	[sflag:s23] =	ssyncadd.s32 $0xFFFFFFB0  }
0x4b: {  	_ =	swait.ge [sflag:s23], $0x50  }
0x4c: {  	[sflag:s23] =	ssyncset.done $0x0  }
0x4d: {  	[sflag:s23] =	ssyncadd.s32 $0xFFFFFFB0  }
0x4e: {  	_ =	swait.ge [sflag:s23], $0x50  }
0x4f: {  	[sflag:s23] =	ssyncset.done $0x0  }
0x50: {  	[sflag:s23] =	ssyncadd.s32 $0xFFFFFFB0  }
0x51: {  	_ =	swait.ge [sflag:s23], $0x50  }
0x52: {  	[sflag:s23] =	ssyncset.done $0x0  }
0x53: {  	[sflag:s23] =	ssyncadd.s32 $0xFFFFFFB0  }
0x54: {  	_ =	swait.ge [sflag:s23], $0x50  }
0x55: {  	s26 =	sadd.s32 $0x1, s26;
	[sflag:s23] =	ssyncset.done $0x0  }
0x56: {  	p0 =	sne.s32 s26, s9;
	[sflag:s23] =	ssyncadd.s32 $0xFFFFFFB0  }
.Ltmp2:
0x57: {  	[bflag:$0x0] =	sbarrier.arrive $0xFFFF;
	(pc) =	sbr.rel @p0 .LBB2_1-.Ltmp2, $4  }
0x58: {  	[hbm:s8@s24], [sflag:s6] =	dma.strided [spmem:s19@s25], $0x50, s23, $0x10   }
0x59: {  	_ =	swait.ge [sflag:s20], $0x50  }
0x5a: {  	[sflag:s20] =	ssyncset.done $0x0  }
0x5b: {  	[sflag:s20] =	ssyncadd.s32 $0xFFFFFFB0  }
0x5c: {  	_ =	sfence.sel $0x180000  }
0x5d: {  	[bflag:$0x0] =	sbarrier.arrive $0xFFFF  }
0x5e: {  	p0 =	sne.s32 s0, $0x0;
	_ =	strace $0x90000047  }
0x5f: {  	s0 =	sadd.s32 @!p0 $0x100000, s1;
	[bflag:$0x2] =	sbarrier.arrive $0xFFFF  }
0x60: {  	[sflag:s0] =	ssyncadd.tile.s32 @!p0 $0x1;
	_ =	shalt  }
.Lfunc_end2:
_tile_overlayer_lowered:
.L_overlay_start_2:
0x61: {  	(tag) =	ssettag $0x2  }
0x62: {  	s0 =	rddreg [dreg:$0x0];
	s2 =	stileid.u32  }
0x63: {  	s1 =	rddreg [dreg:$0x1];
	p0 =	sne.s32 s2, $0x0  }
0x64: {  	s3 =	rddreg [dreg:$0x2];
	[bflag:$0x3] =	sbarrier.arrive $0xFFFF;
	s2 =	simm.s32 @!p0 $0x1C02  }
0x65: {  	[timem:s3], [sflag:s2] =	dma.local @!p0 [hbm:s0], s1  }
0x66: {  	s0 =	simm.s32 @!p0 $0x2  }
0x67: {  	_ =	swait.ge @!p0 [sflag:s0], s1  }
0x68: {  	s1 =	ssub.s32 @!p0 $0x0, s1;
	[sflag:s0] =	ssyncset.done @!p0 $0x0  }
0x69: {  	[sflag:s0] =	ssyncadd.s32 @!p0 s1  }
0x6a: {  	[bflag:$0x3] =	sbarrier.arrive $0xFFFF  }
0x6b: {  	_ =	shalt  }

// kernel: kernel.13.cloned.1.call-start
scs
__scs_entry_jumppad:
0x0: {  	(pc) =	sbr.rel $0x88, $3  }
0x1: {  	(tag) =	ssettag $0x0;
	lr =	simm.s32 $0x1  }
0x2: {  	[smem:$0x3F99] =	sst lr;
	_ =	strace $0xD0000000  }
0x3: {  	_ = 	snop  }
0x4: {  	_ = 	snop  }
0x5: {  	_ = 	snop  }
0x6: {  	_ = 	snop  }
0x7: {  	_ = 	snop  }
__scs_overlays_trampoline_lowered:
0x8: {  	[smem:$0x3FA8] =	sst s0  }
0x9: {  	[smem:$0x3FA9] =	sst s1  }
0xa: {  	[smem:$0x3FAA] =	sst s2  }
0xb: {  	[smem:$0x3FAB] =	sst s3  }
0xc: {  	[smem:$0x3FAC] =	sst s4  }
0xd: {  	[smem:$0x3FAD] =	sst s5  }
0xe: {  	[smem:$0x3FAE] =	sst s6  }
0xf: {  	[smem:$0x3FAF] =	sst s7  }
0x10: {  	[smem:$0x3FB0] =	sst s8  }
0x11: {  	[smem:$0x3FB1] =	sst s9;
	s0 =	simm.s32 @!p0 $0x0  }
0x12: {  	s1 =	sld [smem:$0x3F97];
	s0 =	simm.s32 @p0 $0x1  }
0x13: {  	[smem:$0x3FB2] =	sst s0;
	s0 =	simm.s32 @!p1 $0x0  }
0x14: {  	s2 =	sld [smem:$0x3F96];
	s0 =	simm.s32 @p1 $0x1  }
0x15: {  	[smem:$0x3FB3] =	sst s0;
	s0 =	simm.s32 @!p2 $0x0  }
0x16: {  	s3 =	sld [smem:$0x3FDB];
	s0 =	simm.s32 @p2 $0x1  }
0x17: {  	s4 =	simm.s32 $0x1BF5;
	[smem:$0x3FB5] =	sst s0  }
0x18: {  	s0 =	sld [smem:$0x3F98];
	_ =	swait.ge [sflag:s4], $0x0  }
0x19: {  	s7 =	sld [smem:$0x3F99]  }
0x1a: {  	s8 =	sadd.s32 $0xFFFFE003, lr  }
0x1b: {  	s9 =	sadd.s32 $0xFFFFFEF7, lr;
	s5 =	simm.s32 $0xFFFFFFFF;
	p2 =	slt.u32 s8, $0xFFFFF086  }
0x1c: {  	p1 =	slt.u32 s9, $0xF7A;
	s5 =	simm.s32 @!p2 $0x0  }
0x1d: {  	s5 =	simm.s32 @p1 $0x1;
	p0 =	seq.s32 s7, s2  }
0x1e: {  	s7 =	smul.u32 @!p0 $0xF7A, s2;
	p2 =	seq.s32 @!p0 s5, $0x0  }
0x1f: {  	s9 =	smul.u32 $0xF7A, s1;
	s8 =	simm.s32 @!p0 $0x1BF5;
	p2 =	por !p2, p0  }
0x20: {  	[sflag:s8] =	ssyncset.s32 @!p0 $0xFFFFF086;
	s6 =	sadd.s32 @!p0 s3, s7;
	s7 =	simm.s32 @!p0 $0x108  }
0x21: {  	s3 =	sadd.s32 s3, s9;
	s6 =	sadd.s32 @!p0 $0x88, s6;
	s7 =	simm.s32 @p2 $0x1082  }
0x22: {  	[simem:s7], [sflag:s8] =	dma.local @!p0 [hbm:s6], $0xF7A  }
0x23: {  	s9 =	sor.u32 $0xD0000000, s2;
	s6 =	simm.s32 $0x108;
	_ =	swait.ge @!p0 [sflag:s8], $0x0  }
0x24: {  	s3 =	sadd.s32 $0x88, s3;
	s6 =	simm.s32 @!p1 $0x1082;
	[sflag:s4] =	ssyncset.s32 $0xFFFFF086  }
0x25: {  	[simem:s6], [sflag:s4] =	dma.local [hbm:s3], $0xF7A  }
0x26: {  	[smem:$0x3F99] =	sst s1;
	(tag) =	ssettag s2;
	_ =	strace s9  }
0x27: {  	s1 =	sld [smem:$0x3FA9]  }
0x28: {  	s2 =	sld [smem:$0x3FAA]  }
0x29: {  	s4 =	sld [smem:$0x3FAC]  }
0x2a: {  	p0 =	seq.s32 s5, $0x0;
	s5 =	sld [smem:$0x3FAD]  }
0x2b: {  	s6 =	sld [smem:$0x3FAE]  }
0x2c: {  	s7 =	sld [smem:$0x3FAF]  }
0x2d: {  	s3 =	simm.s32 $0x108;
	s8 =	sld [smem:$0x3FB0]  }
0x2e: {  	s3 =	simm.s32 @!p0 $0x1082;
	s9 =	sld [smem:$0x3FB1]  }
0x2f: {  	lr =	sadd.s32 s0, s3;
	s0 =	sld [smem:$0x3FA8]  }
0x30: {  	s3 =	sld [smem:$0x3FAB]  }
0x31: {  	[smem:$0x3FB4] =	sst s10  }
0x32: {  	s10 =	sld [smem:$0x3FB2];
	_ =	sdelay $0x3  }
0x33: {  	p0 =	seq.s32 s10, $0x1;
	s10 =	sld [smem:$0x3FB4];
	_ =	sdelay $0x3  }
0x34: {  	[smem:$0x3FB4] =	sst s10  }
0x35: {  	s10 =	sld [smem:$0x3FB3];
	_ =	sdelay $0x3  }
0x36: {  	p1 =	seq.s32 s10, $0x1;
	s10 =	sld [smem:$0x3FB4];
	_ =	sdelay $0x3  }
0x37: {  	[smem:$0x3FB4] =	sst s10  }
0x38: {  	s10 =	sld [smem:$0x3FB5]  }
0x39: {  	_ = 	snop;
	(pc) =	sbr.ind lr, $3  }
0x3a: {  	_ = 	snop  }
0x3b: {  	_ = 	snop  }
0x3c: {  	p2 =	seq.s32 s10, $0x1;
	s10 =	sld [smem:$0x3FB4]  }
0x3d: {  	_ =	shalt  }
0x3e: {  	_ =	shalt  }
0x3f: {  	_ =	shalt  }
0x40: {  	_ =	shalt  }
0x41: {  	_ =	shalt  }
0x42: {  	_ =	shalt  }
0x43: {  	_ =	shalt  }
0x44: {  	_ =	shalt  }
0x45: {  	_ =	shalt  }
0x46: {  	_ =	shalt  }
0x47: {  	_ =	shalt  }
0x48: {  	_ =	shalt  }
0x49: {  	_ =	shalt  }
0x4a: {  	_ =	shalt  }
0x4b: {  	_ =	shalt  }
0x4c: {  	_ =	shalt  }
0x4d: {  	_ =	shalt  }
0x4e: {  	_ =	shalt  }
0x4f: {  	_ =	shalt  }
0x50: {  	_ =	shalt  }
0x51: {  	_ =	shalt  }
0x52: {  	_ =	shalt  }
0x53: {  	_ =	shalt  }
0x54: {  	_ =	shalt  }
0x55: {  	_ =	shalt  }
0x56: {  	_ =	shalt  }
0x57: {  	_ =	shalt  }
0x58: {  	_ =	shalt  }
0x59: {  	_ =	shalt  }
0x5a: {  	_ =	shalt  }
0x5b: {  	_ =	shalt  }
0x5c: {  	_ =	shalt  }
0x5d: {  	_ =	shalt  }
0x5e: {  	_ =	shalt  }
0x5f: {  	_ =	shalt  }
0x60: {  	_ =	shalt  }
0x61: {  	_ =	shalt  }
0x62: {  	_ =	shalt  }
0x63: {  	_ =	shalt  }
0x64: {  	_ =	shalt  }
0x65: {  	_ =	shalt  }
0x66: {  	_ =	shalt  }
0x67: {  	_ =	shalt  }
0x68: {  	_ =	shalt  }
0x69: {  	_ =	shalt  }
0x6a: {  	_ =	shalt  }
0x6b: {  	_ =	shalt  }
0x6c: {  	_ =	shalt  }
0x6d: {  	_ =	shalt  }
0x6e: {  	_ =	shalt  }
0x6f: {  	_ =	shalt  }
0x70: {  	_ =	shalt  }
0x71: {  	_ =	shalt  }
0x72: {  	_ =	shalt  }
0x73: {  	_ =	shalt  }
0x74: {  	_ =	shalt  }
0x75: {  	_ =	shalt  }
0x76: {  	_ =	shalt  }
0x77: {  	_ =	shalt  }
0x78: {  	_ =	shalt  }
0x79: {  	_ =	shalt  }
0x7a: {  	_ =	shalt  }
0x7b: {  	_ =	shalt  }
0x7c: {  	_ =	shalt  }
0x7d: {  	_ =	shalt  }
0x7e: {  	_ =	shalt  }
0x7f: {  	_ =	shalt  }
0x80: {  	_ =	shalt  }
0x81: {  	_ =	shalt  }
0x82: {  	_ =	shalt  }
0x83: {  	_ =	shalt  }
0x84: {  	_ =	shalt  }
0x85: {  	_ =	shalt  }
0x86: {  	_ =	shalt  }
0x87: {  	_ =	shalt  }
.Lfunc_end0:
.L_simem_size_0:
called_computation.1_lowered:
.L_overlay_start_0:
0x88: {  	s2 =	sld [smem:$0x3FD9]  }
0x89: {  	s3 =	sld [smem:$0x3FFE];
	_ =	sdelay $0x1  }
0x8a: {  	s1 =	srdreg.scid  }
0x8b: {  	s0 =	sand.u32 $0x1, s1  }
0x8c: {  	s16 =	sshll.u32 s0, $0xA;
	s2 =	sadd.s32 s3, s2  }
0x8d: {  	s2 =	sadd.s32 s2, s16  }
0x8e: {  	[smem:$0x3FC0] =	sst s2  }
0x8f: {  	_ = 	snop  }
0x90: {  	(tm) =	ssettm $0x1  }
0x91: {  	s17 =	sld [smem:$0x3FFB];
	_ =	sdelay $0x3  }
0x92: {  	_ =	strace s17  }
0x93: {  	s2 =	sld [smem:$0x3FFC];
	_ =	sdelay $0x3  }
0x94: {  	_ =	strace s2  }
0x95: {  	s2 =	sld [smem:$0x3FFD];
	_ =	sdelay $0x3  }
0x96: {  	_ =	strace s2  }
0x97: {  	_ =	strace $0x8FFFFFFF  }
0x98: {  	s18 =	sld [smem:$0x3FDB];
	_ =	sdelay $0x1  }
0x99: {  	s19 =	simm.s32 $_scs_section_size  }
0x9a: {  	s4 =	simm.s32 $_size__tile_overlayer_lowered;
	s5 =	simm.s32 $_tile_overlayer_lowered  }
0x9b: {  	s22 =	simm.s32 $0x1BFF;
	s21 =	sshll.u32 s5, $0x1;
	s2 =	sadd.s32 s19, s18  }
0x9c: {  	s6 =	simm.s32 $0x0;
	s20 =	sshll.u32 s4, $0x1;
	s4 =	sadd.s32 s21, s2  }
0x9d: {  	[timem:s6], [sflag:s22] =	dma.local [hbm:s4], s20  }
0x9e: {  	_ =	swait.ge [sflag:s22], s20  }
0x9f: {  	s3 =	ssub.s32 $0x0, s20;
	[sflag:s22] =	ssyncset.done $0x0  }
0xa0: {  	[sflag:s22] =	ssyncadd.s32 s3;
	_ =	sdelay $0x1  }
0xa1: {  	s23 =	simm.s32 $0x1B8B  }
0xa2: {  	_ =	swait.ge [sflag:s23], $0x1  }
0xa3: {  	[sflag:s23] =	ssyncset.done $0x0  }
0xa4: {  	s25 =	simm.s32 $0x1B8E;
	s24 =	sld [smem:$0x3FFE];
	[sflag:s23] =	ssyncadd.s32 $0xFFFFFFFF  }
0xa5: {  	s26 =	simm.s32 $execute0_lowered;
	[smem:$0x3FD2] =	sst s25  }
0xa6: {  	s4 =	sshll.u32 s26, $0x1;
	_ =	strace $0x80000049;
	[dreg:$0x1] =	wrdreg $0xFFFFFFFF  }
0xa7: {  	s28 =	simm.s32 $_size_execute0_lowered;
	s2 =	sadd.s32 s2, s4;
	[dreg:$0x0] =	wrdreg $0x0  }
0xa8: {  	s4 =	sshll.u32 s28, $0x1;
	[dreg:$0x2] =	wrdreg s2  }
0xa9: {  	[dreg:$0x3] =	wrdreg s4  }
0xaa: {  	[dreg:$0x4] =	wrdreg $0xC0  }
0xab: {  	_ =	task [dreg:s6], $0x5FFFF  }
0xac: {  	[dreg:$0x1] =	wrdreg $0xFFFFFFFF  }
0xad: {  	[dreg:$0x0] =	wrdreg $0x60  }
0xae: {  	[dreg:$0x2] =	wrdreg s24  }
0xaf: {  	[dreg:$0x3] =	wrdreg $0xA0000  }
0xb0: {  	[dreg:$0x4] =	wrdreg $0x9  }
0xb1: {  	_ =	task.clear_ibuf [dreg:s6], $0x5FFFF;
	_ =	strace $0x90000049  }
0xb2: {  	s29 =	simm.s32 $0x9;
	_ =	strace $0x8000004B  }
0xb3: {  	_ =	swait.ge [sflag:s29], $0x1  }
0xb4: {  	[sflag:s29] =	ssyncadd.s32 $0xFFFFFFFF  }
0xb5: {  	_ =	strace $0x9000004B  }
0xb6: {  	_ =	sfence  }
0xb7: {  	s30 =	sld [smem:$0x0];
	_ =	sdelay $0x2  }
0xb8: {  	s31 =	sshll.u32 s1, $0xD;
	s1 =	sshrl.u32 s1, $0x2  }
0xb9: {  	s3 =	sand.u32 $0x4000, s31;
	s1 =	sadd.s32 s1, s30  }
0xba: {  	s0 =	sor.u32 s3, s0;
	s1 =	sshll.u32 s1, $0x11  }
0xbb: {  	s0 =	sor.u32 s1, s0  }
0xbc: {  	s0 =	sadd.s32 $0x8F2B, s0  }
0xbd: {  	[sflag:s0] =	ssyncadd.remote.s32 $0x1  }
0xbe: {  	_ =	sfence.sel $0xFFFF  }
0xbf: {  	[dreg:$0x0] =	wrdreg $0xFFFFFFFF;
	(pc) =	sbr.abs _section_cstart, $3  }
0xc0: {  	[dreg:$0x1] =	wrdreg $0xFFFFFFFF  }
0xc1: {  	_ =	task.clear_ibuf [dreg:s6], $0x2FFFF;
	_ =	strace $0x9FFFFFFF  }
0xc2: {  	(tm) =	ssettm $0x7FFFFFFF  }
0xc3: {  	_ =	shalt  }
tec
execute0_lowered:
.L_overlay_start_1:
0x0: {  	(tag) =	ssettag $0x1  }
0x1: {  	s0 =	srdreg.scid;
	s3 =	rddreg [dreg:$0x0]  }
0x2: {  	s12 =	stileid.u32;
	s2 =	rddreg [dreg:$0x1];
	s4 =	simm.s32 $0x0  }
0x3: {  	s28 =	simm.s32 $0x7000;
	s29 =	simm.s32 $0x8000;
	s5 =	smul.u32 $0x14000, s12  }
0x4: {  	s30 =	simm.s32 $0x9000;
	s31 =	simm.s32 $0x1;
	s11 =	smul.u32 $0x50000, s12  }
0x5: {  	s0 =	sand.u32 $0x1, s0;
	s1 =	sshll.u32 s12, $0x1;
	s24 =	smul.u32 $0x5000, s12  }
0x6: {  	[smem:$0x7FF] =	sst s4;
	s1 =	sor.u32 s0, s1;
	s6 =	smul.u32 $0x140000, s0  }
0x7: {  	s4 =	sadd.s32 $0x16800, s3;
	s16 =	sshll.u32 s12, $0x6;
	s1 =	smul.u32 $0x2800, s1  }
0x8: {  	_ =	strace $0x8000004A;
	s15 =	sshrl.u32 s11, $0x2;
	s6 =	sadd.s32 s5, s6  }
0x9: {  	s5 =	sshrl.u32 s5, $0x3;
	s7 =	smin.u32 s1, $0x4BA00;
	s6 =	sshrl.u32 s6, $0x3  }
0xa: {  	s26 =	sadd.s32 s5, s3;
	s10 =	ssub.s32 $0x4E200, s1;
	s8 =	sshrl.u32 s7, $0x3  }
0xb: {  	s5 =	ssub.s32 s1, s7;
	s14 =	sshrl.u32 s10, $0x5;
	s7 =	sadd.s32 s15, s2  }
0xc: {  	s17 =	sadd.s32 $0x3DA00, s26;
	s9 =	sadd.s32 s8, s3;
	s3 =	sadd.s32 s6, s3  }
0xd: {  	s6 =	ssub.s32 $0x2, s0;
	s1 =	smin.u32 s14, $0x140;
	[dreg:$0x4] =	wrdreg s7  }
0xe: {  	[dreg:$0x5] =	wrdreg s17;
	s8 =	sor.u32 $0x1C06, s16;
	s21 =	sor.u32 $0x20, s5  }
0xf: {  	s22 =	sor.u32 $0x40, s5;
	s23 =	sor.u32 $0x60, s5;
	[dreg:$0x8] =	wrdreg s21  }
0x10: {  	s0 =	smul.u32 $0x2800, s0;
	s25 =	sor.u32 $0x80, s5;
	[dreg:$0x9] =	wrdreg s22  }
0x11: {  	s13 =	sshrl.u32 s6, $0x1;
	s18 =	sadd.s32 $0x2C00, s9;
	[dreg:$0xa] =	wrdreg s23  }
0x12: {  	s19 =	sadd.s32 $0xCA00, s9;
	s20 =	smul.u32 $0x3334, s1;
	[dreg:$0xb] =	wrdreg s25  }
0x13: {  	s1 =	sshll.u32 s1, $0x5;
	s22 =	simm.s32 $0x6;
	[dreg:$0x6] =	wrdreg s18  }
0x14: {  	s23 =	simm.s32 $0x20;
	s6 =	ssub.s32 s6, s13;
	[dreg:$0x7] =	wrdreg s19  }
0x15: {  	s1 =	sadd.s32 s1, s5;
	s0 =	sadd.s32 s0, s24;
	s24 =	simm.s32 $0x5000  }
0x16: {  	s7 =	sshrl.u32 s20, $0x10;
	s26 =	sadd.s32 $0x2760, s1;
	s16 =	sadd.s32 $0x2780, s1  }
0x17: {  	s17 =	sadd.s32 $0x27A0, s1;
	s18 =	sadd.s32 $0x27C0, s1;
	s19 =	sadd.s32 $0x27E0, s1  }
0x18: {  	s0 =	smax.u32 s0, $0x4BA00;
	s20 =	sadd.s32 $0x65A00, s3;
	s21 =	smax.u32 s6, $0x1  }
0x19: {  	s1 =	simm.s32 $0x2;
	s3 =	simm.s32 $0x4;
	s6 =	simm.s32 $0x5  }
0x1a: {  	s7 =	sadd.s32 $0xFFFFFFFF, s7;
	[dreg:$0xc] =	wrdreg s26;
	s0 =	sshll.u32 s0, $0x2  }
0x1b: {  	s26 =	simm.s32 $0x6000;
	[dreg:$0x3] =	wrdreg s7;
	s0 =	sadd.s32 $0xFFED1800, s0  }
0x1c: {  	s7 =	simm.s32 $0x0;
	s25 =	sshra.s32 s0, $0x2;
	s0 =	simm.s32 $0x3  }
.LBB2_1:
0x1d: {  	s9 =	rddreg [dreg:$0x4]  }
0x1e: {  	s10 =	rddreg [dreg:$0x5];
	s9 =	sshrl.u32 s9, $0x3  }
0x1f: {  	[spmem:s9], [sflag:s8] =	dma.local [hbm:s10], $0x2800  }
0x20: {  	_ =	swait.ge [sflag:s22], $0x2800  }
0x21: {  	[sflag:s22] =	ssyncset.done $0x0  }
0x22: {  	s11 =	simm.s32 $0x0;
	s15 =	rddreg [dreg:$0x6];
	[sflag:s22] =	ssyncadd.s32 $0xFFFFD800  }
0x23: {  	[tilespmem:s11], [sflag:$0x6] =	stream.linear.gather [hbm4b:s15+s11], $0x2800, $0x38;
	[tilespmem:$0x1E000] =	vst v63  }
0x24: {  	_ =	swait.ge [sflag:s22], $0x2800  }
0x25: {  	[sflag:s22] =	ssyncset.done $0x0  }
0x26: {  	s10 =	simm.s32 $0x2800;
	s12 =	rddreg [dreg:$0x7];
	[sflag:s22] =	ssyncadd.s32 $0xFFFFD800  }
0x27: {  	[tilespmem:s10], [sflag:$0x6] =	stream.linear.gather [hbm4b:s12+s11], $0x2800, $0x38;
	[tilespmem:$0x1E000] =	vst v63  }
0x28: {  	_ =	swait.ge [sflag:s22], $0x2800  }
0x29: {  	[sflag:s22] =	ssyncset.done $0x0  }
0x2a: {  	[sflag:s22] =	ssyncadd.s32 $0xFFFFD800  }
0x2b: {  	[bflag:$0x0] =	sbarrier.arrive $0xFFFF  }
0x2c: {  	[tilespmem:s24], [sflag:$0x1] =	stream.indirect.gather [hbm4b:s4+s23], $0x80, s5, s23, $0xb8;
	[tilespmem:$0x1E000] =	vst v63  }
0x2d: {  	s12 =	rddreg [dreg:$0x8]  }
0x2e: {  	[tilespmem:s26], [sflag:$0x2] =	stream.indirect.gather [hbm4b:s4+s23], $0x80, s12, s23, $0xb8;
	[tilespmem:$0x1E000] =	vst v63  }
0x2f: {  	s13 =	rddreg [dreg:$0x9]  }
0x30: {  	[tilespmem:s28], [sflag:$0x3] =	stream.indirect.gather [hbm4b:s4+s23], $0x80, s13, s23, $0xb8;
	[tilespmem:$0x1E000] =	vst v63  }
0x31: {  	s14 =	rddreg [dreg:$0xa]  }
0x32: {  	[tilespmem:s29], [sflag:$0x4] =	stream.indirect.gather [hbm4b:s4+s23], $0x80, s14, s23, $0xb8;
	[tilespmem:$0x1E000] =	vst v63  }
0x33: {  	s11 =	simm.s32 $0x0;
	s15 =	rddreg [dreg:$0xb];
	s12 =	simm.s32 $0x0  }
0x34: {  	[tilespmem:s30], [sflag:$0x5] =	stream.indirect.gather [hbm4b:s4+s23], $0x80, s15, s23, $0xb8;
	[tilespmem:$0x1E000] =	vst v63  }
.LBB2_2:
0x35: {  	_ =	swait.ge [sflag:s31], $0x1000  }
0x36: {  	[sflag:s31] =	ssyncset.done $0x0  }
0x37: {  	s13 =	sadd.s32 s25, s10;
	[sflag:s31] =	ssyncadd.s32 $0xFFFFF000  }
0x38: {  	[spmem:s2] =	stream.indirect.scatter.add.f32 [tilespmem:s24], [sflag:$0x6], $0x80, s13, s23, $0xb8;
	[tilespmem:$0x1E000] =	vst v63  }
0x39: {  	_ =	swait.ge [sflag:s22], $0x1000  }
0x3a: {  	s14 =	sadd.s32 s25, s11;
	[sflag:s22] =	ssyncset.done $0x0  }
0x3b: {  	s15 =	sadd.s32 $0xA0, s14;
	[sflag:s22] =	ssyncadd.s32 $0xFFFFF000  }
0x3c: {  	[tilespmem:s24], [sflag:$0x1] =	stream.indirect.gather [hbm4b:s4+s23], $0x80, s15, s23, $0xb8;
	[tilespmem:$0x1E000] =	vst v63  }
0x3d: {  	_ =	swait.ge [sflag:s1], $0x1000  }
0x3e: {  	[sflag:s1] =	ssyncset.done $0x0  }
0x3f: {  	s15 =	sadd.s32 $0x20, s13;
	[sflag:s1] =	ssyncadd.s32 $0xFFFFF000  }
0x40: {  	[spmem:s2] =	stream.indirect.scatter.add.f32 [tilespmem:s26], [sflag:$0x6], $0x80, s15, s23, $0xb8;
	[tilespmem:$0x1E000] =	vst v63  }
0x41: {  	_ =	swait.ge [sflag:s22], $0x1000  }
0x42: {  	[sflag:s22] =	ssyncset.done $0x0  }
0x43: {  	s15 =	sadd.s32 $0xC0, s14;
	[sflag:s22] =	ssyncadd.s32 $0xFFFFF000  }
0x44: {  	[tilespmem:s26], [sflag:$0x2] =	stream.indirect.gather [hbm4b:s4+s23], $0x80, s15, s23, $0xb8;
	[tilespmem:$0x1E000] =	vst v63  }
0x45: {  	_ =	swait.ge [sflag:s0], $0x1000  }
0x46: {  	[sflag:s0] =	ssyncset.done $0x0  }
0x47: {  	s15 =	sadd.s32 $0x40, s13;
	[sflag:s0] =	ssyncadd.s32 $0xFFFFF000  }
0x48: {  	[spmem:s2] =	stream.indirect.scatter.add.f32 [tilespmem:s28], [sflag:$0x6], $0x80, s15, s23, $0xb8;
	[tilespmem:$0x1E000] =	vst v63  }
0x49: {  	_ =	swait.ge [sflag:s22], $0x1000  }
0x4a: {  	[sflag:s22] =	ssyncset.done $0x0  }
0x4b: {  	s15 =	sadd.s32 $0xE0, s14;
	[sflag:s22] =	ssyncadd.s32 $0xFFFFF000  }
0x4c: {  	[tilespmem:s28], [sflag:$0x3] =	stream.indirect.gather [hbm4b:s4+s23], $0x80, s15, s23, $0xb8;
	[tilespmem:$0x1E000] =	vst v63  }
0x4d: {  	_ =	swait.ge [sflag:s3], $0x1000  }
0x4e: {  	[sflag:s3] =	ssyncset.done $0x0  }
0x4f: {  	s15 =	sadd.s32 $0x60, s13;
	[sflag:s3] =	ssyncadd.s32 $0xFFFFF000  }
0x50: {  	[spmem:s2] =	stream.indirect.scatter.add.f32 [tilespmem:s29], [sflag:$0x6], $0x80, s15, s23, $0xb8;
	[tilespmem:$0x1E000] =	vst v63  }
0x51: {  	_ =	swait.ge [sflag:s22], $0x1000  }
0x52: {  	[sflag:s22] =	ssyncset.done $0x0  }
0x53: {  	s15 =	sadd.s32 $0x100, s14;
	[sflag:s22] =	ssyncadd.s32 $0xFFFFF000  }
0x54: {  	[tilespmem:s29], [sflag:$0x4] =	stream.indirect.gather [hbm4b:s4+s23], $0x80, s15, s23, $0xb8;
	[tilespmem:$0x1E000] =	vst v63  }
0x55: {  	_ =	swait.ge [sflag:s6], $0x1000  }
0x56: {  	[sflag:s6] =	ssyncset.done $0x0  }
0x57: {  	s13 =	sadd.s32 $0x80, s13;
	[sflag:s6] =	ssyncadd.s32 $0xFFFFF000  }
0x58: {  	[spmem:s2] =	stream.indirect.scatter.add.f32 [tilespmem:s30], [sflag:$0x6], $0x80, s13, s23, $0xb8;
	[tilespmem:$0x1E000] =	vst v63  }
0x59: {  	_ =	swait.ge [sflag:s22], $0x1000  }
0x5a: {  	s12 =	sadd.s32 $0x1, s12;
	s15 =	rddreg [dreg:$0x3]  }
0x5b: {  	p0 =	slt.u32 s12, s15  }
.Ltmp0:
0x5c: {  	_ = 	snop;
	(pc) =	sbr.rel @p0 .LBB2_2-.Ltmp0, $4  }
0x5d: {  	_ = 	snop  }
0x5e: {  	s11 =	sadd.s32 $0xA0, s11;
	[sflag:s22] =	ssyncset.done $0x0  }
0x5f: {  	s10 =	sadd.s32 $0xA0, s10;
	s14 =	sadd.s32 $0x120, s14;
	[sflag:s22] =	ssyncadd.s32 $0xFFFFF000  }
0x60: {  	[tilespmem:s30], [sflag:$0x5] =	stream.indirect.gather [hbm4b:s4+s23], $0x80, s14, s23, $0xb8;
	[tilespmem:$0x1E000] =	vst v63  }
0x61: {  	_ =	swait.ge [sflag:s31], $0x1000  }
0x62: {  	[sflag:s31] =	ssyncset.done $0x0  }
0x63: {  	s10 =	rddreg [dreg:$0xc];
	[sflag:s31] =	ssyncadd.s32 $0xFFFFF000  }
0x64: {  	[spmem:s2] =	stream.indirect.scatter.add.f32 [tilespmem:s24], [sflag:$0x6], $0x80, s10, s23, $0xb8;
	[tilespmem:$0x1E000] =	vst v63  }
0x65: {  	_ =	swait.ge [sflag:s22], $0x1000  }
0x66: {  	[sflag:s22] =	ssyncset.done $0x0  }
0x67: {  	[sflag:s22] =	ssyncadd.s32 $0xFFFFF000  }
0x68: {  	_ =	swait.ge [sflag:s1], $0x1000  }
0x69: {  	[sflag:s1] =	ssyncset.done $0x0  }
0x6a: {  	[sflag:s1] =	ssyncadd.s32 $0xFFFFF000  }
0x6b: {  	[spmem:s2] =	stream.indirect.scatter.add.f32 [tilespmem:s26], [sflag:$0x6], $0x80, s16, s23, $0xb8;
	[tilespmem:$0x1E000] =	vst v63  }
0x6c: {  	_ =	swait.ge [sflag:s22], $0x1000  }
0x6d: {  	[sflag:s22] =	ssyncset.done $0x0  }
0x6e: {  	[sflag:s22] =	ssyncadd.s32 $0xFFFFF000  }
0x6f: {  	_ =	swait.ge [sflag:s0], $0x1000  }
0x70: {  	[sflag:s0] =	ssyncset.done $0x0  }
0x71: {  	[sflag:s0] =	ssyncadd.s32 $0xFFFFF000  }
0x72: {  	[spmem:s2] =	stream.indirect.scatter.add.f32 [tilespmem:s28], [sflag:$0x6], $0x80, s17, s23, $0xb8;
	[tilespmem:$0x1E000] =	vst v63  }
0x73: {  	_ =	swait.ge [sflag:s22], $0x1000  }
0x74: {  	[sflag:s22] =	ssyncset.done $0x0  }
0x75: {  	[sflag:s22] =	ssyncadd.s32 $0xFFFFF000  }
0x76: {  	_ =	swait.ge [sflag:s3], $0x1000  }
0x77: {  	[sflag:s3] =	ssyncset.done $0x0  }
0x78: {  	[sflag:s3] =	ssyncadd.s32 $0xFFFFF000  }
0x79: {  	[spmem:s2] =	stream.indirect.scatter.add.f32 [tilespmem:s29], [sflag:$0x6], $0x80, s18, s23, $0xb8;
	[tilespmem:$0x1E000] =	vst v63  }
0x7a: {  	_ =	swait.ge [sflag:s22], $0x1000  }
0x7b: {  	[sflag:s22] =	ssyncset.done $0x0  }
0x7c: {  	[sflag:s22] =	ssyncadd.s32 $0xFFFFF000  }
0x7d: {  	_ =	swait.ge [sflag:s6], $0x1000  }
0x7e: {  	[sflag:s6] =	ssyncset.done $0x0  }
0x7f: {  	[sflag:s6] =	ssyncadd.s32 $0xFFFFF000  }
0x80: {  	[spmem:s2] =	stream.indirect.scatter.add.f32 [tilespmem:s30], [sflag:$0x6], $0x80, s19, s23, $0xb8;
	[tilespmem:$0x1E000] =	vst v63  }
0x81: {  	_ =	swait.ge [sflag:s22], $0x1000  }
0x82: {  	s7 =	sadd.s32 $0x1, s7;
	[sflag:s22] =	ssyncset.done $0x0  }
0x83: {  	p0 =	sne.s32 s7, s21;
	[sflag:s22] =	ssyncadd.s32 $0xFFFFF000  }
.Ltmp1:
0x84: {  	[bflag:$0x0] =	sbarrier.arrive $0xFFFF;
	(pc) =	sbr.rel @p0 .LBB2_1-.Ltmp1, $4  }
0x85: {  	[hbm:s20], [sflag:s8] =	dma.local [spmem:s9], $0x2800  }
0x86: {  	_ =	swait.ge [sflag:s22], $0x2800  }
0x87: {  	[sflag:s22] =	ssyncset.done $0x0  }
0x88: {  	[sflag:s22] =	ssyncadd.s32 $0xFFFFD800  }
0x89: {  	_ =	sfence.sel $0x180000  }
0x8a: {  	[bflag:$0x0] =	sbarrier.arrive $0xFFFF  }
0x8b: {  	_ =	strace $0x9000004A  }
0x8c: {  	s0 =	stileid.u32;
	[bflag:$0x2] =	sbarrier.arrive $0xFFFF  }
0x8d: {  	p0 =	sne.s32 s0, $0x0;
	s0 =	rddreg [dreg:$0x2]  }
0x8e: {  	s0 =	sadd.s32 @!p0 $0x100000, s0  }
0x8f: {  	[sflag:s0] =	ssyncadd.tile.s32 @!p0 $0x1;
	_ =	shalt  }
.Lfunc_end2:
_tile_overlayer_lowered:
.L_overlay_start_2:
0x90: {  	(tag) =	ssettag $0x2  }
0x91: {  	s0 =	rddreg [dreg:$0x0];
	s2 =	stileid.u32  }
0x92: {  	s1 =	rddreg [dreg:$0x1];
	p0 =	sne.s32 s2, $0x0  }
0x93: {  	s3 =	rddreg [dreg:$0x2];
	[bflag:$0x3] =	sbarrier.arrive $0xFFFF;
	s2 =	simm.s32 @!p0 $0x1C06  }
0x94: {  	[timem:s3], [sflag:s2] =	dma.local @!p0 [hbm:s0], s1  }
0x95: {  	s0 =	simm.s32 @!p0 $0x6  }
0x96: {  	_ =	swait.ge @!p0 [sflag:s0], s1  }
0x97: {  	s1 =	ssub.s32 @!p0 $0x0, s1;
	[sflag:s0] =	ssyncset.done @!p0 $0x0  }
0x98: {  	[sflag:s0] =	ssyncadd.s32 @!p0 s1  }
0x99: {  	[bflag:$0x3] =	sbarrier.arrive $0xFFFF  }
0x9a: {  	_ =	shalt  }

// kernel: kernel.16.cloned.1.call-start
scs
__scs_entry_jumppad:
0x0: {  	(pc) =	sbr.rel $0x88, $3  }
0x1: {  	(tag) =	ssettag $0x0;
	lr =	simm.s32 $0x1  }
0x2: {  	[smem:$0x3F99] =	sst lr;
	_ =	strace $0xD0000000  }
0x3: {  	_ = 	snop  }
0x4: {  	_ = 	snop  }
0x5: {  	_ = 	snop  }
0x6: {  	_ = 	snop  }
0x7: {  	_ = 	snop  }
__scs_overlays_trampoline_lowered:
0x8: {  	[smem:$0x3FA8] =	sst s0  }
0x9: {  	[smem:$0x3FA9] =	sst s1  }
0xa: {  	[smem:$0x3FAA] =	sst s2  }
0xb: {  	[smem:$0x3FAB] =	sst s3  }
0xc: {  	[smem:$0x3FAC] =	sst s4  }
0xd: {  	[smem:$0x3FAD] =	sst s5  }
0xe: {  	[smem:$0x3FAE] =	sst s6  }
0xf: {  	[smem:$0x3FAF] =	sst s7  }
0x10: {  	[smem:$0x3FB0] =	sst s8  }
0x11: {  	[smem:$0x3FB1] =	sst s9;
	s0 =	simm.s32 @!p0 $0x0  }
0x12: {  	s1 =	sld [smem:$0x3F97];
	s0 =	simm.s32 @p0 $0x1  }
0x13: {  	[smem:$0x3FB2] =	sst s0;
	s0 =	simm.s32 @!p1 $0x0  }
0x14: {  	s2 =	sld [smem:$0x3F96];
	s0 =	simm.s32 @p1 $0x1  }
0x15: {  	[smem:$0x3FB3] =	sst s0;
	s0 =	simm.s32 @!p2 $0x0  }
0x16: {  	s3 =	sld [smem:$0x3FDB];
	s0 =	simm.s32 @p2 $0x1  }
0x17: {  	s4 =	simm.s32 $0x1BF5;
	[smem:$0x3FB5] =	sst s0  }
0x18: {  	s0 =	sld [smem:$0x3F98];
	_ =	swait.ge [sflag:s4], $0x0  }
0x19: {  	s7 =	sld [smem:$0x3F99]  }
0x1a: {  	s8 =	sadd.s32 $0xFFFFE003, lr  }
0x1b: {  	s9 =	sadd.s32 $0xFFFFFEF7, lr;
	s5 =	simm.s32 $0xFFFFFFFF;
	p2 =	slt.u32 s8, $0xFFFFF086  }
0x1c: {  	p1 =	slt.u32 s9, $0xF7A;
	s5 =	simm.s32 @!p2 $0x0  }
0x1d: {  	s5 =	simm.s32 @p1 $0x1;
	p0 =	seq.s32 s7, s2  }
0x1e: {  	s7 =	smul.u32 @!p0 $0xF7A, s2;
	p2 =	seq.s32 @!p0 s5, $0x0  }
0x1f: {  	s9 =	smul.u32 $0xF7A, s1;
	s8 =	simm.s32 @!p0 $0x1BF5;
	p2 =	por !p2, p0  }
0x20: {  	[sflag:s8] =	ssyncset.s32 @!p0 $0xFFFFF086;
	s6 =	sadd.s32 @!p0 s3, s7;
	s7 =	simm.s32 @!p0 $0x108  }
0x21: {  	s3 =	sadd.s32 s3, s9;
	s6 =	sadd.s32 @!p0 $0x88, s6;
	s7 =	simm.s32 @p2 $0x1082  }
0x22: {  	[simem:s7], [sflag:s8] =	dma.local @!p0 [hbm:s6], $0xF7A  }
0x23: {  	s9 =	sor.u32 $0xD0000000, s2;
	s6 =	simm.s32 $0x108;
	_ =	swait.ge @!p0 [sflag:s8], $0x0  }
0x24: {  	s3 =	sadd.s32 $0x88, s3;
	s6 =	simm.s32 @!p1 $0x1082;
	[sflag:s4] =	ssyncset.s32 $0xFFFFF086  }
0x25: {  	[simem:s6], [sflag:s4] =	dma.local [hbm:s3], $0xF7A  }
0x26: {  	[smem:$0x3F99] =	sst s1;
	(tag) =	ssettag s2;
	_ =	strace s9  }
0x27: {  	s1 =	sld [smem:$0x3FA9]  }
0x28: {  	s2 =	sld [smem:$0x3FAA]  }
0x29: {  	s4 =	sld [smem:$0x3FAC]  }
0x2a: {  	p0 =	seq.s32 s5, $0x0;
	s5 =	sld [smem:$0x3FAD]  }
0x2b: {  	s6 =	sld [smem:$0x3FAE]  }
0x2c: {  	s7 =	sld [smem:$0x3FAF]  }
0x2d: {  	s3 =	simm.s32 $0x108;
	s8 =	sld [smem:$0x3FB0]  }
0x2e: {  	s3 =	simm.s32 @!p0 $0x1082;
	s9 =	sld [smem:$0x3FB1]  }
0x2f: {  	lr =	sadd.s32 s0, s3;
	s0 =	sld [smem:$0x3FA8]  }
0x30: {  	s3 =	sld [smem:$0x3FAB]  }
0x31: {  	[smem:$0x3FB4] =	sst s10  }
0x32: {  	s10 =	sld [smem:$0x3FB2];
	_ =	sdelay $0x3  }
0x33: {  	p0 =	seq.s32 s10, $0x1;
	s10 =	sld [smem:$0x3FB4];
	_ =	sdelay $0x3  }
0x34: {  	[smem:$0x3FB4] =	sst s10  }
0x35: {  	s10 =	sld [smem:$0x3FB3];
	_ =	sdelay $0x3  }
0x36: {  	p1 =	seq.s32 s10, $0x1;
	s10 =	sld [smem:$0x3FB4];
	_ =	sdelay $0x3  }
0x37: {  	[smem:$0x3FB4] =	sst s10  }
0x38: {  	s10 =	sld [smem:$0x3FB5]  }
0x39: {  	_ = 	snop;
	(pc) =	sbr.ind lr, $3  }
0x3a: {  	_ = 	snop  }
0x3b: {  	_ = 	snop  }
0x3c: {  	p2 =	seq.s32 s10, $0x1;
	s10 =	sld [smem:$0x3FB4]  }
0x3d: {  	_ =	shalt  }
0x3e: {  	_ =	shalt  }
0x3f: {  	_ =	shalt  }
0x40: {  	_ =	shalt  }
0x41: {  	_ =	shalt  }
0x42: {  	_ =	shalt  }
0x43: {  	_ =	shalt  }
0x44: {  	_ =	shalt  }
0x45: {  	_ =	shalt  }
0x46: {  	_ =	shalt  }
0x47: {  	_ =	shalt  }
0x48: {  	_ =	shalt  }
0x49: {  	_ =	shalt  }
0x4a: {  	_ =	shalt  }
0x4b: {  	_ =	shalt  }
0x4c: {  	_ =	shalt  }
0x4d: {  	_ =	shalt  }
0x4e: {  	_ =	shalt  }
0x4f: {  	_ =	shalt  }
0x50: {  	_ =	shalt  }
0x51: {  	_ =	shalt  }
0x52: {  	_ =	shalt  }
0x53: {  	_ =	shalt  }
0x54: {  	_ =	shalt  }
0x55: {  	_ =	shalt  }
0x56: {  	_ =	shalt  }
0x57: {  	_ =	shalt  }
0x58: {  	_ =	shalt  }
0x59: {  	_ =	shalt  }
0x5a: {  	_ =	shalt  }
0x5b: {  	_ =	shalt  }
0x5c: {  	_ =	shalt  }
0x5d: {  	_ =	shalt  }
0x5e: {  	_ =	shalt  }
0x5f: {  	_ =	shalt  }
0x60: {  	_ =	shalt  }
0x61: {  	_ =	shalt  }
0x62: {  	_ =	shalt  }
0x63: {  	_ =	shalt  }
0x64: {  	_ =	shalt  }
0x65: {  	_ =	shalt  }
0x66: {  	_ =	shalt  }
0x67: {  	_ =	shalt  }
0x68: {  	_ =	shalt  }
0x69: {  	_ =	shalt  }
0x6a: {  	_ =	shalt  }
0x6b: {  	_ =	shalt  }
0x6c: {  	_ =	shalt  }
0x6d: {  	_ =	shalt  }
0x6e: {  	_ =	shalt  }
0x6f: {  	_ =	shalt  }
0x70: {  	_ =	shalt  }
0x71: {  	_ =	shalt  }
0x72: {  	_ =	shalt  }
0x73: {  	_ =	shalt  }
0x74: {  	_ =	shalt  }
0x75: {  	_ =	shalt  }
0x76: {  	_ =	shalt  }
0x77: {  	_ =	shalt  }
0x78: {  	_ =	shalt  }
0x79: {  	_ =	shalt  }
0x7a: {  	_ =	shalt  }
0x7b: {  	_ =	shalt  }
0x7c: {  	_ =	shalt  }
0x7d: {  	_ =	shalt  }
0x7e: {  	_ =	shalt  }
0x7f: {  	_ =	shalt  }
0x80: {  	_ =	shalt  }
0x81: {  	_ =	shalt  }
0x82: {  	_ =	shalt  }
0x83: {  	_ =	shalt  }
0x84: {  	_ =	shalt  }
0x85: {  	_ =	shalt  }
0x86: {  	_ =	shalt  }
0x87: {  	_ =	shalt  }
.Lfunc_end0:
.L_simem_size_0:
called_computation.2_lowered:
.L_overlay_start_0:
0x88: {  	s2 =	sld [smem:$0x3FD9]  }
0x89: {  	s3 =	sld [smem:$0x3FFE];
	_ =	sdelay $0x1  }
0x8a: {  	s1 =	srdreg.scid  }
0x8b: {  	s0 =	sand.u32 $0x1, s1  }
0x8c: {  	s16 =	sshll.u32 s0, $0xA;
	s2 =	sadd.s32 s3, s2  }
0x8d: {  	s2 =	sadd.s32 s2, s16  }
0x8e: {  	[smem:$0x3FC0] =	sst s2  }
0x8f: {  	_ = 	snop  }
0x90: {  	(tm) =	ssettm $0x1  }
0x91: {  	s17 =	sld [smem:$0x3FFB];
	_ =	sdelay $0x3  }
0x92: {  	_ =	strace s17  }
0x93: {  	s2 =	sld [smem:$0x3FFC];
	_ =	sdelay $0x3  }
0x94: {  	_ =	strace s2  }
0x95: {  	s2 =	sld [smem:$0x3FFD];
	_ =	sdelay $0x3  }
0x96: {  	_ =	strace s2  }
0x97: {  	_ =	strace $0x8FFFFFFF  }
0x98: {  	s18 =	sld [smem:$0x3FDB];
	_ =	sdelay $0x1  }
0x99: {  	s19 =	simm.s32 $_scs_section_size  }
0x9a: {  	s4 =	simm.s32 $_size__tile_overlayer_lowered;
	s5 =	simm.s32 $_tile_overlayer_lowered  }
0x9b: {  	s22 =	simm.s32 $0x1BFF;
	s21 =	sshll.u32 s5, $0x1;
	s2 =	sadd.s32 s19, s18  }
0x9c: {  	s6 =	simm.s32 $0x0;
	s20 =	sshll.u32 s4, $0x1;
	s4 =	sadd.s32 s21, s2  }
0x9d: {  	[timem:s6], [sflag:s22] =	dma.local [hbm:s4], s20  }
0x9e: {  	_ =	swait.ge [sflag:s22], s20  }
0x9f: {  	s3 =	ssub.s32 $0x0, s20;
	[sflag:s22] =	ssyncset.done $0x0  }
0xa0: {  	[sflag:s22] =	ssyncadd.s32 s3;
	_ =	sdelay $0x1  }
0xa1: {  	s23 =	simm.s32 $0x1B8B  }
0xa2: {  	_ =	swait.ge [sflag:s23], $0x1  }
0xa3: {  	[sflag:s23] =	ssyncset.done $0x0  }
0xa4: {  	s25 =	simm.s32 $0x1B8E;
	s24 =	sld [smem:$0x3FFE];
	[sflag:s23] =	ssyncadd.s32 $0xFFFFFFFF  }
0xa5: {  	s26 =	simm.s32 $execute0_lowered;
	[smem:$0x3FD2] =	sst s25  }
0xa6: {  	s4 =	sshll.u32 s26, $0x1;
	_ =	strace $0x8000004C;
	[dreg:$0x1] =	wrdreg $0xFFFFFFFF  }
0xa7: {  	s28 =	simm.s32 $_size_execute0_lowered;
	s2 =	sadd.s32 s2, s4;
	[dreg:$0x0] =	wrdreg $0x0  }
0xa8: {  	s4 =	sshll.u32 s28, $0x1;
	[dreg:$0x2] =	wrdreg s2  }
0xa9: {  	[dreg:$0x3] =	wrdreg s4  }
0xaa: {  	[dreg:$0x4] =	wrdreg $0xC0  }
0xab: {  	_ =	task [dreg:s6], $0x5FFFF  }
0xac: {  	[dreg:$0x1] =	wrdreg $0xFFFFFFFF  }
0xad: {  	[dreg:$0x0] =	wrdreg $0x60  }
0xae: {  	[dreg:$0x2] =	wrdreg s24  }
0xaf: {  	[dreg:$0x3] =	wrdreg $0xA0000  }
0xb0: {  	[dreg:$0x4] =	wrdreg $0x9  }
0xb1: {  	_ =	task.clear_ibuf [dreg:s6], $0x5FFFF;
	_ =	strace $0x9000004C  }
0xb2: {  	s29 =	simm.s32 $0x9;
	_ =	strace $0x8000004E  }
0xb3: {  	_ =	swait.ge [sflag:s29], $0x1  }
0xb4: {  	[sflag:s29] =	ssyncadd.s32 $0xFFFFFFFF  }
0xb5: {  	_ =	strace $0x9000004E  }
0xb6: {  	_ =	sfence  }
0xb7: {  	s30 =	sld [smem:$0x0];
	_ =	sdelay $0x2  }
0xb8: {  	s31 =	sshll.u32 s1, $0xD;
	s1 =	sshrl.u32 s1, $0x2  }
0xb9: {  	s3 =	sand.u32 $0x4000, s31;
	s1 =	sadd.s32 s1, s30  }
0xba: {  	s0 =	sor.u32 s3, s0;
	s1 =	sshll.u32 s1, $0x11  }
0xbb: {  	s0 =	sor.u32 s1, s0  }
0xbc: {  	s0 =	sadd.s32 $0x8F2B, s0  }
0xbd: {  	[sflag:s0] =	ssyncadd.remote.s32 $0x1  }
0xbe: {  	_ =	sfence.sel $0xFFFF  }
0xbf: {  	[dreg:$0x0] =	wrdreg $0xFFFFFFFF;
	(pc) =	sbr.abs _section_cstart, $3  }
0xc0: {  	[dreg:$0x1] =	wrdreg $0xFFFFFFFF  }
0xc1: {  	_ =	task.clear_ibuf [dreg:s6], $0x2FFFF;
	_ =	strace $0x9FFFFFFF  }
0xc2: {  	(tm) =	ssettm $0x7FFFFFFF  }
0xc3: {  	_ =	shalt  }
tec
execute0_lowered:
.L_overlay_start_1:
0x0: {  	(tag) =	ssettag $0x1  }
0x1: {  	s0 =	srdreg.scid;
	s3 =	rddreg [dreg:$0x0]  }
0x2: {  	s12 =	stileid.u32;
	s2 =	rddreg [dreg:$0x1];
	s4 =	simm.s32 $0x0  }
0x3: {  	s28 =	simm.s32 $0x7000;
	s29 =	simm.s32 $0x8000;
	s5 =	smul.u32 $0x14000, s12  }
0x4: {  	s30 =	simm.s32 $0x9000;
	s31 =	simm.s32 $0x1;
	s11 =	smul.u32 $0x50000, s12  }
0x5: {  	s0 =	sand.u32 $0x1, s0;
	s1 =	sshll.u32 s12, $0x1;
	s24 =	smul.u32 $0x5000, s12  }
0x6: {  	[smem:$0x7FF] =	sst s4;
	s1 =	sor.u32 s0, s1;
	s6 =	smul.u32 $0x140000, s0  }
0x7: {  	s4 =	sadd.s32 $0x16800, s3;
	s16 =	sshll.u32 s12, $0x6;
	s1 =	smul.u32 $0x2800, s1  }
0x8: {  	_ =	strace $0x8000004D;
	s15 =	sshrl.u32 s11, $0x2;
	s6 =	sadd.s32 s5, s6  }
0x9: {  	s5 =	sshrl.u32 s5, $0x3;
	s7 =	smin.u32 s1, $0x4BA00;
	s6 =	sshrl.u32 s6, $0x3  }
0xa: {  	s26 =	sadd.s32 s5, s3;
	s10 =	ssub.s32 $0x4E200, s1;
	s8 =	sshrl.u32 s7, $0x3  }
0xb: {  	s5 =	ssub.s32 s1, s7;
	s14 =	sshrl.u32 s10, $0x5;
	s7 =	sadd.s32 s15, s2  }
0xc: {  	s17 =	sadd.s32 $0x3DA00, s26;
	s9 =	sadd.s32 s8, s3;
	s3 =	sadd.s32 s6, s3  }
0xd: {  	s6 =	ssub.s32 $0x2, s0;
	s1 =	smin.u32 s14, $0x140;
	[dreg:$0x4] =	wrdreg s7  }
0xe: {  	[dreg:$0x5] =	wrdreg s17;
	s8 =	sor.u32 $0x1C06, s16;
	s21 =	sor.u32 $0x20, s5  }
0xf: {  	s22 =	sor.u32 $0x40, s5;
	s23 =	sor.u32 $0x60, s5;
	[dreg:$0x8] =	wrdreg s21  }
0x10: {  	s0 =	smul.u32 $0x2800, s0;
	s25 =	sor.u32 $0x80, s5;
	[dreg:$0x9] =	wrdreg s22  }
0x11: {  	s13 =	sshrl.u32 s6, $0x1;
	s18 =	sadd.s32 $0x2C00, s9;
	[dreg:$0xa] =	wrdreg s23  }
0x12: {  	s19 =	sadd.s32 $0xCA00, s9;
	s20 =	smul.u32 $0x3334, s1;
	[dreg:$0xb] =	wrdreg s25  }
0x13: {  	s1 =	sshll.u32 s1, $0x5;
	s22 =	simm.s32 $0x6;
	[dreg:$0x6] =	wrdreg s18  }
0x14: {  	s23 =	simm.s32 $0x20;
	s6 =	ssub.s32 s6, s13;
	[dreg:$0x7] =	wrdreg s19  }
0x15: {  	s1 =	sadd.s32 s1, s5;
	s0 =	sadd.s32 s0, s24;
	s24 =	simm.s32 $0x5000  }
0x16: {  	s7 =	sshrl.u32 s20, $0x10;
	s26 =	sadd.s32 $0x2760, s1;
	s16 =	sadd.s32 $0x2780, s1  }
0x17: {  	s17 =	sadd.s32 $0x27A0, s1;
	s18 =	sadd.s32 $0x27C0, s1;
	s19 =	sadd.s32 $0x27E0, s1  }
0x18: {  	s0 =	smax.u32 s0, $0x4BA00;
	s20 =	sadd.s32 $0x65A00, s3;
	s21 =	smax.u32 s6, $0x1  }
0x19: {  	s1 =	simm.s32 $0x2;
	s3 =	simm.s32 $0x4;
	s6 =	simm.s32 $0x5  }
0x1a: {  	s7 =	sadd.s32 $0xFFFFFFFF, s7;
	[dreg:$0xc] =	wrdreg s26;
	s0 =	sshll.u32 s0, $0x2  }
0x1b: {  	s26 =	simm.s32 $0x6000;
	[dreg:$0x3] =	wrdreg s7;
	s0 =	sadd.s32 $0xFFED1800, s0  }
0x1c: {  	s7 =	simm.s32 $0x0;
	s25 =	sshra.s32 s0, $0x2;
	s0 =	simm.s32 $0x3  }
.LBB2_1:
0x1d: {  	s9 =	rddreg [dreg:$0x4]  }
0x1e: {  	s10 =	rddreg [dreg:$0x5];
	s9 =	sshrl.u32 s9, $0x3  }
0x1f: {  	[spmem:s9], [sflag:s8] =	dma.local [hbm:s10], $0x2800  }
0x20: {  	_ =	swait.ge [sflag:s22], $0x2800  }
0x21: {  	[sflag:s22] =	ssyncset.done $0x0  }
0x22: {  	s11 =	simm.s32 $0x0;
	s15 =	rddreg [dreg:$0x6];
	[sflag:s22] =	ssyncadd.s32 $0xFFFFD800  }
0x23: {  	[tilespmem:s11], [sflag:$0x6] =	stream.linear.gather [hbm4b:s15+s11], $0x2800, $0x38;
	[tilespmem:$0x1E000] =	vst v63  }
0x24: {  	_ =	swait.ge [sflag:s22], $0x2800  }
0x25: {  	[sflag:s22] =	ssyncset.done $0x0  }
0x26: {  	s10 =	simm.s32 $0x2800;
	s12 =	rddreg [dreg:$0x7];
	[sflag:s22] =	ssyncadd.s32 $0xFFFFD800  }
0x27: {  	[tilespmem:s10], [sflag:$0x6] =	stream.linear.gather [hbm4b:s12+s11], $0x2800, $0x38;
	[tilespmem:$0x1E000] =	vst v63  }
0x28: {  	_ =	swait.ge [sflag:s22], $0x2800  }
0x29: {  	[sflag:s22] =	ssyncset.done $0x0  }
0x2a: {  	[sflag:s22] =	ssyncadd.s32 $0xFFFFD800  }
0x2b: {  	[bflag:$0x0] =	sbarrier.arrive $0xFFFF  }
0x2c: {  	[tilespmem:s24], [sflag:$0x1] =	stream.indirect.gather [hbm4b:s4+s23], $0x80, s5, s23, $0xb8;
	[tilespmem:$0x1E000] =	vst v63  }
0x2d: {  	s12 =	rddreg [dreg:$0x8]  }
0x2e: {  	[tilespmem:s26], [sflag:$0x2] =	stream.indirect.gather [hbm4b:s4+s23], $0x80, s12, s23, $0xb8;
	[tilespmem:$0x1E000] =	vst v63  }
0x2f: {  	s13 =	rddreg [dreg:$0x9]  }
0x30: {  	[tilespmem:s28], [sflag:$0x3] =	stream.indirect.gather [hbm4b:s4+s23], $0x80, s13, s23, $0xb8;
	[tilespmem:$0x1E000] =	vst v63  }
0x31: {  	s14 =	rddreg [dreg:$0xa]  }
0x32: {  	[tilespmem:s29], [sflag:$0x4] =	stream.indirect.gather [hbm4b:s4+s23], $0x80, s14, s23, $0xb8;
	[tilespmem:$0x1E000] =	vst v63  }
0x33: {  	s11 =	simm.s32 $0x0;
	s15 =	rddreg [dreg:$0xb];
	s12 =	simm.s32 $0x0  }
0x34: {  	[tilespmem:s30], [sflag:$0x5] =	stream.indirect.gather [hbm4b:s4+s23], $0x80, s15, s23, $0xb8;
	[tilespmem:$0x1E000] =	vst v63  }
.LBB2_2:
0x35: {  	_ =	swait.ge [sflag:s31], $0x1000  }
0x36: {  	[sflag:s31] =	ssyncset.done $0x0  }
0x37: {  	s13 =	sadd.s32 s25, s10;
	[sflag:s31] =	ssyncadd.s32 $0xFFFFF000  }
0x38: {  	[spmem:s2] =	stream.indirect.scatter.add.f32 [tilespmem:s24], [sflag:$0x6], $0x80, s13, s23, $0xb8;
	[tilespmem:$0x1E000] =	vst v63  }
0x39: {  	_ =	swait.ge [sflag:s22], $0x1000  }
0x3a: {  	s14 =	sadd.s32 s25, s11;
	[sflag:s22] =	ssyncset.done $0x0  }
0x3b: {  	s15 =	sadd.s32 $0xA0, s14;
	[sflag:s22] =	ssyncadd.s32 $0xFFFFF000  }
0x3c: {  	[tilespmem:s24], [sflag:$0x1] =	stream.indirect.gather [hbm4b:s4+s23], $0x80, s15, s23, $0xb8;
	[tilespmem:$0x1E000] =	vst v63  }
0x3d: {  	_ =	swait.ge [sflag:s1], $0x1000  }
0x3e: {  	[sflag:s1] =	ssyncset.done $0x0  }
0x3f: {  	s15 =	sadd.s32 $0x20, s13;
	[sflag:s1] =	ssyncadd.s32 $0xFFFFF000  }
0x40: {  	[spmem:s2] =	stream.indirect.scatter.add.f32 [tilespmem:s26], [sflag:$0x6], $0x80, s15, s23, $0xb8;
	[tilespmem:$0x1E000] =	vst v63  }
0x41: {  	_ =	swait.ge [sflag:s22], $0x1000  }
0x42: {  	[sflag:s22] =	ssyncset.done $0x0  }
0x43: {  	s15 =	sadd.s32 $0xC0, s14;
	[sflag:s22] =	ssyncadd.s32 $0xFFFFF000  }
0x44: {  	[tilespmem:s26], [sflag:$0x2] =	stream.indirect.gather [hbm4b:s4+s23], $0x80, s15, s23, $0xb8;
	[tilespmem:$0x1E000] =	vst v63  }
0x45: {  	_ =	swait.ge [sflag:s0], $0x1000  }
0x46: {  	[sflag:s0] =	ssyncset.done $0x0  }
0x47: {  	s15 =	sadd.s32 $0x40, s13;
	[sflag:s0] =	ssyncadd.s32 $0xFFFFF000  }
0x48: {  	[spmem:s2] =	stream.indirect.scatter.add.f32 [tilespmem:s28], [sflag:$0x6], $0x80, s15, s23, $0xb8;
	[tilespmem:$0x1E000] =	vst v63  }
0x49: {  	_ =	swait.ge [sflag:s22], $0x1000  }
0x4a: {  	[sflag:s22] =	ssyncset.done $0x0  }
0x4b: {  	s15 =	sadd.s32 $0xE0, s14;
	[sflag:s22] =	ssyncadd.s32 $0xFFFFF000  }
0x4c: {  	[tilespmem:s28], [sflag:$0x3] =	stream.indirect.gather [hbm4b:s4+s23], $0x80, s15, s23, $0xb8;
	[tilespmem:$0x1E000] =	vst v63  }
0x4d: {  	_ =	swait.ge [sflag:s3], $0x1000  }
0x4e: {  	[sflag:s3] =	ssyncset.done $0x0  }
0x4f: {  	s15 =	sadd.s32 $0x60, s13;
	[sflag:s3] =	ssyncadd.s32 $0xFFFFF000  }
0x50: {  	[spmem:s2] =	stream.indirect.scatter.add.f32 [tilespmem:s29], [sflag:$0x6], $0x80, s15, s23, $0xb8;
	[tilespmem:$0x1E000] =	vst v63  }
0x51: {  	_ =	swait.ge [sflag:s22], $0x1000  }
0x52: {  	[sflag:s22] =	ssyncset.done $0x0  }
0x53: {  	s15 =	sadd.s32 $0x100, s14;
	[sflag:s22] =	ssyncadd.s32 $0xFFFFF000  }
0x54: {  	[tilespmem:s29], [sflag:$0x4] =	stream.indirect.gather [hbm4b:s4+s23], $0x80, s15, s23, $0xb8;
	[tilespmem:$0x1E000] =	vst v63  }
0x55: {  	_ =	swait.ge [sflag:s6], $0x1000  }
0x56: {  	[sflag:s6] =	ssyncset.done $0x0  }
0x57: {  	s13 =	sadd.s32 $0x80, s13;
	[sflag:s6] =	ssyncadd.s32 $0xFFFFF000  }
0x58: {  	[spmem:s2] =	stream.indirect.scatter.add.f32 [tilespmem:s30], [sflag:$0x6], $0x80, s13, s23, $0xb8;
	[tilespmem:$0x1E000] =	vst v63  }
0x59: {  	_ =	swait.ge [sflag:s22], $0x1000  }
0x5a: {  	s12 =	sadd.s32 $0x1, s12;
	s15 =	rddreg [dreg:$0x3]  }
0x5b: {  	p0 =	slt.u32 s12, s15  }
.Ltmp0:
0x5c: {  	_ = 	snop;
	(pc) =	sbr.rel @p0 .LBB2_2-.Ltmp0, $4  }
0x5d: {  	_ = 	snop  }
0x5e: {  	s11 =	sadd.s32 $0xA0, s11;
	[sflag:s22] =	ssyncset.done $0x0  }
0x5f: {  	s10 =	sadd.s32 $0xA0, s10;
	s14 =	sadd.s32 $0x120, s14;
	[sflag:s22] =	ssyncadd.s32 $0xFFFFF000  }
0x60: {  	[tilespmem:s30], [sflag:$0x5] =	stream.indirect.gather [hbm4b:s4+s23], $0x80, s14, s23, $0xb8;
	[tilespmem:$0x1E000] =	vst v63  }
0x61: {  	_ =	swait.ge [sflag:s31], $0x1000  }
0x62: {  	[sflag:s31] =	ssyncset.done $0x0  }
0x63: {  	s10 =	rddreg [dreg:$0xc];
	[sflag:s31] =	ssyncadd.s32 $0xFFFFF000  }
0x64: {  	[spmem:s2] =	stream.indirect.scatter.add.f32 [tilespmem:s24], [sflag:$0x6], $0x80, s10, s23, $0xb8;
	[tilespmem:$0x1E000] =	vst v63  }
0x65: {  	_ =	swait.ge [sflag:s22], $0x1000  }
0x66: {  	[sflag:s22] =	ssyncset.done $0x0  }
0x67: {  	[sflag:s22] =	ssyncadd.s32 $0xFFFFF000  }
0x68: {  	_ =	swait.ge [sflag:s1], $0x1000  }
0x69: {  	[sflag:s1] =	ssyncset.done $0x0  }
0x6a: {  	[sflag:s1] =	ssyncadd.s32 $0xFFFFF000  }
0x6b: {  	[spmem:s2] =	stream.indirect.scatter.add.f32 [tilespmem:s26], [sflag:$0x6], $0x80, s16, s23, $0xb8;
	[tilespmem:$0x1E000] =	vst v63  }
0x6c: {  	_ =	swait.ge [sflag:s22], $0x1000  }
0x6d: {  	[sflag:s22] =	ssyncset.done $0x0  }
0x6e: {  	[sflag:s22] =	ssyncadd.s32 $0xFFFFF000  }
0x6f: {  	_ =	swait.ge [sflag:s0], $0x1000  }
0x70: {  	[sflag:s0] =	ssyncset.done $0x0  }
0x71: {  	[sflag:s0] =	ssyncadd.s32 $0xFFFFF000  }
0x72: {  	[spmem:s2] =	stream.indirect.scatter.add.f32 [tilespmem:s28], [sflag:$0x6], $0x80, s17, s23, $0xb8;
	[tilespmem:$0x1E000] =	vst v63  }
0x73: {  	_ =	swait.ge [sflag:s22], $0x1000  }
0x74: {  	[sflag:s22] =	ssyncset.done $0x0  }
0x75: {  	[sflag:s22] =	ssyncadd.s32 $0xFFFFF000  }
0x76: {  	_ =	swait.ge [sflag:s3], $0x1000  }
0x77: {  	[sflag:s3] =	ssyncset.done $0x0  }
0x78: {  	[sflag:s3] =	ssyncadd.s32 $0xFFFFF000  }
0x79: {  	[spmem:s2] =	stream.indirect.scatter.add.f32 [tilespmem:s29], [sflag:$0x6], $0x80, s18, s23, $0xb8;
	[tilespmem:$0x1E000] =	vst v63  }
0x7a: {  	_ =	swait.ge [sflag:s22], $0x1000  }
0x7b: {  	[sflag:s22] =	ssyncset.done $0x0  }
0x7c: {  	[sflag:s22] =	ssyncadd.s32 $0xFFFFF000  }
0x7d: {  	_ =	swait.ge [sflag:s6], $0x1000  }
0x7e: {  	[sflag:s6] =	ssyncset.done $0x0  }
0x7f: {  	[sflag:s6] =	ssyncadd.s32 $0xFFFFF000  }
0x80: {  	[spmem:s2] =	stream.indirect.scatter.add.f32 [tilespmem:s30], [sflag:$0x6], $0x80, s19, s23, $0xb8;
	[tilespmem:$0x1E000] =	vst v63  }
0x81: {  	_ =	swait.ge [sflag:s22], $0x1000  }
0x82: {  	s7 =	sadd.s32 $0x1, s7;
	[sflag:s22] =	ssyncset.done $0x0  }
0x83: {  	p0 =	sne.s32 s7, s21;
	[sflag:s22] =	ssyncadd.s32 $0xFFFFF000  }
.Ltmp1:
0x84: {  	[bflag:$0x0] =	sbarrier.arrive $0xFFFF;
	(pc) =	sbr.rel @p0 .LBB2_1-.Ltmp1, $4  }
0x85: {  	[hbm:s20], [sflag:s8] =	dma.local [spmem:s9], $0x2800  }
0x86: {  	_ =	swait.ge [sflag:s22], $0x2800  }
0x87: {  	[sflag:s22] =	ssyncset.done $0x0  }
0x88: {  	[sflag:s22] =	ssyncadd.s32 $0xFFFFD800  }
0x89: {  	_ =	sfence.sel $0x180000  }
0x8a: {  	[bflag:$0x0] =	sbarrier.arrive $0xFFFF  }
0x8b: {  	_ =	strace $0x9000004D  }
0x8c: {  	s0 =	stileid.u32;
	[bflag:$0x2] =	sbarrier.arrive $0xFFFF  }
0x8d: {  	p0 =	sne.s32 s0, $0x0;
	s0 =	rddreg [dreg:$0x2]  }
0x8e: {  	s0 =	sadd.s32 @!p0 $0x100000, s0  }
0x8f: {  	[sflag:s0] =	ssyncadd.tile.s32 @!p0 $0x1;
	_ =	shalt  }
.Lfunc_end2:
_tile_overlayer_lowered:
.L_overlay_start_2:
0x90: {  	(tag) =	ssettag $0x2  }
0x91: {  	s0 =	rddreg [dreg:$0x0];
	s2 =	stileid.u32  }
0x92: {  	s1 =	rddreg [dreg:$0x1];
	p0 =	sne.s32 s2, $0x0  }
0x93: {  	s3 =	rddreg [dreg:$0x2];
	[bflag:$0x3] =	sbarrier.arrive $0xFFFF;
	s2 =	simm.s32 @!p0 $0x1C06  }
0x94: {  	[timem:s3], [sflag:s2] =	dma.local @!p0 [hbm:s0], s1  }
0x95: {  	s0 =	simm.s32 @!p0 $0x6  }
0x96: {  	_ =	swait.ge @!p0 [sflag:s0], s1  }
0x97: {  	s1 =	ssub.s32 @!p0 $0x0, s1;
	[sflag:s0] =	ssyncset.done @!p0 $0x0  }
0x98: {  	[sflag:s0] =	ssyncadd.s32 @!p0 s1  }
0x99: {  	[bflag:$0x3] =	sbarrier.arrive $0xFFFF  }
0x9a: {  	_ =	shalt  }

// kernel: kernel.19.cloned.1.call-start
scs
__scs_entry_jumppad:
0x0: {  	(pc) =	sbr.rel $0x88, $3  }
0x1: {  	(tag) =	ssettag $0x0;
	lr =	simm.s32 $0x1  }
0x2: {  	[smem:$0x3F99] =	sst lr;
	_ =	strace $0xD0000000  }
0x3: {  	_ = 	snop  }
0x4: {  	_ = 	snop  }
0x5: {  	_ = 	snop  }
0x6: {  	_ = 	snop  }
0x7: {  	_ = 	snop  }
__scs_overlays_trampoline_lowered:
0x8: {  	[smem:$0x3FA8] =	sst s0  }
0x9: {  	[smem:$0x3FA9] =	sst s1  }
0xa: {  	[smem:$0x3FAA] =	sst s2  }
0xb: {  	[smem:$0x3FAB] =	sst s3  }
0xc: {  	[smem:$0x3FAC] =	sst s4  }
0xd: {  	[smem:$0x3FAD] =	sst s5  }
0xe: {  	[smem:$0x3FAE] =	sst s6  }
0xf: {  	[smem:$0x3FAF] =	sst s7  }
0x10: {  	[smem:$0x3FB0] =	sst s8  }
0x11: {  	[smem:$0x3FB1] =	sst s9;
	s0 =	simm.s32 @!p0 $0x0  }
0x12: {  	s1 =	sld [smem:$0x3F97];
	s0 =	simm.s32 @p0 $0x1  }
0x13: {  	[smem:$0x3FB2] =	sst s0;
	s0 =	simm.s32 @!p1 $0x0  }
0x14: {  	s2 =	sld [smem:$0x3F96];
	s0 =	simm.s32 @p1 $0x1  }
0x15: {  	[smem:$0x3FB3] =	sst s0;
	s0 =	simm.s32 @!p2 $0x0  }
0x16: {  	s3 =	sld [smem:$0x3FDB];
	s0 =	simm.s32 @p2 $0x1  }
0x17: {  	s4 =	simm.s32 $0x1BF5;
	[smem:$0x3FB5] =	sst s0  }
0x18: {  	s0 =	sld [smem:$0x3F98];
	_ =	swait.ge [sflag:s4], $0x0  }
0x19: {  	s7 =	sld [smem:$0x3F99]  }
0x1a: {  	s8 =	sadd.s32 $0xFFFFE003, lr  }
0x1b: {  	s9 =	sadd.s32 $0xFFFFFEF7, lr;
	s5 =	simm.s32 $0xFFFFFFFF;
	p2 =	slt.u32 s8, $0xFFFFF086  }
0x1c: {  	p1 =	slt.u32 s9, $0xF7A;
	s5 =	simm.s32 @!p2 $0x0  }
0x1d: {  	s5 =	simm.s32 @p1 $0x1;
	p0 =	seq.s32 s7, s2  }
0x1e: {  	s7 =	smul.u32 @!p0 $0xF7A, s2;
	p2 =	seq.s32 @!p0 s5, $0x0  }
0x1f: {  	s9 =	smul.u32 $0xF7A, s1;
	s8 =	simm.s32 @!p0 $0x1BF5;
	p2 =	por !p2, p0  }
0x20: {  	[sflag:s8] =	ssyncset.s32 @!p0 $0xFFFFF086;
	s6 =	sadd.s32 @!p0 s3, s7;
	s7 =	simm.s32 @!p0 $0x108  }
0x21: {  	s3 =	sadd.s32 s3, s9;
	s6 =	sadd.s32 @!p0 $0x88, s6;
	s7 =	simm.s32 @p2 $0x1082  }
0x22: {  	[simem:s7], [sflag:s8] =	dma.local @!p0 [hbm:s6], $0xF7A  }
0x23: {  	s9 =	sor.u32 $0xD0000000, s2;
	s6 =	simm.s32 $0x108;
	_ =	swait.ge @!p0 [sflag:s8], $0x0  }
0x24: {  	s3 =	sadd.s32 $0x88, s3;
	s6 =	simm.s32 @!p1 $0x1082;
	[sflag:s4] =	ssyncset.s32 $0xFFFFF086  }
0x25: {  	[simem:s6], [sflag:s4] =	dma.local [hbm:s3], $0xF7A  }
0x26: {  	[smem:$0x3F99] =	sst s1;
	(tag) =	ssettag s2;
	_ =	strace s9  }
0x27: {  	s1 =	sld [smem:$0x3FA9]  }
0x28: {  	s2 =	sld [smem:$0x3FAA]  }
0x29: {  	s4 =	sld [smem:$0x3FAC]  }
0x2a: {  	p0 =	seq.s32 s5, $0x0;
	s5 =	sld [smem:$0x3FAD]  }
0x2b: {  	s6 =	sld [smem:$0x3FAE]  }
0x2c: {  	s7 =	sld [smem:$0x3FAF]  }
0x2d: {  	s3 =	simm.s32 $0x108;
	s8 =	sld [smem:$0x3FB0]  }
0x2e: {  	s3 =	simm.s32 @!p0 $0x1082;
	s9 =	sld [smem:$0x3FB1]  }
0x2f: {  	lr =	sadd.s32 s0, s3;
	s0 =	sld [smem:$0x3FA8]  }
0x30: {  	s3 =	sld [smem:$0x3FAB]  }
0x31: {  	[smem:$0x3FB4] =	sst s10  }
0x32: {  	s10 =	sld [smem:$0x3FB2];
	_ =	sdelay $0x3  }
0x33: {  	p0 =	seq.s32 s10, $0x1;
	s10 =	sld [smem:$0x3FB4];
	_ =	sdelay $0x3  }
0x34: {  	[smem:$0x3FB4] =	sst s10  }
0x35: {  	s10 =	sld [smem:$0x3FB3];
	_ =	sdelay $0x3  }
0x36: {  	p1 =	seq.s32 s10, $0x1;
	s10 =	sld [smem:$0x3FB4];
	_ =	sdelay $0x3  }
0x37: {  	[smem:$0x3FB4] =	sst s10  }
0x38: {  	s10 =	sld [smem:$0x3FB5]  }
0x39: {  	_ = 	snop;
	(pc) =	sbr.ind lr, $3  }
0x3a: {  	_ = 	snop  }
0x3b: {  	_ = 	snop  }
0x3c: {  	p2 =	seq.s32 s10, $0x1;
	s10 =	sld [smem:$0x3FB4]  }
0x3d: {  	_ =	shalt  }
0x3e: {  	_ =	shalt  }
0x3f: {  	_ =	shalt  }
0x40: {  	_ =	shalt  }
0x41: {  	_ =	shalt  }
0x42: {  	_ =	shalt  }
0x43: {  	_ =	shalt  }
0x44: {  	_ =	shalt  }
0x45: {  	_ =	shalt  }
0x46: {  	_ =	shalt  }
0x47: {  	_ =	shalt  }
0x48: {  	_ =	shalt  }
0x49: {  	_ =	shalt  }
0x4a: {  	_ =	shalt  }
0x4b: {  	_ =	shalt  }
0x4c: {  	_ =	shalt  }
0x4d: {  	_ =	shalt  }
0x4e: {  	_ =	shalt  }
0x4f: {  	_ =	shalt  }
0x50: {  	_ =	shalt  }
0x51: {  	_ =	shalt  }
0x52: {  	_ =	shalt  }
0x53: {  	_ =	shalt  }
0x54: {  	_ =	shalt  }
0x55: {  	_ =	shalt  }
0x56: {  	_ =	shalt  }
0x57: {  	_ =	shalt  }
0x58: {  	_ =	shalt  }
0x59: {  	_ =	shalt  }
0x5a: {  	_ =	shalt  }
0x5b: {  	_ =	shalt  }
0x5c: {  	_ =	shalt  }
0x5d: {  	_ =	shalt  }
0x5e: {  	_ =	shalt  }
0x5f: {  	_ =	shalt  }
0x60: {  	_ =	shalt  }
0x61: {  	_ =	shalt  }
0x62: {  	_ =	shalt  }
0x63: {  	_ =	shalt  }
0x64: {  	_ =	shalt  }
0x65: {  	_ =	shalt  }
0x66: {  	_ =	shalt  }
0x67: {  	_ =	shalt  }
0x68: {  	_ =	shalt  }
0x69: {  	_ =	shalt  }
0x6a: {  	_ =	shalt  }
0x6b: {  	_ =	shalt  }
0x6c: {  	_ =	shalt  }
0x6d: {  	_ =	shalt  }
0x6e: {  	_ =	shalt  }
0x6f: {  	_ =	shalt  }
0x70: {  	_ =	shalt  }
0x71: {  	_ =	shalt  }
0x72: {  	_ =	shalt  }
0x73: {  	_ =	shalt  }
0x74: {  	_ =	shalt  }
0x75: {  	_ =	shalt  }
0x76: {  	_ =	shalt  }
0x77: {  	_ =	shalt  }
0x78: {  	_ =	shalt  }
0x79: {  	_ =	shalt  }
0x7a: {  	_ =	shalt  }
0x7b: {  	_ =	shalt  }
0x7c: {  	_ =	shalt  }
0x7d: {  	_ =	shalt  }
0x7e: {  	_ =	shalt  }
0x7f: {  	_ =	shalt  }
0x80: {  	_ =	shalt  }
0x81: {  	_ =	shalt  }
0x82: {  	_ =	shalt  }
0x83: {  	_ =	shalt  }
0x84: {  	_ =	shalt  }
0x85: {  	_ =	shalt  }
0x86: {  	_ =	shalt  }
0x87: {  	_ =	shalt  }
.Lfunc_end0:
.L_simem_size_0:
called_computation.3_lowered:
.L_overlay_start_0:
0x88: {  	s2 =	sld [smem:$0x3FD9]  }
0x89: {  	s3 =	sld [smem:$0x3FFE];
	_ =	sdelay $0x1  }
0x8a: {  	s1 =	srdreg.scid  }
0x8b: {  	s0 =	sand.u32 $0x1, s1  }
0x8c: {  	s16 =	sshll.u32 s0, $0xA;
	s2 =	sadd.s32 s3, s2  }
0x8d: {  	s2 =	sadd.s32 s2, s16  }
0x8e: {  	[smem:$0x3FC0] =	sst s2  }
0x8f: {  	_ = 	snop  }
0x90: {  	(tm) =	ssettm $0x1  }
0x91: {  	s17 =	sld [smem:$0x3FFB];
	_ =	sdelay $0x3  }
0x92: {  	_ =	strace s17  }
0x93: {  	s2 =	sld [smem:$0x3FFC];
	_ =	sdelay $0x3  }
0x94: {  	_ =	strace s2  }
0x95: {  	s2 =	sld [smem:$0x3FFD];
	_ =	sdelay $0x3  }
0x96: {  	_ =	strace s2  }
0x97: {  	_ =	strace $0x8FFFFFFF  }
0x98: {  	s18 =	sld [smem:$0x3FDB];
	_ =	sdelay $0x1  }
0x99: {  	s19 =	simm.s32 $_scs_section_size  }
0x9a: {  	s4 =	simm.s32 $_size__tile_overlayer_lowered;
	s5 =	simm.s32 $_tile_overlayer_lowered  }
0x9b: {  	s22 =	simm.s32 $0x1BFF;
	s21 =	sshll.u32 s5, $0x1;
	s2 =	sadd.s32 s19, s18  }
0x9c: {  	s6 =	simm.s32 $0x0;
	s20 =	sshll.u32 s4, $0x1;
	s4 =	sadd.s32 s21, s2  }
0x9d: {  	[timem:s6], [sflag:s22] =	dma.local [hbm:s4], s20  }
0x9e: {  	_ =	swait.ge [sflag:s22], s20  }
0x9f: {  	s3 =	ssub.s32 $0x0, s20;
	[sflag:s22] =	ssyncset.done $0x0  }
0xa0: {  	[sflag:s22] =	ssyncadd.s32 s3;
	_ =	sdelay $0x1  }
0xa1: {  	s23 =	simm.s32 $0x1B8B  }
0xa2: {  	_ =	swait.ge [sflag:s23], $0x1  }
0xa3: {  	[sflag:s23] =	ssyncset.done $0x0  }
0xa4: {  	s25 =	simm.s32 $0x1B8E;
	s24 =	sld [smem:$0x3FFE];
	[sflag:s23] =	ssyncadd.s32 $0xFFFFFFFF  }
0xa5: {  	s26 =	simm.s32 $execute0_lowered;
	[smem:$0x3FD2] =	sst s25  }
0xa6: {  	s4 =	sshll.u32 s26, $0x1;
	_ =	strace $0x8000004F;
	[dreg:$0x1] =	wrdreg $0xFFFFFFFF  }
0xa7: {  	s28 =	simm.s32 $_size_execute0_lowered;
	s2 =	sadd.s32 s2, s4;
	[dreg:$0x0] =	wrdreg $0x0  }
0xa8: {  	s4 =	sshll.u32 s28, $0x1;
	[dreg:$0x2] =	wrdreg s2  }
0xa9: {  	[dreg:$0x3] =	wrdreg s4  }
0xaa: {  	[dreg:$0x4] =	wrdreg $0xC0  }
0xab: {  	_ =	task [dreg:s6], $0x5FFFF  }
0xac: {  	[dreg:$0x1] =	wrdreg $0xFFFFFFFF  }
0xad: {  	[dreg:$0x0] =	wrdreg $0x60  }
0xae: {  	[dreg:$0x2] =	wrdreg s24  }
0xaf: {  	[dreg:$0x3] =	wrdreg $0xA0000  }
0xb0: {  	[dreg:$0x4] =	wrdreg $0x9  }
0xb1: {  	_ =	task.clear_ibuf [dreg:s6], $0x5FFFF;
	_ =	strace $0x9000004F  }
0xb2: {  	s29 =	simm.s32 $0x9;
	_ =	strace $0x80000051  }
0xb3: {  	_ =	swait.ge [sflag:s29], $0x1  }
0xb4: {  	[sflag:s29] =	ssyncadd.s32 $0xFFFFFFFF  }
0xb5: {  	_ =	strace $0x90000051  }
0xb6: {  	_ =	sfence  }
0xb7: {  	s30 =	sld [smem:$0x0];
	_ =	sdelay $0x2  }
0xb8: {  	s31 =	sshll.u32 s1, $0xD;
	s1 =	sshrl.u32 s1, $0x2  }
0xb9: {  	s3 =	sand.u32 $0x4000, s31;
	s1 =	sadd.s32 s1, s30  }
0xba: {  	s0 =	sor.u32 s3, s0;
	s1 =	sshll.u32 s1, $0x11  }
0xbb: {  	s0 =	sor.u32 s1, s0  }
0xbc: {  	s0 =	sadd.s32 $0x8F2B, s0  }
0xbd: {  	[sflag:s0] =	ssyncadd.remote.s32 $0x1  }
0xbe: {  	_ =	sfence.sel $0xFFFF  }
0xbf: {  	[dreg:$0x0] =	wrdreg $0xFFFFFFFF;
	(pc) =	sbr.abs _section_cstart, $3  }
0xc0: {  	[dreg:$0x1] =	wrdreg $0xFFFFFFFF  }
0xc1: {  	_ =	task.clear_ibuf [dreg:s6], $0x2FFFF;
	_ =	strace $0x9FFFFFFF  }
0xc2: {  	(tm) =	ssettm $0x7FFFFFFF  }
0xc3: {  	_ =	shalt  }
tec
execute0_lowered:
.L_overlay_start_1:
0x0: {  	(tag) =	ssettag $0x1  }
0x1: {  	s0 =	srdreg.scid;
	s3 =	rddreg [dreg:$0x0]  }
0x2: {  	s12 =	stileid.u32;
	s2 =	rddreg [dreg:$0x1];
	s4 =	simm.s32 $0x0  }
0x3: {  	s28 =	simm.s32 $0x7000;
	s29 =	simm.s32 $0x8000;
	s5 =	smul.u32 $0x14000, s12  }
0x4: {  	s30 =	simm.s32 $0x9000;
	s31 =	simm.s32 $0x1;
	s11 =	smul.u32 $0x50000, s12  }
0x5: {  	s0 =	sand.u32 $0x1, s0;
	s1 =	sshll.u32 s12, $0x1;
	s24 =	smul.u32 $0x5000, s12  }
0x6: {  	[smem:$0x7FF] =	sst s4;
	s1 =	sor.u32 s0, s1;
	s6 =	smul.u32 $0x140000, s0  }
0x7: {  	s4 =	sadd.s32 $0x16800, s3;
	s16 =	sshll.u32 s12, $0x6;
	s1 =	smul.u32 $0x2800, s1  }
0x8: {  	_ =	strace $0x80000050;
	s15 =	sshrl.u32 s11, $0x2;
	s6 =	sadd.s32 s5, s6  }
0x9: {  	s5 =	sshrl.u32 s5, $0x3;
	s7 =	smin.u32 s1, $0x4BA00;
	s6 =	sshrl.u32 s6, $0x3  }
0xa: {  	s26 =	sadd.s32 s5, s3;
	s10 =	ssub.s32 $0x4E200, s1;
	s8 =	sshrl.u32 s7, $0x3  }
0xb: {  	s5 =	ssub.s32 s1, s7;
	s14 =	sshrl.u32 s10, $0x5;
	s7 =	sadd.s32 s15, s2  }
0xc: {  	s17 =	sadd.s32 $0x3DA00, s26;
	s9 =	sadd.s32 s8, s3;
	s3 =	sadd.s32 s6, s3  }
0xd: {  	s6 =	ssub.s32 $0x2, s0;
	s1 =	smin.u32 s14, $0x140;
	[dreg:$0x4] =	wrdreg s7  }
0xe: {  	[dreg:$0x5] =	wrdreg s17;
	s8 =	sor.u32 $0x1C06, s16;
	s21 =	sor.u32 $0x20, s5  }
0xf: {  	s22 =	sor.u32 $0x40, s5;
	s23 =	sor.u32 $0x60, s5;
	[dreg:$0x8] =	wrdreg s21  }
0x10: {  	s0 =	smul.u32 $0x2800, s0;
	s25 =	sor.u32 $0x80, s5;
	[dreg:$0x9] =	wrdreg s22  }
0x11: {  	s13 =	sshrl.u32 s6, $0x1;
	s18 =	sadd.s32 $0x2C00, s9;
	[dreg:$0xa] =	wrdreg s23  }
0x12: {  	s19 =	sadd.s32 $0xCA00, s9;
	s20 =	smul.u32 $0x3334, s1;
	[dreg:$0xb] =	wrdreg s25  }
0x13: {  	s1 =	sshll.u32 s1, $0x5;
	s22 =	simm.s32 $0x6;
	[dreg:$0x6] =	wrdreg s18  }
0x14: {  	s23 =	simm.s32 $0x20;
	s6 =	ssub.s32 s6, s13;
	[dreg:$0x7] =	wrdreg s19  }
0x15: {  	s1 =	sadd.s32 s1, s5;
	s0 =	sadd.s32 s0, s24;
	s24 =	simm.s32 $0x5000  }
0x16: {  	s7 =	sshrl.u32 s20, $0x10;
	s26 =	sadd.s32 $0x2760, s1;
	s16 =	sadd.s32 $0x2780, s1  }
0x17: {  	s17 =	sadd.s32 $0x27A0, s1;
	s18 =	sadd.s32 $0x27C0, s1;
	s19 =	sadd.s32 $0x27E0, s1  }
0x18: {  	s0 =	smax.u32 s0, $0x4BA00;
	s20 =	sadd.s32 $0x65A00, s3;
	s21 =	smax.u32 s6, $0x1  }
0x19: {  	s1 =	simm.s32 $0x2;
	s3 =	simm.s32 $0x4;
	s6 =	simm.s32 $0x5  }
0x1a: {  	s7 =	sadd.s32 $0xFFFFFFFF, s7;
	[dreg:$0xc] =	wrdreg s26;
	s0 =	sshll.u32 s0, $0x2  }
0x1b: {  	s26 =	simm.s32 $0x6000;
	[dreg:$0x3] =	wrdreg s7;
	s0 =	sadd.s32 $0xFFED1800, s0  }
0x1c: {  	s7 =	simm.s32 $0x0;
	s25 =	sshra.s32 s0, $0x2;
	s0 =	simm.s32 $0x3  }
.LBB2_1:
0x1d: {  	s9 =	rddreg [dreg:$0x4]  }
0x1e: {  	s10 =	rddreg [dreg:$0x5];
	s9 =	sshrl.u32 s9, $0x3  }
0x1f: {  	[spmem:s9], [sflag:s8] =	dma.local [hbm:s10], $0x2800  }
0x20: {  	_ =	swait.ge [sflag:s22], $0x2800  }
0x21: {  	[sflag:s22] =	ssyncset.done $0x0  }
0x22: {  	s11 =	simm.s32 $0x0;
	s15 =	rddreg [dreg:$0x6];
	[sflag:s22] =	ssyncadd.s32 $0xFFFFD800  }
0x23: {  	[tilespmem:s11], [sflag:$0x6] =	stream.linear.gather [hbm4b:s15+s11], $0x2800, $0x38;
	[tilespmem:$0x1E000] =	vst v63  }
0x24: {  	_ =	swait.ge [sflag:s22], $0x2800  }
0x25: {  	[sflag:s22] =	ssyncset.done $0x0  }
0x26: {  	s10 =	simm.s32 $0x2800;
	s12 =	rddreg [dreg:$0x7];
	[sflag:s22] =	ssyncadd.s32 $0xFFFFD800  }
0x27: {  	[tilespmem:s10], [sflag:$0x6] =	stream.linear.gather [hbm4b:s12+s11], $0x2800, $0x38;
	[tilespmem:$0x1E000] =	vst v63  }
0x28: {  	_ =	swait.ge [sflag:s22], $0x2800  }
0x29: {  	[sflag:s22] =	ssyncset.done $0x0  }
0x2a: {  	[sflag:s22] =	ssyncadd.s32 $0xFFFFD800  }
0x2b: {  	[bflag:$0x0] =	sbarrier.arrive $0xFFFF  }
0x2c: {  	[tilespmem:s24], [sflag:$0x1] =	stream.indirect.gather [hbm4b:s4+s23], $0x80, s5, s23, $0xb8;
	[tilespmem:$0x1E000] =	vst v63  }
0x2d: {  	s12 =	rddreg [dreg:$0x8]  }
0x2e: {  	[tilespmem:s26], [sflag:$0x2] =	stream.indirect.gather [hbm4b:s4+s23], $0x80, s12, s23, $0xb8;
	[tilespmem:$0x1E000] =	vst v63  }
0x2f: {  	s13 =	rddreg [dreg:$0x9]  }
0x30: {  	[tilespmem:s28], [sflag:$0x3] =	stream.indirect.gather [hbm4b:s4+s23], $0x80, s13, s23, $0xb8;
	[tilespmem:$0x1E000] =	vst v63  }
0x31: {  	s14 =	rddreg [dreg:$0xa]  }
0x32: {  	[tilespmem:s29], [sflag:$0x4] =	stream.indirect.gather [hbm4b:s4+s23], $0x80, s14, s23, $0xb8;
	[tilespmem:$0x1E000] =	vst v63  }
0x33: {  	s11 =	simm.s32 $0x0;
	s15 =	rddreg [dreg:$0xb];
	s12 =	simm.s32 $0x0  }
0x34: {  	[tilespmem:s30], [sflag:$0x5] =	stream.indirect.gather [hbm4b:s4+s23], $0x80, s15, s23, $0xb8;
	[tilespmem:$0x1E000] =	vst v63  }
.LBB2_2:
0x35: {  	_ =	swait.ge [sflag:s31], $0x1000  }
0x36: {  	[sflag:s31] =	ssyncset.done $0x0  }
0x37: {  	s13 =	sadd.s32 s25, s10;
	[sflag:s31] =	ssyncadd.s32 $0xFFFFF000  }
0x38: {  	[spmem:s2] =	stream.indirect.scatter.add.f32 [tilespmem:s24], [sflag:$0x6], $0x80, s13, s23, $0xb8;
	[tilespmem:$0x1E000] =	vst v63  }
0x39: {  	_ =	swait.ge [sflag:s22], $0x1000  }
0x3a: {  	s14 =	sadd.s32 s25, s11;
	[sflag:s22] =	ssyncset.done $0x0  }
0x3b: {  	s15 =	sadd.s32 $0xA0, s14;
	[sflag:s22] =	ssyncadd.s32 $0xFFFFF000  }
0x3c: {  	[tilespmem:s24], [sflag:$0x1] =	stream.indirect.gather [hbm4b:s4+s23], $0x80, s15, s23, $0xb8;
	[tilespmem:$0x1E000] =	vst v63  }
0x3d: {  	_ =	swait.ge [sflag:s1], $0x1000  }
0x3e: {  	[sflag:s1] =	ssyncset.done $0x0  }
0x3f: {  	s15 =	sadd.s32 $0x20, s13;
	[sflag:s1] =	ssyncadd.s32 $0xFFFFF000  }
0x40: {  	[spmem:s2] =	stream.indirect.scatter.add.f32 [tilespmem:s26], [sflag:$0x6], $0x80, s15, s23, $0xb8;
	[tilespmem:$0x1E000] =	vst v63  }
0x41: {  	_ =	swait.ge [sflag:s22], $0x1000  }
0x42: {  	[sflag:s22] =	ssyncset.done $0x0  }
0x43: {  	s15 =	sadd.s32 $0xC0, s14;
	[sflag:s22] =	ssyncadd.s32 $0xFFFFF000  }
0x44: {  	[tilespmem:s26], [sflag:$0x2] =	stream.indirect.gather [hbm4b:s4+s23], $0x80, s15, s23, $0xb8;
	[tilespmem:$0x1E000] =	vst v63  }
0x45: {  	_ =	swait.ge [sflag:s0], $0x1000  }
0x46: {  	[sflag:s0] =	ssyncset.done $0x0  }
0x47: {  	s15 =	sadd.s32 $0x40, s13;
	[sflag:s0] =	ssyncadd.s32 $0xFFFFF000  }
0x48: {  	[spmem:s2] =	stream.indirect.scatter.add.f32 [tilespmem:s28], [sflag:$0x6], $0x80, s15, s23, $0xb8;
	[tilespmem:$0x1E000] =	vst v63  }
0x49: {  	_ =	swait.ge [sflag:s22], $0x1000  }
0x4a: {  	[sflag:s22] =	ssyncset.done $0x0  }
0x4b: {  	s15 =	sadd.s32 $0xE0, s14;
	[sflag:s22] =	ssyncadd.s32 $0xFFFFF000  }
0x4c: {  	[tilespmem:s28], [sflag:$0x3] =	stream.indirect.gather [hbm4b:s4+s23], $0x80, s15, s23, $0xb8;
	[tilespmem:$0x1E000] =	vst v63  }
0x4d: {  	_ =	swait.ge [sflag:s3], $0x1000  }
0x4e: {  	[sflag:s3] =	ssyncset.done $0x0  }
0x4f: {  	s15 =	sadd.s32 $0x60, s13;
	[sflag:s3] =	ssyncadd.s32 $0xFFFFF000  }
0x50: {  	[spmem:s2] =	stream.indirect.scatter.add.f32 [tilespmem:s29], [sflag:$0x6], $0x80, s15, s23, $0xb8;
	[tilespmem:$0x1E000] =	vst v63  }
0x51: {  	_ =	swait.ge [sflag:s22], $0x1000  }
0x52: {  	[sflag:s22] =	ssyncset.done $0x0  }
0x53: {  	s15 =	sadd.s32 $0x100, s14;
	[sflag:s22] =	ssyncadd.s32 $0xFFFFF000  }
0x54: {  	[tilespmem:s29], [sflag:$0x4] =	stream.indirect.gather [hbm4b:s4+s23], $0x80, s15, s23, $0xb8;
	[tilespmem:$0x1E000] =	vst v63  }
0x55: {  	_ =	swait.ge [sflag:s6], $0x1000  }
0x56: {  	[sflag:s6] =	ssyncset.done $0x0  }
0x57: {  	s13 =	sadd.s32 $0x80, s13;
	[sflag:s6] =	ssyncadd.s32 $0xFFFFF000  }
0x58: {  	[spmem:s2] =	stream.indirect.scatter.add.f32 [tilespmem:s30], [sflag:$0x6], $0x80, s13, s23, $0xb8;
	[tilespmem:$0x1E000] =	vst v63  }
0x59: {  	_ =	swait.ge [sflag:s22], $0x1000  }
0x5a: {  	s12 =	sadd.s32 $0x1, s12;
	s15 =	rddreg [dreg:$0x3]  }
0x5b: {  	p0 =	slt.u32 s12, s15  }
.Ltmp0:
0x5c: {  	_ = 	snop;
	(pc) =	sbr.rel @p0 .LBB2_2-.Ltmp0, $4  }
0x5d: {  	_ = 	snop  }
0x5e: {  	s11 =	sadd.s32 $0xA0, s11;
	[sflag:s22] =	ssyncset.done $0x0  }
0x5f: {  	s10 =	sadd.s32 $0xA0, s10;
	s14 =	sadd.s32 $0x120, s14;
	[sflag:s22] =	ssyncadd.s32 $0xFFFFF000  }
0x60: {  	[tilespmem:s30], [sflag:$0x5] =	stream.indirect.gather [hbm4b:s4+s23], $0x80, s14, s23, $0xb8;
	[tilespmem:$0x1E000] =	vst v63  }
0x61: {  	_ =	swait.ge [sflag:s31], $0x1000  }
0x62: {  	[sflag:s31] =	ssyncset.done $0x0  }
0x63: {  	s10 =	rddreg [dreg:$0xc];
	[sflag:s31] =	ssyncadd.s32 $0xFFFFF000  }
0x64: {  	[spmem:s2] =	stream.indirect.scatter.add.f32 [tilespmem:s24], [sflag:$0x6], $0x80, s10, s23, $0xb8;
	[tilespmem:$0x1E000] =	vst v63  }
0x65: {  	_ =	swait.ge [sflag:s22], $0x1000  }
0x66: {  	[sflag:s22] =	ssyncset.done $0x0  }
0x67: {  	[sflag:s22] =	ssyncadd.s32 $0xFFFFF000  }
0x68: {  	_ =	swait.ge [sflag:s1], $0x1000  }
0x69: {  	[sflag:s1] =	ssyncset.done $0x0  }
0x6a: {  	[sflag:s1] =	ssyncadd.s32 $0xFFFFF000  }
0x6b: {  	[spmem:s2] =	stream.indirect.scatter.add.f32 [tilespmem:s26], [sflag:$0x6], $0x80, s16, s23, $0xb8;
	[tilespmem:$0x1E000] =	vst v63  }
0x6c: {  	_ =	swait.ge [sflag:s22], $0x1000  }
0x6d: {  	[sflag:s22] =	ssyncset.done $0x0  }
0x6e: {  	[sflag:s22] =	ssyncadd.s32 $0xFFFFF000  }
0x6f: {  	_ =	swait.ge [sflag:s0], $0x1000  }
0x70: {  	[sflag:s0] =	ssyncset.done $0x0  }
0x71: {  	[sflag:s0] =	ssyncadd.s32 $0xFFFFF000  }
0x72: {  	[spmem:s2] =	stream.indirect.scatter.add.f32 [tilespmem:s28], [sflag:$0x6], $0x80, s17, s23, $0xb8;
	[tilespmem:$0x1E000] =	vst v63  }
0x73: {  	_ =	swait.ge [sflag:s22], $0x1000  }
0x74: {  	[sflag:s22] =	ssyncset.done $0x0  }
0x75: {  	[sflag:s22] =	ssyncadd.s32 $0xFFFFF000  }
0x76: {  	_ =	swait.ge [sflag:s3], $0x1000  }
0x77: {  	[sflag:s3] =	ssyncset.done $0x0  }
0x78: {  	[sflag:s3] =	ssyncadd.s32 $0xFFFFF000  }
0x79: {  	[spmem:s2] =	stream.indirect.scatter.add.f32 [tilespmem:s29], [sflag:$0x6], $0x80, s18, s23, $0xb8;
	[tilespmem:$0x1E000] =	vst v63  }
0x7a: {  	_ =	swait.ge [sflag:s22], $0x1000  }
0x7b: {  	[sflag:s22] =	ssyncset.done $0x0  }
0x7c: {  	[sflag:s22] =	ssyncadd.s32 $0xFFFFF000  }
0x7d: {  	_ =	swait.ge [sflag:s6], $0x1000  }
0x7e: {  	[sflag:s6] =	ssyncset.done $0x0  }
0x7f: {  	[sflag:s6] =	ssyncadd.s32 $0xFFFFF000  }
0x80: {  	[spmem:s2] =	stream.indirect.scatter.add.f32 [tilespmem:s30], [sflag:$0x6], $0x80, s19, s23, $0xb8;
	[tilespmem:$0x1E000] =	vst v63  }
0x81: {  	_ =	swait.ge [sflag:s22], $0x1000  }
0x82: {  	s7 =	sadd.s32 $0x1, s7;
	[sflag:s22] =	ssyncset.done $0x0  }
0x83: {  	p0 =	sne.s32 s7, s21;
	[sflag:s22] =	ssyncadd.s32 $0xFFFFF000  }
.Ltmp1:
0x84: {  	[bflag:$0x0] =	sbarrier.arrive $0xFFFF;
	(pc) =	sbr.rel @p0 .LBB2_1-.Ltmp1, $4  }
0x85: {  	[hbm:s20], [sflag:s8] =	dma.local [spmem:s9], $0x2800  }
0x86: {  	_ =	swait.ge [sflag:s22], $0x2800  }
0x87: {  	[sflag:s22] =	ssyncset.done $0x0  }
0x88: {  	[sflag:s22] =	ssyncadd.s32 $0xFFFFD800  }
0x89: {  	_ =	sfence.sel $0x180000  }
0x8a: {  	[bflag:$0x0] =	sbarrier.arrive $0xFFFF  }
0x8b: {  	_ =	strace $0x90000050  }
0x8c: {  	s0 =	stileid.u32;
	[bflag:$0x2] =	sbarrier.arrive $0xFFFF  }
0x8d: {  	p0 =	sne.s32 s0, $0x0;
	s0 =	rddreg [dreg:$0x2]  }
0x8e: {  	s0 =	sadd.s32 @!p0 $0x100000, s0  }
0x8f: {  	[sflag:s0] =	ssyncadd.tile.s32 @!p0 $0x1;
	_ =	shalt  }
.Lfunc_end2:
_tile_overlayer_lowered:
.L_overlay_start_2:
0x90: {  	(tag) =	ssettag $0x2  }
0x91: {  	s0 =	rddreg [dreg:$0x0];
	s2 =	stileid.u32  }
0x92: {  	s1 =	rddreg [dreg:$0x1];
	p0 =	sne.s32 s2, $0x0  }
0x93: {  	s3 =	rddreg [dreg:$0x2];
	[bflag:$0x3] =	sbarrier.arrive $0xFFFF;
	s2 =	simm.s32 @!p0 $0x1C06  }
0x94: {  	[timem:s3], [sflag:s2] =	dma.local @!p0 [hbm:s0], s1  }
0x95: {  	s0 =	simm.s32 @!p0 $0x6  }
0x96: {  	_ =	swait.ge @!p0 [sflag:s0], s1  }
0x97: {  	s1 =	ssub.s32 @!p0 $0x0, s1;
	[sflag:s0] =	ssyncset.done @!p0 $0x0  }
0x98: {  	[sflag:s0] =	ssyncadd.s32 @!p0 s1  }
0x99: {  	[bflag:$0x3] =	sbarrier.arrive $0xFFFF  }
0x9a: {  	_ =	shalt  }

</sc_bundles>
